<compile_context>
chip_gen: v7x
topology: tpu7x:2x2x1
jax: 0.10.2.dev20260603
libtpu: 0.0.44.dev20260713+nightly
codegen_flags: <defaults>
</compile_context>

<pallas_src>
import functools

import jax
import jax.numpy as jnp
import numpy as np
from jax.experimental import pallas as pl
from jax.experimental.pallas import tpu as pltpu

_NEG_INF = float("-inf")


def _fps_body(px_ref, py_ref, pz_ref, cx_ref, cy_ref, cz_ref, *, steps):
    B, R, L = px_ref.shape
    P = R * L
    px, py, pz = px_ref[...], py_ref[...], pz_ref[...]
    ii = (jax.lax.broadcasted_iota(jnp.int32, (B, R, L), 1) * L
          + jax.lax.broadcasted_iota(jnp.int32, (B, R, L), 2))

    W = min(L, steps)
    lane = jax.lax.broadcasted_iota(jnp.int32, (B, W), 1)

    def step(j, carry):
        dists, last, bx, by, bz = carry
        oh = ii == last
        lx = jnp.sum(jnp.where(oh, px, 0.0), axis=(1, 2), keepdims=True)
        ly = jnp.sum(jnp.where(oh, py, 0.0), axis=(1, 2), keepdims=True)
        lz = jnp.sum(jnp.where(oh, pz, 0.0), axis=(1, 2), keepdims=True)
        dx, dy, dz = px - lx, py - ly, pz - lz
        d = dx * dx + dy * dy + dz * dz
        dists = jnp.minimum(dists, d)
        m = jnp.max(dists, axis=(1, 2), keepdims=True)
        sel = jnp.where(dists == m, ii, P)
        nxt = jnp.min(sel, axis=(1, 2), keepdims=True)
        hit = lane == j
        bx = jnp.where(hit, lx[:, :, 0], bx)
        by = jnp.where(hit, ly[:, :, 0], by)
        bz = jnp.where(hit, lz[:, :, 0], bz)
        return dists, nxt, bx, by, bz

    dists = jnp.full((B, R, L), jnp.inf, jnp.float32)
    last = jnp.zeros((B, 1, 1), jnp.int32)
    zb = jnp.zeros((B, W), jnp.float32)
    for o in range(steps // W):
        dists, last, bx, by, bz = jax.lax.fori_loop(
            0, W, step, (dists, last, zb, zb, zb))
        cx_ref[:, o * W:(o + 1) * W] = bx
        cy_ref[:, o * W:(o + 1) * W] = by
        cz_ref[:, o * W:(o + 1) * W] = bz


def _fps(px, py, pz, steps, interpret=False):
    B, P = px.shape
    L = 128
    shp = (B, P // L, L)
    out = jax.ShapeDtypeStruct((B, steps), jnp.float32)
    return pl.pallas_call(
        functools.partial(_fps_body, steps=steps),
        out_shape=(out, out, out),
        interpret=interpret,
    )(px.reshape(shp), py.reshape(shp), pz.reshape(shp))


def _lin1_body(x_ref, p_ref, wa_ref, wb_ref, b_ref, o_ref):
    acc = jnp.dot(x_ref[...], wa_ref[...], preferred_element_type=jnp.float32)
    p = p_ref[...]
    for i in range(3):
        acc = acc + p[:, i:i + 1] * wb_ref[i:i + 1, :]
    o_ref[...] = acc + b_ref[...]


def _lin1(x, p, wa, wb, b, interpret=False):
    N = x.shape[0]
    D1 = wa.shape[1]
    return pl.pallas_call(
        _lin1_body,
        out_shape=jax.ShapeDtypeStruct((N, D1), jnp.float32),
        interpret=interpret,
    )(x, p, wa, wb, b.reshape(1, D1))


def _sel_body(cpos_ref, ppt_ref, d2o_ref, lob_ref, cnt_ref, *,
              k, r2_bits, n_iter):
    C = cpos_ref[0]
    Pt = ppt_ref[0]
    Sb = C.shape[0]
    dx = C[:, 0:1] - Pt[0:1, :]
    dy = C[:, 1:2] - Pt[1:2, :]
    dz = C[:, 2:3] - Pt[2:3, :]
    d2 = dx * dx + dy * dy + dz * dz
    d2i = jax.lax.bitcast_convert_type(d2, jnp.int32)
    d2o_ref[0] = d2i

    def bisect(_, carry):
        lo, hi = carry
        mid = (lo + hi) >> 1
        cnt = jnp.sum(jnp.where(d2i <= mid, 1.0, 0.0), axis=1, keepdims=True)
        good = cnt <= k
        return jnp.where(good, mid, lo), jnp.where(good, hi, mid)

    lo0 = jnp.full((Sb, 1), -1, jnp.int32)
    hi0 = jnp.full((Sb, 1), r2_bits + 1, jnp.int32)
    lo, _ = jax.lax.fori_loop(0, n_iter, bisect, (lo0, hi0))
    count = jnp.sum(jnp.where(d2i <= lo, 1.0, 0.0), axis=1, keepdims=True)
    lob_ref[0] = jnp.broadcast_to(lo, (Sb, 16))
    cnt_ref[0] = count


def _sa_select(cpos, ppos_t, r, k, sb, interpret=False):
    B, S, _ = cpos.shape
    P = ppos_t.shape[2]
    r2_bits = int(np.float32(r * r).view(np.int32))
    return pl.pallas_call(
        functools.partial(_sel_body, k=k, r2_bits=r2_bits, n_iter=31),
        grid=(B, S // sb),
        in_specs=[
            pl.BlockSpec((1, sb, 3), lambda b, s: (b, s, 0)),
            pl.BlockSpec((1, 3, P), lambda b, s: (b, 0, 0)),
        ],
        out_specs=[
            pl.BlockSpec((1, sb, P), lambda b, s: (b, s, 0)),
            pl.BlockSpec((1, sb, 16), lambda b, s: (b, s, 0)),
            pl.BlockSpec((1, sb, 1), lambda b, s: (b, s, 0)),
        ],
        out_shape=[
            jax.ShapeDtypeStruct((B, S, P), jnp.int32),
            jax.ShapeDtypeStruct((B, S, 16), jnp.int32),
            jax.ShapeDtypeStruct((B, S, 1), jnp.float32),
        ],
        interpret=interpret,
    )(cpos, ppos_t)


def _sc_gather(d2_flat, lob, u, nrows, P, S, k, d1):
    from jax.experimental.pallas import tpu_sc as plsc
    info = plsc.get_sparse_core_info()
    NC, NS, L = info.num_cores, info.num_subcores, info.num_lanes
    NW = NC * NS
    rpt = nrows // NW
    g8 = min(8, rpt)
    mesh = plsc.VectorSubcoreMesh(core_axis_name="c", subcore_axis_name="s")

    @functools.partial(
        pl.kernel, mesh=mesh,
        compiler_params=pltpu.CompilerParams(
            use_tc_tiling_on_sc=False, needs_layout_passes=False),
        out_type=jax.ShapeDtypeStruct((nrows * k, d1), jnp.float32),
        scratch_types=[
            pltpu.VMEM((g8 * P,), jnp.int32),
            pltpu.VMEM((g8 * 16,), jnp.int32),
            pltpu.VMEM((g8 * k,), jnp.int32),
            pltpu.VMEM((g8 * k, d1), jnp.float32),
            pltpu.SemaphoreType.DMA,
        ],
    )
    def body(d2_hbm, lob_hbm, u_hbm, gout_hbm, d2v, lovg, idxg, rowsg, sem):
        wid = jax.lax.axis_index("s") * NC + jax.lax.axis_index("c")
        row0 = wid * rpt
        iota = jax.lax.iota(jnp.int32, 16)
        zero16 = jnp.zeros((16,), jnp.int32)
        big = jnp.full((16,), jnp.int32(2**30), jnp.int32)

        def do_group(g, _):
            gbase = row0 + g * g8
            pltpu.sync_copy(d2_hbm.at[pl.ds(gbase * P, g8 * P)], d2v)
            pltpu.sync_copy(lob_hbm.at[pl.ds(gbase * 16, g8 * 16)], lovg)

            def do_row(rr, _):
                boff = ((gbase + rr) // S) * P
                lo_v = lovg[pl.ds(pl.multiple_of(rr * 16, 16), 16)]
                kbase = pl.multiple_of(rr * k, k)
                for q in range(k // 16):
                    idxg[pl.ds(kbase + q * 16, 16)] = zero16

                def do_chunk(c, carry):
                    base_v, fmin_v = carry
                    off = pl.multiple_of(rr * P + c * 16, 16)
                    dv = d2v[pl.ds(off, 16)]
                    m = dv <= lo_v
                    mi = jnp.where(m, 1, 0)
                    pos = plsc.cumsum(mi) + base_v - 1 + kbase
                    vals = boff + c * 16 + iota
                    plsc.store_scatter(idxg, [pos], vals, mask=m)
                    fmin_v = jnp.minimum(fmin_v, jnp.where(m, vals, big))
                    return (base_v + plsc.all_reduce_population_count(m),
                            fmin_v)

                base_v, fmin_v = jax.lax.fori_loop(
                    0, P // 16, do_chunk, (zero16, big))
                first = jnp.minimum(jnp.min(fmin_v), boff + P - 1) + zero16
                for q in range(k // 16):
                    lo_i = pl.multiple_of(kbase + q * 16, 16)
                    cur = idxg[pl.ds(lo_i, 16)]
                    slot = q * 16 + iota
                    idxg[pl.ds(lo_i, 16)] = jnp.where(
                        slot < base_v, cur, first)
                return 0

            jax.lax.fori_loop(0, g8, do_row, 0)

            def fire(rr, _):
                kbase = pl.multiple_of(rr * k, k)
                pltpu.async_copy(u_hbm.at[idxg.at[pl.ds(kbase, k)]],
                                 rowsg.at[pl.ds(kbase, k)], sem)
                return 0

            jax.lax.fori_loop(0, g8, fire, 0)

            def drain(rr, _):
                kbase = pl.multiple_of(rr * k, k)
                pltpu.make_async_copy(
                    u_hbm.at[idxg.at[pl.ds(kbase, k)]],
                    rowsg.at[pl.ds(kbase, k)], sem).wait()
                return 0

            jax.lax.fori_loop(0, g8, drain, 0)
            pltpu.sync_copy(
                rowsg,
                gout_hbm.at[pl.ds(pl.multiple_of(gbase * k, k), g8 * k)])
            return 0

        jax.lax.fori_loop(0, rpt // g8, do_group, 0)

    return body(d2_flat, lob, u)


def _mlp_body(g_ref, cnt_ref, cpos_ref, wb_ref, w2_ref, b2_ref, w3_ref,
              b3_ref, g3_ref, be3_ref, o_ref, *, k):
    C = cpos_ref[0]
    Sb = C.shape[0]
    H = jnp.dot(C, wb_ref[...], preferred_element_type=jnp.float32)
    rows = g_ref[0]
    D1 = rows.shape[-1]
    z1 = rows.reshape(Sb, k, D1) - H[:, None, :]
    h1 = jnp.maximum(z1, 0.0).reshape(Sb * k, D1)
    h2 = jnp.maximum(
        jnp.dot(h1, w2_ref[...], preferred_element_type=jnp.float32)
        + b2_ref[...], 0.0)
    h3 = jnp.maximum(
        jnp.dot(h2, w3_ref[...], preferred_element_type=jnp.float32)
        + b3_ref[...], 0.0)
    h3 = h3 * g3_ref[...] + be3_ref[...]
    D3 = h3.shape[-1]
    hv = h3.reshape(Sb, k, D3)
    m = k
    while m > 1:
        m //= 2
        hv = jnp.maximum(hv[:, :m, :], hv[:, m:2 * m, :])
    acc = hv.reshape(Sb, D3)
    o_ref[0] = jnp.where(cnt_ref[0] > 0, acc, 0.0)


def _sa_mlp(gathered, counts, cpos, params, k, sb, interpret=False):
    (w1, b1, g1, be1), (w2, b2, g2, be2), (w3, b3, g3, be3) = params
    F = w1.shape[0] - 3
    wb = w1[F:, :]
    w2f = g1[:, None] * w2
    b2f = b2 + be1 @ w2
    w3f = g2[:, None] * w3
    b3f = b3 + be2 @ w3
    B, S, _ = cpos.shape
    D1, D2 = w2.shape
    D3 = w3.shape[1]
    g3d = gathered.reshape(B, S * k, D1)
    return pl.pallas_call(
        functools.partial(_mlp_body, k=k),
        grid=(B, S // sb),
        in_specs=[
            pl.BlockSpec((1, sb * k, D1), lambda b, s: (b, s, 0)),
            pl.BlockSpec((1, sb, 1), lambda b, s: (b, s, 0)),
            pl.BlockSpec((1, sb, 3), lambda b, s: (b, s, 0)),
            pl.BlockSpec((3, D1), lambda b, s: (0, 0)),
            pl.BlockSpec((D1, D2), lambda b, s: (0, 0)),
            pl.BlockSpec((1, D2), lambda b, s: (0, 0)),
            pl.BlockSpec((D2, D3), lambda b, s: (0, 0)),
            pl.BlockSpec((1, D3), lambda b, s: (0, 0)),
            pl.BlockSpec((1, D3), lambda b, s: (0, 0)),
            pl.BlockSpec((1, D3), lambda b, s: (0, 0)),
        ],
        out_specs=pl.BlockSpec((1, sb, D3), lambda b, s: (b, s, 0)),
        out_shape=jax.ShapeDtypeStruct((B, S, D3), jnp.float32),
        interpret=interpret,
    )(g3d, counts, cpos, wb, w2f, b2f.reshape(1, D2), w3f,
      b3f.reshape(1, D3), g3.reshape(1, D3), be3.reshape(1, D3))


def _sa_module_sc(cpos, ppos_t, u, params, r, k, sb, interpret=False):
    B, S, _ = cpos.shape
    P = ppos_t.shape[2]
    D1 = u.shape[-1]
    d2i, lob, counts = _sa_select(cpos, ppos_t, r, k, sb, interpret)
    nrows = B * S
    gathered = _sc_gather(d2i.reshape(nrows * P), lob.reshape(nrows * 16),
                          u.reshape(B * P, D1), nrows, P, S, k, D1)
    return _sa_mlp(gathered, counts, cpos, params, k, sb, interpret)



def _sa_body(cpos_ref, ppt_ref, u_ref, wb_ref, w2_ref, b2_ref, w3_ref,
             b3_ref, g3_ref, be3_ref, o_ref, d2s_ref, *,
             k, r2_bits, pc, n_iter):
    C = cpos_ref[0]
    Pt = ppt_ref[0]
    Sb = C.shape[0]
    P = Pt.shape[1]
    dx = C[:, 0:1] - Pt[0:1, :]
    dy = C[:, 1:2] - Pt[1:2, :]
    dz = C[:, 2:3] - Pt[2:3, :]
    d2 = dx * dx + dy * dy + dz * dz
    d2i = jax.lax.bitcast_convert_type(d2, jnp.int32)
    d2s_ref[...] = d2i

    def bisect(_, carry):
        lo, hi = carry
        mid = (lo + hi) >> 1
        cnt = jnp.sum(jnp.where(d2i <= mid, 1.0, 0.0), axis=1, keepdims=True)
        good = cnt <= k
        return jnp.where(good, mid, lo), jnp.where(good, hi, mid)

    lo0 = jnp.full((Sb, 1), -1, jnp.int32)
    hi0 = jnp.full((Sb, 1), r2_bits + 1, jnp.int32)
    lo, _ = jax.lax.fori_loop(0, n_iter, bisect, (lo0, hi0))
    mask = d2i <= lo
    count = jnp.sum(jnp.where(mask, 1.0, 0.0), axis=1, keepdims=True)

    H = jnp.dot(C, wb_ref[...], preferred_element_type=jnp.float32)
    w2, b2 = w2_ref[...], b2_ref[...]
    w3, b3 = w3_ref[...], b3_ref[...]
    g3, be3 = g3_ref[...], be3_ref[...]
    D3 = w3.shape[1]

    def chunk(c, acc):
        base = pl.multiple_of(c * pc, pc)
        uc = u_ref[0, pl.ds(base, pc), :]
        z1 = uc[:, None, :] - H[None, :, :]
        h1 = jnp.maximum(z1, 0.0).reshape(pc * Sb, -1)
        h2 = jnp.maximum(
            jnp.dot(h1, w2, preferred_element_type=jnp.float32) + b2, 0.0)
        h3 = jnp.maximum(
            jnp.dot(h2, w3, preferred_element_type=jnp.float32) + b3, 0.0)
        h3 = h3 * g3 + be3
        mc = d2s_ref[:, pl.ds(base, pc)] <= lo
        pen = jnp.where(mc, 0.0, -1e30)
        for j in range(pc):
            hv = h3[j * Sb:(j + 1) * Sb, :] + pen[:, j:j + 1]
            acc = jnp.maximum(acc, hv)
        return acc

    acc0 = jnp.full((Sb, D3), -1e30, jnp.float32)
    acc = jax.lax.fori_loop(0, P // pc, chunk, acc0)
    o_ref[0] = jnp.where(count > 0, acc, 0.0)


def _sa_dense(cpos, ppos_t, u, params, r, k, sb, pc, interpret=False):
    (w1, b1, g1, be1), (w2, b2, g2, be2), (w3, b3, g3, be3) = params
    F = w1.shape[0] - 3
    wb = w1[F:, :]
    w2f = g1[:, None] * w2
    b2f = b2 + be1 @ w2
    w3f = g2[:, None] * w3
    b3f = b3 + be2 @ w3
    B, S, _ = cpos.shape
    P = ppos_t.shape[2]
    D1, D2 = w2.shape
    D3 = w3.shape[1]
    r2_bits = int(np.float32(r * r).view(np.int32))
    grid = (B, S // sb)
    return pl.pallas_call(
        functools.partial(_sa_body, k=k, r2_bits=r2_bits, pc=pc, n_iter=31),
        grid=grid,
        in_specs=[
            pl.BlockSpec((1, sb, 3), lambda b, s: (b, s, 0)),
            pl.BlockSpec((1, 3, P), lambda b, s: (b, 0, 0)),
            pl.BlockSpec((1, P, D1), lambda b, s: (b, 0, 0)),
            pl.BlockSpec((3, D1), lambda b, s: (0, 0)),
            pl.BlockSpec((D1, D2), lambda b, s: (0, 0)),
            pl.BlockSpec((1, D2), lambda b, s: (0, 0)),
            pl.BlockSpec((D2, D3), lambda b, s: (0, 0)),
            pl.BlockSpec((1, D3), lambda b, s: (0, 0)),
            pl.BlockSpec((1, D3), lambda b, s: (0, 0)),
            pl.BlockSpec((1, D3), lambda b, s: (0, 0)),
        ],
        out_specs=pl.BlockSpec((1, sb, D3), lambda b, s: (b, s, 0)),
        out_shape=jax.ShapeDtypeStruct((B, S, D3), jnp.float32),
        scratch_shapes=[pltpu.VMEM((sb, P), jnp.int32)],
        interpret=interpret,
    )(cpos, ppos_t, u, wb, w2f, b2f.reshape(1, D2), w3f,
      b3f.reshape(1, D3), g3.reshape(1, D3), be3.reshape(1, D3))


def _pointnet2(x_0, pos_0, x_1, pos_1, p1, p2, *, k, r1, r2, interpret=False):
    B = 2
    P = x_0.shape[0] // B
    F = x_0.shape[-1]
    S1, S2 = P // 2, P // 8
    d1a = p1[0][0].shape[1]
    d1b = p2[0][0].shape[1]

    pos0 = pos_0.reshape(B, P, 3)
    pos1 = pos_1.reshape(B, P, 3)

    cx0, cy0, cz0 = _fps(pos0[:, :, 0], pos0[:, :, 1], pos0[:, :, 2], S1,
                         interpret)
    cx1, cy1, cz1 = _fps(cx0, cy0, cz0, S2, interpret)
    c0 = jnp.stack([cx0, cy0, cz0], axis=-1)
    c0_t = jnp.stack([cx0, cy0, cz0], axis=1)
    c1 = jnp.stack([cx1, cy1, cz1], axis=-1)

    pos0_t = jnp.transpose(pos0, (0, 2, 1))
    pos1_t = jnp.transpose(pos1, (0, 2, 1))

    sb1 = min(128, S1)
    sb2 = min(128, S2)
    pc1 = min(128, P)
    pc2 = min(128, S1)

    def sa(cpos, ppos_t, u, params, r, sb, pc):
        if interpret:
            return _sa_dense(cpos, ppos_t, u, params, r, k, sb, pc, True)
        return _sa_module_sc(cpos, ppos_t, u, params, r, k, sb)

    u1 = _lin1(x_0, pos_0, p1[0][0][:F], p1[0][0][F:], p1[0][1], interpret)
    x1_0 = sa(c0, pos0_t, u1.reshape(B, P, d1a), p1, r1, sb1, pc1)

    u3 = _lin1(x_1, pos_1, p1[0][0][:F], p1[0][0][F:], p1[0][1], interpret)
    x1_1 = sa(c0, pos1_t, u3.reshape(B, P, d1a), p1, r1, sb1, pc1)

    Fm = x1_0.shape[-1]
    u2 = _lin1(x1_0.reshape(B * S1, Fm), c0.reshape(B * S1, 3),
               p2[0][0][:Fm], p2[0][0][Fm:], p2[0][1], interpret)
    x2_0 = sa(c1, c0_t, u2.reshape(B, S1, d1b), p2, r2, min(64, S2), pc2)

    u4 = _lin1(x1_1.reshape(B * S1, Fm), c0.reshape(B * S1, 3),
               p1[0][0][:Fm], p1[0][0][Fm:], p1[0][1], interpret)
    x2_1 = sa(c1, c0_t, u4.reshape(B, S1, d1a), p1, r1, min(64, S2), pc2)

    return x2_0, c1, x2_1


def kernel(x_0, pos_0, batch_0, x_1, pos_1, batch_1, p1, p2):
    B = 2
    P = x_0.shape[0] // B
    S2 = P // 8
    x2_0, c1, x2_1 = _pointnet2(x_0, pos_0, x_1, pos_1, p1, p2,
                                k=64, r1=0.2, r2=0.4)
    batch_c1 = batch_0.reshape(B, P)[:, :S2].reshape(-1)
    sa2_out_0 = (x2_0.reshape(-1, x2_0.shape[-1]), c1.reshape(-1, 3), batch_c1)
    sa2_out_1 = (x2_1.reshape(-1, x2_1.shape[-1]), c1.reshape(-1, 3), batch_c1)
    return (sa2_out_0, sa2_out_1)

# --- scband reference (transcript-rebuilt; emitter-appended) ---
"""Pipeline reference for scband-pointnet2-partial-6244882448519 (READ-ONLY COPY).

The authoritative reference and input builder live on the scoring server;
editing this copy changes nothing except your own understanding.
"""

import jax, jax.numpy as jnp
import numpy as np

K = 64
RATIO1, R1 = 0.5, 0.2
RATIO2, R2 = 0.25, 0.4


def _mlp_params(key, dims):
    params = []
    for i in range(len(dims) - 1):
        key, k1 = jax.random.split(key)
        W = jax.random.uniform(k1, (dims[i], dims[i + 1]), dtype=jnp.float32, minval=-1.0, maxval=1.0) / np.sqrt(dims[i])
        params.append((W, jnp.zeros((dims[i + 1],), jnp.float32), jnp.ones((dims[i + 1],), jnp.float32), jnp.zeros((dims[i + 1],), jnp.float32)))
    return tuple(params)


def fps(pos_b, ratio):
    # farthest point sampling per cloud; indices are non-differentiable
    pos_b = jax.lax.stop_gradient(pos_b)
    B, P, _ = pos_b.shape
    S = int(P * ratio)

    def step(carry, _):
        dists, last = carry
        lastpos = jnp.take_along_axis(pos_b, last[:, None, None], axis=1)
        d = jnp.sum((pos_b - lastpos) ** 2, axis=-1)
        dists = jnp.minimum(dists, d)
        nxt = jnp.argmax(dists, axis=1).astype(jnp.int32)
        return (dists, nxt), last

    init = (jnp.full((B, P), jnp.inf, dtype=jnp.float32), jnp.zeros((B,), dtype=jnp.int32))
    _, idxs = jax.lax.scan(step, init, None, length=S)
    return jnp.transpose(idxs)  # [B, S]


def radius_neighbors(pos_b, centers_b, r, k):
    # nearest-k within radius r (PyG radius with max_num_neighbors=k)
    d2 = jnp.sum((centers_b[:, :, None, :] - pos_b[:, None, :, :]) ** 2, axis=-1)
    d2 = jax.lax.stop_gradient(d2)
    neg_vals, idx = jax.lax.top_k(-d2, k)
    mask = (-neg_vals) <= r * r
    return idx, mask


def sa_module(x_b, pos_b, ratio, r, params, centers=None):
    if centers is None:
        idx_c = fps(pos_b, ratio)
        centers = jnp.take_along_axis(pos_b, idx_c[:, :, None], axis=1)
    nidx, mask = radius_neighbors(pos_b, centers, r, K)
    B = x_b.shape[0]
    bidx = jnp.arange(B)[:, None, None]
    x_j = x_b[bidx, nidx]          # [B, S, K, C] gather
    pos_j = pos_b[bidx, nidx]      # [B, S, K, 3] gather
    rel = pos_j - centers[:, :, None, :]
    h = jnp.concatenate([x_j, rel], axis=-1)
    for (W, b, g, be) in params:   # Lin -> ReLU -> BN(eval, affine)
        h = jax.nn.relu(h @ W + b) * g + be
    h = jnp.where(mask[..., None], h, -jnp.inf)
    out = jnp.max(h, axis=2)       # PointNetConv max aggregation
    out = jnp.where(jnp.any(mask, axis=-1)[..., None], out, 0.0)
    return out, centers


def _forward(x0f, pos0f, x1f, pos1f, p1, p2, B, P):
    F = x0f.shape[-1]
    x0 = x0f.reshape(B, P, F)
    pos0 = pos0f.reshape(B, P, 3)
    x1 = x1f.reshape(B, P, F)
    pos1 = pos1f.reshape(B, P, 3)
    x1_0, c0 = sa_module(x0, pos0, RATIO1, R1, p1)
    x2_0, c1 = sa_module(x1_0, c0, RATIO2, R2, p2)
    x1_1, _ = sa_module(x1, pos1, RATIO1, R1, p1, centers=c0)
    x2_1, _ = sa_module(x1_1, c0, RATIO1, R1, p1, centers=c1)
    return x2_0, c1, x2_1


def setup_inputs(seed: int = 0):
    key = jax.random.key(seed)
    ks = jax.random.split(key, 6)
    B, P, F = 2, 2048, 128
    x_0 = jax.random.normal(ks[0], (B * P, F), dtype=jnp.float32)
    pos_0 = jax.random.uniform(ks[1], (B * P, 3), dtype=jnp.float32)
    x_1 = jax.random.normal(ks[2], (B * P, F), dtype=jnp.float32)
    pos_1 = jax.random.uniform(ks[3], (B * P, 3), dtype=jnp.float32)
    batch = jnp.repeat(jnp.arange(B, dtype=jnp.int32), P)
    p1 = _mlp_params(ks[4], (3 + F, 64, 64, 128))
    p2 = _mlp_params(ks[5], (128 + 3, 128, 128, 256))
    return {"x_0": x_0, "pos_0": pos_0, "batch_0": batch, "x_1": x_1, "pos_1": pos_1, "batch_1": batch, "p1": p1, "p2": p2}


def reference(x_0, pos_0, batch_0, x_1, pos_1, batch_1, p1, p2):
    B = 2
    P = x_0.shape[0] // B
    x2_0, c1, x2_1 = _forward(x_0, pos_0, x_1, pos_1, p1, p2, B, P)
    S2 = c1.shape[1]
    batch_c1 = batch_0.reshape(B, P)[:, :S2].reshape(-1)
    sa2_out_0 = (x2_0.reshape(-1, x2_0.shape[-1]), c1.reshape(-1, 3), batch_c1)
    sa2_out_1 = (x2_1.reshape(-1, x2_1.shape[-1]), c1.reshape(-1, 3), batch_c1)
    return (sa2_out_0, sa2_out_1)

if __name__ == "__main__":
    import jax
    _d = setup_inputs()
    print(jax.jit(kernel)(*tuple(_d.values())))

</pallas_src>

<mosaic_0001>
#map = affine_map<(d0, d1) -> (0)>
#map1 = affine_map<(d0, d1) -> (0, 0)>
module attributes {stable_mosaic.version = 14 : i64} {
  func.func @body(%arg0: i32, %arg1: i32, %arg2: memref<524288xi32, #tpu.memory_space<hbm>>, %arg3: memref<8192xi32, #tpu.memory_space<hbm>>, %arg4: memref<2048x128xf32, #tpu.memory_space<hbm>>, %arg5: memref<32768x128xf32, #tpu.memory_space<hbm>>, %arg6: memref<8192xi32, #tpu.memory_space<vmem>>, %arg7: memref<128xi32, #tpu.memory_space<vmem>>, %arg8: memref<512xi32, #tpu.memory_space<vmem>>, %arg9: memref<512x128xf32, #tpu.memory_space<vmem>>, %arg10: memref<!tpu.dma_semaphore, #tpu.memory_space<semaphore_mem>>) attributes {dimension_semantics = [#tpu.dimension_semantics<core_parallel>, #tpu.dimension_semantics<subcore_parallel>], iteration_bounds = array<i64: 2, 16>, scalar_prefetch = 0 : i64, scratch_operands = 5 : i64, tpu.core_type = #tpu.core_type<sc_vector_subcore>, window_params = [{transform_indices = #map}, {transform_indices = #map}, {transform_indices = #map1}, {transform_indices = #map1}]} {
    %mul3A = arith.constant 2 : i32
    %mul3A_0 = arith.muli %arg1, %mul3A : i32
    %add3A = arith.addi %mul3A_0, %arg0 : i32
    %mul3A_1 = arith.constant 16 : i32
    %mul3A_2 = arith.muli %add3A, %mul3A_1 : i32
    %iota3A = tpu.iota {dimensions = array<i32: 0>} : vector<16xi32>
    %broadcast_in_dim3A = arith.constant 0 : i32
    %broadcast_in_dim3A_3 = vector.broadcast %broadcast_in_dim3A : i32 to vector<16xi32>
    %broadcast_in_dim3A_4 = arith.constant 1073741824 : i32
    %broadcast_in_dim3A_5 = vector.broadcast %broadcast_in_dim3A_4 : i32 to vector<16xi32>
    %scan3A = arith.constant 0 : i32
    %scan3A_6 = arith.constant 0 : i32
    %scan3A_7 = arith.constant 2 : i32
    %scan3A_8 = arith.addi %scan3A_6, %scan3A_7 : i32
    %scan3A_9 = arith.constant 1 : i32
    %scan3A_10 = scf.for %scan3A_12 = %scan3A_6 to %scan3A_8 step %scan3A_9 iter_args(%scan3A_13 = %scan3A) -> (i32)  : i32 {
      %mul3A_14 = arith.constant 8 : i32
      %mul3A_15 = arith.muli %scan3A_12, %mul3A_14 : i32
      %add3A_16 = arith.addi %mul3A_2, %mul3A_15 : i32
      %mul3A_17 = arith.constant 1024 : i32
      %mul3A_18 = arith.muli %add3A_16, %mul3A_17 : i32
      "tpu.region"() ({
        %run_scoped3A = tpu.sem_alloc : memref<!tpu.dma_semaphore, #tpu.memory_space<semaphore_mem>>
        %dma_start3A = tpu.memref_slice %arg2[%mul3A_18] : memref<524288xi32, #tpu.memory_space<hbm>> -> memref<8192xi32, #tpu.memory_space<hbm>>
        %dma_start3A_45 = tpu.memref_slice %arg2[%mul3A_18] : memref<524288xi32, #tpu.memory_space<hbm>> -> memref<8192xi32, #tpu.memory_space<hbm>>
        tpu.enqueue_dma source(%dma_start3A_45 : memref<8192xi32, #tpu.memory_space<hbm>>) target(%arg6 : memref<8192xi32, #tpu.memory_space<vmem>>) target_semaphore(%run_scoped3A : memref<!tpu.dma_semaphore, #tpu.memory_space<semaphore_mem>>)
        %dma_wait3A = tpu.memref_slice %arg2[%mul3A_18] : memref<524288xi32, #tpu.memory_space<hbm>> -> memref<8192xi32, #tpu.memory_space<hbm>>
        %dma_wait3A_46 = tpu.memref_slice %arg2[%mul3A_18] : memref<524288xi32, #tpu.memory_space<hbm>> -> memref<8192xi32, #tpu.memory_space<hbm>>
        tpu.wait_dma2 semaphore(%run_scoped3A : memref<!tpu.dma_semaphore, #tpu.memory_space<semaphore_mem>>) src(%dma_wait3A_46 : memref<8192xi32, #tpu.memory_space<hbm>>) dst(%arg6 : memref<8192xi32, #tpu.memory_space<vmem>>)
        tpu.yield
      }) : () -> ()
      %mul3A_19 = arith.constant 16 : i32
      %mul3A_20 = arith.muli %add3A_16, %mul3A_19 : i32
      "tpu.region"() ({
        %run_scoped3A = tpu.sem_alloc : memref<!tpu.dma_semaphore, #tpu.memory_space<semaphore_mem>>
        %dma_start3A = tpu.memref_slice %arg3[%mul3A_20] : memref<8192xi32, #tpu.memory_space<hbm>> -> memref<128xi32, #tpu.memory_space<hbm>>
        %dma_start3A_45 = tpu.memref_slice %arg3[%mul3A_20] : memref<8192xi32, #tpu.memory_space<hbm>> -> memref<128xi32, #tpu.memory_space<hbm>>
        tpu.enqueue_dma source(%dma_start3A_45 : memref<128xi32, #tpu.memory_space<hbm>>) target(%arg7 : memref<128xi32, #tpu.memory_space<vmem>>) target_semaphore(%run_scoped3A : memref<!tpu.dma_semaphore, #tpu.memory_space<semaphore_mem>>)
        %dma_wait3A = tpu.memref_slice %arg3[%mul3A_20] : memref<8192xi32, #tpu.memory_space<hbm>> -> memref<128xi32, #tpu.memory_space<hbm>>
        %dma_wait3A_46 = tpu.memref_slice %arg3[%mul3A_20] : memref<8192xi32, #tpu.memory_space<hbm>> -> memref<128xi32, #tpu.memory_space<hbm>>
        tpu.wait_dma2 semaphore(%run_scoped3A : memref<!tpu.dma_semaphore, #tpu.memory_space<semaphore_mem>>) src(%dma_wait3A_46 : memref<128xi32, #tpu.memory_space<hbm>>) dst(%arg7 : memref<128xi32, #tpu.memory_space<vmem>>)
        tpu.yield
      }) : () -> ()
      %scan3A_21 = arith.constant 0 : i32
      %scan3A_22 = arith.constant 0 : i32
      %scan3A_23 = arith.constant 8 : i32
      %scan3A_24 = arith.addi %scan3A_22, %scan3A_23 : i32
      %scan3A_25 = arith.constant 1 : i32
      %scan3A_26 = scf.for %scan3A_45 = %scan3A_22 to %scan3A_24 step %scan3A_25 iter_args(%scan3A_46 = %scan3A_21) -> (i32)  : i32 {
        %add3A_47 = arith.addi %add3A_16, %scan3A_45 : i32
        %jit3A = arith.constant 256 : i32
        %div3A = arith.divsi %add3A_47, %jit3A : i32
        %sign3A = arith.constant 0 : i32
        %sign3A_48 = arith.cmpi sgt, %add3A_47, %sign3A : i32
        %sign3A_49 = arith.extui %sign3A_48 : i1 to i32
        %sign3A_50 = arith.constant 0 : i32
        %sign3A_51 = arith.cmpi slt, %add3A_47, %sign3A_50 : i32
        %sign3A_52 = arith.extui %sign3A_51 : i1 to i32
        %sign3A_53 = arith.subi %sign3A_49, %sign3A_52 : i32
        %sign3A_54 = arith.constant 0 : i32
        %sign3A_55 = arith.cmpi sgt, %jit3A, %sign3A_54 : i32
        %sign3A_56 = arith.extui %sign3A_55 : i1 to i32
        %sign3A_57 = arith.constant 0 : i32
        %sign3A_58 = arith.cmpi slt, %jit3A, %sign3A_57 : i32
        %sign3A_59 = arith.extui %sign3A_58 : i1 to i32
        %sign3A_60 = arith.subi %sign3A_56, %sign3A_59 : i32
        %ne3A = arith.cmpi ne, %sign3A_53, %sign3A_60 : i32
        %rem3A = arith.remsi %add3A_47, %jit3A : i32
        %ne3A_61 = arith.constant 0 : i32
        %ne3A_62 = arith.cmpi ne, %rem3A, %ne3A_61 : i32
        %and3A = arith.andi %ne3A, %ne3A_62 : i1
        %sub3A = arith.constant 1 : i32
        %sub3A_63 = arith.subi %div3A, %sub3A : i32
        %select_n3A = arith.select %and3A, %sub3A_63, %div3A : i32
        %mul3A_64 = arith.constant 1024 : i32
        %mul3A_65 = arith.muli %select_n3A, %mul3A_64 : i32
        %mul3A_66 = arith.constant 16 : i32
        %mul3A_67 = arith.muli %scan3A_45, %mul3A_66 : i32
        %multiple_of3A_68 = tpu.assume_multiple %mul3A_67, 16 : i32
        %get3A = arith.index_cast %multiple_of3A_68 : i32 to index
        %get3A_69 = tpu.vector_load %arg7[%get3A] {strides = array<i32>} : memref<128xi32, #tpu.memory_space<vmem>>, vector<16xi32>,
        %mul3A_70 = arith.constant 64 : i32
        %mul3A_71 = arith.muli %scan3A_45, %mul3A_70 : i32
        %multiple_of3A_72 = tpu.assume_multiple %mul3A_71, 64 : i32
        %add3A_73 = arith.constant 0 : i32
        %add3A_74 = arith.addi %multiple_of3A_72, %add3A_73 : i32
        %swap3A = arith.index_cast %add3A_74 : i32 to index
        %swap3A_75 = tpu.vector_load %arg8[%swap3A] {strides = array<i32>} : memref<512xi32, #tpu.memory_space<vmem>>, vector<16xi32>,
        tpu.vector_store %arg8[%swap3A], %broadcast_in_dim3A_3 {strides = array<i32>} : memref<512xi32, #tpu.memory_space<vmem>>, vector<16xi32>,
        %add3A_76 = arith.constant 16 : i32
        %add3A_77 = arith.addi %multiple_of3A_72, %add3A_76 : i32
        %swap3A_78 = arith.index_cast %add3A_77 : i32 to index
        %swap3A_79 = tpu.vector_load %arg8[%swap3A_78] {strides = array<i32>} : memref<512xi32, #tpu.memory_space<vmem>>, vector<16xi32>,
        tpu.vector_store %arg8[%swap3A_78], %broadcast_in_dim3A_3 {strides = array<i32>} : memref<512xi32, #tpu.memory_space<vmem>>, vector<16xi32>,
        %add3A_80 = arith.constant 32 : i32
        %add3A_81 = arith.addi %multiple_of3A_72, %add3A_80 : i32
        %swap3A_82 = arith.index_cast %add3A_81 : i32 to index
        %swap3A_83 = tpu.vector_load %arg8[%swap3A_82] {strides = array<i32>} : memref<512xi32, #tpu.memory_space<vmem>>, vector<16xi32>,
        tpu.vector_store %arg8[%swap3A_82], %broadcast_in_dim3A_3 {strides = array<i32>} : memref<512xi32, #tpu.memory_space<vmem>>, vector<16xi32>,
        %add3A_84 = arith.constant 48 : i32
        %add3A_85 = arith.addi %multiple_of3A_72, %add3A_84 : i32
        %swap3A_86 = arith.index_cast %add3A_85 : i32 to index
        %swap3A_87 = tpu.vector_load %arg8[%swap3A_86] {strides = array<i32>} : memref<512xi32, #tpu.memory_space<vmem>>, vector<16xi32>,
        tpu.vector_store %arg8[%swap3A_86], %broadcast_in_dim3A_3 {strides = array<i32>} : memref<512xi32, #tpu.memory_space<vmem>>, vector<16xi32>,
        %scan3A_88 = arith.constant 0 : i32
        %scan3A_89 = arith.constant 64 : i32
        %scan3A_90 = arith.addi %scan3A_88, %scan3A_89 : i32
        %scan3A_91 = arith.constant 1 : i32
        %scan3A_92:2 = scf.for %scan3A_155 = %scan3A_88 to %scan3A_90 step %scan3A_91 iter_args(%scan3A_156 = %broadcast_in_dim3A_3, %scan3A_157 = %broadcast_in_dim3A_5) -> (vector<16xi32>, vector<16xi32>)  : i32 {
          %mul3A_158 = arith.constant 1024 : i32
          %mul3A_159 = arith.muli %scan3A_45, %mul3A_158 : i32
          %mul3A_160 = arith.constant 16 : i32
          %mul3A_161 = arith.muli %scan3A_155, %mul3A_160 : i32
          %add3A_162 = arith.addi %mul3A_159, %mul3A_161 : i32
          %multiple_of3A_163 = tpu.assume_multiple %add3A_162, 16 : i32
          %get3A_164 = arith.index_cast %multiple_of3A_163 : i32 to index
          %get3A_165 = tpu.vector_load %arg6[%get3A_164] {strides = array<i32>} : memref<8192xi32, #tpu.memory_space<vmem>>, vector<16xi32>,
          %le3A = arith.cmpi sle, %get3A_165, %get3A_69 : vector<16xi32>
          %jit3A_166 = arith.constant 1 : i32
          %jit3A_167 = arith.constant 0 : i32
          %broadcast_in_dim3A_168 = vector.broadcast %jit3A_166 : i32 to vector<16xi32>
          %broadcast_in_dim3A_169 = vector.broadcast %jit3A_167 : i32 to vector<16xi32>
          %select_n3A_170 = arith.select %le3A, %broadcast_in_dim3A_168, %broadcast_in_dim3A_169 : vector<16xi1>, vector<16xi32>
          %broadcast_in_dim3A_171 = arith.constant true
          %broadcast_in_dim3A_172 = vector.broadcast %broadcast_in_dim3A_171 : i1 to vector<16xi1>
          %masked_cumsum3A = tpu.scan <sum>, %select_n3A_170 masked %broadcast_in_dim3A_172 : vector<16xi32>, vector<16xi1> -> vector<16xi32>
          %add3A_173 = arith.addi %masked_cumsum3A, %scan3A_156 : vector<16xi32>
          %sub3A_174 = arith.constant 1 : i32
          %sub3A_175 = vector.broadcast %sub3A_174 : i32 to vector<16xi32>
          %sub3A_176 = arith.subi %add3A_173, %sub3A_175 : vector<16xi32>
          %add3A_177 = vector.broadcast %multiple_of3A_72 : i32 to vector<16xi32>
          %add3A_178 = arith.addi %sub3A_176, %add3A_177 : vector<16xi32>
          %mul3A_179 = arith.constant 16 : i32
          %mul3A_180 = arith.muli %scan3A_155, %mul3A_179 : i32
          %add3A_181 = arith.addi %mul3A_65, %mul3A_180 : i32
          %add3A_182 = vector.broadcast %add3A_181 : i32 to vector<16xi32>
          %add3A_183 = arith.addi %add3A_182, %iota3A : vector<16xi32>
          tpu.vector_store_idx %arg8[%add3A_178], %add3A_183 masked %le3A : memref<512xi32, #tpu.memory_space<vmem>>[vector<16xi32>], vector<16xi32>, vector<16xi1>
          %select_n3A_184 = arith.select %le3A, %add3A_183, %broadcast_in_dim3A_5 : vector<16xi1>, vector<16xi32>
          %min3A_185 = arith.minsi %scan3A_157, %select_n3A_184 : vector<16xi32>
          %all_reduce_population_count3A = tpu.all_reduce %le3A {dim = 0 : i64, kind = #tpu.reduction_kind<sum>} : vector<16xi1> -> vector<16xi32>
          %add3A_186 = arith.addi %scan3A_156, %all_reduce_population_count3A : vector<16xi32>
          scf.yield %add3A_186, %min3A_185 : vector<16xi32>, vector<16xi32>
        }
        %scan3A_93 = arith.constant 64 : i32
        %reduce_min3A = arith.constant true
        %reduce_min3A_94 = vector.broadcast %reduce_min3A : i1 to vector<16xi1>
        %reduce_min3A_95 = arith.constant -2147483648 : i32
        %reduce_min3A_96 = vector.broadcast %reduce_min3A_95 : i32 to vector<16xi32>
        %reduce_min3A_97 = arith.xori %scan3A_92#1, %reduce_min3A_96 : vector<16xi32>
        %reduce_min3A_98 = tpu.scan <min>, %reduce_min3A_97 masked %reduce_min3A_94 : vector<16xi32>, vector<16xi1> -> vector<16xi32>
        %reduce_min3A_99 = arith.xori %reduce_min3A_98, %reduce_min3A_96 : vector<16xi32>
        %reduce_min3A_100 = vector.extract %reduce_min3A_99[15] : i32 from vector<16xi32>
        %add3A_101 = arith.constant 1024 : i32
        %add3A_102 = arith.addi %mul3A_65, %add3A_101 : i32
        %sub3A_103 = arith.constant 1 : i32
        %sub3A_104 = arith.subi %add3A_102, %sub3A_103 : i32
        %min3A = arith.minsi %reduce_min3A_100, %sub3A_104 : i32
        %add3A_105 = vector.broadcast %min3A : i32 to vector<16xi32>
        %add3A_106 = arith.addi %add3A_105, %broadcast_in_dim3A_3 : vector<16xi32>
        %add3A_107 = arith.constant 0 : i32
        %add3A_108 = arith.addi %multiple_of3A_72, %add3A_107 : i32
        %multiple_of3A_109 = tpu.assume_multiple %add3A_108, 16 : i32
        %get3A_110 = arith.index_cast %multiple_of3A_109 : i32 to index
        %get3A_111 = tpu.vector_load %arg8[%get3A_110] {strides = array<i32>} : memref<512xi32, #tpu.memory_space<vmem>>, vector<16xi32>,
        %add3A_112 = arith.constant 0 : i32
        %add3A_113 = vector.broadcast %add3A_112 : i32 to vector<16xi32>
        %add3A_114 = arith.addi %add3A_113, %iota3A : vector<16xi32>
        %lt3A = arith.cmpi slt, %add3A_114, %scan3A_92#0 : vector<16xi32>
        %select_n3A_115 = arith.select %lt3A, %get3A_111, %add3A_106 : vector<16xi1>, vector<16xi32>
        %swap3A_116 = arith.index_cast %multiple_of3A_109 : i32 to index
        %swap3A_117 = tpu.vector_load %arg8[%swap3A_116] {strides = array<i32>} : memref<512xi32, #tpu.memory_space<vmem>>, vector<16xi32>,
        tpu.vector_store %arg8[%swap3A_116], %select_n3A_115 {strides = array<i32>} : memref<512xi32, #tpu.memory_space<vmem>>, vector<16xi32>,
        %add3A_118 = arith.constant 16 : i32
        %add3A_119 = arith.addi %multiple_of3A_72, %add3A_118 : i32
        %multiple_of3A_120 = tpu.assume_multiple %add3A_119, 16 : i32
        %get3A_121 = arith.index_cast %multiple_of3A_120 : i32 to index
        %get3A_122 = tpu.vector_load %arg8[%get3A_121] {strides = array<i32>} : memref<512xi32, #tpu.memory_space<vmem>>, vector<16xi32>,
        %add3A_123 = arith.constant 16 : i32
        %add3A_124 = vector.broadcast %add3A_123 : i32 to vector<16xi32>
        %add3A_125 = arith.addi %add3A_124, %iota3A : vector<16xi32>
        %lt3A_126 = arith.cmpi slt, %add3A_125, %scan3A_92#0 : vector<16xi32>
        %select_n3A_127 = arith.select %lt3A_126, %get3A_122, %add3A_106 : vector<16xi1>, vector<16xi32>
        %swap3A_128 = arith.index_cast %multiple_of3A_120 : i32 to index
        %swap3A_129 = tpu.vector_load %arg8[%swap3A_128] {strides = array<i32>} : memref<512xi32, #tpu.memory_space<vmem>>, vector<16xi32>,
        tpu.vector_store %arg8[%swap3A_128], %select_n3A_127 {strides = array<i32>} : memref<512xi32, #tpu.memory_space<vmem>>, vector<16xi32>,
        %add3A_130 = arith.constant 32 : i32
        %add3A_131 = arith.addi %multiple_of3A_72, %add3A_130 : i32
        %multiple_of3A_132 = tpu.assume_multiple %add3A_131, 16 : i32
        %get3A_133 = arith.index_cast %multiple_of3A_132 : i32 to index
        %get3A_134 = tpu.vector_load %arg8[%get3A_133] {strides = array<i32>} : memref<512xi32, #tpu.memory_space<vmem>>, vector<16xi32>,
        %add3A_135 = arith.constant 32 : i32
        %add3A_136 = vector.broadcast %add3A_135 : i32 to vector<16xi32>
        %add3A_137 = arith.addi %add3A_136, %iota3A : vector<16xi32>
        %lt3A_138 = arith.cmpi slt, %add3A_137, %scan3A_92#0 : vector<16xi32>
        %select_n3A_139 = arith.select %lt3A_138, %get3A_134, %add3A_106 : vector<16xi1>, vector<16xi32>
        %swap3A_140 = arith.index_cast %multiple_of3A_132 : i32 to index
        %swap3A_141 = tpu.vector_load %arg8[%swap3A_140] {strides = array<i32>} : memref<512xi32, #tpu.memory_space<vmem>>, vector<16xi32>,
        tpu.vector_store %arg8[%swap3A_140], %select_n3A_139 {strides = array<i32>} : memref<512xi32, #tpu.memory_space<vmem>>, vector<16xi32>,
        %add3A_142 = arith.constant 48 : i32
        %add3A_143 = arith.addi %multiple_of3A_72, %add3A_142 : i32
        %multiple_of3A_144 = tpu.assume_multiple %add3A_143, 16 : i32
        %get3A_145 = arith.index_cast %multiple_of3A_144 : i32 to index
        %get3A_146 = tpu.vector_load %arg8[%get3A_145] {strides = array<i32>} : memref<512xi32, #tpu.memory_space<vmem>>, vector<16xi32>,
        %add3A_147 = arith.constant 48 : i32
        %add3A_148 = vector.broadcast %add3A_147 : i32 to vector<16xi32>
        %add3A_149 = arith.addi %add3A_148, %iota3A : vector<16xi32>
        %lt3A_150 = arith.cmpi slt, %add3A_149, %scan3A_92#0 : vector<16xi32>
        %select_n3A_151 = arith.select %lt3A_150, %get3A_146, %add3A_106 : vector<16xi1>, vector<16xi32>
        %swap3A_152 = arith.index_cast %multiple_of3A_144 : i32 to index
        %swap3A_153 = tpu.vector_load %arg8[%swap3A_152] {strides = array<i32>} : memref<512xi32, #tpu.memory_space<vmem>>, vector<16xi32>,
        tpu.vector_store %arg8[%swap3A_152], %select_n3A_151 {strides = array<i32>} : memref<512xi32, #tpu.memory_space<vmem>>, vector<16xi32>,
        %scan3A_154 = arith.constant 0 : i32
        scf.yield %scan3A_154 : i32
      }
      %scan3A_27 = arith.constant 8 : i32
      %scan3A_28 = arith.constant 0 : i32
      %scan3A_29 = arith.constant 0 : i32
      %scan3A_30 = arith.constant 8 : i32
      %scan3A_31 = arith.addi %scan3A_29, %scan3A_30 : i32
      %scan3A_32 = arith.constant 1 : i32
      %scan3A_33 = scf.for %scan3A_45 = %scan3A_29 to %scan3A_31 step %scan3A_32 iter_args(%scan3A_46 = %scan3A_28) -> (i32)  : i32 {
        %mul3A_47 = arith.constant 64 : i32
        %mul3A_48 = arith.muli %scan3A_45, %mul3A_47 : i32
        %multiple_of3A_49 = tpu.assume_multiple %mul3A_48, 64 : i32
        %dma_start3A = arith.constant 0 : i32
        %dma_start3A_50 = tpu.memref_slice %arg9[%multiple_of3A_49, %dma_start3A] : memref<512x128xf32, #tpu.memory_space<vmem>> -> memref<64x128xf32, #tpu.memory_space<vmem>>
        %dma_start3A_51 = tpu.memref_slice %arg8[%multiple_of3A_49] : memref<512xi32, #tpu.memory_space<vmem>> -> memref<64xi32, #tpu.memory_space<vmem>>
        %dma_start3A_52 = arith.constant 0 : i32
        %dma_start3A_53 = arith.constant 0 : i32
        %dma_start3A_54 = tpu.memref_slice %arg4[%dma_start3A_52, %dma_start3A_53] : memref<2048x128xf32, #tpu.memory_space<hbm>> -> memref<2048x128xf32, #tpu.memory_space<hbm>>
        tpu.enqueue_indirect_dma source(%dma_start3A_54 : memref<2048x128xf32, #tpu.memory_space<hbm>>) target(%dma_start3A_50 : memref<64x128xf32, #tpu.memory_space<vmem>>) offsets(%dma_start3A_51 : memref<64xi32, #tpu.memory_space<vmem>>) semaphore(%arg10 : memref<!tpu.dma_semaphore, #tpu.memory_space<semaphore_mem>>)
        %scan3A_55 = arith.constant 0 : i32
        scf.yield %scan3A_55 : i32
      }
      %scan3A_34 = arith.constant 8 : i32
      %scan3A_35 = arith.constant 0 : i32
      %scan3A_36 = arith.constant 0 : i32
      %scan3A_37 = arith.constant 8 : i32
      %scan3A_38 = arith.addi %scan3A_36, %scan3A_37 : i32
      %scan3A_39 = arith.constant 1 : i32
      %scan3A_40 = scf.for %scan3A_45 = %scan3A_36 to %scan3A_38 step %scan3A_39 iter_args(%scan3A_46 = %scan3A_35) -> (i32)  : i32 {
        %mul3A_47 = arith.constant 64 : i32
        %mul3A_48 = arith.muli %scan3A_45, %mul3A_47 : i32
        %multiple_of3A_49 = tpu.assume_multiple %mul3A_48, 64 : i32
        %dma_wait3A = arith.constant 0 : i32
        %dma_wait3A_50 = tpu.memref_slice %arg9[%multiple_of3A_49, %dma_wait3A] : memref<512x128xf32, #tpu.memory_space<vmem>> -> memref<64x128xf32, #tpu.memory_space<vmem>>
        %dma_wait3A_51 = tpu.memref_slice %arg8[%multiple_of3A_49] : memref<512xi32, #tpu.memory_space<vmem>> -> memref<64xi32, #tpu.memory_space<vmem>>
        %dma_wait3A_52 = arith.constant 0 : i32
        %dma_wait3A_53 = arith.constant 0 : i32
        %dma_wait3A_54 = tpu.memref_slice %arg4[%dma_wait3A_52, %dma_wait3A_53] : memref<2048x128xf32, #tpu.memory_space<hbm>> -> memref<2048x128xf32, #tpu.memory_space<hbm>>
        tpu.wait_indirect_dma semaphore(%arg10 : memref<!tpu.dma_semaphore, #tpu.memory_space<semaphore_mem>>) src(%dma_wait3A_54 : memref<2048x128xf32, #tpu.memory_space<hbm>>) dst(%dma_wait3A_50 : memref<64x128xf32, #tpu.memory_space<vmem>>)
        %scan3A_55 = arith.constant 0 : i32
        scf.yield %scan3A_55 : i32
      }
      %scan3A_41 = arith.constant 8 : i32
      %mul3A_42 = arith.constant 64 : i32
      %mul3A_43 = arith.muli %add3A_16, %mul3A_42 : i32
      %multiple_of3A = tpu.assume_multiple %mul3A_43, 64 : i32
      "tpu.region"() ({
        %run_scoped3A = tpu.sem_alloc : memref<!tpu.dma_semaphore, #tpu.memory_space<semaphore_mem>>
        %dma_start3A = arith.constant 0 : i32
        %dma_start3A_45 = tpu.memref_slice %arg5[%multiple_of3A, %dma_start3A] : memref<32768x128xf32, #tpu.memory_space<hbm>> -> memref<512x128xf32, #tpu.memory_space<hbm>>
        %dma_start3A_46 = arith.constant 0 : i32
        %dma_start3A_47 = tpu.memref_slice %arg5[%multiple_of3A, %dma_start3A_46] : memref<32768x128xf32, #tpu.memory_space<hbm>> -> memref<512x128xf32, #tpu.memory_space<hbm>>
        tpu.enqueue_dma source(%arg9 : memref<512x128xf32, #tpu.memory_space<vmem>>) target(%dma_start3A_47 : memref<512x128xf32, #tpu.memory_space<hbm>>) target_semaphore(%run_scoped3A : memref<!tpu.dma_semaphore, #tpu.memory_space<semaphore_mem>>)
        %dma_wait3A = arith.constant 0 : i32
        %dma_wait3A_48 = tpu.memref_slice %arg5[%multiple_of3A, %dma_wait3A] : memref<32768x128xf32, #tpu.memory_space<hbm>> -> memref<512x128xf32, #tpu.memory_space<hbm>>
        %dma_wait3A_49 = arith.constant 0 : i32
        %dma_wait3A_50 = tpu.memref_slice %arg5[%multiple_of3A, %dma_wait3A_49] : memref<32768x128xf32, #tpu.memory_space<hbm>> -> memref<512x128xf32, #tpu.memory_space<hbm>>
        tpu.wait_dma2 semaphore(%run_scoped3A : memref<!tpu.dma_semaphore, #tpu.memory_space<semaphore_mem>>) src(%arg9 : memref<512x128xf32, #tpu.memory_space<vmem>>) dst(%dma_wait3A_50 : memref<512x128xf32, #tpu.memory_space<hbm>>)
        tpu.yield
      }) : () -> ()
      %scan3A_44 = arith.constant 0 : i32
      scf.yield %scan3A_44 : i32
    }
    %scan3A_11 = arith.constant 2 : i32
    return
  }
}

#map = affine_map<(d0, d1) -> (0)>
#map1 = affine_map<(d0, d1) -> (0, 0)>
module attributes {stable_mosaic.version = 14 : i64} {
  func.func @body(%arg0: i32, %arg1: i32, %arg2: memref<4194304xi32, #tpu.memory_space<hbm>>, %arg3: memref<32768xi32, #tpu.memory_space<hbm>>, %arg4: memref<4096x64xf32, #tpu.memory_space<hbm>>, %arg5: memref<131072x64xf32, #tpu.memory_space<hbm>>, %arg6: memref<16384xi32, #tpu.memory_space<vmem>>, %arg7: memref<128xi32, #tpu.memory_space<vmem>>, %arg8: memref<512xi32, #tpu.memory_space<vmem>>, %arg9: memref<512x64xf32, #tpu.memory_space<vmem>>, %arg10: memref<!tpu.dma_semaphore, #tpu.memory_space<semaphore_mem>>) attributes {dimension_semantics = [#tpu.dimension_semantics<core_parallel>, #tpu.dimension_semantics<subcore_parallel>], iteration_bounds = array<i64: 2, 16>, scalar_prefetch = 0 : i64, scratch_operands = 5 : i64, tpu.core_type = #tpu.core_type<sc_vector_subcore>, window_params = [{transform_indices = #map}, {transform_indices = #map}, {transform_indices = #map1}, {transform_indices = #map1}]} {
    %mul3A = arith.constant 2 : i32
    %mul3A_0 = arith.muli %arg1, %mul3A : i32
    %add3A = arith.addi %mul3A_0, %arg0 : i32
    %mul3A_1 = arith.constant 64 : i32
    %mul3A_2 = arith.muli %add3A, %mul3A_1 : i32
    %iota3A = tpu.iota {dimensions = array<i32: 0>} : vector<16xi32>
    %broadcast_in_dim3A = arith.constant 0 : i32
    %broadcast_in_dim3A_3 = vector.broadcast %broadcast_in_dim3A : i32 to vector<16xi32>
    %broadcast_in_dim3A_4 = arith.constant 1073741824 : i32
    %broadcast_in_dim3A_5 = vector.broadcast %broadcast_in_dim3A_4 : i32 to vector<16xi32>
    %scan3A = arith.constant 0 : i32
    %scan3A_6 = arith.constant 0 : i32
    %scan3A_7 = arith.constant 8 : i32
    %scan3A_8 = arith.addi %scan3A_6, %scan3A_7 : i32
    %scan3A_9 = arith.constant 1 : i32
    %scan3A_10 = scf.for %scan3A_12 = %scan3A_6 to %scan3A_8 step %scan3A_9 iter_args(%scan3A_13 = %scan3A) -> (i32)  : i32 {
      %mul3A_14 = arith.constant 8 : i32
      %mul3A_15 = arith.muli %scan3A_12, %mul3A_14 : i32
      %add3A_16 = arith.addi %mul3A_2, %mul3A_15 : i32
      %mul3A_17 = arith.constant 2048 : i32
      %mul3A_18 = arith.muli %add3A_16, %mul3A_17 : i32
      "tpu.region"() ({
        %run_scoped3A = tpu.sem_alloc : memref<!tpu.dma_semaphore, #tpu.memory_space<semaphore_mem>>
        %dma_start3A = tpu.memref_slice %arg2[%mul3A_18] : memref<4194304xi32, #tpu.memory_space<hbm>> -> memref<16384xi32, #tpu.memory_space<hbm>>
        %dma_start3A_45 = tpu.memref_slice %arg2[%mul3A_18] : memref<4194304xi32, #tpu.memory_space<hbm>> -> memref<16384xi32, #tpu.memory_space<hbm>>
        tpu.enqueue_dma source(%dma_start3A_45 : memref<16384xi32, #tpu.memory_space<hbm>>) target(%arg6 : memref<16384xi32, #tpu.memory_space<vmem>>) target_semaphore(%run_scoped3A : memref<!tpu.dma_semaphore, #tpu.memory_space<semaphore_mem>>)
        %dma_wait3A = tpu.memref_slice %arg2[%mul3A_18] : memref<4194304xi32, #tpu.memory_space<hbm>> -> memref<16384xi32, #tpu.memory_space<hbm>>
        %dma_wait3A_46 = tpu.memref_slice %arg2[%mul3A_18] : memref<4194304xi32, #tpu.memory_space<hbm>> -> memref<16384xi32, #tpu.memory_space<hbm>>
        tpu.wait_dma2 semaphore(%run_scoped3A : memref<!tpu.dma_semaphore, #tpu.memory_space<semaphore_mem>>) src(%dma_wait3A_46 : memref<16384xi32, #tpu.memory_space<hbm>>) dst(%arg6 : memref<16384xi32, #tpu.memory_space<vmem>>)
        tpu.yield
      }) : () -> ()
      %mul3A_19 = arith.constant 16 : i32
      %mul3A_20 = arith.muli %add3A_16, %mul3A_19 : i32
      "tpu.region"() ({
        %run_scoped3A = tpu.sem_alloc : memref<!tpu.dma_semaphore, #tpu.memory_space<semaphore_mem>>
        %dma_start3A = tpu.memref_slice %arg3[%mul3A_20] : memref<32768xi32, #tpu.memory_space<hbm>> -> memref<128xi32, #tpu.memory_space<hbm>>
        %dma_start3A_45 = tpu.memref_slice %arg3[%mul3A_20] : memref<32768xi32, #tpu.memory_space<hbm>> -> memref<128xi32, #tpu.memory_space<hbm>>
        tpu.enqueue_dma source(%dma_start3A_45 : memref<128xi32, #tpu.memory_space<hbm>>) target(%arg7 : memref<128xi32, #tpu.memory_space<vmem>>) target_semaphore(%run_scoped3A : memref<!tpu.dma_semaphore, #tpu.memory_space<semaphore_mem>>)
        %dma_wait3A = tpu.memref_slice %arg3[%mul3A_20] : memref<32768xi32, #tpu.memory_space<hbm>> -> memref<128xi32, #tpu.memory_space<hbm>>
        %dma_wait3A_46 = tpu.memref_slice %arg3[%mul3A_20] : memref<32768xi32, #tpu.memory_space<hbm>> -> memref<128xi32, #tpu.memory_space<hbm>>
        tpu.wait_dma2 semaphore(%run_scoped3A : memref<!tpu.dma_semaphore, #tpu.memory_space<semaphore_mem>>) src(%dma_wait3A_46 : memref<128xi32, #tpu.memory_space<hbm>>) dst(%arg7 : memref<128xi32, #tpu.memory_space<vmem>>)
        tpu.yield
      }) : () -> ()
      %scan3A_21 = arith.constant 0 : i32
      %scan3A_22 = arith.constant 0 : i32
      %scan3A_23 = arith.constant 8 : i32
      %scan3A_24 = arith.addi %scan3A_22, %scan3A_23 : i32
      %scan3A_25 = arith.constant 1 : i32
      %scan3A_26 = scf.for %scan3A_45 = %scan3A_22 to %scan3A_24 step %scan3A_25 iter_args(%scan3A_46 = %scan3A_21) -> (i32)  : i32 {
        %add3A_47 = arith.addi %add3A_16, %scan3A_45 : i32
        %jit3A = arith.constant 1024 : i32
        %div3A = arith.divsi %add3A_47, %jit3A : i32
        %sign3A = arith.constant 0 : i32
        %sign3A_48 = arith.cmpi sgt, %add3A_47, %sign3A : i32
        %sign3A_49 = arith.extui %sign3A_48 : i1 to i32
        %sign3A_50 = arith.constant 0 : i32
        %sign3A_51 = arith.cmpi slt, %add3A_47, %sign3A_50 : i32
        %sign3A_52 = arith.extui %sign3A_51 : i1 to i32
        %sign3A_53 = arith.subi %sign3A_49, %sign3A_52 : i32
        %sign3A_54 = arith.constant 0 : i32
        %sign3A_55 = arith.cmpi sgt, %jit3A, %sign3A_54 : i32
        %sign3A_56 = arith.extui %sign3A_55 : i1 to i32
        %sign3A_57 = arith.constant 0 : i32
        %sign3A_58 = arith.cmpi slt, %jit3A, %sign3A_57 : i32
        %sign3A_59 = arith.extui %sign3A_58 : i1 to i32
        %sign3A_60 = arith.subi %sign3A_56, %sign3A_59 : i32
        %ne3A = arith.cmpi ne, %sign3A_53, %sign3A_60 : i32
        %rem3A = arith.remsi %add3A_47, %jit3A : i32
        %ne3A_61 = arith.constant 0 : i32
        %ne3A_62 = arith.cmpi ne, %rem3A, %ne3A_61 : i32
        %and3A = arith.andi %ne3A, %ne3A_62 : i1
        %sub3A = arith.constant 1 : i32
        %sub3A_63 = arith.subi %div3A, %sub3A : i32
        %select_n3A = arith.select %and3A, %sub3A_63, %div3A : i32
        %mul3A_64 = arith.constant 2048 : i32
        %mul3A_65 = arith.muli %select_n3A, %mul3A_64 : i32
        %mul3A_66 = arith.constant 16 : i32
        %mul3A_67 = arith.muli %scan3A_45, %mul3A_66 : i32
        %multiple_of3A_68 = tpu.assume_multiple %mul3A_67, 16 : i32
        %get3A = arith.index_cast %multiple_of3A_68 : i32 to index
        %get3A_69 = tpu.vector_load %arg7[%get3A] {strides = array<i32>} : memref<128xi32, #tpu.memory_space<vmem>>, vector<16xi32>,
        %mul3A_70 = arith.constant 64 : i32
        %mul3A_71 = arith.muli %scan3A_45, %mul3A_70 : i32
        %multiple_of3A_72 = tpu.assume_multiple %mul3A_71, 64 : i32
        %add3A_73 = arith.constant 0 : i32
        %add3A_74 = arith.addi %multiple_of3A_72, %add3A_73 : i32
        %swap3A = arith.index_cast %add3A_74 : i32 to index
        %swap3A_75 = tpu.vector_load %arg8[%swap3A] {strides = array<i32>} : memref<512xi32, #tpu.memory_space<vmem>>, vector<16xi32>,
        tpu.vector_store %arg8[%swap3A], %broadcast_in_dim3A_3 {strides = array<i32>} : memref<512xi32, #tpu.memory_space<vmem>>, vector<16xi32>,
        %add3A_76 = arith.constant 16 : i32
        %add3A_77 = arith.addi %multiple_of3A_72, %add3A_76 : i32
        %swap3A_78 = arith.index_cast %add3A_77 : i32 to index
        %swap3A_79 = tpu.vector_load %arg8[%swap3A_78] {strides = array<i32>} : memref<512xi32, #tpu.memory_space<vmem>>, vector<16xi32>,
        tpu.vector_store %arg8[%swap3A_78], %broadcast_in_dim3A_3 {strides = array<i32>} : memref<512xi32, #tpu.memory_space<vmem>>, vector<16xi32>,
        %add3A_80 = arith.constant 32 : i32
        %add3A_81 = arith.addi %multiple_of3A_72, %add3A_80 : i32
        %swap3A_82 = arith.index_cast %add3A_81 : i32 to index
        %swap3A_83 = tpu.vector_load %arg8[%swap3A_82] {strides = array<i32>} : memref<512xi32, #tpu.memory_space<vmem>>, vector<16xi32>,
        tpu.vector_store %arg8[%swap3A_82], %broadcast_in_dim3A_3 {strides = array<i32>} : memref<512xi32, #tpu.memory_space<vmem>>, vector<16xi32>,
        %add3A_84 = arith.constant 48 : i32
        %add3A_85 = arith.addi %multiple_of3A_72, %add3A_84 : i32
        %swap3A_86 = arith.index_cast %add3A_85 : i32 to index
        %swap3A_87 = tpu.vector_load %arg8[%swap3A_86] {strides = array<i32>} : memref<512xi32, #tpu.memory_space<vmem>>, vector<16xi32>,
        tpu.vector_store %arg8[%swap3A_86], %broadcast_in_dim3A_3 {strides = array<i32>} : memref<512xi32, #tpu.memory_space<vmem>>, vector<16xi32>,
        %scan3A_88 = arith.constant 0 : i32
        %scan3A_89 = arith.constant 128 : i32
        %scan3A_90 = arith.addi %scan3A_88, %scan3A_89 : i32
        %scan3A_91 = arith.constant 1 : i32
        %scan3A_92:2 = scf.for %scan3A_155 = %scan3A_88 to %scan3A_90 step %scan3A_91 iter_args(%scan3A_156 = %broadcast_in_dim3A_3, %scan3A_157 = %broadcast_in_dim3A_5) -> (vector<16xi32>, vector<16xi32>)  : i32 {
          %mul3A_158 = arith.constant 2048 : i32
          %mul3A_159 = arith.muli %scan3A_45, %mul3A_158 : i32
          %mul3A_160 = arith.constant 16 : i32
          %mul3A_161 = arith.muli %scan3A_155, %mul3A_160 : i32
          %add3A_162 = arith.addi %mul3A_159, %mul3A_161 : i32
          %multiple_of3A_163 = tpu.assume_multiple %add3A_162, 16 : i32
          %get3A_164 = arith.index_cast %multiple_of3A_163 : i32 to index
          %get3A_165 = tpu.vector_load %arg6[%get3A_164] {strides = array<i32>} : memref<16384xi32, #tpu.memory_space<vmem>>, vector<16xi32>,
          %le3A = arith.cmpi sle, %get3A_165, %get3A_69 : vector<16xi32>
          %jit3A_166 = arith.constant 1 : i32
          %jit3A_167 = arith.constant 0 : i32
          %broadcast_in_dim3A_168 = vector.broadcast %jit3A_166 : i32 to vector<16xi32>
          %broadcast_in_dim3A_169 = vector.broadcast %jit3A_167 : i32 to vector<16xi32>
          %select_n3A_170 = arith.select %le3A, %broadcast_in_dim3A_168, %broadcast_in_dim3A_169 : vector<16xi1>, vector<16xi32>
          %broadcast_in_dim3A_171 = arith.constant true
          %broadcast_in_dim3A_172 = vector.broadcast %broadcast_in_dim3A_171 : i1 to vector<16xi1>
          %masked_cumsum3A = tpu.scan <sum>, %select_n3A_170 masked %broadcast_in_dim3A_172 : vector<16xi32>, vector<16xi1> -> vector<16xi32>
          %add3A_173 = arith.addi %masked_cumsum3A, %scan3A_156 : vector<16xi32>
          %sub3A_174 = arith.constant 1 : i32
          %sub3A_175 = vector.broadcast %sub3A_174 : i32 to vector<16xi32>
          %sub3A_176 = arith.subi %add3A_173, %sub3A_175 : vector<16xi32>
          %add3A_177 = vector.broadcast %multiple_of3A_72 : i32 to vector<16xi32>
          %add3A_178 = arith.addi %sub3A_176, %add3A_177 : vector<16xi32>
          %mul3A_179 = arith.constant 16 : i32
          %mul3A_180 = arith.muli %scan3A_155, %mul3A_179 : i32
          %add3A_181 = arith.addi %mul3A_65, %mul3A_180 : i32
          %add3A_182 = vector.broadcast %add3A_181 : i32 to vector<16xi32>
          %add3A_183 = arith.addi %add3A_182, %iota3A : vector<16xi32>
          tpu.vector_store_idx %arg8[%add3A_178], %add3A_183 masked %le3A : memref<512xi32, #tpu.memory_space<vmem>>[vector<16xi32>], vector<16xi32>, vector<16xi1>
          %select_n3A_184 = arith.select %le3A, %add3A_183, %broadcast_in_dim3A_5 : vector<16xi1>, vector<16xi32>
          %min3A_185 = arith.minsi %scan3A_157, %select_n3A_184 : vector<16xi32>
          %all_reduce_population_count3A = tpu.all_reduce %le3A {dim = 0 : i64, kind = #tpu.reduction_kind<sum>} : vector<16xi1> -> vector<16xi32>
          %add3A_186 = arith.addi %scan3A_156, %all_reduce_population_count3A : vector<16xi32>
          scf.yield %add3A_186, %min3A_185 : vector<16xi32>, vector<16xi32>
        }
        %scan3A_93 = arith.constant 128 : i32
        %reduce_min3A = arith.constant true
        %reduce_min3A_94 = vector.broadcast %reduce_min3A : i1 to vector<16xi1>
        %reduce_min3A_95 = arith.constant -2147483648 : i32
        %reduce_min3A_96 = vector.broadcast %reduce_min3A_95 : i32 to vector<16xi32>
        %reduce_min3A_97 = arith.xori %scan3A_92#1, %reduce_min3A_96 : vector<16xi32>
        %reduce_min3A_98 = tpu.scan <min>, %reduce_min3A_97 masked %reduce_min3A_94 : vector<16xi32>, vector<16xi1> -> vector<16xi32>
        %reduce_min3A_99 = arith.xori %reduce_min3A_98, %reduce_min3A_96 : vector<16xi32>
        %reduce_min3A_100 = vector.extract %reduce_min3A_99[15] : i32 from vector<16xi32>
        %add3A_101 = arith.constant 2048 : i32
        %add3A_102 = arith.addi %mul3A_65, %add3A_101 : i32
        %sub3A_103 = arith.constant 1 : i32
        %sub3A_104 = arith.subi %add3A_102, %sub3A_103 : i32
        %min3A = arith.minsi %reduce_min3A_100, %sub3A_104 : i32
        %add3A_105 = vector.broadcast %min3A : i32 to vector<16xi32>
        %add3A_106 = arith.addi %add3A_105, %broadcast_in_dim3A_3 : vector<16xi32>
        %add3A_107 = arith.constant 0 : i32
        %add3A_108 = arith.addi %multiple_of3A_72, %add3A_107 : i32
        %multiple_of3A_109 = tpu.assume_multiple %add3A_108, 16 : i32
        %get3A_110 = arith.index_cast %multiple_of3A_109 : i32 to index
        %get3A_111 = tpu.vector_load %arg8[%get3A_110] {strides = array<i32>} : memref<512xi32, #tpu.memory_space<vmem>>, vector<16xi32>,
        %add3A_112 = arith.constant 0 : i32
        %add3A_113 = vector.broadcast %add3A_112 : i32 to vector<16xi32>
        %add3A_114 = arith.addi %add3A_113, %iota3A : vector<16xi32>
        %lt3A = arith.cmpi slt, %add3A_114, %scan3A_92#0 : vector<16xi32>
        %select_n3A_115 = arith.select %lt3A, %get3A_111, %add3A_106 : vector<16xi1>, vector<16xi32>
        %swap3A_116 = arith.index_cast %multiple_of3A_109 : i32 to index
        %swap3A_117 = tpu.vector_load %arg8[%swap3A_116] {strides = array<i32>} : memref<512xi32, #tpu.memory_space<vmem>>, vector<16xi32>,
        tpu.vector_store %arg8[%swap3A_116], %select_n3A_115 {strides = array<i32>} : memref<512xi32, #tpu.memory_space<vmem>>, vector<16xi32>,
        %add3A_118 = arith.constant 16 : i32
        %add3A_119 = arith.addi %multiple_of3A_72, %add3A_118 : i32
        %multiple_of3A_120 = tpu.assume_multiple %add3A_119, 16 : i32
        %get3A_121 = arith.index_cast %multiple_of3A_120 : i32 to index
        %get3A_122 = tpu.vector_load %arg8[%get3A_121] {strides = array<i32>} : memref<512xi32, #tpu.memory_space<vmem>>, vector<16xi32>,
        %add3A_123 = arith.constant 16 : i32
        %add3A_124 = vector.broadcast %add3A_123 : i32 to vector<16xi32>
        %add3A_125 = arith.addi %add3A_124, %iota3A : vector<16xi32>
        %lt3A_126 = arith.cmpi slt, %add3A_125, %scan3A_92#0 : vector<16xi32>
        %select_n3A_127 = arith.select %lt3A_126, %get3A_122, %add3A_106 : vector<16xi1>, vector<16xi32>
        %swap3A_128 = arith.index_cast %multiple_of3A_120 : i32 to index
        %swap3A_129 = tpu.vector_load %arg8[%swap3A_128] {strides = array<i32>} : memref<512xi32, #tpu.memory_space<vmem>>, vector<16xi32>,
        tpu.vector_store %arg8[%swap3A_128], %select_n3A_127 {strides = array<i32>} : memref<512xi32, #tpu.memory_space<vmem>>, vector<16xi32>,
        %add3A_130 = arith.constant 32 : i32
        %add3A_131 = arith.addi %multiple_of3A_72, %add3A_130 : i32
        %multiple_of3A_132 = tpu.assume_multiple %add3A_131, 16 : i32
        %get3A_133 = arith.index_cast %multiple_of3A_132 : i32 to index
        %get3A_134 = tpu.vector_load %arg8[%get3A_133] {strides = array<i32>} : memref<512xi32, #tpu.memory_space<vmem>>, vector<16xi32>,
        %add3A_135 = arith.constant 32 : i32
        %add3A_136 = vector.broadcast %add3A_135 : i32 to vector<16xi32>
        %add3A_137 = arith.addi %add3A_136, %iota3A : vector<16xi32>
        %lt3A_138 = arith.cmpi slt, %add3A_137, %scan3A_92#0 : vector<16xi32>
        %select_n3A_139 = arith.select %lt3A_138, %get3A_134, %add3A_106 : vector<16xi1>, vector<16xi32>
        %swap3A_140 = arith.index_cast %multiple_of3A_132 : i32 to index
        %swap3A_141 = tpu.vector_load %arg8[%swap3A_140] {strides = array<i32>} : memref<512xi32, #tpu.memory_space<vmem>>, vector<16xi32>,
        tpu.vector_store %arg8[%swap3A_140], %select_n3A_139 {strides = array<i32>} : memref<512xi32, #tpu.memory_space<vmem>>, vector<16xi32>,
        %add3A_142 = arith.constant 48 : i32
        %add3A_143 = arith.addi %multiple_of3A_72, %add3A_142 : i32
        %multiple_of3A_144 = tpu.assume_multiple %add3A_143, 16 : i32
        %get3A_145 = arith.index_cast %multiple_of3A_144 : i32 to index
        %get3A_146 = tpu.vector_load %arg8[%get3A_145] {strides = array<i32>} : memref<512xi32, #tpu.memory_space<vmem>>, vector<16xi32>,
        %add3A_147 = arith.constant 48 : i32
        %add3A_148 = vector.broadcast %add3A_147 : i32 to vector<16xi32>
        %add3A_149 = arith.addi %add3A_148, %iota3A : vector<16xi32>
        %lt3A_150 = arith.cmpi slt, %add3A_149, %scan3A_92#0 : vector<16xi32>
        %select_n3A_151 = arith.select %lt3A_150, %get3A_146, %add3A_106 : vector<16xi1>, vector<16xi32>
        %swap3A_152 = arith.index_cast %multiple_of3A_144 : i32 to index
        %swap3A_153 = tpu.vector_load %arg8[%swap3A_152] {strides = array<i32>} : memref<512xi32, #tpu.memory_space<vmem>>, vector<16xi32>,
        tpu.vector_store %arg8[%swap3A_152], %select_n3A_151 {strides = array<i32>} : memref<512xi32, #tpu.memory_space<vmem>>, vector<16xi32>,
        %scan3A_154 = arith.constant 0 : i32
        scf.yield %scan3A_154 : i32
      }
      %scan3A_27 = arith.constant 8 : i32
      %scan3A_28 = arith.constant 0 : i32
      %scan3A_29 = arith.constant 0 : i32
      %scan3A_30 = arith.constant 8 : i32
      %scan3A_31 = arith.addi %scan3A_29, %scan3A_30 : i32
      %scan3A_32 = arith.constant 1 : i32
      %scan3A_33 = scf.for %scan3A_45 = %scan3A_29 to %scan3A_31 step %scan3A_32 iter_args(%scan3A_46 = %scan3A_28) -> (i32)  : i32 {
        %mul3A_47 = arith.constant 64 : i32
        %mul3A_48 = arith.muli %scan3A_45, %mul3A_47 : i32
        %multiple_of3A_49 = tpu.assume_multiple %mul3A_48, 64 : i32
        %dma_start3A = arith.constant 0 : i32
        %dma_start3A_50 = tpu.memref_slice %arg9[%multiple_of3A_49, %dma_start3A] : memref<512x64xf32, #tpu.memory_space<vmem>> -> memref<64x64xf32, #tpu.memory_space<vmem>>
        %dma_start3A_51 = tpu.memref_slice %arg8[%multiple_of3A_49] : memref<512xi32, #tpu.memory_space<vmem>> -> memref<64xi32, #tpu.memory_space<vmem>>
        %dma_start3A_52 = arith.constant 0 : i32
        %dma_start3A_53 = arith.constant 0 : i32
        %dma_start3A_54 = tpu.memref_slice %arg4[%dma_start3A_52, %dma_start3A_53] : memref<4096x64xf32, #tpu.memory_space<hbm>> -> memref<4096x64xf32, #tpu.memory_space<hbm>>
        tpu.enqueue_indirect_dma source(%dma_start3A_54 : memref<4096x64xf32, #tpu.memory_space<hbm>>) target(%dma_start3A_50 : memref<64x64xf32, #tpu.memory_space<vmem>>) offsets(%dma_start3A_51 : memref<64xi32, #tpu.memory_space<vmem>>) semaphore(%arg10 : memref<!tpu.dma_semaphore, #tpu.memory_space<semaphore_mem>>)
        %scan3A_55 = arith.constant 0 : i32
        scf.yield %scan3A_55 : i32
      }
      %scan3A_34 = arith.constant 8 : i32
      %scan3A_35 = arith.constant 0 : i32
      %scan3A_36 = arith.constant 0 : i32
      %scan3A_37 = arith.constant 8 : i32
      %scan3A_38 = arith.addi %scan3A_36, %scan3A_37 : i32
      %scan3A_39 = arith.constant 1 : i32
      %scan3A_40 = scf.for %scan3A_45 = %scan3A_36 to %scan3A_38 step %scan3A_39 iter_args(%scan3A_46 = %scan3A_35) -> (i32)  : i32 {
        %mul3A_47 = arith.constant 64 : i32
        %mul3A_48 = arith.muli %scan3A_45, %mul3A_47 : i32
        %multiple_of3A_49 = tpu.assume_multiple %mul3A_48, 64 : i32
        %dma_wait3A = arith.constant 0 : i32
        %dma_wait3A_50 = tpu.memref_slice %arg9[%multiple_of3A_49, %dma_wait3A] : memref<512x64xf32, #tpu.memory_space<vmem>> -> memref<64x64xf32, #tpu.memory_space<vmem>>
        %dma_wait3A_51 = tpu.memref_slice %arg8[%multiple_of3A_49] : memref<512xi32, #tpu.memory_space<vmem>> -> memref<64xi32, #tpu.memory_space<vmem>>
        %dma_wait3A_52 = arith.constant 0 : i32
        %dma_wait3A_53 = arith.constant 0 : i32
        %dma_wait3A_54 = tpu.memref_slice %arg4[%dma_wait3A_52, %dma_wait3A_53] : memref<4096x64xf32, #tpu.memory_space<hbm>> -> memref<4096x64xf32, #tpu.memory_space<hbm>>
        tpu.wait_indirect_dma semaphore(%arg10 : memref<!tpu.dma_semaphore, #tpu.memory_space<semaphore_mem>>) src(%dma_wait3A_54 : memref<4096x64xf32, #tpu.memory_space<hbm>>) dst(%dma_wait3A_50 : memref<64x64xf32, #tpu.memory_space<vmem>>)
        %scan3A_55 = arith.constant 0 : i32
        scf.yield %scan3A_55 : i32
      }
      %scan3A_41 = arith.constant 8 : i32
      %mul3A_42 = arith.constant 64 : i32
      %mul3A_43 = arith.muli %add3A_16, %mul3A_42 : i32
      %multiple_of3A = tpu.assume_multiple %mul3A_43, 64 : i32
      "tpu.region"() ({
        %run_scoped3A = tpu.sem_alloc : memref<!tpu.dma_semaphore, #tpu.memory_space<semaphore_mem>>
        %dma_start3A = arith.constant 0 : i32
        %dma_start3A_45 = tpu.memref_slice %arg5[%multiple_of3A, %dma_start3A] : memref<131072x64xf32, #tpu.memory_space<hbm>> -> memref<512x64xf32, #tpu.memory_space<hbm>>
        %dma_start3A_46 = arith.constant 0 : i32
        %dma_start3A_47 = tpu.memref_slice %arg5[%multiple_of3A, %dma_start3A_46] : memref<131072x64xf32, #tpu.memory_space<hbm>> -> memref<512x64xf32, #tpu.memory_space<hbm>>
        tpu.enqueue_dma source(%arg9 : memref<512x64xf32, #tpu.memory_space<vmem>>) target(%dma_start3A_47 : memref<512x64xf32, #tpu.memory_space<hbm>>) target_semaphore(%run_scoped3A : memref<!tpu.dma_semaphore, #tpu.memory_space<semaphore_mem>>)
        %dma_wait3A = arith.constant 0 : i32
        %dma_wait3A_48 = tpu.memref_slice %arg5[%multiple_of3A, %dma_wait3A] : memref<131072x64xf32, #tpu.memory_space<hbm>> -> memref<512x64xf32, #tpu.memory_space<hbm>>
        %dma_wait3A_49 = arith.constant 0 : i32
        %dma_wait3A_50 = tpu.memref_slice %arg5[%multiple_of3A, %dma_wait3A_49] : memref<131072x64xf32, #tpu.memory_space<hbm>> -> memref<512x64xf32, #tpu.memory_space<hbm>>
        tpu.wait_dma2 semaphore(%run_scoped3A : memref<!tpu.dma_semaphore, #tpu.memory_space<semaphore_mem>>) src(%arg9 : memref<512x64xf32, #tpu.memory_space<vmem>>) dst(%dma_wait3A_50 : memref<512x64xf32, #tpu.memory_space<hbm>>)
        tpu.yield
      }) : () -> ()
      %scan3A_44 = arith.constant 0 : i32
      scf.yield %scan3A_44 : i32
    }
    %scan3A_11 = arith.constant 8 : i32
    return
  }
}

#map = affine_map<(d0, d1) -> (0)>
#map1 = affine_map<(d0, d1) -> (0, 0)>
module attributes {stable_mosaic.version = 14 : i64} {
  func.func @body(%arg0: i32, %arg1: i32, %arg2: memref<4194304xi32, #tpu.memory_space<hbm>>, %arg3: memref<32768xi32, #tpu.memory_space<hbm>>, %arg4: memref<4096x64xf32, #tpu.memory_space<hbm>>, %arg5: memref<131072x64xf32, #tpu.memory_space<hbm>>, %arg6: memref<16384xi32, #tpu.memory_space<vmem>>, %arg7: memref<128xi32, #tpu.memory_space<vmem>>, %arg8: memref<512xi32, #tpu.memory_space<vmem>>, %arg9: memref<512x64xf32, #tpu.memory_space<vmem>>, %arg10: memref<!tpu.dma_semaphore, #tpu.memory_space<semaphore_mem>>) attributes {dimension_semantics = [#tpu.dimension_semantics<core_parallel>, #tpu.dimension_semantics<subcore_parallel>], iteration_bounds = array<i64: 2, 16>, scalar_prefetch = 0 : i64, scratch_operands = 5 : i64, tpu.core_type = #tpu.core_type<sc_vector_subcore>, window_params = [{transform_indices = #map}, {transform_indices = #map}, {transform_indices = #map1}, {transform_indices = #map1}]} {
    %mul3A = arith.constant 2 : i32
    %mul3A_0 = arith.muli %arg1, %mul3A : i32
    %add3A = arith.addi %mul3A_0, %arg0 : i32
    %mul3A_1 = arith.constant 64 : i32
    %mul3A_2 = arith.muli %add3A, %mul3A_1 : i32
    %iota3A = tpu.iota {dimensions = array<i32: 0>} : vector<16xi32>
    %broadcast_in_dim3A = arith.constant 0 : i32
    %broadcast_in_dim3A_3 = vector.broadcast %broadcast_in_dim3A : i32 to vector<16xi32>
    %broadcast_in_dim3A_4 = arith.constant 1073741824 : i32
    %broadcast_in_dim3A_5 = vector.broadcast %broadcast_in_dim3A_4 : i32 to vector<16xi32>
    %scan3A = arith.constant 0 : i32
    %scan3A_6 = arith.constant 0 : i32
    %scan3A_7 = arith.constant 8 : i32
    %scan3A_8 = arith.addi %scan3A_6, %scan3A_7 : i32
    %scan3A_9 = arith.constant 1 : i32
    %scan3A_10 = scf.for %scan3A_12 = %scan3A_6 to %scan3A_8 step %scan3A_9 iter_args(%scan3A_13 = %scan3A) -> (i32)  : i32 {
      %mul3A_14 = arith.constant 8 : i32
      %mul3A_15 = arith.muli %scan3A_12, %mul3A_14 : i32
      %add3A_16 = arith.addi %mul3A_2, %mul3A_15 : i32
      %mul3A_17 = arith.constant 2048 : i32
      %mul3A_18 = arith.muli %add3A_16, %mul3A_17 : i32
      "tpu.region"() ({
        %run_scoped3A = tpu.sem_alloc : memref<!tpu.dma_semaphore, #tpu.memory_space<semaphore_mem>>
        %dma_start3A = tpu.memref_slice %arg2[%mul3A_18] : memref<4194304xi32, #tpu.memory_space<hbm>> -> memref<16384xi32, #tpu.memory_space<hbm>>
        %dma_start3A_45 = tpu.memref_slice %arg2[%mul3A_18] : memref<4194304xi32, #tpu.memory_space<hbm>> -> memref<16384xi32, #tpu.memory_space<hbm>>
        tpu.enqueue_dma source(%dma_start3A_45 : memref<16384xi32, #tpu.memory_space<hbm>>) target(%arg6 : memref<16384xi32, #tpu.memory_space<vmem>>) target_semaphore(%run_scoped3A : memref<!tpu.dma_semaphore, #tpu.memory_space<semaphore_mem>>)
        %dma_wait3A = tpu.memref_slice %arg2[%mul3A_18] : memref<4194304xi32, #tpu.memory_space<hbm>> -> memref<16384xi32, #tpu.memory_space<hbm>>
        %dma_wait3A_46 = tpu.memref_slice %arg2[%mul3A_18] : memref<4194304xi32, #tpu.memory_space<hbm>> -> memref<16384xi32, #tpu.memory_space<hbm>>
        tpu.wait_dma2 semaphore(%run_scoped3A : memref<!tpu.dma_semaphore, #tpu.memory_space<semaphore_mem>>) src(%dma_wait3A_46 : memref<16384xi32, #tpu.memory_space<hbm>>) dst(%arg6 : memref<16384xi32, #tpu.memory_space<vmem>>)
        tpu.yield
      }) : () -> ()
      %mul3A_19 = arith.constant 16 : i32
      %mul3A_20 = arith.muli %add3A_16, %mul3A_19 : i32
      "tpu.region"() ({
        %run_scoped3A = tpu.sem_alloc : memref<!tpu.dma_semaphore, #tpu.memory_space<semaphore_mem>>
        %dma_start3A = tpu.memref_slice %arg3[%mul3A_20] : memref<32768xi32, #tpu.memory_space<hbm>> -> memref<128xi32, #tpu.memory_space<hbm>>
        %dma_start3A_45 = tpu.memref_slice %arg3[%mul3A_20] : memref<32768xi32, #tpu.memory_space<hbm>> -> memref<128xi32, #tpu.memory_space<hbm>>
        tpu.enqueue_dma source(%dma_start3A_45 : memref<128xi32, #tpu.memory_space<hbm>>) target(%arg7 : memref<128xi32, #tpu.memory_space<vmem>>) target_semaphore(%run_scoped3A : memref<!tpu.dma_semaphore, #tpu.memory_space<semaphore_mem>>)
        %dma_wait3A = tpu.memref_slice %arg3[%mul3A_20] : memref<32768xi32, #tpu.memory_space<hbm>> -> memref<128xi32, #tpu.memory_space<hbm>>
        %dma_wait3A_46 = tpu.memref_slice %arg3[%mul3A_20] : memref<32768xi32, #tpu.memory_space<hbm>> -> memref<128xi32, #tpu.memory_space<hbm>>
        tpu.wait_dma2 semaphore(%run_scoped3A : memref<!tpu.dma_semaphore, #tpu.memory_space<semaphore_mem>>) src(%dma_wait3A_46 : memref<128xi32, #tpu.memory_space<hbm>>) dst(%arg7 : memref<128xi32, #tpu.memory_space<vmem>>)
        tpu.yield
      }) : () -> ()
      %scan3A_21 = arith.constant 0 : i32
      %scan3A_22 = arith.constant 0 : i32
      %scan3A_23 = arith.constant 8 : i32
      %scan3A_24 = arith.addi %scan3A_22, %scan3A_23 : i32
      %scan3A_25 = arith.constant 1 : i32
      %scan3A_26 = scf.for %scan3A_45 = %scan3A_22 to %scan3A_24 step %scan3A_25 iter_args(%scan3A_46 = %scan3A_21) -> (i32)  : i32 {
        %add3A_47 = arith.addi %add3A_16, %scan3A_45 : i32
        %jit3A = arith.constant 1024 : i32
        %div3A = arith.divsi %add3A_47, %jit3A : i32
        %sign3A = arith.constant 0 : i32
        %sign3A_48 = arith.cmpi sgt, %add3A_47, %sign3A : i32
        %sign3A_49 = arith.extui %sign3A_48 : i1 to i32
        %sign3A_50 = arith.constant 0 : i32
        %sign3A_51 = arith.cmpi slt, %add3A_47, %sign3A_50 : i32
        %sign3A_52 = arith.extui %sign3A_51 : i1 to i32
        %sign3A_53 = arith.subi %sign3A_49, %sign3A_52 : i32
        %sign3A_54 = arith.constant 0 : i32
        %sign3A_55 = arith.cmpi sgt, %jit3A, %sign3A_54 : i32
        %sign3A_56 = arith.extui %sign3A_55 : i1 to i32
        %sign3A_57 = arith.constant 0 : i32
        %sign3A_58 = arith.cmpi slt, %jit3A, %sign3A_57 : i32
        %sign3A_59 = arith.extui %sign3A_58 : i1 to i32
        %sign3A_60 = arith.subi %sign3A_56, %sign3A_59 : i32
        %ne3A = arith.cmpi ne, %sign3A_53, %sign3A_60 : i32
        %rem3A = arith.remsi %add3A_47, %jit3A : i32
        %ne3A_61 = arith.constant 0 : i32
        %ne3A_62 = arith.cmpi ne, %rem3A, %ne3A_61 : i32
        %and3A = arith.andi %ne3A, %ne3A_62 : i1
        %sub3A = arith.constant 1 : i32
        %sub3A_63 = arith.subi %div3A, %sub3A : i32
        %select_n3A = arith.select %and3A, %sub3A_63, %div3A : i32
        %mul3A_64 = arith.constant 2048 : i32
        %mul3A_65 = arith.muli %select_n3A, %mul3A_64 : i32
        %mul3A_66 = arith.constant 16 : i32
        %mul3A_67 = arith.muli %scan3A_45, %mul3A_66 : i32
        %multiple_of3A_68 = tpu.assume_multiple %mul3A_67, 16 : i32
        %get3A = arith.index_cast %multiple_of3A_68 : i32 to index
        %get3A_69 = tpu.vector_load %arg7[%get3A] {strides = array<i32>} : memref<128xi32, #tpu.memory_space<vmem>>, vector<16xi32>,
        %mul3A_70 = arith.constant 64 : i32
        %mul3A_71 = arith.muli %scan3A_45, %mul3A_70 : i32
        %multiple_of3A_72 = tpu.assume_multiple %mul3A_71, 64 : i32
        %add3A_73 = arith.constant 0 : i32
        %add3A_74 = arith.addi %multiple_of3A_72, %add3A_73 : i32
        %swap3A = arith.index_cast %add3A_74 : i32 to index
        %swap3A_75 = tpu.vector_load %arg8[%swap3A] {strides = array<i32>} : memref<512xi32, #tpu.memory_space<vmem>>, vector<16xi32>,
        tpu.vector_store %arg8[%swap3A], %broadcast_in_dim3A_3 {strides = array<i32>} : memref<512xi32, #tpu.memory_space<vmem>>, vector<16xi32>,
        %add3A_76 = arith.constant 16 : i32
        %add3A_77 = arith.addi %multiple_of3A_72, %add3A_76 : i32
        %swap3A_78 = arith.index_cast %add3A_77 : i32 to index
        %swap3A_79 = tpu.vector_load %arg8[%swap3A_78] {strides = array<i32>} : memref<512xi32, #tpu.memory_space<vmem>>, vector<16xi32>,
        tpu.vector_store %arg8[%swap3A_78], %broadcast_in_dim3A_3 {strides = array<i32>} : memref<512xi32, #tpu.memory_space<vmem>>, vector<16xi32>,
        %add3A_80 = arith.constant 32 : i32
        %add3A_81 = arith.addi %multiple_of3A_72, %add3A_80 : i32
        %swap3A_82 = arith.index_cast %add3A_81 : i32 to index
        %swap3A_83 = tpu.vector_load %arg8[%swap3A_82] {strides = array<i32>} : memref<512xi32, #tpu.memory_space<vmem>>, vector<16xi32>,
        tpu.vector_store %arg8[%swap3A_82], %broadcast_in_dim3A_3 {strides = array<i32>} : memref<512xi32, #tpu.memory_space<vmem>>, vector<16xi32>,
        %add3A_84 = arith.constant 48 : i32
        %add3A_85 = arith.addi %multiple_of3A_72, %add3A_84 : i32
        %swap3A_86 = arith.index_cast %add3A_85 : i32 to index
        %swap3A_87 = tpu.vector_load %arg8[%swap3A_86] {strides = array<i32>} : memref<512xi32, #tpu.memory_space<vmem>>, vector<16xi32>,
        tpu.vector_store %arg8[%swap3A_86], %broadcast_in_dim3A_3 {strides = array<i32>} : memref<512xi32, #tpu.memory_space<vmem>>, vector<16xi32>,
        %scan3A_88 = arith.constant 0 : i32
        %scan3A_89 = arith.constant 128 : i32
        %scan3A_90 = arith.addi %scan3A_88, %scan3A_89 : i32
        %scan3A_91 = arith.constant 1 : i32
        %scan3A_92:2 = scf.for %scan3A_155 = %scan3A_88 to %scan3A_90 step %scan3A_91 iter_args(%scan3A_156 = %broadcast_in_dim3A_3, %scan3A_157 = %broadcast_in_dim3A_5) -> (vector<16xi32>, vector<16xi32>)  : i32 {
          %mul3A_158 = arith.constant 2048 : i32
          %mul3A_159 = arith.muli %scan3A_45, %mul3A_158 : i32
          %mul3A_160 = arith.constant 16 : i32
          %mul3A_161 = arith.muli %scan3A_155, %mul3A_160 : i32
          %add3A_162 = arith.addi %mul3A_159, %mul3A_161 : i32
          %multiple_of3A_163 = tpu.assume_multiple %add3A_162, 16 : i32
          %get3A_164 = arith.index_cast %multiple_of3A_163 : i32 to index
          %get3A_165 = tpu.vector_load %arg6[%get3A_164] {strides = array<i32>} : memref<16384xi32, #tpu.memory_space<vmem>>, vector<16xi32>,
          %le3A = arith.cmpi sle, %get3A_165, %get3A_69 : vector<16xi32>
          %jit3A_166 = arith.constant 1 : i32
          %jit3A_167 = arith.constant 0 : i32
          %broadcast_in_dim3A_168 = vector.broadcast %jit3A_166 : i32 to vector<16xi32>
          %broadcast_in_dim3A_169 = vector.broadcast %jit3A_167 : i32 to vector<16xi32>
          %select_n3A_170 = arith.select %le3A, %broadcast_in_dim3A_168, %broadcast_in_dim3A_169 : vector<16xi1>, vector<16xi32>
          %broadcast_in_dim3A_171 = arith.constant true
          %broadcast_in_dim3A_172 = vector.broadcast %broadcast_in_dim3A_171 : i1 to vector<16xi1>
          %masked_cumsum3A = tpu.scan <sum>, %select_n3A_170 masked %broadcast_in_dim3A_172 : vector<16xi32>, vector<16xi1> -> vector<16xi32>
          %add3A_173 = arith.addi %masked_cumsum3A, %scan3A_156 : vector<16xi32>
          %sub3A_174 = arith.constant 1 : i32
          %sub3A_175 = vector.broadcast %sub3A_174 : i32 to vector<16xi32>
          %sub3A_176 = arith.subi %add3A_173, %sub3A_175 : vector<16xi32>
          %add3A_177 = vector.broadcast %multiple_of3A_72 : i32 to vector<16xi32>
          %add3A_178 = arith.addi %sub3A_176, %add3A_177 : vector<16xi32>
          %mul3A_179 = arith.constant 16 : i32
          %mul3A_180 = arith.muli %scan3A_155, %mul3A_179 : i32
          %add3A_181 = arith.addi %mul3A_65, %mul3A_180 : i32
          %add3A_182 = vector.broadcast %add3A_181 : i32 to vector<16xi32>
          %add3A_183 = arith.addi %add3A_182, %iota3A : vector<16xi32>
          tpu.vector_store_idx %arg8[%add3A_178], %add3A_183 masked %le3A : memref<512xi32, #tpu.memory_space<vmem>>[vector<16xi32>], vector<16xi32>, vector<16xi1>
          %select_n3A_184 = arith.select %le3A, %add3A_183, %broadcast_in_dim3A_5 : vector<16xi1>, vector<16xi32>
          %min3A_185 = arith.minsi %scan3A_157, %select_n3A_184 : vector<16xi32>
          %all_reduce_population_count3A = tpu.all_reduce %le3A {dim = 0 : i64, kind = #tpu.reduction_kind<sum>} : vector<16xi1> -> vector<16xi32>
          %add3A_186 = arith.addi %scan3A_156, %all_reduce_population_count3A : vector<16xi32>
          scf.yield %add3A_186, %min3A_185 : vector<16xi32>, vector<16xi32>
        }
        %scan3A_93 = arith.constant 128 : i32
        %reduce_min3A = arith.constant true
        %reduce_min3A_94 = vector.broadcast %reduce_min3A : i1 to vector<16xi1>
        %reduce_min3A_95 = arith.constant -2147483648 : i32
        %reduce_min3A_96 = vector.broadcast %reduce_min3A_95 : i32 to vector<16xi32>
        %reduce_min3A_97 = arith.xori %scan3A_92#1, %reduce_min3A_96 : vector<16xi32>
        %reduce_min3A_98 = tpu.scan <min>, %reduce_min3A_97 masked %reduce_min3A_94 : vector<16xi32>, vector<16xi1> -> vector<16xi32>
        %reduce_min3A_99 = arith.xori %reduce_min3A_98, %reduce_min3A_96 : vector<16xi32>
        %reduce_min3A_100 = vector.extract %reduce_min3A_99[15] : i32 from vector<16xi32>
        %add3A_101 = arith.constant 2048 : i32
        %add3A_102 = arith.addi %mul3A_65, %add3A_101 : i32
        %sub3A_103 = arith.constant 1 : i32
        %sub3A_104 = arith.subi %add3A_102, %sub3A_103 : i32
        %min3A = arith.minsi %reduce_min3A_100, %sub3A_104 : i32
        %add3A_105 = vector.broadcast %min3A : i32 to vector<16xi32>
        %add3A_106 = arith.addi %add3A_105, %broadcast_in_dim3A_3 : vector<16xi32>
        %add3A_107 = arith.constant 0 : i32
        %add3A_108 = arith.addi %multiple_of3A_72, %add3A_107 : i32
        %multiple_of3A_109 = tpu.assume_multiple %add3A_108, 16 : i32
        %get3A_110 = arith.index_cast %multiple_of3A_109 : i32 to index
        %get3A_111 = tpu.vector_load %arg8[%get3A_110] {strides = array<i32>} : memref<512xi32, #tpu.memory_space<vmem>>, vector<16xi32>,
        %add3A_112 = arith.constant 0 : i32
        %add3A_113 = vector.broadcast %add3A_112 : i32 to vector<16xi32>
        %add3A_114 = arith.addi %add3A_113, %iota3A : vector<16xi32>
        %lt3A = arith.cmpi slt, %add3A_114, %scan3A_92#0 : vector<16xi32>
        %select_n3A_115 = arith.select %lt3A, %get3A_111, %add3A_106 : vector<16xi1>, vector<16xi32>
        %swap3A_116 = arith.index_cast %multiple_of3A_109 : i32 to index
        %swap3A_117 = tpu.vector_load %arg8[%swap3A_116] {strides = array<i32>} : memref<512xi32, #tpu.memory_space<vmem>>, vector<16xi32>,
        tpu.vector_store %arg8[%swap3A_116], %select_n3A_115 {strides = array<i32>} : memref<512xi32, #tpu.memory_space<vmem>>, vector<16xi32>,
        %add3A_118 = arith.constant 16 : i32
        %add3A_119 = arith.addi %multiple_of3A_72, %add3A_118 : i32
        %multiple_of3A_120 = tpu.assume_multiple %add3A_119, 16 : i32
        %get3A_121 = arith.index_cast %multiple_of3A_120 : i32 to index
        %get3A_122 = tpu.vector_load %arg8[%get3A_121] {strides = array<i32>} : memref<512xi32, #tpu.memory_space<vmem>>, vector<16xi32>,
        %add3A_123 = arith.constant 16 : i32
        %add3A_124 = vector.broadcast %add3A_123 : i32 to vector<16xi32>
        %add3A_125 = arith.addi %add3A_124, %iota3A : vector<16xi32>
        %lt3A_126 = arith.cmpi slt, %add3A_125, %scan3A_92#0 : vector<16xi32>
        %select_n3A_127 = arith.select %lt3A_126, %get3A_122, %add3A_106 : vector<16xi1>, vector<16xi32>
        %swap3A_128 = arith.index_cast %multiple_of3A_120 : i32 to index
        %swap3A_129 = tpu.vector_load %arg8[%swap3A_128] {strides = array<i32>} : memref<512xi32, #tpu.memory_space<vmem>>, vector<16xi32>,
        tpu.vector_store %arg8[%swap3A_128], %select_n3A_127 {strides = array<i32>} : memref<512xi32, #tpu.memory_space<vmem>>, vector<16xi32>,
        %add3A_130 = arith.constant 32 : i32
        %add3A_131 = arith.addi %multiple_of3A_72, %add3A_130 : i32
        %multiple_of3A_132 = tpu.assume_multiple %add3A_131, 16 : i32
        %get3A_133 = arith.index_cast %multiple_of3A_132 : i32 to index
        %get3A_134 = tpu.vector_load %arg8[%get3A_133] {strides = array<i32>} : memref<512xi32, #tpu.memory_space<vmem>>, vector<16xi32>,
        %add3A_135 = arith.constant 32 : i32
        %add3A_136 = vector.broadcast %add3A_135 : i32 to vector<16xi32>
        %add3A_137 = arith.addi %add3A_136, %iota3A : vector<16xi32>
        %lt3A_138 = arith.cmpi slt, %add3A_137, %scan3A_92#0 : vector<16xi32>
        %select_n3A_139 = arith.select %lt3A_138, %get3A_134, %add3A_106 : vector<16xi1>, vector<16xi32>
        %swap3A_140 = arith.index_cast %multiple_of3A_132 : i32 to index
        %swap3A_141 = tpu.vector_load %arg8[%swap3A_140] {strides = array<i32>} : memref<512xi32, #tpu.memory_space<vmem>>, vector<16xi32>,
        tpu.vector_store %arg8[%swap3A_140], %select_n3A_139 {strides = array<i32>} : memref<512xi32, #tpu.memory_space<vmem>>, vector<16xi32>,
        %add3A_142 = arith.constant 48 : i32
        %add3A_143 = arith.addi %multiple_of3A_72, %add3A_142 : i32
        %multiple_of3A_144 = tpu.assume_multiple %add3A_143, 16 : i32
        %get3A_145 = arith.index_cast %multiple_of3A_144 : i32 to index
        %get3A_146 = tpu.vector_load %arg8[%get3A_145] {strides = array<i32>} : memref<512xi32, #tpu.memory_space<vmem>>, vector<16xi32>,
        %add3A_147 = arith.constant 48 : i32
        %add3A_148 = vector.broadcast %add3A_147 : i32 to vector<16xi32>
        %add3A_149 = arith.addi %add3A_148, %iota3A : vector<16xi32>
        %lt3A_150 = arith.cmpi slt, %add3A_149, %scan3A_92#0 : vector<16xi32>
        %select_n3A_151 = arith.select %lt3A_150, %get3A_146, %add3A_106 : vector<16xi1>, vector<16xi32>
        %swap3A_152 = arith.index_cast %multiple_of3A_144 : i32 to index
        %swap3A_153 = tpu.vector_load %arg8[%swap3A_152] {strides = array<i32>} : memref<512xi32, #tpu.memory_space<vmem>>, vector<16xi32>,
        tpu.vector_store %arg8[%swap3A_152], %select_n3A_151 {strides = array<i32>} : memref<512xi32, #tpu.memory_space<vmem>>, vector<16xi32>,
        %scan3A_154 = arith.constant 0 : i32
        scf.yield %scan3A_154 : i32
      }
      %scan3A_27 = arith.constant 8 : i32
      %scan3A_28 = arith.constant 0 : i32
      %scan3A_29 = arith.constant 0 : i32
      %scan3A_30 = arith.constant 8 : i32
      %scan3A_31 = arith.addi %scan3A_29, %scan3A_30 : i32
      %scan3A_32 = arith.constant 1 : i32
      %scan3A_33 = scf.for %scan3A_45 = %scan3A_29 to %scan3A_31 step %scan3A_32 iter_args(%scan3A_46 = %scan3A_28) -> (i32)  : i32 {
        %mul3A_47 = arith.constant 64 : i32
        %mul3A_48 = arith.muli %scan3A_45, %mul3A_47 : i32
        %multiple_of3A_49 = tpu.assume_multiple %mul3A_48, 64 : i32
        %dma_start3A = arith.constant 0 : i32
        %dma_start3A_50 = tpu.memref_slice %arg9[%multiple_of3A_49, %dma_start3A] : memref<512x64xf32, #tpu.memory_space<vmem>> -> memref<64x64xf32, #tpu.memory_space<vmem>>
        %dma_start3A_51 = tpu.memref_slice %arg8[%multiple_of3A_49] : memref<512xi32, #tpu.memory_space<vmem>> -> memref<64xi32, #tpu.memory_space<vmem>>
        %dma_start3A_52 = arith.constant 0 : i32
        %dma_start3A_53 = arith.constant 0 : i32
        %dma_start3A_54 = tpu.memref_slice %arg4[%dma_start3A_52, %dma_start3A_53] : memref<4096x64xf32, #tpu.memory_space<hbm>> -> memref<4096x64xf32, #tpu.memory_space<hbm>>
        tpu.enqueue_indirect_dma source(%dma_start3A_54 : memref<4096x64xf32, #tpu.memory_space<hbm>>) target(%dma_start3A_50 : memref<64x64xf32, #tpu.memory_space<vmem>>) offsets(%dma_start3A_51 : memref<64xi32, #tpu.memory_space<vmem>>) semaphore(%arg10 : memref<!tpu.dma_semaphore, #tpu.memory_space<semaphore_mem>>)
        %scan3A_55 = arith.constant 0 : i32
        scf.yield %scan3A_55 : i32
      }
      %scan3A_34 = arith.constant 8 : i32
      %scan3A_35 = arith.constant 0 : i32
      %scan3A_36 = arith.constant 0 : i32
      %scan3A_37 = arith.constant 8 : i32
      %scan3A_38 = arith.addi %scan3A_36, %scan3A_37 : i32
      %scan3A_39 = arith.constant 1 : i32
      %scan3A_40 = scf.for %scan3A_45 = %scan3A_36 to %scan3A_38 step %scan3A_39 iter_args(%scan3A_46 = %scan3A_35) -> (i32)  : i32 {
        %mul3A_47 = arith.constant 64 : i32
        %mul3A_48 = arith.muli %scan3A_45, %mul3A_47 : i32
        %multiple_of3A_49 = tpu.assume_multiple %mul3A_48, 64 : i32
        %dma_wait3A = arith.constant 0 : i32
        %dma_wait3A_50 = tpu.memref_slice %arg9[%multiple_of3A_49, %dma_wait3A] : memref<512x64xf32, #tpu.memory_space<vmem>> -> memref<64x64xf32, #tpu.memory_space<vmem>>
        %dma_wait3A_51 = tpu.memref_slice %arg8[%multiple_of3A_49] : memref<512xi32, #tpu.memory_space<vmem>> -> memref<64xi32, #tpu.memory_space<vmem>>
        %dma_wait3A_52 = arith.constant 0 : i32
        %dma_wait3A_53 = arith.constant 0 : i32
        %dma_wait3A_54 = tpu.memref_slice %arg4[%dma_wait3A_52, %dma_wait3A_53] : memref<4096x64xf32, #tpu.memory_space<hbm>> -> memref<4096x64xf32, #tpu.memory_space<hbm>>
        tpu.wait_indirect_dma semaphore(%arg10 : memref<!tpu.dma_semaphore, #tpu.memory_space<semaphore_mem>>) src(%dma_wait3A_54 : memref<4096x64xf32, #tpu.memory_space<hbm>>) dst(%dma_wait3A_50 : memref<64x64xf32, #tpu.memory_space<vmem>>)
        %scan3A_55 = arith.constant 0 : i32
        scf.yield %scan3A_55 : i32
      }
      %scan3A_41 = arith.constant 8 : i32
      %mul3A_42 = arith.constant 64 : i32
      %mul3A_43 = arith.muli %add3A_16, %mul3A_42 : i32
      %multiple_of3A = tpu.assume_multiple %mul3A_43, 64 : i32
      "tpu.region"() ({
        %run_scoped3A = tpu.sem_alloc : memref<!tpu.dma_semaphore, #tpu.memory_space<semaphore_mem>>
        %dma_start3A = arith.constant 0 : i32
        %dma_start3A_45 = tpu.memref_slice %arg5[%multiple_of3A, %dma_start3A] : memref<131072x64xf32, #tpu.memory_space<hbm>> -> memref<512x64xf32, #tpu.memory_space<hbm>>
        %dma_start3A_46 = arith.constant 0 : i32
        %dma_start3A_47 = tpu.memref_slice %arg5[%multiple_of3A, %dma_start3A_46] : memref<131072x64xf32, #tpu.memory_space<hbm>> -> memref<512x64xf32, #tpu.memory_space<hbm>>
        tpu.enqueue_dma source(%arg9 : memref<512x64xf32, #tpu.memory_space<vmem>>) target(%dma_start3A_47 : memref<512x64xf32, #tpu.memory_space<hbm>>) target_semaphore(%run_scoped3A : memref<!tpu.dma_semaphore, #tpu.memory_space<semaphore_mem>>)
        %dma_wait3A = arith.constant 0 : i32
        %dma_wait3A_48 = tpu.memref_slice %arg5[%multiple_of3A, %dma_wait3A] : memref<131072x64xf32, #tpu.memory_space<hbm>> -> memref<512x64xf32, #tpu.memory_space<hbm>>
        %dma_wait3A_49 = arith.constant 0 : i32
        %dma_wait3A_50 = tpu.memref_slice %arg5[%multiple_of3A, %dma_wait3A_49] : memref<131072x64xf32, #tpu.memory_space<hbm>> -> memref<512x64xf32, #tpu.memory_space<hbm>>
        tpu.wait_dma2 semaphore(%run_scoped3A : memref<!tpu.dma_semaphore, #tpu.memory_space<semaphore_mem>>) src(%arg9 : memref<512x64xf32, #tpu.memory_space<vmem>>) dst(%dma_wait3A_50 : memref<512x64xf32, #tpu.memory_space<hbm>>)
        tpu.yield
      }) : () -> ()
      %scan3A_44 = arith.constant 0 : i32
      scf.yield %scan3A_44 : i32
    }
    %scan3A_11 = arith.constant 8 : i32
    return
  }
}

#map = affine_map<(d0, d1) -> (0)>
#map1 = affine_map<(d0, d1) -> (0, 0)>
module attributes {stable_mosaic.version = 14 : i64} {
  func.func @body(%arg0: i32, %arg1: i32, %arg2: memref<524288xi32, #tpu.memory_space<hbm>>, %arg3: memref<8192xi32, #tpu.memory_space<hbm>>, %arg4: memref<2048x64xf32, #tpu.memory_space<hbm>>, %arg5: memref<32768x64xf32, #tpu.memory_space<hbm>>, %arg6: memref<8192xi32, #tpu.memory_space<vmem>>, %arg7: memref<128xi32, #tpu.memory_space<vmem>>, %arg8: memref<512xi32, #tpu.memory_space<vmem>>, %arg9: memref<512x64xf32, #tpu.memory_space<vmem>>, %arg10: memref<!tpu.dma_semaphore, #tpu.memory_space<semaphore_mem>>) attributes {dimension_semantics = [#tpu.dimension_semantics<core_parallel>, #tpu.dimension_semantics<subcore_parallel>], iteration_bounds = array<i64: 2, 16>, scalar_prefetch = 0 : i64, scratch_operands = 5 : i64, tpu.core_type = #tpu.core_type<sc_vector_subcore>, window_params = [{transform_indices = #map}, {transform_indices = #map}, {transform_indices = #map1}, {transform_indices = #map1}]} {
    %mul3A = arith.constant 2 : i32
    %mul3A_0 = arith.muli %arg1, %mul3A : i32
    %add3A = arith.addi %mul3A_0, %arg0 : i32
    %mul3A_1 = arith.constant 16 : i32
    %mul3A_2 = arith.muli %add3A, %mul3A_1 : i32
    %iota3A = tpu.iota {dimensions = array<i32: 0>} : vector<16xi32>
    %broadcast_in_dim3A = arith.constant 0 : i32
    %broadcast_in_dim3A_3 = vector.broadcast %broadcast_in_dim3A : i32 to vector<16xi32>
    %broadcast_in_dim3A_4 = arith.constant 1073741824 : i32
    %broadcast_in_dim3A_5 = vector.broadcast %broadcast_in_dim3A_4 : i32 to vector<16xi32>
    %scan3A = arith.constant 0 : i32
    %scan3A_6 = arith.constant 0 : i32
    %scan3A_7 = arith.constant 2 : i32
    %scan3A_8 = arith.addi %scan3A_6, %scan3A_7 : i32
    %scan3A_9 = arith.constant 1 : i32
    %scan3A_10 = scf.for %scan3A_12 = %scan3A_6 to %scan3A_8 step %scan3A_9 iter_args(%scan3A_13 = %scan3A) -> (i32)  : i32 {
      %mul3A_14 = arith.constant 8 : i32
      %mul3A_15 = arith.muli %scan3A_12, %mul3A_14 : i32
      %add3A_16 = arith.addi %mul3A_2, %mul3A_15 : i32
      %mul3A_17 = arith.constant 1024 : i32
      %mul3A_18 = arith.muli %add3A_16, %mul3A_17 : i32
      "tpu.region"() ({
        %run_scoped3A = tpu.sem_alloc : memref<!tpu.dma_semaphore, #tpu.memory_space<semaphore_mem>>
        %dma_start3A = tpu.memref_slice %arg2[%mul3A_18] : memref<524288xi32, #tpu.memory_space<hbm>> -> memref<8192xi32, #tpu.memory_space<hbm>>
        %dma_start3A_45 = tpu.memref_slice %arg2[%mul3A_18] : memref<524288xi32, #tpu.memory_space<hbm>> -> memref<8192xi32, #tpu.memory_space<hbm>>
        tpu.enqueue_dma source(%dma_start3A_45 : memref<8192xi32, #tpu.memory_space<hbm>>) target(%arg6 : memref<8192xi32, #tpu.memory_space<vmem>>) target_semaphore(%run_scoped3A : memref<!tpu.dma_semaphore, #tpu.memory_space<semaphore_mem>>)
        %dma_wait3A = tpu.memref_slice %arg2[%mul3A_18] : memref<524288xi32, #tpu.memory_space<hbm>> -> memref<8192xi32, #tpu.memory_space<hbm>>
        %dma_wait3A_46 = tpu.memref_slice %arg2[%mul3A_18] : memref<524288xi32, #tpu.memory_space<hbm>> -> memref<8192xi32, #tpu.memory_space<hbm>>
        tpu.wait_dma2 semaphore(%run_scoped3A : memref<!tpu.dma_semaphore, #tpu.memory_space<semaphore_mem>>) src(%dma_wait3A_46 : memref<8192xi32, #tpu.memory_space<hbm>>) dst(%arg6 : memref<8192xi32, #tpu.memory_space<vmem>>)
        tpu.yield
      }) : () -> ()
      %mul3A_19 = arith.constant 16 : i32
      %mul3A_20 = arith.muli %add3A_16, %mul3A_19 : i32
      "tpu.region"() ({
        %run_scoped3A = tpu.sem_alloc : memref<!tpu.dma_semaphore, #tpu.memory_space<semaphore_mem>>
        %dma_start3A = tpu.memref_slice %arg3[%mul3A_20] : memref<8192xi32, #tpu.memory_space<hbm>> -> memref<128xi32, #tpu.memory_space<hbm>>
        %dma_start3A_45 = tpu.memref_slice %arg3[%mul3A_20] : memref<8192xi32, #tpu.memory_space<hbm>> -> memref<128xi32, #tpu.memory_space<hbm>>
        tpu.enqueue_dma source(%dma_start3A_45 : memref<128xi32, #tpu.memory_space<hbm>>) target(%arg7 : memref<128xi32, #tpu.memory_space<vmem>>) target_semaphore(%run_scoped3A : memref<!tpu.dma_semaphore, #tpu.memory_space<semaphore_mem>>)
        %dma_wait3A = tpu.memref_slice %arg3[%mul3A_20] : memref<8192xi32, #tpu.memory_space<hbm>> -> memref<128xi32, #tpu.memory_space<hbm>>
        %dma_wait3A_46 = tpu.memref_slice %arg3[%mul3A_20] : memref<8192xi32, #tpu.memory_space<hbm>> -> memref<128xi32, #tpu.memory_space<hbm>>
        tpu.wait_dma2 semaphore(%run_scoped3A : memref<!tpu.dma_semaphore, #tpu.memory_space<semaphore_mem>>) src(%dma_wait3A_46 : memref<128xi32, #tpu.memory_space<hbm>>) dst(%arg7 : memref<128xi32, #tpu.memory_space<vmem>>)
        tpu.yield
      }) : () -> ()
      %scan3A_21 = arith.constant 0 : i32
      %scan3A_22 = arith.constant 0 : i32
      %scan3A_23 = arith.constant 8 : i32
      %scan3A_24 = arith.addi %scan3A_22, %scan3A_23 : i32
      %scan3A_25 = arith.constant 1 : i32
      %scan3A_26 = scf.for %scan3A_45 = %scan3A_22 to %scan3A_24 step %scan3A_25 iter_args(%scan3A_46 = %scan3A_21) -> (i32)  : i32 {
        %add3A_47 = arith.addi %add3A_16, %scan3A_45 : i32
        %jit3A = arith.constant 256 : i32
        %div3A = arith.divsi %add3A_47, %jit3A : i32
        %sign3A = arith.constant 0 : i32
        %sign3A_48 = arith.cmpi sgt, %add3A_47, %sign3A : i32
        %sign3A_49 = arith.extui %sign3A_48 : i1 to i32
        %sign3A_50 = arith.constant 0 : i32
        %sign3A_51 = arith.cmpi slt, %add3A_47, %sign3A_50 : i32
        %sign3A_52 = arith.extui %sign3A_51 : i1 to i32
        %sign3A_53 = arith.subi %sign3A_49, %sign3A_52 : i32
        %sign3A_54 = arith.constant 0 : i32
        %sign3A_55 = arith.cmpi sgt, %jit3A, %sign3A_54 : i32
        %sign3A_56 = arith.extui %sign3A_55 : i1 to i32
        %sign3A_57 = arith.constant 0 : i32
        %sign3A_58 = arith.cmpi slt, %jit3A, %sign3A_57 : i32
        %sign3A_59 = arith.extui %sign3A_58 : i1 to i32
        %sign3A_60 = arith.subi %sign3A_56, %sign3A_59 : i32
        %ne3A = arith.cmpi ne, %sign3A_53, %sign3A_60 : i32
        %rem3A = arith.remsi %add3A_47, %jit3A : i32
        %ne3A_61 = arith.constant 0 : i32
        %ne3A_62 = arith.cmpi ne, %rem3A, %ne3A_61 : i32
        %and3A = arith.andi %ne3A, %ne3A_62 : i1
        %sub3A = arith.constant 1 : i32
        %sub3A_63 = arith.subi %div3A, %sub3A : i32
        %select_n3A = arith.select %and3A, %sub3A_63, %div3A : i32
        %mul3A_64 = arith.constant 1024 : i32
        %mul3A_65 = arith.muli %select_n3A, %mul3A_64 : i32
        %mul3A_66 = arith.constant 16 : i32
        %mul3A_67 = arith.muli %scan3A_45, %mul3A_66 : i32
        %multiple_of3A_68 = tpu.assume_multiple %mul3A_67, 16 : i32
        %get3A = arith.index_cast %multiple_of3A_68 : i32 to index
        %get3A_69 = tpu.vector_load %arg7[%get3A] {strides = array<i32>} : memref<128xi32, #tpu.memory_space<vmem>>, vector<16xi32>,
        %mul3A_70 = arith.constant 64 : i32
        %mul3A_71 = arith.muli %scan3A_45, %mul3A_70 : i32
        %multiple_of3A_72 = tpu.assume_multiple %mul3A_71, 64 : i32
        %add3A_73 = arith.constant 0 : i32
        %add3A_74 = arith.addi %multiple_of3A_72, %add3A_73 : i32
        %swap3A = arith.index_cast %add3A_74 : i32 to index
        %swap3A_75 = tpu.vector_load %arg8[%swap3A] {strides = array<i32>} : memref<512xi32, #tpu.memory_space<vmem>>, vector<16xi32>,
        tpu.vector_store %arg8[%swap3A], %broadcast_in_dim3A_3 {strides = array<i32>} : memref<512xi32, #tpu.memory_space<vmem>>, vector<16xi32>,
        %add3A_76 = arith.constant 16 : i32
        %add3A_77 = arith.addi %multiple_of3A_72, %add3A_76 : i32
        %swap3A_78 = arith.index_cast %add3A_77 : i32 to index
        %swap3A_79 = tpu.vector_load %arg8[%swap3A_78] {strides = array<i32>} : memref<512xi32, #tpu.memory_space<vmem>>, vector<16xi32>,
        tpu.vector_store %arg8[%swap3A_78], %broadcast_in_dim3A_3 {strides = array<i32>} : memref<512xi32, #tpu.memory_space<vmem>>, vector<16xi32>,
        %add3A_80 = arith.constant 32 : i32
        %add3A_81 = arith.addi %multiple_of3A_72, %add3A_80 : i32
        %swap3A_82 = arith.index_cast %add3A_81 : i32 to index
        %swap3A_83 = tpu.vector_load %arg8[%swap3A_82] {strides = array<i32>} : memref<512xi32, #tpu.memory_space<vmem>>, vector<16xi32>,
        tpu.vector_store %arg8[%swap3A_82], %broadcast_in_dim3A_3 {strides = array<i32>} : memref<512xi32, #tpu.memory_space<vmem>>, vector<16xi32>,
        %add3A_84 = arith.constant 48 : i32
        %add3A_85 = arith.addi %multiple_of3A_72, %add3A_84 : i32
        %swap3A_86 = arith.index_cast %add3A_85 : i32 to index
        %swap3A_87 = tpu.vector_load %arg8[%swap3A_86] {strides = array<i32>} : memref<512xi32, #tpu.memory_space<vmem>>, vector<16xi32>,
        tpu.vector_store %arg8[%swap3A_86], %broadcast_in_dim3A_3 {strides = array<i32>} : memref<512xi32, #tpu.memory_space<vmem>>, vector<16xi32>,
        %scan3A_88 = arith.constant 0 : i32
        %scan3A_89 = arith.constant 64 : i32
        %scan3A_90 = arith.addi %scan3A_88, %scan3A_89 : i32
        %scan3A_91 = arith.constant 1 : i32
        %scan3A_92:2 = scf.for %scan3A_155 = %scan3A_88 to %scan3A_90 step %scan3A_91 iter_args(%scan3A_156 = %broadcast_in_dim3A_3, %scan3A_157 = %broadcast_in_dim3A_5) -> (vector<16xi32>, vector<16xi32>)  : i32 {
          %mul3A_158 = arith.constant 1024 : i32
          %mul3A_159 = arith.muli %scan3A_45, %mul3A_158 : i32
          %mul3A_160 = arith.constant 16 : i32
          %mul3A_161 = arith.muli %scan3A_155, %mul3A_160 : i32
          %add3A_162 = arith.addi %mul3A_159, %mul3A_161 : i32
          %multiple_of3A_163 = tpu.assume_multiple %add3A_162, 16 : i32
          %get3A_164 = arith.index_cast %multiple_of3A_163 : i32 to index
          %get3A_165 = tpu.vector_load %arg6[%get3A_164] {strides = array<i32>} : memref<8192xi32, #tpu.memory_space<vmem>>, vector<16xi32>,
          %le3A = arith.cmpi sle, %get3A_165, %get3A_69 : vector<16xi32>
          %jit3A_166 = arith.constant 1 : i32
          %jit3A_167 = arith.constant 0 : i32
          %broadcast_in_dim3A_168 = vector.broadcast %jit3A_166 : i32 to vector<16xi32>
          %broadcast_in_dim3A_169 = vector.broadcast %jit3A_167 : i32 to vector<16xi32>
          %select_n3A_170 = arith.select %le3A, %broadcast_in_dim3A_168, %broadcast_in_dim3A_169 : vector<16xi1>, vector<16xi32>
          %broadcast_in_dim3A_171 = arith.constant true
          %broadcast_in_dim3A_172 = vector.broadcast %broadcast_in_dim3A_171 : i1 to vector<16xi1>
          %masked_cumsum3A = tpu.scan <sum>, %select_n3A_170 masked %broadcast_in_dim3A_172 : vector<16xi32>, vector<16xi1> -> vector<16xi32>
          %add3A_173 = arith.addi %masked_cumsum3A, %scan3A_156 : vector<16xi32>
          %sub3A_174 = arith.constant 1 : i32
          %sub3A_175 = vector.broadcast %sub3A_174 : i32 to vector<16xi32>
          %sub3A_176 = arith.subi %add3A_173, %sub3A_175 : vector<16xi32>
          %add3A_177 = vector.broadcast %multiple_of3A_72 : i32 to vector<16xi32>
          %add3A_178 = arith.addi %sub3A_176, %add3A_177 : vector<16xi32>
          %mul3A_179 = arith.constant 16 : i32
          %mul3A_180 = arith.muli %scan3A_155, %mul3A_179 : i32
          %add3A_181 = arith.addi %mul3A_65, %mul3A_180 : i32
          %add3A_182 = vector.broadcast %add3A_181 : i32 to vector<16xi32>
          %add3A_183 = arith.addi %add3A_182, %iota3A : vector<16xi32>
          tpu.vector_store_idx %arg8[%add3A_178], %add3A_183 masked %le3A : memref<512xi32, #tpu.memory_space<vmem>>[vector<16xi32>], vector<16xi32>, vector<16xi1>
          %select_n3A_184 = arith.select %le3A, %add3A_183, %broadcast_in_dim3A_5 : vector<16xi1>, vector<16xi32>
          %min3A_185 = arith.minsi %scan3A_157, %select_n3A_184 : vector<16xi32>
          %all_reduce_population_count3A = tpu.all_reduce %le3A {dim = 0 : i64, kind = #tpu.reduction_kind<sum>} : vector<16xi1> -> vector<16xi32>
          %add3A_186 = arith.addi %scan3A_156, %all_reduce_population_count3A : vector<16xi32>
          scf.yield %add3A_186, %min3A_185 : vector<16xi32>, vector<16xi32>
        }
        %scan3A_93 = arith.constant 64 : i32
        %reduce_min3A = arith.constant true
        %reduce_min3A_94 = vector.broadcast %reduce_min3A : i1 to vector<16xi1>
        %reduce_min3A_95 = arith.constant -2147483648 : i32
        %reduce_min3A_96 = vector.broadcast %reduce_min3A_95 : i32 to vector<16xi32>
        %reduce_min3A_97 = arith.xori %scan3A_92#1, %reduce_min3A_96 : vector<16xi32>
        %reduce_min3A_98 = tpu.scan <min>, %reduce_min3A_97 masked %reduce_min3A_94 : vector<16xi32>, vector<16xi1> -> vector<16xi32>
        %reduce_min3A_99 = arith.xori %reduce_min3A_98, %reduce_min3A_96 : vector<16xi32>
        %reduce_min3A_100 = vector.extract %reduce_min3A_99[15] : i32 from vector<16xi32>
        %add3A_101 = arith.constant 1024 : i32
        %add3A_102 = arith.addi %mul3A_65, %add3A_101 : i32
        %sub3A_103 = arith.constant 1 : i32
        %sub3A_104 = arith.subi %add3A_102, %sub3A_103 : i32
        %min3A = arith.minsi %reduce_min3A_100, %sub3A_104 : i32
        %add3A_105 = vector.broadcast %min3A : i32 to vector<16xi32>
        %add3A_106 = arith.addi %add3A_105, %broadcast_in_dim3A_3 : vector<16xi32>
        %add3A_107 = arith.constant 0 : i32
        %add3A_108 = arith.addi %multiple_of3A_72, %add3A_107 : i32
        %multiple_of3A_109 = tpu.assume_multiple %add3A_108, 16 : i32
        %get3A_110 = arith.index_cast %multiple_of3A_109 : i32 to index
        %get3A_111 = tpu.vector_load %arg8[%get3A_110] {strides = array<i32>} : memref<512xi32, #tpu.memory_space<vmem>>, vector<16xi32>,
        %add3A_112 = arith.constant 0 : i32
        %add3A_113 = vector.broadcast %add3A_112 : i32 to vector<16xi32>
        %add3A_114 = arith.addi %add3A_113, %iota3A : vector<16xi32>
        %lt3A = arith.cmpi slt, %add3A_114, %scan3A_92#0 : vector<16xi32>
        %select_n3A_115 = arith.select %lt3A, %get3A_111, %add3A_106 : vector<16xi1>, vector<16xi32>
        %swap3A_116 = arith.index_cast %multiple_of3A_109 : i32 to index
        %swap3A_117 = tpu.vector_load %arg8[%swap3A_116] {strides = array<i32>} : memref<512xi32, #tpu.memory_space<vmem>>, vector<16xi32>,
        tpu.vector_store %arg8[%swap3A_116], %select_n3A_115 {strides = array<i32>} : memref<512xi32, #tpu.memory_space<vmem>>, vector<16xi32>,
        %add3A_118 = arith.constant 16 : i32
        %add3A_119 = arith.addi %multiple_of3A_72, %add3A_118 : i32
        %multiple_of3A_120 = tpu.assume_multiple %add3A_119, 16 : i32
        %get3A_121 = arith.index_cast %multiple_of3A_120 : i32 to index
        %get3A_122 = tpu.vector_load %arg8[%get3A_121] {strides = array<i32>} : memref<512xi32, #tpu.memory_space<vmem>>, vector<16xi32>,
        %add3A_123 = arith.constant 16 : i32
        %add3A_124 = vector.broadcast %add3A_123 : i32 to vector<16xi32>
        %add3A_125 = arith.addi %add3A_124, %iota3A : vector<16xi32>
        %lt3A_126 = arith.cmpi slt, %add3A_125, %scan3A_92#0 : vector<16xi32>
        %select_n3A_127 = arith.select %lt3A_126, %get3A_122, %add3A_106 : vector<16xi1>, vector<16xi32>
        %swap3A_128 = arith.index_cast %multiple_of3A_120 : i32 to index
        %swap3A_129 = tpu.vector_load %arg8[%swap3A_128] {strides = array<i32>} : memref<512xi32, #tpu.memory_space<vmem>>, vector<16xi32>,
        tpu.vector_store %arg8[%swap3A_128], %select_n3A_127 {strides = array<i32>} : memref<512xi32, #tpu.memory_space<vmem>>, vector<16xi32>,
        %add3A_130 = arith.constant 32 : i32
        %add3A_131 = arith.addi %multiple_of3A_72, %add3A_130 : i32
        %multiple_of3A_132 = tpu.assume_multiple %add3A_131, 16 : i32
        %get3A_133 = arith.index_cast %multiple_of3A_132 : i32 to index
        %get3A_134 = tpu.vector_load %arg8[%get3A_133] {strides = array<i32>} : memref<512xi32, #tpu.memory_space<vmem>>, vector<16xi32>,
        %add3A_135 = arith.constant 32 : i32
        %add3A_136 = vector.broadcast %add3A_135 : i32 to vector<16xi32>
        %add3A_137 = arith.addi %add3A_136, %iota3A : vector<16xi32>
        %lt3A_138 = arith.cmpi slt, %add3A_137, %scan3A_92#0 : vector<16xi32>
        %select_n3A_139 = arith.select %lt3A_138, %get3A_134, %add3A_106 : vector<16xi1>, vector<16xi32>
        %swap3A_140 = arith.index_cast %multiple_of3A_132 : i32 to index
        %swap3A_141 = tpu.vector_load %arg8[%swap3A_140] {strides = array<i32>} : memref<512xi32, #tpu.memory_space<vmem>>, vector<16xi32>,
        tpu.vector_store %arg8[%swap3A_140], %select_n3A_139 {strides = array<i32>} : memref<512xi32, #tpu.memory_space<vmem>>, vector<16xi32>,
        %add3A_142 = arith.constant 48 : i32
        %add3A_143 = arith.addi %multiple_of3A_72, %add3A_142 : i32
        %multiple_of3A_144 = tpu.assume_multiple %add3A_143, 16 : i32
        %get3A_145 = arith.index_cast %multiple_of3A_144 : i32 to index
        %get3A_146 = tpu.vector_load %arg8[%get3A_145] {strides = array<i32>} : memref<512xi32, #tpu.memory_space<vmem>>, vector<16xi32>,
        %add3A_147 = arith.constant 48 : i32
        %add3A_148 = vector.broadcast %add3A_147 : i32 to vector<16xi32>
        %add3A_149 = arith.addi %add3A_148, %iota3A : vector<16xi32>
        %lt3A_150 = arith.cmpi slt, %add3A_149, %scan3A_92#0 : vector<16xi32>
        %select_n3A_151 = arith.select %lt3A_150, %get3A_146, %add3A_106 : vector<16xi1>, vector<16xi32>
        %swap3A_152 = arith.index_cast %multiple_of3A_144 : i32 to index
        %swap3A_153 = tpu.vector_load %arg8[%swap3A_152] {strides = array<i32>} : memref<512xi32, #tpu.memory_space<vmem>>, vector<16xi32>,
        tpu.vector_store %arg8[%swap3A_152], %select_n3A_151 {strides = array<i32>} : memref<512xi32, #tpu.memory_space<vmem>>, vector<16xi32>,
        %scan3A_154 = arith.constant 0 : i32
        scf.yield %scan3A_154 : i32
      }
      %scan3A_27 = arith.constant 8 : i32
      %scan3A_28 = arith.constant 0 : i32
      %scan3A_29 = arith.constant 0 : i32
      %scan3A_30 = arith.constant 8 : i32
      %scan3A_31 = arith.addi %scan3A_29, %scan3A_30 : i32
      %scan3A_32 = arith.constant 1 : i32
      %scan3A_33 = scf.for %scan3A_45 = %scan3A_29 to %scan3A_31 step %scan3A_32 iter_args(%scan3A_46 = %scan3A_28) -> (i32)  : i32 {
        %mul3A_47 = arith.constant 64 : i32
        %mul3A_48 = arith.muli %scan3A_45, %mul3A_47 : i32
        %multiple_of3A_49 = tpu.assume_multiple %mul3A_48, 64 : i32
        %dma_start3A = arith.constant 0 : i32
        %dma_start3A_50 = tpu.memref_slice %arg9[%multiple_of3A_49, %dma_start3A] : memref<512x64xf32, #tpu.memory_space<vmem>> -> memref<64x64xf32, #tpu.memory_space<vmem>>
        %dma_start3A_51 = tpu.memref_slice %arg8[%multiple_of3A_49] : memref<512xi32, #tpu.memory_space<vmem>> -> memref<64xi32, #tpu.memory_space<vmem>>
        %dma_start3A_52 = arith.constant 0 : i32
        %dma_start3A_53 = arith.constant 0 : i32
        %dma_start3A_54 = tpu.memref_slice %arg4[%dma_start3A_52, %dma_start3A_53] : memref<2048x64xf32, #tpu.memory_space<hbm>> -> memref<2048x64xf32, #tpu.memory_space<hbm>>
        tpu.enqueue_indirect_dma source(%dma_start3A_54 : memref<2048x64xf32, #tpu.memory_space<hbm>>) target(%dma_start3A_50 : memref<64x64xf32, #tpu.memory_space<vmem>>) offsets(%dma_start3A_51 : memref<64xi32, #tpu.memory_space<vmem>>) semaphore(%arg10 : memref<!tpu.dma_semaphore, #tpu.memory_space<semaphore_mem>>)
        %scan3A_55 = arith.constant 0 : i32
        scf.yield %scan3A_55 : i32
      }
      %scan3A_34 = arith.constant 8 : i32
      %scan3A_35 = arith.constant 0 : i32
      %scan3A_36 = arith.constant 0 : i32
      %scan3A_37 = arith.constant 8 : i32
      %scan3A_38 = arith.addi %scan3A_36, %scan3A_37 : i32
      %scan3A_39 = arith.constant 1 : i32
      %scan3A_40 = scf.for %scan3A_45 = %scan3A_36 to %scan3A_38 step %scan3A_39 iter_args(%scan3A_46 = %scan3A_35) -> (i32)  : i32 {
        %mul3A_47 = arith.constant 64 : i32
        %mul3A_48 = arith.muli %scan3A_45, %mul3A_47 : i32
        %multiple_of3A_49 = tpu.assume_multiple %mul3A_48, 64 : i32
        %dma_wait3A = arith.constant 0 : i32
        %dma_wait3A_50 = tpu.memref_slice %arg9[%multiple_of3A_49, %dma_wait3A] : memref<512x64xf32, #tpu.memory_space<vmem>> -> memref<64x64xf32, #tpu.memory_space<vmem>>
        %dma_wait3A_51 = tpu.memref_slice %arg8[%multiple_of3A_49] : memref<512xi32, #tpu.memory_space<vmem>> -> memref<64xi32, #tpu.memory_space<vmem>>
        %dma_wait3A_52 = arith.constant 0 : i32
        %dma_wait3A_53 = arith.constant 0 : i32
        %dma_wait3A_54 = tpu.memref_slice %arg4[%dma_wait3A_52, %dma_wait3A_53] : memref<2048x64xf32, #tpu.memory_space<hbm>> -> memref<2048x64xf32, #tpu.memory_space<hbm>>
        tpu.wait_indirect_dma semaphore(%arg10 : memref<!tpu.dma_semaphore, #tpu.memory_space<semaphore_mem>>) src(%dma_wait3A_54 : memref<2048x64xf32, #tpu.memory_space<hbm>>) dst(%dma_wait3A_50 : memref<64x64xf32, #tpu.memory_space<vmem>>)
        %scan3A_55 = arith.constant 0 : i32
        scf.yield %scan3A_55 : i32
      }
      %scan3A_41 = arith.constant 8 : i32
      %mul3A_42 = arith.constant 64 : i32
      %mul3A_43 = arith.muli %add3A_16, %mul3A_42 : i32
      %multiple_of3A = tpu.assume_multiple %mul3A_43, 64 : i32
      "tpu.region"() ({
        %run_scoped3A = tpu.sem_alloc : memref<!tpu.dma_semaphore, #tpu.memory_space<semaphore_mem>>
        %dma_start3A = arith.constant 0 : i32
        %dma_start3A_45 = tpu.memref_slice %arg5[%multiple_of3A, %dma_start3A] : memref<32768x64xf32, #tpu.memory_space<hbm>> -> memref<512x64xf32, #tpu.memory_space<hbm>>
        %dma_start3A_46 = arith.constant 0 : i32
        %dma_start3A_47 = tpu.memref_slice %arg5[%multiple_of3A, %dma_start3A_46] : memref<32768x64xf32, #tpu.memory_space<hbm>> -> memref<512x64xf32, #tpu.memory_space<hbm>>
        tpu.enqueue_dma source(%arg9 : memref<512x64xf32, #tpu.memory_space<vmem>>) target(%dma_start3A_47 : memref<512x64xf32, #tpu.memory_space<hbm>>) target_semaphore(%run_scoped3A : memref<!tpu.dma_semaphore, #tpu.memory_space<semaphore_mem>>)
        %dma_wait3A = arith.constant 0 : i32
        %dma_wait3A_48 = tpu.memref_slice %arg5[%multiple_of3A, %dma_wait3A] : memref<32768x64xf32, #tpu.memory_space<hbm>> -> memref<512x64xf32, #tpu.memory_space<hbm>>
        %dma_wait3A_49 = arith.constant 0 : i32
        %dma_wait3A_50 = tpu.memref_slice %arg5[%multiple_of3A, %dma_wait3A_49] : memref<32768x64xf32, #tpu.memory_space<hbm>> -> memref<512x64xf32, #tpu.memory_space<hbm>>
        tpu.wait_dma2 semaphore(%run_scoped3A : memref<!tpu.dma_semaphore, #tpu.memory_space<semaphore_mem>>) src(%arg9 : memref<512x64xf32, #tpu.memory_space<vmem>>) dst(%dma_wait3A_50 : memref<512x64xf32, #tpu.memory_space<hbm>>)
        tpu.yield
      }) : () -> ()
      %scan3A_44 = arith.constant 0 : i32
      scf.yield %scan3A_44 : i32
    }
    %scan3A_11 = arith.constant 2 : i32
    return
  }
}

module attributes {stable_mosaic.version = 14 : i64} {
  func.func @_fps_body(%arg0: memref<2x16x128xf32, #tpu.memory_space<vmem>>, %arg1: memref<2x16x128xf32, #tpu.memory_space<vmem>>, %arg2: memref<2x16x128xf32, #tpu.memory_space<vmem>>, %arg3: memref<2x1024xf32, #tpu.memory_space<vmem>>, %arg4: memref<2x1024xf32, #tpu.memory_space<vmem>>, %arg5: memref<2x1024xf32, #tpu.memory_space<vmem>>) attributes {dimension_semantics = [], scalar_prefetch = 0 : i64, scratch_operands = 0 : i64, tpu.core_type = #tpu.core_type<tc>} {
    %get3A = arith.constant 0 : index
    %get3A_0 = arith.constant 0 : index
    %get3A_1 = arith.constant 0 : index
    %get3A_2 = vector.load %arg0[%get3A, %get3A_0, %get3A_1] : memref<2x16x128xf32, #tpu.memory_space<vmem>>, vector<2x16x128xf32>
    %get3A_3 = arith.constant 0 : index
    %get3A_4 = arith.constant 0 : index
    %get3A_5 = arith.constant 0 : index
    %get3A_6 = vector.load %arg1[%get3A_3, %get3A_4, %get3A_5] : memref<2x16x128xf32, #tpu.memory_space<vmem>>, vector<2x16x128xf32>
    %get3A_7 = arith.constant 0 : index
    %get3A_8 = arith.constant 0 : index
    %get3A_9 = arith.constant 0 : index
    %get3A_10 = vector.load %arg2[%get3A_7, %get3A_8, %get3A_9] : memref<2x16x128xf32, #tpu.memory_space<vmem>>, vector<2x16x128xf32>
    %iota3A = tpu.iota {dimensions = array<i32: 1>} : vector<2x16x128xi32>
    %mul3A = arith.constant 128 : i32
    %mul3A_11 = vector.broadcast %mul3A : i32 to vector<2x16x128xi32>
    %mul3A_12 = arith.muli %iota3A, %mul3A_11 : vector<2x16x128xi32>
    %iota3A_13 = tpu.iota {dimensions = array<i32: 2>} : vector<2x16x128xi32>
    %add3A = arith.addi %mul3A_12, %iota3A_13 : vector<2x16x128xi32>
    %iota3A_14 = tpu.iota {dimensions = array<i32: 1>} : vector<2x128xi32>
    %broadcast_in_dim3A = arith.constant 0x7F800000 : f32
    %broadcast_in_dim3A_15 = vector.broadcast %broadcast_in_dim3A : f32 to vector<2x16x128xf32>
    %broadcast_in_dim3A_16 = arith.constant 0 : i32
    %broadcast_in_dim3A_17 = vector.broadcast %broadcast_in_dim3A_16 : i32 to vector<2x1x1xi32>
    %broadcast_in_dim3A_18 = arith.constant 0.000000e+00 : f32
    %broadcast_in_dim3A_19 = vector.broadcast %broadcast_in_dim3A_18 : f32 to vector<2x128xf32>
    %scan3A = arith.constant 0 : i32
    %scan3A_20 = arith.constant 128 : i32
    %scan3A_21 = arith.addi %scan3A, %scan3A_20 : i32
    %scan3A_22 = arith.constant 1 : i32
    %scan3A_23:5 = scf.for %scan3A_138 = %scan3A to %scan3A_21 step %scan3A_22 iter_args(%scan3A_139 = %broadcast_in_dim3A_15, %scan3A_140 = %broadcast_in_dim3A_17, %scan3A_141 = %broadcast_in_dim3A_19, %scan3A_142 = %broadcast_in_dim3A_19, %scan3A_143 = %broadcast_in_dim3A_19) -> (vector<2x16x128xf32>, vector<2x1x1xi32>, vector<2x128xf32>, vector<2x128xf32>, vector<2x128xf32>)  : i32 {
      %eq3A = vector.broadcast %scan3A_140 : vector<2x1x1xi32> to vector<2x16x128xi32>
      %eq3A_144 = arith.cmpi eq, %add3A, %eq3A : vector<2x16x128xi32>
      %jit3A = arith.constant 0.000000e+00 : f32
      %broadcast_in_dim3A_145 = vector.broadcast %jit3A : f32 to vector<2x16x128xf32>
      %select_n3A = arith.select %eq3A_144, %get3A_2, %broadcast_in_dim3A_145 : vector<2x16x128xi1>, vector<2x16x128xf32>
      %reduce_sum3A = arith.constant dense<0.000000e+00> : vector<2xf32>
      %reduce_sum3A_146 = vector.multi_reduction <add>, %select_n3A, %reduce_sum3A [1, 2] : vector<2x16x128xf32> to vector<2xf32>
      %broadcast_in_dim3A_147 = vector.shape_cast %reduce_sum3A_146 : vector<2xf32> to vector<2x1x1xf32>
      %jit3A_148 = arith.constant 0.000000e+00 : f32
      %broadcast_in_dim3A_149 = vector.broadcast %jit3A_148 : f32 to vector<2x16x128xf32>
      %select_n3A_150 = arith.select %eq3A_144, %get3A_6, %broadcast_in_dim3A_149 : vector<2x16x128xi1>, vector<2x16x128xf32>
      %reduce_sum3A_151 = arith.constant dense<0.000000e+00> : vector<2xf32>
      %reduce_sum3A_152 = vector.multi_reduction <add>, %select_n3A_150, %reduce_sum3A_151 [1, 2] : vector<2x16x128xf32> to vector<2xf32>
      %broadcast_in_dim3A_153 = vector.shape_cast %reduce_sum3A_152 : vector<2xf32> to vector<2x1x1xf32>
      %jit3A_154 = arith.constant 0.000000e+00 : f32
      %broadcast_in_dim3A_155 = vector.broadcast %jit3A_154 : f32 to vector<2x16x128xf32>
      %select_n3A_156 = arith.select %eq3A_144, %get3A_10, %broadcast_in_dim3A_155 : vector<2x16x128xi1>, vector<2x16x128xf32>
      %reduce_sum3A_157 = arith.constant dense<0.000000e+00> : vector<2xf32>
      %reduce_sum3A_158 = vector.multi_reduction <add>, %select_n3A_156, %reduce_sum3A_157 [1, 2] : vector<2x16x128xf32> to vector<2xf32>
      %broadcast_in_dim3A_159 = vector.shape_cast %reduce_sum3A_158 : vector<2xf32> to vector<2x1x1xf32>
      %sub3A = vector.broadcast %broadcast_in_dim3A_147 : vector<2x1x1xf32> to vector<2x16x128xf32>
      %sub3A_160 = arith.subf %get3A_2, %sub3A : vector<2x16x128xf32>
      %sub3A_161 = vector.broadcast %broadcast_in_dim3A_153 : vector<2x1x1xf32> to vector<2x16x128xf32>
      %sub3A_162 = arith.subf %get3A_6, %sub3A_161 : vector<2x16x128xf32>
      %sub3A_163 = vector.broadcast %broadcast_in_dim3A_159 : vector<2x1x1xf32> to vector<2x16x128xf32>
      %sub3A_164 = arith.subf %get3A_10, %sub3A_163 : vector<2x16x128xf32>
      %mul3A_165 = arith.mulf %sub3A_160, %sub3A_160 : vector<2x16x128xf32>
      %mul3A_166 = arith.mulf %sub3A_162, %sub3A_162 : vector<2x16x128xf32>
      %add3A_167 = arith.addf %mul3A_165, %mul3A_166 : vector<2x16x128xf32>
      %mul3A_168 = arith.mulf %sub3A_164, %sub3A_164 : vector<2x16x128xf32>
      %add3A_169 = arith.addf %add3A_167, %mul3A_168 : vector<2x16x128xf32>
      %min3A = arith.minimumf %scan3A_139, %add3A_169 : vector<2x16x128xf32>
      %reduce_max3A = arith.constant dense<0xFF800000> : vector<2xf32>
      %reduce_max3A_170 = vector.multi_reduction <maximumf>, %min3A, %reduce_max3A [1, 2] : vector<2x16x128xf32> to vector<2xf32>
      %broadcast_in_dim3A_171 = vector.shape_cast %reduce_max3A_170 : vector<2xf32> to vector<2x1x1xf32>
      %eq3A_172 = vector.broadcast %broadcast_in_dim3A_171 : vector<2x1x1xf32> to vector<2x16x128xf32>
      %eq3A_173 = arith.cmpf oeq, %min3A, %eq3A_172 : vector<2x16x128xf32>
      %jit3A_174 = arith.constant 2048 : i32
      %broadcast_in_dim3A_175 = vector.broadcast %jit3A_174 : i32 to vector<2x16x128xi32>
      %select_n3A_176 = arith.select %eq3A_173, %add3A, %broadcast_in_dim3A_175 : vector<2x16x128xi1>, vector<2x16x128xi32>
      %reduce_min3A = arith.constant dense<2147483647> : vector<2xi32>
      %reduce_min3A_177 = vector.multi_reduction <minsi>, %select_n3A_176, %reduce_min3A [1, 2] : vector<2x16x128xi32> to vector<2xi32>
      %broadcast_in_dim3A_178 = vector.shape_cast %reduce_min3A_177 : vector<2xi32> to vector<2x1x1xi32>
      %eq3A_179 = vector.broadcast %scan3A_138 : i32 to vector<2x128xi32>
      %eq3A_180 = arith.cmpi eq, %iota3A_14, %eq3A_179 : vector<2x128xi32>
      %squeeze3A = vector.shape_cast %broadcast_in_dim3A_147 : vector<2x1x1xf32> to vector<2x1xf32>
      %broadcast_in_dim3A_181 = vector.shape_cast %squeeze3A : vector<2x1xf32> to vector<2x1xf32>
      %broadcast_in_dim3A_182 = vector.broadcast %broadcast_in_dim3A_181 : vector<2x1xf32> to vector<2x128xf32>
      %select_n3A_183 = arith.select %eq3A_180, %broadcast_in_dim3A_182, %scan3A_141 : vector<2x128xi1>, vector<2x128xf32>
      %squeeze3A_184 = vector.shape_cast %broadcast_in_dim3A_153 : vector<2x1x1xf32> to vector<2x1xf32>
      %broadcast_in_dim3A_185 = vector.shape_cast %squeeze3A_184 : vector<2x1xf32> to vector<2x1xf32>
      %broadcast_in_dim3A_186 = vector.broadcast %broadcast_in_dim3A_185 : vector<2x1xf32> to vector<2x128xf32>
      %select_n3A_187 = arith.select %eq3A_180, %broadcast_in_dim3A_186, %scan3A_142 : vector<2x128xi1>, vector<2x128xf32>
      %squeeze3A_188 = vector.shape_cast %broadcast_in_dim3A_159 : vector<2x1x1xf32> to vector<2x1xf32>
      %broadcast_in_dim3A_189 = vector.shape_cast %squeeze3A_188 : vector<2x1xf32> to vector<2x1xf32>
      %broadcast_in_dim3A_190 = vector.broadcast %broadcast_in_dim3A_189 : vector<2x1xf32> to vector<2x128xf32>
      %select_n3A_191 = arith.select %eq3A_180, %broadcast_in_dim3A_190, %scan3A_143 : vector<2x128xi1>, vector<2x128xf32>
      scf.yield %min3A, %broadcast_in_dim3A_178, %select_n3A_183, %select_n3A_187, %select_n3A_191 : vector<2x16x128xf32>, vector<2x1x1xi32>, vector<2x128xf32>, vector<2x128xf32>, vector<2x128xf32>
    }
    %scan3A_24 = arith.constant 128 : i32
    %swap3A = arith.constant 0 : index
    %swap3A_25 = arith.constant 0 : index
    %swap3A_26 = vector.load %arg3[%swap3A, %swap3A_25] : memref<2x1024xf32, #tpu.memory_space<vmem>>, vector<2x128xf32>
    tpu.vector_store %arg3[%swap3A, %swap3A_25], %scan3A_23#2 {strides = array<i32>} : memref<2x1024xf32, #tpu.memory_space<vmem>>, vector<2x128xf32>,
    %swap3A_27 = arith.constant 0 : index
    %swap3A_28 = arith.constant 0 : index
    %swap3A_29 = vector.load %arg4[%swap3A_27, %swap3A_28] : memref<2x1024xf32, #tpu.memory_space<vmem>>, vector<2x128xf32>
    tpu.vector_store %arg4[%swap3A_27, %swap3A_28], %scan3A_23#3 {strides = array<i32>} : memref<2x1024xf32, #tpu.memory_space<vmem>>, vector<2x128xf32>,
    %swap3A_30 = arith.constant 0 : index
    %swap3A_31 = arith.constant 0 : index
    %swap3A_32 = vector.load %arg5[%swap3A_30, %swap3A_31] : memref<2x1024xf32, #tpu.memory_space<vmem>>, vector<2x128xf32>
    tpu.vector_store %arg5[%swap3A_30, %swap3A_31], %scan3A_23#4 {strides = array<i32>} : memref<2x1024xf32, #tpu.memory_space<vmem>>, vector<2x128xf32>,
    %scan3A_33 = arith.constant 0 : i32
    %scan3A_34 = arith.constant 128 : i32
    %scan3A_35 = arith.addi %scan3A_33, %scan3A_34 : i32
    %scan3A_36 = arith.constant 1 : i32
    %scan3A_37:5 = scf.for %scan3A_138 = %scan3A_33 to %scan3A_35 step %scan3A_36 iter_args(%scan3A_139 = %scan3A_23#0, %scan3A_140 = %scan3A_23#1, %scan3A_141 = %broadcast_in_dim3A_19, %scan3A_142 = %broadcast_in_dim3A_19, %scan3A_143 = %broadcast_in_dim3A_19) -> (vector<2x16x128xf32>, vector<2x1x1xi32>, vector<2x128xf32>, vector<2x128xf32>, vector<2x128xf32>)  : i32 {
      %eq3A = vector.broadcast %scan3A_140 : vector<2x1x1xi32> to vector<2x16x128xi32>
      %eq3A_144 = arith.cmpi eq, %add3A, %eq3A : vector<2x16x128xi32>
      %jit3A = arith.constant 0.000000e+00 : f32
      %broadcast_in_dim3A_145 = vector.broadcast %jit3A : f32 to vector<2x16x128xf32>
      %select_n3A = arith.select %eq3A_144, %get3A_2, %broadcast_in_dim3A_145 : vector<2x16x128xi1>, vector<2x16x128xf32>
      %reduce_sum3A = arith.constant dense<0.000000e+00> : vector<2xf32>
      %reduce_sum3A_146 = vector.multi_reduction <add>, %select_n3A, %reduce_sum3A [1, 2] : vector<2x16x128xf32> to vector<2xf32>
      %broadcast_in_dim3A_147 = vector.shape_cast %reduce_sum3A_146 : vector<2xf32> to vector<2x1x1xf32>
      %jit3A_148 = arith.constant 0.000000e+00 : f32
      %broadcast_in_dim3A_149 = vector.broadcast %jit3A_148 : f32 to vector<2x16x128xf32>
      %select_n3A_150 = arith.select %eq3A_144, %get3A_6, %broadcast_in_dim3A_149 : vector<2x16x128xi1>, vector<2x16x128xf32>
      %reduce_sum3A_151 = arith.constant dense<0.000000e+00> : vector<2xf32>
      %reduce_sum3A_152 = vector.multi_reduction <add>, %select_n3A_150, %reduce_sum3A_151 [1, 2] : vector<2x16x128xf32> to vector<2xf32>
      %broadcast_in_dim3A_153 = vector.shape_cast %reduce_sum3A_152 : vector<2xf32> to vector<2x1x1xf32>
      %jit3A_154 = arith.constant 0.000000e+00 : f32
      %broadcast_in_dim3A_155 = vector.broadcast %jit3A_154 : f32 to vector<2x16x128xf32>
      %select_n3A_156 = arith.select %eq3A_144, %get3A_10, %broadcast_in_dim3A_155 : vector<2x16x128xi1>, vector<2x16x128xf32>
      %reduce_sum3A_157 = arith.constant dense<0.000000e+00> : vector<2xf32>
      %reduce_sum3A_158 = vector.multi_reduction <add>, %select_n3A_156, %reduce_sum3A_157 [1, 2] : vector<2x16x128xf32> to vector<2xf32>
      %broadcast_in_dim3A_159 = vector.shape_cast %reduce_sum3A_158 : vector<2xf32> to vector<2x1x1xf32>
      %sub3A = vector.broadcast %broadcast_in_dim3A_147 : vector<2x1x1xf32> to vector<2x16x128xf32>
      %sub3A_160 = arith.subf %get3A_2, %sub3A : vector<2x16x128xf32>
      %sub3A_161 = vector.broadcast %broadcast_in_dim3A_153 : vector<2x1x1xf32> to vector<2x16x128xf32>
      %sub3A_162 = arith.subf %get3A_6, %sub3A_161 : vector<2x16x128xf32>
      %sub3A_163 = vector.broadcast %broadcast_in_dim3A_159 : vector<2x1x1xf32> to vector<2x16x128xf32>
      %sub3A_164 = arith.subf %get3A_10, %sub3A_163 : vector<2x16x128xf32>
      %mul3A_165 = arith.mulf %sub3A_160, %sub3A_160 : vector<2x16x128xf32>
      %mul3A_166 = arith.mulf %sub3A_162, %sub3A_162 : vector<2x16x128xf32>
      %add3A_167 = arith.addf %mul3A_165, %mul3A_166 : vector<2x16x128xf32>
      %mul3A_168 = arith.mulf %sub3A_164, %sub3A_164 : vector<2x16x128xf32>
      %add3A_169 = arith.addf %add3A_167, %mul3A_168 : vector<2x16x128xf32>
      %min3A = arith.minimumf %scan3A_139, %add3A_169 : vector<2x16x128xf32>
      %reduce_max3A = arith.constant dense<0xFF800000> : vector<2xf32>
      %reduce_max3A_170 = vector.multi_reduction <maximumf>, %min3A, %reduce_max3A [1, 2] : vector<2x16x128xf32> to vector<2xf32>
      %broadcast_in_dim3A_171 = vector.shape_cast %reduce_max3A_170 : vector<2xf32> to vector<2x1x1xf32>
      %eq3A_172 = vector.broadcast %broadcast_in_dim3A_171 : vector<2x1x1xf32> to vector<2x16x128xf32>
      %eq3A_173 = arith.cmpf oeq, %min3A, %eq3A_172 : vector<2x16x128xf32>
      %jit3A_174 = arith.constant 2048 : i32
      %broadcast_in_dim3A_175 = vector.broadcast %jit3A_174 : i32 to vector<2x16x128xi32>
      %select_n3A_176 = arith.select %eq3A_173, %add3A, %broadcast_in_dim3A_175 : vector<2x16x128xi1>, vector<2x16x128xi32>
      %reduce_min3A = arith.constant dense<2147483647> : vector<2xi32>
      %reduce_min3A_177 = vector.multi_reduction <minsi>, %select_n3A_176, %reduce_min3A [1, 2] : vector<2x16x128xi32> to vector<2xi32>
      %broadcast_in_dim3A_178 = vector.shape_cast %reduce_min3A_177 : vector<2xi32> to vector<2x1x1xi32>
      %eq3A_179 = vector.broadcast %scan3A_138 : i32 to vector<2x128xi32>
      %eq3A_180 = arith.cmpi eq, %iota3A_14, %eq3A_179 : vector<2x128xi32>
      %squeeze3A = vector.shape_cast %broadcast_in_dim3A_147 : vector<2x1x1xf32> to vector<2x1xf32>
      %broadcast_in_dim3A_181 = vector.shape_cast %squeeze3A : vector<2x1xf32> to vector<2x1xf32>
      %broadcast_in_dim3A_182 = vector.broadcast %broadcast_in_dim3A_181 : vector<2x1xf32> to vector<2x128xf32>
      %select_n3A_183 = arith.select %eq3A_180, %broadcast_in_dim3A_182, %scan3A_141 : vector<2x128xi1>, vector<2x128xf32>
      %squeeze3A_184 = vector.shape_cast %broadcast_in_dim3A_153 : vector<2x1x1xf32> to vector<2x1xf32>
      %broadcast_in_dim3A_185 = vector.shape_cast %squeeze3A_184 : vector<2x1xf32> to vector<2x1xf32>
      %broadcast_in_dim3A_186 = vector.broadcast %broadcast_in_dim3A_185 : vector<2x1xf32> to vector<2x128xf32>
      %select_n3A_187 = arith.select %eq3A_180, %broadcast_in_dim3A_186, %scan3A_142 : vector<2x128xi1>, vector<2x128xf32>
      %squeeze3A_188 = vector.shape_cast %broadcast_in_dim3A_159 : vector<2x1x1xf32> to vector<2x1xf32>
      %broadcast_in_dim3A_189 = vector.shape_cast %squeeze3A_188 : vector<2x1xf32> to vector<2x1xf32>
      %broadcast_in_dim3A_190 = vector.broadcast %broadcast_in_dim3A_189 : vector<2x1xf32> to vector<2x128xf32>
      %select_n3A_191 = arith.select %eq3A_180, %broadcast_in_dim3A_190, %scan3A_143 : vector<2x128xi1>, vector<2x128xf32>
      scf.yield %min3A, %broadcast_in_dim3A_178, %select_n3A_183, %select_n3A_187, %select_n3A_191 : vector<2x16x128xf32>, vector<2x1x1xi32>, vector<2x128xf32>, vector<2x128xf32>, vector<2x128xf32>
    }
    %scan3A_38 = arith.constant 128 : i32
    %swap3A_39 = arith.constant 0 : index
    %swap3A_40 = arith.constant 128 : index
    %swap3A_41 = vector.load %arg3[%swap3A_39, %swap3A_40] : memref<2x1024xf32, #tpu.memory_space<vmem>>, vector<2x128xf32>
    tpu.vector_store %arg3[%swap3A_39, %swap3A_40], %scan3A_37#2 {strides = array<i32>} : memref<2x1024xf32, #tpu.memory_space<vmem>>, vector<2x128xf32>,
    %swap3A_42 = arith.constant 0 : index
    %swap3A_43 = arith.constant 128 : index
    %swap3A_44 = vector.load %arg4[%swap3A_42, %swap3A_43] : memref<2x1024xf32, #tpu.memory_space<vmem>>, vector<2x128xf32>
    tpu.vector_store %arg4[%swap3A_42, %swap3A_43], %scan3A_37#3 {strides = array<i32>} : memref<2x1024xf32, #tpu.memory_space<vmem>>, vector<2x128xf32>,
    %swap3A_45 = arith.constant 0 : index
    %swap3A_46 = arith.constant 128 : index
    %swap3A_47 = vector.load %arg5[%swap3A_45, %swap3A_46] : memref<2x1024xf32, #tpu.memory_space<vmem>>, vector<2x128xf32>
    tpu.vector_store %arg5[%swap3A_45, %swap3A_46], %scan3A_37#4 {strides = array<i32>} : memref<2x1024xf32, #tpu.memory_space<vmem>>, vector<2x128xf32>,
    %scan3A_48 = arith.constant 0 : i32
    %scan3A_49 = arith.constant 128 : i32
    %scan3A_50 = arith.addi %scan3A_48, %scan3A_49 : i32
    %scan3A_51 = arith.constant 1 : i32
    %scan3A_52:5 = scf.for %scan3A_138 = %scan3A_48 to %scan3A_50 step %scan3A_51 iter_args(%scan3A_139 = %scan3A_37#0, %scan3A_140 = %scan3A_37#1, %scan3A_141 = %broadcast_in_dim3A_19, %scan3A_142 = %broadcast_in_dim3A_19, %scan3A_143 = %broadcast_in_dim3A_19) -> (vector<2x16x128xf32>, vector<2x1x1xi32>, vector<2x128xf32>, vector<2x128xf32>, vector<2x128xf32>)  : i32 {
      %eq3A = vector.broadcast %scan3A_140 : vector<2x1x1xi32> to vector<2x16x128xi32>
      %eq3A_144 = arith.cmpi eq, %add3A, %eq3A : vector<2x16x128xi32>
      %jit3A = arith.constant 0.000000e+00 : f32
      %broadcast_in_dim3A_145 = vector.broadcast %jit3A : f32 to vector<2x16x128xf32>
      %select_n3A = arith.select %eq3A_144, %get3A_2, %broadcast_in_dim3A_145 : vector<2x16x128xi1>, vector<2x16x128xf32>
      %reduce_sum3A = arith.constant dense<0.000000e+00> : vector<2xf32>
      %reduce_sum3A_146 = vector.multi_reduction <add>, %select_n3A, %reduce_sum3A [1, 2] : vector<2x16x128xf32> to vector<2xf32>
      %broadcast_in_dim3A_147 = vector.shape_cast %reduce_sum3A_146 : vector<2xf32> to vector<2x1x1xf32>
      %jit3A_148 = arith.constant 0.000000e+00 : f32
      %broadcast_in_dim3A_149 = vector.broadcast %jit3A_148 : f32 to vector<2x16x128xf32>
      %select_n3A_150 = arith.select %eq3A_144, %get3A_6, %broadcast_in_dim3A_149 : vector<2x16x128xi1>, vector<2x16x128xf32>
      %reduce_sum3A_151 = arith.constant dense<0.000000e+00> : vector<2xf32>
      %reduce_sum3A_152 = vector.multi_reduction <add>, %select_n3A_150, %reduce_sum3A_151 [1, 2] : vector<2x16x128xf32> to vector<2xf32>
      %broadcast_in_dim3A_153 = vector.shape_cast %reduce_sum3A_152 : vector<2xf32> to vector<2x1x1xf32>
      %jit3A_154 = arith.constant 0.000000e+00 : f32
      %broadcast_in_dim3A_155 = vector.broadcast %jit3A_154 : f32 to vector<2x16x128xf32>
      %select_n3A_156 = arith.select %eq3A_144, %get3A_10, %broadcast_in_dim3A_155 : vector<2x16x128xi1>, vector<2x16x128xf32>
      %reduce_sum3A_157 = arith.constant dense<0.000000e+00> : vector<2xf32>
      %reduce_sum3A_158 = vector.multi_reduction <add>, %select_n3A_156, %reduce_sum3A_157 [1, 2] : vector<2x16x128xf32> to vector<2xf32>
      %broadcast_in_dim3A_159 = vector.shape_cast %reduce_sum3A_158 : vector<2xf32> to vector<2x1x1xf32>
      %sub3A = vector.broadcast %broadcast_in_dim3A_147 : vector<2x1x1xf32> to vector<2x16x128xf32>
      %sub3A_160 = arith.subf %get3A_2, %sub3A : vector<2x16x128xf32>
      %sub3A_161 = vector.broadcast %broadcast_in_dim3A_153 : vector<2x1x1xf32> to vector<2x16x128xf32>
      %sub3A_162 = arith.subf %get3A_6, %sub3A_161 : vector<2x16x128xf32>
      %sub3A_163 = vector.broadcast %broadcast_in_dim3A_159 : vector<2x1x1xf32> to vector<2x16x128xf32>
      %sub3A_164 = arith.subf %get3A_10, %sub3A_163 : vector<2x16x128xf32>
      %mul3A_165 = arith.mulf %sub3A_160, %sub3A_160 : vector<2x16x128xf32>
      %mul3A_166 = arith.mulf %sub3A_162, %sub3A_162 : vector<2x16x128xf32>
      %add3A_167 = arith.addf %mul3A_165, %mul3A_166 : vector<2x16x128xf32>
      %mul3A_168 = arith.mulf %sub3A_164, %sub3A_164 : vector<2x16x128xf32>
      %add3A_169 = arith.addf %add3A_167, %mul3A_168 : vector<2x16x128xf32>
      %min3A = arith.minimumf %scan3A_139, %add3A_169 : vector<2x16x128xf32>
      %reduce_max3A = arith.constant dense<0xFF800000> : vector<2xf32>
      %reduce_max3A_170 = vector.multi_reduction <maximumf>, %min3A, %reduce_max3A [1, 2] : vector<2x16x128xf32> to vector<2xf32>
      %broadcast_in_dim3A_171 = vector.shape_cast %reduce_max3A_170 : vector<2xf32> to vector<2x1x1xf32>
      %eq3A_172 = vector.broadcast %broadcast_in_dim3A_171 : vector<2x1x1xf32> to vector<2x16x128xf32>
      %eq3A_173 = arith.cmpf oeq, %min3A, %eq3A_172 : vector<2x16x128xf32>
      %jit3A_174 = arith.constant 2048 : i32
      %broadcast_in_dim3A_175 = vector.broadcast %jit3A_174 : i32 to vector<2x16x128xi32>
      %select_n3A_176 = arith.select %eq3A_173, %add3A, %broadcast_in_dim3A_175 : vector<2x16x128xi1>, vector<2x16x128xi32>
      %reduce_min3A = arith.constant dense<2147483647> : vector<2xi32>
      %reduce_min3A_177 = vector.multi_reduction <minsi>, %select_n3A_176, %reduce_min3A [1, 2] : vector<2x16x128xi32> to vector<2xi32>
      %broadcast_in_dim3A_178 = vector.shape_cast %reduce_min3A_177 : vector<2xi32> to vector<2x1x1xi32>
      %eq3A_179 = vector.broadcast %scan3A_138 : i32 to vector<2x128xi32>
      %eq3A_180 = arith.cmpi eq, %iota3A_14, %eq3A_179 : vector<2x128xi32>
      %squeeze3A = vector.shape_cast %broadcast_in_dim3A_147 : vector<2x1x1xf32> to vector<2x1xf32>
      %broadcast_in_dim3A_181 = vector.shape_cast %squeeze3A : vector<2x1xf32> to vector<2x1xf32>
      %broadcast_in_dim3A_182 = vector.broadcast %broadcast_in_dim3A_181 : vector<2x1xf32> to vector<2x128xf32>
      %select_n3A_183 = arith.select %eq3A_180, %broadcast_in_dim3A_182, %scan3A_141 : vector<2x128xi1>, vector<2x128xf32>
      %squeeze3A_184 = vector.shape_cast %broadcast_in_dim3A_153 : vector<2x1x1xf32> to vector<2x1xf32>
      %broadcast_in_dim3A_185 = vector.shape_cast %squeeze3A_184 : vector<2x1xf32> to vector<2x1xf32>
      %broadcast_in_dim3A_186 = vector.broadcast %broadcast_in_dim3A_185 : vector<2x1xf32> to vector<2x128xf32>
      %select_n3A_187 = arith.select %eq3A_180, %broadcast_in_dim3A_186, %scan3A_142 : vector<2x128xi1>, vector<2x128xf32>
      %squeeze3A_188 = vector.shape_cast %broadcast_in_dim3A_159 : vector<2x1x1xf32> to vector<2x1xf32>
      %broadcast_in_dim3A_189 = vector.shape_cast %squeeze3A_188 : vector<2x1xf32> to vector<2x1xf32>
      %broadcast_in_dim3A_190 = vector.broadcast %broadcast_in_dim3A_189 : vector<2x1xf32> to vector<2x128xf32>
      %select_n3A_191 = arith.select %eq3A_180, %broadcast_in_dim3A_190, %scan3A_143 : vector<2x128xi1>, vector<2x128xf32>
      scf.yield %min3A, %broadcast_in_dim3A_178, %select_n3A_183, %select_n3A_187, %select_n3A_191 : vector<2x16x128xf32>, vector<2x1x1xi32>, vector<2x128xf32>, vector<2x128xf32>, vector<2x128xf32>
    }
    %scan3A_53 = arith.constant 128 : i32
    %swap3A_54 = arith.constant 0 : index
    %swap3A_55 = arith.constant 256 : index
    %swap3A_56 = vector.load %arg3[%swap3A_54, %swap3A_55] : memref<2x1024xf32, #tpu.memory_space<vmem>>, vector<2x128xf32>
    tpu.vector_store %arg3[%swap3A_54, %swap3A_55], %scan3A_52#2 {strides = array<i32>} : memref<2x1024xf32, #tpu.memory_space<vmem>>, vector<2x128xf32>,
    %swap3A_57 = arith.constant 0 : index
    %swap3A_58 = arith.constant 256 : index
    %swap3A_59 = vector.load %arg4[%swap3A_57, %swap3A_58] : memref<2x1024xf32, #tpu.memory_space<vmem>>, vector<2x128xf32>
    tpu.vector_store %arg4[%swap3A_57, %swap3A_58], %scan3A_52#3 {strides = array<i32>} : memref<2x1024xf32, #tpu.memory_space<vmem>>, vector<2x128xf32>,
    %swap3A_60 = arith.constant 0 : index
    %swap3A_61 = arith.constant 256 : index
    %swap3A_62 = vector.load %arg5[%swap3A_60, %swap3A_61] : memref<2x1024xf32, #tpu.memory_space<vmem>>, vector<2x128xf32>
    tpu.vector_store %arg5[%swap3A_60, %swap3A_61], %scan3A_52#4 {strides = array<i32>} : memref<2x1024xf32, #tpu.memory_space<vmem>>, vector<2x128xf32>,
    %scan3A_63 = arith.constant 0 : i32
    %scan3A_64 = arith.constant 128 : i32
    %scan3A_65 = arith.addi %scan3A_63, %scan3A_64 : i32
    %scan3A_66 = arith.constant 1 : i32
    %scan3A_67:5 = scf.for %scan3A_138 = %scan3A_63 to %scan3A_65 step %scan3A_66 iter_args(%scan3A_139 = %scan3A_52#0, %scan3A_140 = %scan3A_52#1, %scan3A_141 = %broadcast_in_dim3A_19, %scan3A_142 = %broadcast_in_dim3A_19, %scan3A_143 = %broadcast_in_dim3A_19) -> (vector<2x16x128xf32>, vector<2x1x1xi32>, vector<2x128xf32>, vector<2x128xf32>, vector<2x128xf32>)  : i32 {
      %eq3A = vector.broadcast %scan3A_140 : vector<2x1x1xi32> to vector<2x16x128xi32>
      %eq3A_144 = arith.cmpi eq, %add3A, %eq3A : vector<2x16x128xi32>
      %jit3A = arith.constant 0.000000e+00 : f32
      %broadcast_in_dim3A_145 = vector.broadcast %jit3A : f32 to vector<2x16x128xf32>
      %select_n3A = arith.select %eq3A_144, %get3A_2, %broadcast_in_dim3A_145 : vector<2x16x128xi1>, vector<2x16x128xf32>
      %reduce_sum3A = arith.constant dense<0.000000e+00> : vector<2xf32>
      %reduce_sum3A_146 = vector.multi_reduction <add>, %select_n3A, %reduce_sum3A [1, 2] : vector<2x16x128xf32> to vector<2xf32>
      %broadcast_in_dim3A_147 = vector.shape_cast %reduce_sum3A_146 : vector<2xf32> to vector<2x1x1xf32>
      %jit3A_148 = arith.constant 0.000000e+00 : f32
      %broadcast_in_dim3A_149 = vector.broadcast %jit3A_148 : f32 to vector<2x16x128xf32>
      %select_n3A_150 = arith.select %eq3A_144, %get3A_6, %broadcast_in_dim3A_149 : vector<2x16x128xi1>, vector<2x16x128xf32>
      %reduce_sum3A_151 = arith.constant dense<0.000000e+00> : vector<2xf32>
      %reduce_sum3A_152 = vector.multi_reduction <add>, %select_n3A_150, %reduce_sum3A_151 [1, 2] : vector<2x16x128xf32> to vector<2xf32>
      %broadcast_in_dim3A_153 = vector.shape_cast %reduce_sum3A_152 : vector<2xf32> to vector<2x1x1xf32>
      %jit3A_154 = arith.constant 0.000000e+00 : f32
      %broadcast_in_dim3A_155 = vector.broadcast %jit3A_154 : f32 to vector<2x16x128xf32>
      %select_n3A_156 = arith.select %eq3A_144, %get3A_10, %broadcast_in_dim3A_155 : vector<2x16x128xi1>, vector<2x16x128xf32>
      %reduce_sum3A_157 = arith.constant dense<0.000000e+00> : vector<2xf32>
      %reduce_sum3A_158 = vector.multi_reduction <add>, %select_n3A_156, %reduce_sum3A_157 [1, 2] : vector<2x16x128xf32> to vector<2xf32>
      %broadcast_in_dim3A_159 = vector.shape_cast %reduce_sum3A_158 : vector<2xf32> to vector<2x1x1xf32>
      %sub3A = vector.broadcast %broadcast_in_dim3A_147 : vector<2x1x1xf32> to vector<2x16x128xf32>
      %sub3A_160 = arith.subf %get3A_2, %sub3A : vector<2x16x128xf32>
      %sub3A_161 = vector.broadcast %broadcast_in_dim3A_153 : vector<2x1x1xf32> to vector<2x16x128xf32>
      %sub3A_162 = arith.subf %get3A_6, %sub3A_161 : vector<2x16x128xf32>
      %sub3A_163 = vector.broadcast %broadcast_in_dim3A_159 : vector<2x1x1xf32> to vector<2x16x128xf32>
      %sub3A_164 = arith.subf %get3A_10, %sub3A_163 : vector<2x16x128xf32>
      %mul3A_165 = arith.mulf %sub3A_160, %sub3A_160 : vector<2x16x128xf32>
      %mul3A_166 = arith.mulf %sub3A_162, %sub3A_162 : vector<2x16x128xf32>
      %add3A_167 = arith.addf %mul3A_165, %mul3A_166 : vector<2x16x128xf32>
      %mul3A_168 = arith.mulf %sub3A_164, %sub3A_164 : vector<2x16x128xf32>
      %add3A_169 = arith.addf %add3A_167, %mul3A_168 : vector<2x16x128xf32>
      %min3A = arith.minimumf %scan3A_139, %add3A_169 : vector<2x16x128xf32>
      %reduce_max3A = arith.constant dense<0xFF800000> : vector<2xf32>
      %reduce_max3A_170 = vector.multi_reduction <maximumf>, %min3A, %reduce_max3A [1, 2] : vector<2x16x128xf32> to vector<2xf32>
      %broadcast_in_dim3A_171 = vector.shape_cast %reduce_max3A_170 : vector<2xf32> to vector<2x1x1xf32>
      %eq3A_172 = vector.broadcast %broadcast_in_dim3A_171 : vector<2x1x1xf32> to vector<2x16x128xf32>
      %eq3A_173 = arith.cmpf oeq, %min3A, %eq3A_172 : vector<2x16x128xf32>
      %jit3A_174 = arith.constant 2048 : i32
      %broadcast_in_dim3A_175 = vector.broadcast %jit3A_174 : i32 to vector<2x16x128xi32>
      %select_n3A_176 = arith.select %eq3A_173, %add3A, %broadcast_in_dim3A_175 : vector<2x16x128xi1>, vector<2x16x128xi32>
      %reduce_min3A = arith.constant dense<2147483647> : vector<2xi32>
      %reduce_min3A_177 = vector.multi_reduction <minsi>, %select_n3A_176, %reduce_min3A [1, 2] : vector<2x16x128xi32> to vector<2xi32>
      %broadcast_in_dim3A_178 = vector.shape_cast %reduce_min3A_177 : vector<2xi32> to vector<2x1x1xi32>
      %eq3A_179 = vector.broadcast %scan3A_138 : i32 to vector<2x128xi32>
      %eq3A_180 = arith.cmpi eq, %iota3A_14, %eq3A_179 : vector<2x128xi32>
      %squeeze3A = vector.shape_cast %broadcast_in_dim3A_147 : vector<2x1x1xf32> to vector<2x1xf32>
      %broadcast_in_dim3A_181 = vector.shape_cast %squeeze3A : vector<2x1xf32> to vector<2x1xf32>
      %broadcast_in_dim3A_182 = vector.broadcast %broadcast_in_dim3A_181 : vector<2x1xf32> to vector<2x128xf32>
      %select_n3A_183 = arith.select %eq3A_180, %broadcast_in_dim3A_182, %scan3A_141 : vector<2x128xi1>, vector<2x128xf32>
      %squeeze3A_184 = vector.shape_cast %broadcast_in_dim3A_153 : vector<2x1x1xf32> to vector<2x1xf32>
      %broadcast_in_dim3A_185 = vector.shape_cast %squeeze3A_184 : vector<2x1xf32> to vector<2x1xf32>
      %broadcast_in_dim3A_186 = vector.broadcast %broadcast_in_dim3A_185 : vector<2x1xf32> to vector<2x128xf32>
      %select_n3A_187 = arith.select %eq3A_180, %broadcast_in_dim3A_186, %scan3A_142 : vector<2x128xi1>, vector<2x128xf32>
      %squeeze3A_188 = vector.shape_cast %broadcast_in_dim3A_159 : vector<2x1x1xf32> to vector<2x1xf32>
      %broadcast_in_dim3A_189 = vector.shape_cast %squeeze3A_188 : vector<2x1xf32> to vector<2x1xf32>
      %broadcast_in_dim3A_190 = vector.broadcast %broadcast_in_dim3A_189 : vector<2x1xf32> to vector<2x128xf32>
      %select_n3A_191 = arith.select %eq3A_180, %broadcast_in_dim3A_190, %scan3A_143 : vector<2x128xi1>, vector<2x128xf32>
      scf.yield %min3A, %broadcast_in_dim3A_178, %select_n3A_183, %select_n3A_187, %select_n3A_191 : vector<2x16x128xf32>, vector<2x1x1xi32>, vector<2x128xf32>, vector<2x128xf32>, vector<2x128xf32>
    }
    %scan3A_68 = arith.constant 128 : i32
    %swap3A_69 = arith.constant 0 : index
    %swap3A_70 = arith.constant 384 : index
    %swap3A_71 = vector.load %arg3[%swap3A_69, %swap3A_70] : memref<2x1024xf32, #tpu.memory_space<vmem>>, vector<2x128xf32>
    tpu.vector_store %arg3[%swap3A_69, %swap3A_70], %scan3A_67#2 {strides = array<i32>} : memref<2x1024xf32, #tpu.memory_space<vmem>>, vector<2x128xf32>,
    %swap3A_72 = arith.constant 0 : index
    %swap3A_73 = arith.constant 384 : index
    %swap3A_74 = vector.load %arg4[%swap3A_72, %swap3A_73] : memref<2x1024xf32, #tpu.memory_space<vmem>>, vector<2x128xf32>
    tpu.vector_store %arg4[%swap3A_72, %swap3A_73], %scan3A_67#3 {strides = array<i32>} : memref<2x1024xf32, #tpu.memory_space<vmem>>, vector<2x128xf32>,
    %swap3A_75 = arith.constant 0 : index
    %swap3A_76 = arith.constant 384 : index
    %swap3A_77 = vector.load %arg5[%swap3A_75, %swap3A_76] : memref<2x1024xf32, #tpu.memory_space<vmem>>, vector<2x128xf32>
    tpu.vector_store %arg5[%swap3A_75, %swap3A_76], %scan3A_67#4 {strides = array<i32>} : memref<2x1024xf32, #tpu.memory_space<vmem>>, vector<2x128xf32>,
    %scan3A_78 = arith.constant 0 : i32
    %scan3A_79 = arith.constant 128 : i32
    %scan3A_80 = arith.addi %scan3A_78, %scan3A_79 : i32
    %scan3A_81 = arith.constant 1 : i32
    %scan3A_82:5 = scf.for %scan3A_138 = %scan3A_78 to %scan3A_80 step %scan3A_81 iter_args(%scan3A_139 = %scan3A_67#0, %scan3A_140 = %scan3A_67#1, %scan3A_141 = %broadcast_in_dim3A_19, %scan3A_142 = %broadcast_in_dim3A_19, %scan3A_143 = %broadcast_in_dim3A_19) -> (vector<2x16x128xf32>, vector<2x1x1xi32>, vector<2x128xf32>, vector<2x128xf32>, vector<2x128xf32>)  : i32 {
      %eq3A = vector.broadcast %scan3A_140 : vector<2x1x1xi32> to vector<2x16x128xi32>
      %eq3A_144 = arith.cmpi eq, %add3A, %eq3A : vector<2x16x128xi32>
      %jit3A = arith.constant 0.000000e+00 : f32
      %broadcast_in_dim3A_145 = vector.broadcast %jit3A : f32 to vector<2x16x128xf32>
      %select_n3A = arith.select %eq3A_144, %get3A_2, %broadcast_in_dim3A_145 : vector<2x16x128xi1>, vector<2x16x128xf32>
      %reduce_sum3A = arith.constant dense<0.000000e+00> : vector<2xf32>
      %reduce_sum3A_146 = vector.multi_reduction <add>, %select_n3A, %reduce_sum3A [1, 2] : vector<2x16x128xf32> to vector<2xf32>
      %broadcast_in_dim3A_147 = vector.shape_cast %reduce_sum3A_146 : vector<2xf32> to vector<2x1x1xf32>
      %jit3A_148 = arith.constant 0.000000e+00 : f32
      %broadcast_in_dim3A_149 = vector.broadcast %jit3A_148 : f32 to vector<2x16x128xf32>
      %select_n3A_150 = arith.select %eq3A_144, %get3A_6, %broadcast_in_dim3A_149 : vector<2x16x128xi1>, vector<2x16x128xf32>
      %reduce_sum3A_151 = arith.constant dense<0.000000e+00> : vector<2xf32>
      %reduce_sum3A_152 = vector.multi_reduction <add>, %select_n3A_150, %reduce_sum3A_151 [1, 2] : vector<2x16x128xf32> to vector<2xf32>
      %broadcast_in_dim3A_153 = vector.shape_cast %reduce_sum3A_152 : vector<2xf32> to vector<2x1x1xf32>
      %jit3A_154 = arith.constant 0.000000e+00 : f32
      %broadcast_in_dim3A_155 = vector.broadcast %jit3A_154 : f32 to vector<2x16x128xf32>
      %select_n3A_156 = arith.select %eq3A_144, %get3A_10, %broadcast_in_dim3A_155 : vector<2x16x128xi1>, vector<2x16x128xf32>
      %reduce_sum3A_157 = arith.constant dense<0.000000e+00> : vector<2xf32>
      %reduce_sum3A_158 = vector.multi_reduction <add>, %select_n3A_156, %reduce_sum3A_157 [1, 2] : vector<2x16x128xf32> to vector<2xf32>
      %broadcast_in_dim3A_159 = vector.shape_cast %reduce_sum3A_158 : vector<2xf32> to vector<2x1x1xf32>
      %sub3A = vector.broadcast %broadcast_in_dim3A_147 : vector<2x1x1xf32> to vector<2x16x128xf32>
      %sub3A_160 = arith.subf %get3A_2, %sub3A : vector<2x16x128xf32>
      %sub3A_161 = vector.broadcast %broadcast_in_dim3A_153 : vector<2x1x1xf32> to vector<2x16x128xf32>
      %sub3A_162 = arith.subf %get3A_6, %sub3A_161 : vector<2x16x128xf32>
      %sub3A_163 = vector.broadcast %broadcast_in_dim3A_159 : vector<2x1x1xf32> to vector<2x16x128xf32>
      %sub3A_164 = arith.subf %get3A_10, %sub3A_163 : vector<2x16x128xf32>
      %mul3A_165 = arith.mulf %sub3A_160, %sub3A_160 : vector<2x16x128xf32>
      %mul3A_166 = arith.mulf %sub3A_162, %sub3A_162 : vector<2x16x128xf32>
      %add3A_167 = arith.addf %mul3A_165, %mul3A_166 : vector<2x16x128xf32>
      %mul3A_168 = arith.mulf %sub3A_164, %sub3A_164 : vector<2x16x128xf32>
      %add3A_169 = arith.addf %add3A_167, %mul3A_168 : vector<2x16x128xf32>
      %min3A = arith.minimumf %scan3A_139, %add3A_169 : vector<2x16x128xf32>
      %reduce_max3A = arith.constant dense<0xFF800000> : vector<2xf32>
      %reduce_max3A_170 = vector.multi_reduction <maximumf>, %min3A, %reduce_max3A [1, 2] : vector<2x16x128xf32> to vector<2xf32>
      %broadcast_in_dim3A_171 = vector.shape_cast %reduce_max3A_170 : vector<2xf32> to vector<2x1x1xf32>
      %eq3A_172 = vector.broadcast %broadcast_in_dim3A_171 : vector<2x1x1xf32> to vector<2x16x128xf32>
      %eq3A_173 = arith.cmpf oeq, %min3A, %eq3A_172 : vector<2x16x128xf32>
      %jit3A_174 = arith.constant 2048 : i32
      %broadcast_in_dim3A_175 = vector.broadcast %jit3A_174 : i32 to vector<2x16x128xi32>
      %select_n3A_176 = arith.select %eq3A_173, %add3A, %broadcast_in_dim3A_175 : vector<2x16x128xi1>, vector<2x16x128xi32>
      %reduce_min3A = arith.constant dense<2147483647> : vector<2xi32>
      %reduce_min3A_177 = vector.multi_reduction <minsi>, %select_n3A_176, %reduce_min3A [1, 2] : vector<2x16x128xi32> to vector<2xi32>
      %broadcast_in_dim3A_178 = vector.shape_cast %reduce_min3A_177 : vector<2xi32> to vector<2x1x1xi32>
      %eq3A_179 = vector.broadcast %scan3A_138 : i32 to vector<2x128xi32>
      %eq3A_180 = arith.cmpi eq, %iota3A_14, %eq3A_179 : vector<2x128xi32>
      %squeeze3A = vector.shape_cast %broadcast_in_dim3A_147 : vector<2x1x1xf32> to vector<2x1xf32>
      %broadcast_in_dim3A_181 = vector.shape_cast %squeeze3A : vector<2x1xf32> to vector<2x1xf32>
      %broadcast_in_dim3A_182 = vector.broadcast %broadcast_in_dim3A_181 : vector<2x1xf32> to vector<2x128xf32>
      %select_n3A_183 = arith.select %eq3A_180, %broadcast_in_dim3A_182, %scan3A_141 : vector<2x128xi1>, vector<2x128xf32>
      %squeeze3A_184 = vector.shape_cast %broadcast_in_dim3A_153 : vector<2x1x1xf32> to vector<2x1xf32>
      %broadcast_in_dim3A_185 = vector.shape_cast %squeeze3A_184 : vector<2x1xf32> to vector<2x1xf32>
      %broadcast_in_dim3A_186 = vector.broadcast %broadcast_in_dim3A_185 : vector<2x1xf32> to vector<2x128xf32>
      %select_n3A_187 = arith.select %eq3A_180, %broadcast_in_dim3A_186, %scan3A_142 : vector<2x128xi1>, vector<2x128xf32>
      %squeeze3A_188 = vector.shape_cast %broadcast_in_dim3A_159 : vector<2x1x1xf32> to vector<2x1xf32>
      %broadcast_in_dim3A_189 = vector.shape_cast %squeeze3A_188 : vector<2x1xf32> to vector<2x1xf32>
      %broadcast_in_dim3A_190 = vector.broadcast %broadcast_in_dim3A_189 : vector<2x1xf32> to vector<2x128xf32>
      %select_n3A_191 = arith.select %eq3A_180, %broadcast_in_dim3A_190, %scan3A_143 : vector<2x128xi1>, vector<2x128xf32>
      scf.yield %min3A, %broadcast_in_dim3A_178, %select_n3A_183, %select_n3A_187, %select_n3A_191 : vector<2x16x128xf32>, vector<2x1x1xi32>, vector<2x128xf32>, vector<2x128xf32>, vector<2x128xf32>
    }
    %scan3A_83 = arith.constant 128 : i32
    %swap3A_84 = arith.constant 0 : index
    %swap3A_85 = arith.constant 512 : index
    %swap3A_86 = vector.load %arg3[%swap3A_84, %swap3A_85] : memref<2x1024xf32, #tpu.memory_space<vmem>>, vector<2x128xf32>
    tpu.vector_store %arg3[%swap3A_84, %swap3A_85], %scan3A_82#2 {strides = array<i32>} : memref<2x1024xf32, #tpu.memory_space<vmem>>, vector<2x128xf32>,
    %swap3A_87 = arith.constant 0 : index
    %swap3A_88 = arith.constant 512 : index
    %swap3A_89 = vector.load %arg4[%swap3A_87, %swap3A_88] : memref<2x1024xf32, #tpu.memory_space<vmem>>, vector<2x128xf32>
    tpu.vector_store %arg4[%swap3A_87, %swap3A_88], %scan3A_82#3 {strides = array<i32>} : memref<2x1024xf32, #tpu.memory_space<vmem>>, vector<2x128xf32>,
    %swap3A_90 = arith.constant 0 : index
    %swap3A_91 = arith.constant 512 : index
    %swap3A_92 = vector.load %arg5[%swap3A_90, %swap3A_91] : memref<2x1024xf32, #tpu.memory_space<vmem>>, vector<2x128xf32>
    tpu.vector_store %arg5[%swap3A_90, %swap3A_91], %scan3A_82#4 {strides = array<i32>} : memref<2x1024xf32, #tpu.memory_space<vmem>>, vector<2x128xf32>,
    %scan3A_93 = arith.constant 0 : i32
    %scan3A_94 = arith.constant 128 : i32
    %scan3A_95 = arith.addi %scan3A_93, %scan3A_94 : i32
    %scan3A_96 = arith.constant 1 : i32
    %scan3A_97:5 = scf.for %scan3A_138 = %scan3A_93 to %scan3A_95 step %scan3A_96 iter_args(%scan3A_139 = %scan3A_82#0, %scan3A_140 = %scan3A_82#1, %scan3A_141 = %broadcast_in_dim3A_19, %scan3A_142 = %broadcast_in_dim3A_19, %scan3A_143 = %broadcast_in_dim3A_19) -> (vector<2x16x128xf32>, vector<2x1x1xi32>, vector<2x128xf32>, vector<2x128xf32>, vector<2x128xf32>)  : i32 {
      %eq3A = vector.broadcast %scan3A_140 : vector<2x1x1xi32> to vector<2x16x128xi32>
      %eq3A_144 = arith.cmpi eq, %add3A, %eq3A : vector<2x16x128xi32>
      %jit3A = arith.constant 0.000000e+00 : f32
      %broadcast_in_dim3A_145 = vector.broadcast %jit3A : f32 to vector<2x16x128xf32>
      %select_n3A = arith.select %eq3A_144, %get3A_2, %broadcast_in_dim3A_145 : vector<2x16x128xi1>, vector<2x16x128xf32>
      %reduce_sum3A = arith.constant dense<0.000000e+00> : vector<2xf32>
      %reduce_sum3A_146 = vector.multi_reduction <add>, %select_n3A, %reduce_sum3A [1, 2] : vector<2x16x128xf32> to vector<2xf32>
      %broadcast_in_dim3A_147 = vector.shape_cast %reduce_sum3A_146 : vector<2xf32> to vector<2x1x1xf32>
      %jit3A_148 = arith.constant 0.000000e+00 : f32
      %broadcast_in_dim3A_149 = vector.broadcast %jit3A_148 : f32 to vector<2x16x128xf32>
      %select_n3A_150 = arith.select %eq3A_144, %get3A_6, %broadcast_in_dim3A_149 : vector<2x16x128xi1>, vector<2x16x128xf32>
      %reduce_sum3A_151 = arith.constant dense<0.000000e+00> : vector<2xf32>
      %reduce_sum3A_152 = vector.multi_reduction <add>, %select_n3A_150, %reduce_sum3A_151 [1, 2] : vector<2x16x128xf32> to vector<2xf32>
      %broadcast_in_dim3A_153 = vector.shape_cast %reduce_sum3A_152 : vector<2xf32> to vector<2x1x1xf32>
      %jit3A_154 = arith.constant 0.000000e+00 : f32
      %broadcast_in_dim3A_155 = vector.broadcast %jit3A_154 : f32 to vector<2x16x128xf32>
      %select_n3A_156 = arith.select %eq3A_144, %get3A_10, %broadcast_in_dim3A_155 : vector<2x16x128xi1>, vector<2x16x128xf32>
      %reduce_sum3A_157 = arith.constant dense<0.000000e+00> : vector<2xf32>
      %reduce_sum3A_158 = vector.multi_reduction <add>, %select_n3A_156, %reduce_sum3A_157 [1, 2] : vector<2x16x128xf32> to vector<2xf32>
      %broadcast_in_dim3A_159 = vector.shape_cast %reduce_sum3A_158 : vector<2xf32> to vector<2x1x1xf32>
      %sub3A = vector.broadcast %broadcast_in_dim3A_147 : vector<2x1x1xf32> to vector<2x16x128xf32>
      %sub3A_160 = arith.subf %get3A_2, %sub3A : vector<2x16x128xf32>
      %sub3A_161 = vector.broadcast %broadcast_in_dim3A_153 : vector<2x1x1xf32> to vector<2x16x128xf32>
      %sub3A_162 = arith.subf %get3A_6, %sub3A_161 : vector<2x16x128xf32>
      %sub3A_163 = vector.broadcast %broadcast_in_dim3A_159 : vector<2x1x1xf32> to vector<2x16x128xf32>
      %sub3A_164 = arith.subf %get3A_10, %sub3A_163 : vector<2x16x128xf32>
      %mul3A_165 = arith.mulf %sub3A_160, %sub3A_160 : vector<2x16x128xf32>
      %mul3A_166 = arith.mulf %sub3A_162, %sub3A_162 : vector<2x16x128xf32>
      %add3A_167 = arith.addf %mul3A_165, %mul3A_166 : vector<2x16x128xf32>
      %mul3A_168 = arith.mulf %sub3A_164, %sub3A_164 : vector<2x16x128xf32>
      %add3A_169 = arith.addf %add3A_167, %mul3A_168 : vector<2x16x128xf32>
      %min3A = arith.minimumf %scan3A_139, %add3A_169 : vector<2x16x128xf32>
      %reduce_max3A = arith.constant dense<0xFF800000> : vector<2xf32>
      %reduce_max3A_170 = vector.multi_reduction <maximumf>, %min3A, %reduce_max3A [1, 2] : vector<2x16x128xf32> to vector<2xf32>
      %broadcast_in_dim3A_171 = vector.shape_cast %reduce_max3A_170 : vector<2xf32> to vector<2x1x1xf32>
      %eq3A_172 = vector.broadcast %broadcast_in_dim3A_171 : vector<2x1x1xf32> to vector<2x16x128xf32>
      %eq3A_173 = arith.cmpf oeq, %min3A, %eq3A_172 : vector<2x16x128xf32>
      %jit3A_174 = arith.constant 2048 : i32
      %broadcast_in_dim3A_175 = vector.broadcast %jit3A_174 : i32 to vector<2x16x128xi32>
      %select_n3A_176 = arith.select %eq3A_173, %add3A, %broadcast_in_dim3A_175 : vector<2x16x128xi1>, vector<2x16x128xi32>
      %reduce_min3A = arith.constant dense<2147483647> : vector<2xi32>
      %reduce_min3A_177 = vector.multi_reduction <minsi>, %select_n3A_176, %reduce_min3A [1, 2] : vector<2x16x128xi32> to vector<2xi32>
      %broadcast_in_dim3A_178 = vector.shape_cast %reduce_min3A_177 : vector<2xi32> to vector<2x1x1xi32>
      %eq3A_179 = vector.broadcast %scan3A_138 : i32 to vector<2x128xi32>
      %eq3A_180 = arith.cmpi eq, %iota3A_14, %eq3A_179 : vector<2x128xi32>
      %squeeze3A = vector.shape_cast %broadcast_in_dim3A_147 : vector<2x1x1xf32> to vector<2x1xf32>
      %broadcast_in_dim3A_181 = vector.shape_cast %squeeze3A : vector<2x1xf32> to vector<2x1xf32>
      %broadcast_in_dim3A_182 = vector.broadcast %broadcast_in_dim3A_181 : vector<2x1xf32> to vector<2x128xf32>
      %select_n3A_183 = arith.select %eq3A_180, %broadcast_in_dim3A_182, %scan3A_141 : vector<2x128xi1>, vector<2x128xf32>
      %squeeze3A_184 = vector.shape_cast %broadcast_in_dim3A_153 : vector<2x1x1xf32> to vector<2x1xf32>
      %broadcast_in_dim3A_185 = vector.shape_cast %squeeze3A_184 : vector<2x1xf32> to vector<2x1xf32>
      %broadcast_in_dim3A_186 = vector.broadcast %broadcast_in_dim3A_185 : vector<2x1xf32> to vector<2x128xf32>
      %select_n3A_187 = arith.select %eq3A_180, %broadcast_in_dim3A_186, %scan3A_142 : vector<2x128xi1>, vector<2x128xf32>
      %squeeze3A_188 = vector.shape_cast %broadcast_in_dim3A_159 : vector<2x1x1xf32> to vector<2x1xf32>
      %broadcast_in_dim3A_189 = vector.shape_cast %squeeze3A_188 : vector<2x1xf32> to vector<2x1xf32>
      %broadcast_in_dim3A_190 = vector.broadcast %broadcast_in_dim3A_189 : vector<2x1xf32> to vector<2x128xf32>
      %select_n3A_191 = arith.select %eq3A_180, %broadcast_in_dim3A_190, %scan3A_143 : vector<2x128xi1>, vector<2x128xf32>
      scf.yield %min3A, %broadcast_in_dim3A_178, %select_n3A_183, %select_n3A_187, %select_n3A_191 : vector<2x16x128xf32>, vector<2x1x1xi32>, vector<2x128xf32>, vector<2x128xf32>, vector<2x128xf32>
    }
    %scan3A_98 = arith.constant 128 : i32
    %swap3A_99 = arith.constant 0 : index
    %swap3A_100 = arith.constant 640 : index
    %swap3A_101 = vector.load %arg3[%swap3A_99, %swap3A_100] : memref<2x1024xf32, #tpu.memory_space<vmem>>, vector<2x128xf32>
    tpu.vector_store %arg3[%swap3A_99, %swap3A_100], %scan3A_97#2 {strides = array<i32>} : memref<2x1024xf32, #tpu.memory_space<vmem>>, vector<2x128xf32>,
    %swap3A_102 = arith.constant 0 : index
    %swap3A_103 = arith.constant 640 : index
    %swap3A_104 = vector.load %arg4[%swap3A_102, %swap3A_103] : memref<2x1024xf32, #tpu.memory_space<vmem>>, vector<2x128xf32>
    tpu.vector_store %arg4[%swap3A_102, %swap3A_103], %scan3A_97#3 {strides = array<i32>} : memref<2x1024xf32, #tpu.memory_space<vmem>>, vector<2x128xf32>,
    %swap3A_105 = arith.constant 0 : index
    %swap3A_106 = arith.constant 640 : index
    %swap3A_107 = vector.load %arg5[%swap3A_105, %swap3A_106] : memref<2x1024xf32, #tpu.memory_space<vmem>>, vector<2x128xf32>
    tpu.vector_store %arg5[%swap3A_105, %swap3A_106], %scan3A_97#4 {strides = array<i32>} : memref<2x1024xf32, #tpu.memory_space<vmem>>, vector<2x128xf32>,
    %scan3A_108 = arith.constant 0 : i32
    %scan3A_109 = arith.constant 128 : i32
    %scan3A_110 = arith.addi %scan3A_108, %scan3A_109 : i32
    %scan3A_111 = arith.constant 1 : i32
    %scan3A_112:5 = scf.for %scan3A_138 = %scan3A_108 to %scan3A_110 step %scan3A_111 iter_args(%scan3A_139 = %scan3A_97#0, %scan3A_140 = %scan3A_97#1, %scan3A_141 = %broadcast_in_dim3A_19, %scan3A_142 = %broadcast_in_dim3A_19, %scan3A_143 = %broadcast_in_dim3A_19) -> (vector<2x16x128xf32>, vector<2x1x1xi32>, vector<2x128xf32>, vector<2x128xf32>, vector<2x128xf32>)  : i32 {
      %eq3A = vector.broadcast %scan3A_140 : vector<2x1x1xi32> to vector<2x16x128xi32>
      %eq3A_144 = arith.cmpi eq, %add3A, %eq3A : vector<2x16x128xi32>
      %jit3A = arith.constant 0.000000e+00 : f32
      %broadcast_in_dim3A_145 = vector.broadcast %jit3A : f32 to vector<2x16x128xf32>
      %select_n3A = arith.select %eq3A_144, %get3A_2, %broadcast_in_dim3A_145 : vector<2x16x128xi1>, vector<2x16x128xf32>
      %reduce_sum3A = arith.constant dense<0.000000e+00> : vector<2xf32>
      %reduce_sum3A_146 = vector.multi_reduction <add>, %select_n3A, %reduce_sum3A [1, 2] : vector<2x16x128xf32> to vector<2xf32>
      %broadcast_in_dim3A_147 = vector.shape_cast %reduce_sum3A_146 : vector<2xf32> to vector<2x1x1xf32>
      %jit3A_148 = arith.constant 0.000000e+00 : f32
      %broadcast_in_dim3A_149 = vector.broadcast %jit3A_148 : f32 to vector<2x16x128xf32>
      %select_n3A_150 = arith.select %eq3A_144, %get3A_6, %broadcast_in_dim3A_149 : vector<2x16x128xi1>, vector<2x16x128xf32>
      %reduce_sum3A_151 = arith.constant dense<0.000000e+00> : vector<2xf32>
      %reduce_sum3A_152 = vector.multi_reduction <add>, %select_n3A_150, %reduce_sum3A_151 [1, 2] : vector<2x16x128xf32> to vector<2xf32>
      %broadcast_in_dim3A_153 = vector.shape_cast %reduce_sum3A_152 : vector<2xf32> to vector<2x1x1xf32>
      %jit3A_154 = arith.constant 0.000000e+00 : f32
      %broadcast_in_dim3A_155 = vector.broadcast %jit3A_154 : f32 to vector<2x16x128xf32>
      %select_n3A_156 = arith.select %eq3A_144, %get3A_10, %broadcast_in_dim3A_155 : vector<2x16x128xi1>, vector<2x16x128xf32>
      %reduce_sum3A_157 = arith.constant dense<0.000000e+00> : vector<2xf32>
      %reduce_sum3A_158 = vector.multi_reduction <add>, %select_n3A_156, %reduce_sum3A_157 [1, 2] : vector<2x16x128xf32> to vector<2xf32>
      %broadcast_in_dim3A_159 = vector.shape_cast %reduce_sum3A_158 : vector<2xf32> to vector<2x1x1xf32>
      %sub3A = vector.broadcast %broadcast_in_dim3A_147 : vector<2x1x1xf32> to vector<2x16x128xf32>
      %sub3A_160 = arith.subf %get3A_2, %sub3A : vector<2x16x128xf32>
      %sub3A_161 = vector.broadcast %broadcast_in_dim3A_153 : vector<2x1x1xf32> to vector<2x16x128xf32>
      %sub3A_162 = arith.subf %get3A_6, %sub3A_161 : vector<2x16x128xf32>
      %sub3A_163 = vector.broadcast %broadcast_in_dim3A_159 : vector<2x1x1xf32> to vector<2x16x128xf32>
      %sub3A_164 = arith.subf %get3A_10, %sub3A_163 : vector<2x16x128xf32>
      %mul3A_165 = arith.mulf %sub3A_160, %sub3A_160 : vector<2x16x128xf32>
      %mul3A_166 = arith.mulf %sub3A_162, %sub3A_162 : vector<2x16x128xf32>
      %add3A_167 = arith.addf %mul3A_165, %mul3A_166 : vector<2x16x128xf32>
      %mul3A_168 = arith.mulf %sub3A_164, %sub3A_164 : vector<2x16x128xf32>
      %add3A_169 = arith.addf %add3A_167, %mul3A_168 : vector<2x16x128xf32>
      %min3A = arith.minimumf %scan3A_139, %add3A_169 : vector<2x16x128xf32>
      %reduce_max3A = arith.constant dense<0xFF800000> : vector<2xf32>
      %reduce_max3A_170 = vector.multi_reduction <maximumf>, %min3A, %reduce_max3A [1, 2] : vector<2x16x128xf32> to vector<2xf32>
      %broadcast_in_dim3A_171 = vector.shape_cast %reduce_max3A_170 : vector<2xf32> to vector<2x1x1xf32>
      %eq3A_172 = vector.broadcast %broadcast_in_dim3A_171 : vector<2x1x1xf32> to vector<2x16x128xf32>
      %eq3A_173 = arith.cmpf oeq, %min3A, %eq3A_172 : vector<2x16x128xf32>
      %jit3A_174 = arith.constant 2048 : i32
      %broadcast_in_dim3A_175 = vector.broadcast %jit3A_174 : i32 to vector<2x16x128xi32>
      %select_n3A_176 = arith.select %eq3A_173, %add3A, %broadcast_in_dim3A_175 : vector<2x16x128xi1>, vector<2x16x128xi32>
      %reduce_min3A = arith.constant dense<2147483647> : vector<2xi32>
      %reduce_min3A_177 = vector.multi_reduction <minsi>, %select_n3A_176, %reduce_min3A [1, 2] : vector<2x16x128xi32> to vector<2xi32>
      %broadcast_in_dim3A_178 = vector.shape_cast %reduce_min3A_177 : vector<2xi32> to vector<2x1x1xi32>
      %eq3A_179 = vector.broadcast %scan3A_138 : i32 to vector<2x128xi32>
      %eq3A_180 = arith.cmpi eq, %iota3A_14, %eq3A_179 : vector<2x128xi32>
      %squeeze3A = vector.shape_cast %broadcast_in_dim3A_147 : vector<2x1x1xf32> to vector<2x1xf32>
      %broadcast_in_dim3A_181 = vector.shape_cast %squeeze3A : vector<2x1xf32> to vector<2x1xf32>
      %broadcast_in_dim3A_182 = vector.broadcast %broadcast_in_dim3A_181 : vector<2x1xf32> to vector<2x128xf32>
      %select_n3A_183 = arith.select %eq3A_180, %broadcast_in_dim3A_182, %scan3A_141 : vector<2x128xi1>, vector<2x128xf32>
      %squeeze3A_184 = vector.shape_cast %broadcast_in_dim3A_153 : vector<2x1x1xf32> to vector<2x1xf32>
      %broadcast_in_dim3A_185 = vector.shape_cast %squeeze3A_184 : vector<2x1xf32> to vector<2x1xf32>
      %broadcast_in_dim3A_186 = vector.broadcast %broadcast_in_dim3A_185 : vector<2x1xf32> to vector<2x128xf32>
      %select_n3A_187 = arith.select %eq3A_180, %broadcast_in_dim3A_186, %scan3A_142 : vector<2x128xi1>, vector<2x128xf32>
      %squeeze3A_188 = vector.shape_cast %broadcast_in_dim3A_159 : vector<2x1x1xf32> to vector<2x1xf32>
      %broadcast_in_dim3A_189 = vector.shape_cast %squeeze3A_188 : vector<2x1xf32> to vector<2x1xf32>
      %broadcast_in_dim3A_190 = vector.broadcast %broadcast_in_dim3A_189 : vector<2x1xf32> to vector<2x128xf32>
      %select_n3A_191 = arith.select %eq3A_180, %broadcast_in_dim3A_190, %scan3A_143 : vector<2x128xi1>, vector<2x128xf32>
      scf.yield %min3A, %broadcast_in_dim3A_178, %select_n3A_183, %select_n3A_187, %select_n3A_191 : vector<2x16x128xf32>, vector<2x1x1xi32>, vector<2x128xf32>, vector<2x128xf32>, vector<2x128xf32>
    }
    %scan3A_113 = arith.constant 128 : i32
    %swap3A_114 = arith.constant 0 : index
    %swap3A_115 = arith.constant 768 : index
    %swap3A_116 = vector.load %arg3[%swap3A_114, %swap3A_115] : memref<2x1024xf32, #tpu.memory_space<vmem>>, vector<2x128xf32>
    tpu.vector_store %arg3[%swap3A_114, %swap3A_115], %scan3A_112#2 {strides = array<i32>} : memref<2x1024xf32, #tpu.memory_space<vmem>>, vector<2x128xf32>,
    %swap3A_117 = arith.constant 0 : index
    %swap3A_118 = arith.constant 768 : index
    %swap3A_119 = vector.load %arg4[%swap3A_117, %swap3A_118] : memref<2x1024xf32, #tpu.memory_space<vmem>>, vector<2x128xf32>
    tpu.vector_store %arg4[%swap3A_117, %swap3A_118], %scan3A_112#3 {strides = array<i32>} : memref<2x1024xf32, #tpu.memory_space<vmem>>, vector<2x128xf32>,
    %swap3A_120 = arith.constant 0 : index
    %swap3A_121 = arith.constant 768 : index
    %swap3A_122 = vector.load %arg5[%swap3A_120, %swap3A_121] : memref<2x1024xf32, #tpu.memory_space<vmem>>, vector<2x128xf32>
    tpu.vector_store %arg5[%swap3A_120, %swap3A_121], %scan3A_112#4 {strides = array<i32>} : memref<2x1024xf32, #tpu.memory_space<vmem>>, vector<2x128xf32>,
    %scan3A_123 = arith.constant 0 : i32
    %scan3A_124 = arith.constant 128 : i32
    %scan3A_125 = arith.addi %scan3A_123, %scan3A_124 : i32
    %scan3A_126 = arith.constant 1 : i32
    %scan3A_127:5 = scf.for %scan3A_138 = %scan3A_123 to %scan3A_125 step %scan3A_126 iter_args(%scan3A_139 = %scan3A_112#0, %scan3A_140 = %scan3A_112#1, %scan3A_141 = %broadcast_in_dim3A_19, %scan3A_142 = %broadcast_in_dim3A_19, %scan3A_143 = %broadcast_in_dim3A_19) -> (vector<2x16x128xf32>, vector<2x1x1xi32>, vector<2x128xf32>, vector<2x128xf32>, vector<2x128xf32>)  : i32 {
      %eq3A = vector.broadcast %scan3A_140 : vector<2x1x1xi32> to vector<2x16x128xi32>
      %eq3A_144 = arith.cmpi eq, %add3A, %eq3A : vector<2x16x128xi32>
      %jit3A = arith.constant 0.000000e+00 : f32
      %broadcast_in_dim3A_145 = vector.broadcast %jit3A : f32 to vector<2x16x128xf32>
      %select_n3A = arith.select %eq3A_144, %get3A_2, %broadcast_in_dim3A_145 : vector<2x16x128xi1>, vector<2x16x128xf32>
      %reduce_sum3A = arith.constant dense<0.000000e+00> : vector<2xf32>
      %reduce_sum3A_146 = vector.multi_reduction <add>, %select_n3A, %reduce_sum3A [1, 2] : vector<2x16x128xf32> to vector<2xf32>
      %broadcast_in_dim3A_147 = vector.shape_cast %reduce_sum3A_146 : vector<2xf32> to vector<2x1x1xf32>
      %jit3A_148 = arith.constant 0.000000e+00 : f32
      %broadcast_in_dim3A_149 = vector.broadcast %jit3A_148 : f32 to vector<2x16x128xf32>
      %select_n3A_150 = arith.select %eq3A_144, %get3A_6, %broadcast_in_dim3A_149 : vector<2x16x128xi1>, vector<2x16x128xf32>
      %reduce_sum3A_151 = arith.constant dense<0.000000e+00> : vector<2xf32>
      %reduce_sum3A_152 = vector.multi_reduction <add>, %select_n3A_150, %reduce_sum3A_151 [1, 2] : vector<2x16x128xf32> to vector<2xf32>
      %broadcast_in_dim3A_153 = vector.shape_cast %reduce_sum3A_152 : vector<2xf32> to vector<2x1x1xf32>
      %jit3A_154 = arith.constant 0.000000e+00 : f32
      %broadcast_in_dim3A_155 = vector.broadcast %jit3A_154 : f32 to vector<2x16x128xf32>
      %select_n3A_156 = arith.select %eq3A_144, %get3A_10, %broadcast_in_dim3A_155 : vector<2x16x128xi1>, vector<2x16x128xf32>
      %reduce_sum3A_157 = arith.constant dense<0.000000e+00> : vector<2xf32>
      %reduce_sum3A_158 = vector.multi_reduction <add>, %select_n3A_156, %reduce_sum3A_157 [1, 2] : vector<2x16x128xf32> to vector<2xf32>
      %broadcast_in_dim3A_159 = vector.shape_cast %reduce_sum3A_158 : vector<2xf32> to vector<2x1x1xf32>
      %sub3A = vector.broadcast %broadcast_in_dim3A_147 : vector<2x1x1xf32> to vector<2x16x128xf32>
      %sub3A_160 = arith.subf %get3A_2, %sub3A : vector<2x16x128xf32>
      %sub3A_161 = vector.broadcast %broadcast_in_dim3A_153 : vector<2x1x1xf32> to vector<2x16x128xf32>
      %sub3A_162 = arith.subf %get3A_6, %sub3A_161 : vector<2x16x128xf32>
      %sub3A_163 = vector.broadcast %broadcast_in_dim3A_159 : vector<2x1x1xf32> to vector<2x16x128xf32>
      %sub3A_164 = arith.subf %get3A_10, %sub3A_163 : vector<2x16x128xf32>
      %mul3A_165 = arith.mulf %sub3A_160, %sub3A_160 : vector<2x16x128xf32>
      %mul3A_166 = arith.mulf %sub3A_162, %sub3A_162 : vector<2x16x128xf32>
      %add3A_167 = arith.addf %mul3A_165, %mul3A_166 : vector<2x16x128xf32>
      %mul3A_168 = arith.mulf %sub3A_164, %sub3A_164 : vector<2x16x128xf32>
      %add3A_169 = arith.addf %add3A_167, %mul3A_168 : vector<2x16x128xf32>
      %min3A = arith.minimumf %scan3A_139, %add3A_169 : vector<2x16x128xf32>
      %reduce_max3A = arith.constant dense<0xFF800000> : vector<2xf32>
      %reduce_max3A_170 = vector.multi_reduction <maximumf>, %min3A, %reduce_max3A [1, 2] : vector<2x16x128xf32> to vector<2xf32>
      %broadcast_in_dim3A_171 = vector.shape_cast %reduce_max3A_170 : vector<2xf32> to vector<2x1x1xf32>
      %eq3A_172 = vector.broadcast %broadcast_in_dim3A_171 : vector<2x1x1xf32> to vector<2x16x128xf32>
      %eq3A_173 = arith.cmpf oeq, %min3A, %eq3A_172 : vector<2x16x128xf32>
      %jit3A_174 = arith.constant 2048 : i32
      %broadcast_in_dim3A_175 = vector.broadcast %jit3A_174 : i32 to vector<2x16x128xi32>
      %select_n3A_176 = arith.select %eq3A_173, %add3A, %broadcast_in_dim3A_175 : vector<2x16x128xi1>, vector<2x16x128xi32>
      %reduce_min3A = arith.constant dense<2147483647> : vector<2xi32>
      %reduce_min3A_177 = vector.multi_reduction <minsi>, %select_n3A_176, %reduce_min3A [1, 2] : vector<2x16x128xi32> to vector<2xi32>
      %broadcast_in_dim3A_178 = vector.shape_cast %reduce_min3A_177 : vector<2xi32> to vector<2x1x1xi32>
      %eq3A_179 = vector.broadcast %scan3A_138 : i32 to vector<2x128xi32>
      %eq3A_180 = arith.cmpi eq, %iota3A_14, %eq3A_179 : vector<2x128xi32>
      %squeeze3A = vector.shape_cast %broadcast_in_dim3A_147 : vector<2x1x1xf32> to vector<2x1xf32>
      %broadcast_in_dim3A_181 = vector.shape_cast %squeeze3A : vector<2x1xf32> to vector<2x1xf32>
      %broadcast_in_dim3A_182 = vector.broadcast %broadcast_in_dim3A_181 : vector<2x1xf32> to vector<2x128xf32>
      %select_n3A_183 = arith.select %eq3A_180, %broadcast_in_dim3A_182, %scan3A_141 : vector<2x128xi1>, vector<2x128xf32>
      %squeeze3A_184 = vector.shape_cast %broadcast_in_dim3A_153 : vector<2x1x1xf32> to vector<2x1xf32>
      %broadcast_in_dim3A_185 = vector.shape_cast %squeeze3A_184 : vector<2x1xf32> to vector<2x1xf32>
      %broadcast_in_dim3A_186 = vector.broadcast %broadcast_in_dim3A_185 : vector<2x1xf32> to vector<2x128xf32>
      %select_n3A_187 = arith.select %eq3A_180, %broadcast_in_dim3A_186, %scan3A_142 : vector<2x128xi1>, vector<2x128xf32>
      %squeeze3A_188 = vector.shape_cast %broadcast_in_dim3A_159 : vector<2x1x1xf32> to vector<2x1xf32>
      %broadcast_in_dim3A_189 = vector.shape_cast %squeeze3A_188 : vector<2x1xf32> to vector<2x1xf32>
      %broadcast_in_dim3A_190 = vector.broadcast %broadcast_in_dim3A_189 : vector<2x1xf32> to vector<2x128xf32>
      %select_n3A_191 = arith.select %eq3A_180, %broadcast_in_dim3A_190, %scan3A_143 : vector<2x128xi1>, vector<2x128xf32>
      scf.yield %min3A, %broadcast_in_dim3A_178, %select_n3A_183, %select_n3A_187, %select_n3A_191 : vector<2x16x128xf32>, vector<2x1x1xi32>, vector<2x128xf32>, vector<2x128xf32>, vector<2x128xf32>
    }
    %scan3A_128 = arith.constant 128 : i32
    %swap3A_129 = arith.constant 0 : index
    %swap3A_130 = arith.constant 896 : index
    %swap3A_131 = vector.load %arg3[%swap3A_129, %swap3A_130] : memref<2x1024xf32, #tpu.memory_space<vmem>>, vector<2x128xf32>
    tpu.vector_store %arg3[%swap3A_129, %swap3A_130], %scan3A_127#2 {strides = array<i32>} : memref<2x1024xf32, #tpu.memory_space<vmem>>, vector<2x128xf32>,
    %swap3A_132 = arith.constant 0 : index
    %swap3A_133 = arith.constant 896 : index
    %swap3A_134 = vector.load %arg4[%swap3A_132, %swap3A_133] : memref<2x1024xf32, #tpu.memory_space<vmem>>, vector<2x128xf32>
    tpu.vector_store %arg4[%swap3A_132, %swap3A_133], %scan3A_127#3 {strides = array<i32>} : memref<2x1024xf32, #tpu.memory_space<vmem>>, vector<2x128xf32>,
    %swap3A_135 = arith.constant 0 : index
    %swap3A_136 = arith.constant 896 : index
    %swap3A_137 = vector.load %arg5[%swap3A_135, %swap3A_136] : memref<2x1024xf32, #tpu.memory_space<vmem>>, vector<2x128xf32>
    tpu.vector_store %arg5[%swap3A_135, %swap3A_136], %scan3A_127#4 {strides = array<i32>} : memref<2x1024xf32, #tpu.memory_space<vmem>>, vector<2x128xf32>,
    return
  }
}

module attributes {stable_mosaic.version = 14 : i64} {
  func.func @_sel_body(%arg0: i32, %arg1: i32, %arg2: memref<1x128x3xf32, #tpu.memory_space<vmem>>, %arg3: memref<1x3x2048xf32, #tpu.memory_space<vmem>>, %arg4: memref<1x128x2048xi32, #tpu.memory_space<vmem>>, %arg5: memref<1x128x16xi32, #tpu.memory_space<vmem>>, %arg6: memref<1x128x1xf32, #tpu.memory_space<vmem>>) attributes {dimension_semantics = [#tpu.dimension_semantics<arbitrary>, #tpu.dimension_semantics<arbitrary>], iteration_bounds = array<i64: 2, 8>, scalar_prefetch = 0 : i64, scratch_operands = 0 : i64, tpu.core_type = #tpu.core_type<tc>, window_params = [{transform_indices = @transform_0, window_bounds = array<i64: 1, 128, 3>}, {transform_indices = @transform_1, window_bounds = array<i64: 1, 3, 2048>}, {transform_indices = @transform_2, window_bounds = array<i64: 1, 128, 2048>}, {transform_indices = @transform_3, window_bounds = array<i64: 1, 128, 16>}, {transform_indices = @transform_4, window_bounds = array<i64: 1, 128, 1>}]} {
    %get3A = arith.constant 0 : index
    %get3A_0 = arith.constant 0 : index
    %get3A_1 = arith.constant 0 : index
    %get3A_2 = vector.load %arg2[%get3A, %get3A_0, %get3A_1] : memref<1x128x3xf32, #tpu.memory_space<vmem>>, vector<1x128x3xf32>
    %get3A_3 = vector.shape_cast %get3A_2 : vector<1x128x3xf32> to vector<128x3xf32>
    %get3A_4 = arith.constant 0 : index
    %get3A_5 = arith.constant 0 : index
    %get3A_6 = arith.constant 0 : index
    %get3A_7 = vector.load %arg3[%get3A_4, %get3A_5, %get3A_6] : memref<1x3x2048xf32, #tpu.memory_space<vmem>>, vector<1x3x2048xf32>
    %get3A_8 = vector.shape_cast %get3A_7 : vector<1x3x2048xf32> to vector<3x2048xf32>
    %slice3A = vector.extract_strided_slice %get3A_3 {offsets = [0, 0], sizes = [128, 1], strides = [1, 1]} : vector<128x3xf32> to vector<128x1xf32>
    %slice3A_9 = vector.extract_strided_slice %get3A_8 {offsets = [0, 0], sizes = [1, 2048], strides = [1, 1]} : vector<3x2048xf32> to vector<1x2048xf32>
    %sub3A = vector.broadcast %slice3A : vector<128x1xf32> to vector<128x2048xf32>
    %sub3A_10 = vector.broadcast %slice3A_9 : vector<1x2048xf32> to vector<128x2048xf32>
    %sub3A_11 = arith.subf %sub3A, %sub3A_10 : vector<128x2048xf32>
    %slice3A_12 = vector.extract_strided_slice %get3A_3 {offsets = [0, 1], sizes = [128, 1], strides = [1, 1]} : vector<128x3xf32> to vector<128x1xf32>
    %slice3A_13 = vector.extract_strided_slice %get3A_8 {offsets = [1, 0], sizes = [1, 2048], strides = [1, 1]} : vector<3x2048xf32> to vector<1x2048xf32>
    %sub3A_14 = vector.broadcast %slice3A_12 : vector<128x1xf32> to vector<128x2048xf32>
    %sub3A_15 = vector.broadcast %slice3A_13 : vector<1x2048xf32> to vector<128x2048xf32>
    %sub3A_16 = arith.subf %sub3A_14, %sub3A_15 : vector<128x2048xf32>
    %slice3A_17 = vector.extract_strided_slice %get3A_3 {offsets = [0, 2], sizes = [128, 1], strides = [1, 1]} : vector<128x3xf32> to vector<128x1xf32>
    %slice3A_18 = vector.extract_strided_slice %get3A_8 {offsets = [2, 0], sizes = [1, 2048], strides = [1, 1]} : vector<3x2048xf32> to vector<1x2048xf32>
    %sub3A_19 = vector.broadcast %slice3A_17 : vector<128x1xf32> to vector<128x2048xf32>
    %sub3A_20 = vector.broadcast %slice3A_18 : vector<1x2048xf32> to vector<128x2048xf32>
    %sub3A_21 = arith.subf %sub3A_19, %sub3A_20 : vector<128x2048xf32>
    %mul3A = arith.mulf %sub3A_11, %sub3A_11 : vector<128x2048xf32>
    %mul3A_22 = arith.mulf %sub3A_16, %sub3A_16 : vector<128x2048xf32>
    %add3A = arith.addf %mul3A, %mul3A_22 : vector<128x2048xf32>
    %mul3A_23 = arith.mulf %sub3A_21, %sub3A_21 : vector<128x2048xf32>
    %add3A_24 = arith.addf %add3A, %mul3A_23 : vector<128x2048xf32>
    %bitcast_convert_type3A = tpu.bitcast %add3A_24 : vector<128x2048xf32> -> vector<128x2048xi32>
    %swap3A = arith.constant 0 : index
    %swap3A_25 = arith.constant 0 : index
    %swap3A_26 = arith.constant 0 : index
    %swap3A_27 = vector.load %arg4[%swap3A, %swap3A_25, %swap3A_26] : memref<1x128x2048xi32, #tpu.memory_space<vmem>>, vector<1x128x2048xi32>
    %swap3A_28 = vector.shape_cast %swap3A_27 : vector<1x128x2048xi32> to vector<128x2048xi32>
    %swap3A_29 = vector.shape_cast %bitcast_convert_type3A : vector<128x2048xi32> to vector<1x128x2048xi32>
    tpu.vector_store %arg4[%swap3A, %swap3A_25, %swap3A_26], %swap3A_29 {strides = array<i32>} : memref<1x128x2048xi32, #tpu.memory_space<vmem>>, vector<1x128x2048xi32>,
    %broadcast_in_dim3A = arith.constant -1 : i32
    %broadcast_in_dim3A_30 = vector.broadcast %broadcast_in_dim3A : i32 to vector<128x1xi32>
    %broadcast_in_dim3A_31 = arith.constant 1025758987 : i32
    %broadcast_in_dim3A_32 = vector.broadcast %broadcast_in_dim3A_31 : i32 to vector<128x1xi32>
    %scan3A = arith.constant 0 : i32
    %scan3A_33 = arith.constant 31 : i32
    %scan3A_34 = arith.addi %scan3A, %scan3A_33 : i32
    %scan3A_35 = arith.constant 1 : i32
    %scan3A_36:2 = scf.for %scan3A_57 = %scan3A to %scan3A_34 step %scan3A_35 iter_args(%scan3A_58 = %broadcast_in_dim3A_30, %scan3A_59 = %broadcast_in_dim3A_32) -> (vector<128x1xi32>, vector<128x1xi32>)  : i32 {
      %add3A_60 = arith.addi %scan3A_58, %scan3A_59 : vector<128x1xi32>
      %shift_right_arithmetic3A = arith.constant 1 : i32
      %shift_right_arithmetic3A_61 = vector.broadcast %shift_right_arithmetic3A : i32 to vector<128x1xi32>
      %shift_right_arithmetic3A_62 = arith.shrsi %add3A_60, %shift_right_arithmetic3A_61 : vector<128x1xi32>
      %le3A_63 = vector.broadcast %shift_right_arithmetic3A_62 : vector<128x1xi32> to vector<128x2048xi32>
      %le3A_64 = arith.cmpi sle, %bitcast_convert_type3A, %le3A_63 : vector<128x2048xi32>
      %jit3A_65 = arith.constant 1.000000e+00 : f32
      %jit3A_66 = arith.constant 0.000000e+00 : f32
      %broadcast_in_dim3A_67 = vector.broadcast %jit3A_65 : f32 to vector<128x2048xf32>
      %broadcast_in_dim3A_68 = vector.broadcast %jit3A_66 : f32 to vector<128x2048xf32>
      %select_n3A_69 = arith.select %le3A_64, %broadcast_in_dim3A_67, %broadcast_in_dim3A_68 : vector<128x2048xi1>, vector<128x2048xf32>
      %reduce_sum3A_70 = arith.constant dense<0.000000e+00> : vector<128xf32>
      %reduce_sum3A_71 = vector.multi_reduction <add>, %select_n3A_69, %reduce_sum3A_70 [1] : vector<128x2048xf32> to vector<128xf32>
      %broadcast_in_dim3A_72 = vector.shape_cast %reduce_sum3A_71 : vector<128xf32> to vector<128x1xf32>
      %le3A_73 = arith.constant 6.400000e+01 : f32
      %le3A_74 = vector.broadcast %le3A_73 : f32 to vector<128x1xf32>
      %le3A_75 = arith.cmpf ole, %broadcast_in_dim3A_72, %le3A_74 : vector<128x1xf32>
      %select_n3A_76 = arith.select %le3A_75, %shift_right_arithmetic3A_62, %scan3A_58 : vector<128x1xi1>, vector<128x1xi32>
      %select_n3A_77 = arith.select %le3A_75, %scan3A_59, %shift_right_arithmetic3A_62 : vector<128x1xi1>, vector<128x1xi32>
      scf.yield %select_n3A_76, %select_n3A_77 : vector<128x1xi32>, vector<128x1xi32>
    }
    %le3A = vector.broadcast %scan3A_36#0 : vector<128x1xi32> to vector<128x2048xi32>
    %le3A_37 = arith.cmpi sle, %bitcast_convert_type3A, %le3A : vector<128x2048xi32>
    %jit3A = arith.constant 1.000000e+00 : f32
    %jit3A_38 = arith.constant 0.000000e+00 : f32
    %broadcast_in_dim3A_39 = vector.broadcast %jit3A : f32 to vector<128x2048xf32>
    %broadcast_in_dim3A_40 = vector.broadcast %jit3A_38 : f32 to vector<128x2048xf32>
    %select_n3A = arith.select %le3A_37, %broadcast_in_dim3A_39, %broadcast_in_dim3A_40 : vector<128x2048xi1>, vector<128x2048xf32>
    %reduce_sum3A = arith.constant dense<0.000000e+00> : vector<128xf32>
    %reduce_sum3A_41 = vector.multi_reduction <add>, %select_n3A, %reduce_sum3A [1] : vector<128x2048xf32> to vector<128xf32>
    %broadcast_in_dim3A_42 = vector.shape_cast %reduce_sum3A_41 : vector<128xf32> to vector<128x1xf32>
    %broadcast_in_dim3A_43 = vector.shape_cast %scan3A_36#0 : vector<128x1xi32> to vector<128x1xi32>
    %broadcast_in_dim3A_44 = vector.broadcast %broadcast_in_dim3A_43 : vector<128x1xi32> to vector<128x16xi32>
    %swap3A_45 = arith.constant 0 : index
    %swap3A_46 = arith.constant 0 : index
    %swap3A_47 = arith.constant 0 : index
    %swap3A_48 = vector.load %arg5[%swap3A_45, %swap3A_46, %swap3A_47] : memref<1x128x16xi32, #tpu.memory_space<vmem>>, vector<1x128x16xi32>
    %swap3A_49 = vector.shape_cast %swap3A_48 : vector<1x128x16xi32> to vector<128x16xi32>
    %swap3A_50 = vector.shape_cast %broadcast_in_dim3A_44 : vector<128x16xi32> to vector<1x128x16xi32>
    tpu.vector_store %arg5[%swap3A_45, %swap3A_46, %swap3A_47], %swap3A_50 {strides = array<i32>} : memref<1x128x16xi32, #tpu.memory_space<vmem>>, vector<1x128x16xi32>,
    %swap3A_51 = arith.constant 0 : index
    %swap3A_52 = arith.constant 0 : index
    %swap3A_53 = arith.constant 0 : index
    %swap3A_54 = vector.load %arg6[%swap3A_51, %swap3A_52, %swap3A_53] : memref<1x128x1xf32, #tpu.memory_space<vmem>>, vector<1x128x1xf32>
    %swap3A_55 = vector.shape_cast %swap3A_54 : vector<1x128x1xf32> to vector<128x1xf32>
    %swap3A_56 = vector.shape_cast %broadcast_in_dim3A_42 : vector<128x1xf32> to vector<1x128x1xf32>
    tpu.vector_store %arg6[%swap3A_51, %swap3A_52, %swap3A_53], %swap3A_56 {strides = array<i32>} : memref<1x128x1xf32, #tpu.memory_space<vmem>>, vector<1x128x1xf32>,
    return
  }
  func.func @transform_0(%arg0: i32, %arg1: i32) -> (i32, i32, i32) {
    %c0_i32 = arith.constant 0 : i32
    %c0_i32_0 = arith.constant 0 : i32
    return %arg0, %arg1, %c0_i32 : i32, i32, i32
  }
  func.func @transform_1(%arg0: i32, %arg1: i32) -> (i32, i32, i32) {
    %c0_i32 = arith.constant 0 : i32
    %c0_i32_0 = arith.constant 0 : i32
    %c0_i32_1 = arith.constant 0 : i32
    return %arg0, %c0_i32, %c0_i32_0 : i32, i32, i32
  }
  func.func @transform_2(%arg0: i32, %arg1: i32) -> (i32, i32, i32) {
    %c0_i32 = arith.constant 0 : i32
    %c0_i32_0 = arith.constant 0 : i32
    return %arg0, %arg1, %c0_i32 : i32, i32, i32
  }
  func.func @transform_3(%arg0: i32, %arg1: i32) -> (i32, i32, i32) {
    %c0_i32 = arith.constant 0 : i32
    %c0_i32_0 = arith.constant 0 : i32
    return %arg0, %arg1, %c0_i32 : i32, i32, i32
  }
  func.func @transform_4(%arg0: i32, %arg1: i32) -> (i32, i32, i32) {
    %c0_i32 = arith.constant 0 : i32
    %c0_i32_0 = arith.constant 0 : i32
    return %arg0, %arg1, %c0_i32 : i32, i32, i32
  }
}

module attributes {stable_mosaic.version = 14 : i64} {
  func.func @_lin1_body(%arg0: memref<4096x128xf32, #tpu.memory_space<vmem>>, %arg1: memref<4096x3xf32, #tpu.memory_space<vmem>>, %arg2: memref<128x64xf32, #tpu.memory_space<vmem>>, %arg3: memref<3x64xf32, #tpu.memory_space<vmem>>, %arg4: memref<1x64xf32, #tpu.memory_space<vmem>>, %arg5: memref<4096x64xf32, #tpu.memory_space<vmem>>) attributes {dimension_semantics = [], scalar_prefetch = 0 : i64, scratch_operands = 0 : i64, tpu.core_type = #tpu.core_type<tc>} {
    %get3A = arith.constant 0 : index
    %get3A_0 = arith.constant 0 : index
    %get3A_1 = vector.load %arg0[%get3A, %get3A_0] : memref<4096x128xf32, #tpu.memory_space<vmem>>, vector<4096x128xf32>
    %get3A_2 = arith.constant 0 : index
    %get3A_3 = arith.constant 0 : index
    %get3A_4 = vector.load %arg2[%get3A_2, %get3A_3] : memref<128x64xf32, #tpu.memory_space<vmem>>, vector<128x64xf32>
    %dot_general3A = arith.constant dense<0.000000e+00> : vector<4096x64xf32>
    %dot_general3A_5 = tpu.matmul %get3A_1, %get3A_4, %dot_general3A {dimension_numbers = #tpu.dot_dimension_numbers<[1], [0], [0], [1], [0, 0, 1, 1], [], []>, transpose_lhs_hint = false} : vector<4096x128xf32>, vector<128x64xf32>, vector<4096x64xf32> -> vector<4096x64xf32>
    %get3A_6 = arith.constant 0 : index
    %get3A_7 = arith.constant 0 : index
    %get3A_8 = vector.load %arg1[%get3A_6, %get3A_7] : memref<4096x3xf32, #tpu.memory_space<vmem>>, vector<4096x3xf32>
    %slice3A = vector.extract_strided_slice %get3A_8 {offsets = [0, 0], sizes = [4096, 1], strides = [1, 1]} : vector<4096x3xf32> to vector<4096x1xf32>
    %get3A_9 = arith.constant 0 : index
    %get3A_10 = arith.constant 0 : index
    %get3A_11 = vector.load %arg3[%get3A_9, %get3A_10] : memref<3x64xf32, #tpu.memory_space<vmem>>, vector<1x64xf32>
    %mul3A = vector.broadcast %slice3A : vector<4096x1xf32> to vector<4096x64xf32>
    %mul3A_12 = vector.broadcast %get3A_11 : vector<1x64xf32> to vector<4096x64xf32>
    %mul3A_13 = arith.mulf %mul3A, %mul3A_12 : vector<4096x64xf32>
    %add3A = arith.addf %dot_general3A_5, %mul3A_13 : vector<4096x64xf32>
    %slice3A_14 = vector.extract_strided_slice %get3A_8 {offsets = [0, 1], sizes = [4096, 1], strides = [1, 1]} : vector<4096x3xf32> to vector<4096x1xf32>
    %get3A_15 = arith.constant 1 : index
    %get3A_16 = arith.constant 0 : index
    %get3A_17 = vector.load %arg3[%get3A_15, %get3A_16] : memref<3x64xf32, #tpu.memory_space<vmem>>, vector<1x64xf32>
    %mul3A_18 = vector.broadcast %slice3A_14 : vector<4096x1xf32> to vector<4096x64xf32>
    %mul3A_19 = vector.broadcast %get3A_17 : vector<1x64xf32> to vector<4096x64xf32>
    %mul3A_20 = arith.mulf %mul3A_18, %mul3A_19 : vector<4096x64xf32>
    %add3A_21 = arith.addf %add3A, %mul3A_20 : vector<4096x64xf32>
    %slice3A_22 = vector.extract_strided_slice %get3A_8 {offsets = [0, 2], sizes = [4096, 1], strides = [1, 1]} : vector<4096x3xf32> to vector<4096x1xf32>
    %get3A_23 = arith.constant 2 : index
    %get3A_24 = arith.constant 0 : index
    %get3A_25 = vector.load %arg3[%get3A_23, %get3A_24] : memref<3x64xf32, #tpu.memory_space<vmem>>, vector<1x64xf32>
    %mul3A_26 = vector.broadcast %slice3A_22 : vector<4096x1xf32> to vector<4096x64xf32>
    %mul3A_27 = vector.broadcast %get3A_25 : vector<1x64xf32> to vector<4096x64xf32>
    %mul3A_28 = arith.mulf %mul3A_26, %mul3A_27 : vector<4096x64xf32>
    %add3A_29 = arith.addf %add3A_21, %mul3A_28 : vector<4096x64xf32>
    %get3A_30 = arith.constant 0 : index
    %get3A_31 = arith.constant 0 : index
    %get3A_32 = vector.load %arg4[%get3A_30, %get3A_31] : memref<1x64xf32, #tpu.memory_space<vmem>>, vector<1x64xf32>
    %add3A_33 = vector.broadcast %get3A_32 : vector<1x64xf32> to vector<4096x64xf32>
    %add3A_34 = arith.addf %add3A_29, %add3A_33 : vector<4096x64xf32>
    %swap3A = arith.constant 0 : index
    %swap3A_35 = arith.constant 0 : index
    %swap3A_36 = vector.load %arg5[%swap3A, %swap3A_35] : memref<4096x64xf32, #tpu.memory_space<vmem>>, vector<4096x64xf32>
    tpu.vector_store %arg5[%swap3A, %swap3A_35], %add3A_34 {strides = array<i32>} : memref<4096x64xf32, #tpu.memory_space<vmem>>, vector<4096x64xf32>,
    return
  }
}

module attributes {stable_mosaic.version = 14 : i64} {
  func.func @_fps_body(%arg0: memref<2x8x128xf32, #tpu.memory_space<vmem>>, %arg1: memref<2x8x128xf32, #tpu.memory_space<vmem>>, %arg2: memref<2x8x128xf32, #tpu.memory_space<vmem>>, %arg3: memref<2x256xf32, #tpu.memory_space<vmem>>, %arg4: memref<2x256xf32, #tpu.memory_space<vmem>>, %arg5: memref<2x256xf32, #tpu.memory_space<vmem>>) attributes {dimension_semantics = [], scalar_prefetch = 0 : i64, scratch_operands = 0 : i64, tpu.core_type = #tpu.core_type<tc>} {
    %get3A = arith.constant 0 : index
    %get3A_0 = arith.constant 0 : index
    %get3A_1 = arith.constant 0 : index
    %get3A_2 = vector.load %arg0[%get3A, %get3A_0, %get3A_1] : memref<2x8x128xf32, #tpu.memory_space<vmem>>, vector<2x8x128xf32>
    %get3A_3 = arith.constant 0 : index
    %get3A_4 = arith.constant 0 : index
    %get3A_5 = arith.constant 0 : index
    %get3A_6 = vector.load %arg1[%get3A_3, %get3A_4, %get3A_5] : memref<2x8x128xf32, #tpu.memory_space<vmem>>, vector<2x8x128xf32>
    %get3A_7 = arith.constant 0 : index
    %get3A_8 = arith.constant 0 : index
    %get3A_9 = arith.constant 0 : index
    %get3A_10 = vector.load %arg2[%get3A_7, %get3A_8, %get3A_9] : memref<2x8x128xf32, #tpu.memory_space<vmem>>, vector<2x8x128xf32>
    %iota3A = tpu.iota {dimensions = array<i32: 1>} : vector<2x8x128xi32>
    %mul3A = arith.constant 128 : i32
    %mul3A_11 = vector.broadcast %mul3A : i32 to vector<2x8x128xi32>
    %mul3A_12 = arith.muli %iota3A, %mul3A_11 : vector<2x8x128xi32>
    %iota3A_13 = tpu.iota {dimensions = array<i32: 2>} : vector<2x8x128xi32>
    %add3A = arith.addi %mul3A_12, %iota3A_13 : vector<2x8x128xi32>
    %iota3A_14 = tpu.iota {dimensions = array<i32: 1>} : vector<2x128xi32>
    %broadcast_in_dim3A = arith.constant 0x7F800000 : f32
    %broadcast_in_dim3A_15 = vector.broadcast %broadcast_in_dim3A : f32 to vector<2x8x128xf32>
    %broadcast_in_dim3A_16 = arith.constant 0 : i32
    %broadcast_in_dim3A_17 = vector.broadcast %broadcast_in_dim3A_16 : i32 to vector<2x1x1xi32>
    %broadcast_in_dim3A_18 = arith.constant 0.000000e+00 : f32
    %broadcast_in_dim3A_19 = vector.broadcast %broadcast_in_dim3A_18 : f32 to vector<2x128xf32>
    %scan3A = arith.constant 0 : i32
    %scan3A_20 = arith.constant 128 : i32
    %scan3A_21 = arith.addi %scan3A, %scan3A_20 : i32
    %scan3A_22 = arith.constant 1 : i32
    %scan3A_23:5 = scf.for %scan3A_48 = %scan3A to %scan3A_21 step %scan3A_22 iter_args(%scan3A_49 = %broadcast_in_dim3A_15, %scan3A_50 = %broadcast_in_dim3A_17, %scan3A_51 = %broadcast_in_dim3A_19, %scan3A_52 = %broadcast_in_dim3A_19, %scan3A_53 = %broadcast_in_dim3A_19) -> (vector<2x8x128xf32>, vector<2x1x1xi32>, vector<2x128xf32>, vector<2x128xf32>, vector<2x128xf32>)  : i32 {
      %eq3A = vector.broadcast %scan3A_50 : vector<2x1x1xi32> to vector<2x8x128xi32>
      %eq3A_54 = arith.cmpi eq, %add3A, %eq3A : vector<2x8x128xi32>
      %jit3A = arith.constant 0.000000e+00 : f32
      %broadcast_in_dim3A_55 = vector.broadcast %jit3A : f32 to vector<2x8x128xf32>
      %select_n3A = arith.select %eq3A_54, %get3A_2, %broadcast_in_dim3A_55 : vector<2x8x128xi1>, vector<2x8x128xf32>
      %reduce_sum3A = arith.constant dense<0.000000e+00> : vector<2xf32>
      %reduce_sum3A_56 = vector.multi_reduction <add>, %select_n3A, %reduce_sum3A [1, 2] : vector<2x8x128xf32> to vector<2xf32>
      %broadcast_in_dim3A_57 = vector.shape_cast %reduce_sum3A_56 : vector<2xf32> to vector<2x1x1xf32>
      %jit3A_58 = arith.constant 0.000000e+00 : f32
      %broadcast_in_dim3A_59 = vector.broadcast %jit3A_58 : f32 to vector<2x8x128xf32>
      %select_n3A_60 = arith.select %eq3A_54, %get3A_6, %broadcast_in_dim3A_59 : vector<2x8x128xi1>, vector<2x8x128xf32>
      %reduce_sum3A_61 = arith.constant dense<0.000000e+00> : vector<2xf32>
      %reduce_sum3A_62 = vector.multi_reduction <add>, %select_n3A_60, %reduce_sum3A_61 [1, 2] : vector<2x8x128xf32> to vector<2xf32>
      %broadcast_in_dim3A_63 = vector.shape_cast %reduce_sum3A_62 : vector<2xf32> to vector<2x1x1xf32>
      %jit3A_64 = arith.constant 0.000000e+00 : f32
      %broadcast_in_dim3A_65 = vector.broadcast %jit3A_64 : f32 to vector<2x8x128xf32>
      %select_n3A_66 = arith.select %eq3A_54, %get3A_10, %broadcast_in_dim3A_65 : vector<2x8x128xi1>, vector<2x8x128xf32>
      %reduce_sum3A_67 = arith.constant dense<0.000000e+00> : vector<2xf32>
      %reduce_sum3A_68 = vector.multi_reduction <add>, %select_n3A_66, %reduce_sum3A_67 [1, 2] : vector<2x8x128xf32> to vector<2xf32>
      %broadcast_in_dim3A_69 = vector.shape_cast %reduce_sum3A_68 : vector<2xf32> to vector<2x1x1xf32>
      %sub3A = vector.broadcast %broadcast_in_dim3A_57 : vector<2x1x1xf32> to vector<2x8x128xf32>
      %sub3A_70 = arith.subf %get3A_2, %sub3A : vector<2x8x128xf32>
      %sub3A_71 = vector.broadcast %broadcast_in_dim3A_63 : vector<2x1x1xf32> to vector<2x8x128xf32>
      %sub3A_72 = arith.subf %get3A_6, %sub3A_71 : vector<2x8x128xf32>
      %sub3A_73 = vector.broadcast %broadcast_in_dim3A_69 : vector<2x1x1xf32> to vector<2x8x128xf32>
      %sub3A_74 = arith.subf %get3A_10, %sub3A_73 : vector<2x8x128xf32>
      %mul3A_75 = arith.mulf %sub3A_70, %sub3A_70 : vector<2x8x128xf32>
      %mul3A_76 = arith.mulf %sub3A_72, %sub3A_72 : vector<2x8x128xf32>
      %add3A_77 = arith.addf %mul3A_75, %mul3A_76 : vector<2x8x128xf32>
      %mul3A_78 = arith.mulf %sub3A_74, %sub3A_74 : vector<2x8x128xf32>
      %add3A_79 = arith.addf %add3A_77, %mul3A_78 : vector<2x8x128xf32>
      %min3A = arith.minimumf %scan3A_49, %add3A_79 : vector<2x8x128xf32>
      %reduce_max3A = arith.constant dense<0xFF800000> : vector<2xf32>
      %reduce_max3A_80 = vector.multi_reduction <maximumf>, %min3A, %reduce_max3A [1, 2] : vector<2x8x128xf32> to vector<2xf32>
      %broadcast_in_dim3A_81 = vector.shape_cast %reduce_max3A_80 : vector<2xf32> to vector<2x1x1xf32>
      %eq3A_82 = vector.broadcast %broadcast_in_dim3A_81 : vector<2x1x1xf32> to vector<2x8x128xf32>
      %eq3A_83 = arith.cmpf oeq, %min3A, %eq3A_82 : vector<2x8x128xf32>
      %jit3A_84 = arith.constant 1024 : i32
      %broadcast_in_dim3A_85 = vector.broadcast %jit3A_84 : i32 to vector<2x8x128xi32>
      %select_n3A_86 = arith.select %eq3A_83, %add3A, %broadcast_in_dim3A_85 : vector<2x8x128xi1>, vector<2x8x128xi32>
      %reduce_min3A = arith.constant dense<2147483647> : vector<2xi32>
      %reduce_min3A_87 = vector.multi_reduction <minsi>, %select_n3A_86, %reduce_min3A [1, 2] : vector<2x8x128xi32> to vector<2xi32>
      %broadcast_in_dim3A_88 = vector.shape_cast %reduce_min3A_87 : vector<2xi32> to vector<2x1x1xi32>
      %eq3A_89 = vector.broadcast %scan3A_48 : i32 to vector<2x128xi32>
      %eq3A_90 = arith.cmpi eq, %iota3A_14, %eq3A_89 : vector<2x128xi32>
      %squeeze3A = vector.shape_cast %broadcast_in_dim3A_57 : vector<2x1x1xf32> to vector<2x1xf32>
      %broadcast_in_dim3A_91 = vector.shape_cast %squeeze3A : vector<2x1xf32> to vector<2x1xf32>
      %broadcast_in_dim3A_92 = vector.broadcast %broadcast_in_dim3A_91 : vector<2x1xf32> to vector<2x128xf32>
      %select_n3A_93 = arith.select %eq3A_90, %broadcast_in_dim3A_92, %scan3A_51 : vector<2x128xi1>, vector<2x128xf32>
      %squeeze3A_94 = vector.shape_cast %broadcast_in_dim3A_63 : vector<2x1x1xf32> to vector<2x1xf32>
      %broadcast_in_dim3A_95 = vector.shape_cast %squeeze3A_94 : vector<2x1xf32> to vector<2x1xf32>
      %broadcast_in_dim3A_96 = vector.broadcast %broadcast_in_dim3A_95 : vector<2x1xf32> to vector<2x128xf32>
      %select_n3A_97 = arith.select %eq3A_90, %broadcast_in_dim3A_96, %scan3A_52 : vector<2x128xi1>, vector<2x128xf32>
      %squeeze3A_98 = vector.shape_cast %broadcast_in_dim3A_69 : vector<2x1x1xf32> to vector<2x1xf32>
      %broadcast_in_dim3A_99 = vector.shape_cast %squeeze3A_98 : vector<2x1xf32> to vector<2x1xf32>
      %broadcast_in_dim3A_100 = vector.broadcast %broadcast_in_dim3A_99 : vector<2x1xf32> to vector<2x128xf32>
      %select_n3A_101 = arith.select %eq3A_90, %broadcast_in_dim3A_100, %scan3A_53 : vector<2x128xi1>, vector<2x128xf32>
      scf.yield %min3A, %broadcast_in_dim3A_88, %select_n3A_93, %select_n3A_97, %select_n3A_101 : vector<2x8x128xf32>, vector<2x1x1xi32>, vector<2x128xf32>, vector<2x128xf32>, vector<2x128xf32>
    }
    %scan3A_24 = arith.constant 128 : i32
    %swap3A = arith.constant 0 : index
    %swap3A_25 = arith.constant 0 : index
    %swap3A_26 = vector.load %arg3[%swap3A, %swap3A_25] : memref<2x256xf32, #tpu.memory_space<vmem>>, vector<2x128xf32>
    tpu.vector_store %arg3[%swap3A, %swap3A_25], %scan3A_23#2 {strides = array<i32>} : memref<2x256xf32, #tpu.memory_space<vmem>>, vector<2x128xf32>,
    %swap3A_27 = arith.constant 0 : index
    %swap3A_28 = arith.constant 0 : index
    %swap3A_29 = vector.load %arg4[%swap3A_27, %swap3A_28] : memref<2x256xf32, #tpu.memory_space<vmem>>, vector<2x128xf32>
    tpu.vector_store %arg4[%swap3A_27, %swap3A_28], %scan3A_23#3 {strides = array<i32>} : memref<2x256xf32, #tpu.memory_space<vmem>>, vector<2x128xf32>,
    %swap3A_30 = arith.constant 0 : index
    %swap3A_31 = arith.constant 0 : index
    %swap3A_32 = vector.load %arg5[%swap3A_30, %swap3A_31] : memref<2x256xf32, #tpu.memory_space<vmem>>, vector<2x128xf32>
    tpu.vector_store %arg5[%swap3A_30, %swap3A_31], %scan3A_23#4 {strides = array<i32>} : memref<2x256xf32, #tpu.memory_space<vmem>>, vector<2x128xf32>,
    %scan3A_33 = arith.constant 0 : i32
    %scan3A_34 = arith.constant 128 : i32
    %scan3A_35 = arith.addi %scan3A_33, %scan3A_34 : i32
    %scan3A_36 = arith.constant 1 : i32
    %scan3A_37:5 = scf.for %scan3A_48 = %scan3A_33 to %scan3A_35 step %scan3A_36 iter_args(%scan3A_49 = %scan3A_23#0, %scan3A_50 = %scan3A_23#1, %scan3A_51 = %broadcast_in_dim3A_19, %scan3A_52 = %broadcast_in_dim3A_19, %scan3A_53 = %broadcast_in_dim3A_19) -> (vector<2x8x128xf32>, vector<2x1x1xi32>, vector<2x128xf32>, vector<2x128xf32>, vector<2x128xf32>)  : i32 {
      %eq3A = vector.broadcast %scan3A_50 : vector<2x1x1xi32> to vector<2x8x128xi32>
      %eq3A_54 = arith.cmpi eq, %add3A, %eq3A : vector<2x8x128xi32>
      %jit3A = arith.constant 0.000000e+00 : f32
      %broadcast_in_dim3A_55 = vector.broadcast %jit3A : f32 to vector<2x8x128xf32>
      %select_n3A = arith.select %eq3A_54, %get3A_2, %broadcast_in_dim3A_55 : vector<2x8x128xi1>, vector<2x8x128xf32>
      %reduce_sum3A = arith.constant dense<0.000000e+00> : vector<2xf32>
      %reduce_sum3A_56 = vector.multi_reduction <add>, %select_n3A, %reduce_sum3A [1, 2] : vector<2x8x128xf32> to vector<2xf32>
      %broadcast_in_dim3A_57 = vector.shape_cast %reduce_sum3A_56 : vector<2xf32> to vector<2x1x1xf32>
      %jit3A_58 = arith.constant 0.000000e+00 : f32
      %broadcast_in_dim3A_59 = vector.broadcast %jit3A_58 : f32 to vector<2x8x128xf32>
      %select_n3A_60 = arith.select %eq3A_54, %get3A_6, %broadcast_in_dim3A_59 : vector<2x8x128xi1>, vector<2x8x128xf32>
      %reduce_sum3A_61 = arith.constant dense<0.000000e+00> : vector<2xf32>
      %reduce_sum3A_62 = vector.multi_reduction <add>, %select_n3A_60, %reduce_sum3A_61 [1, 2] : vector<2x8x128xf32> to vector<2xf32>
      %broadcast_in_dim3A_63 = vector.shape_cast %reduce_sum3A_62 : vector<2xf32> to vector<2x1x1xf32>
      %jit3A_64 = arith.constant 0.000000e+00 : f32
      %broadcast_in_dim3A_65 = vector.broadcast %jit3A_64 : f32 to vector<2x8x128xf32>
      %select_n3A_66 = arith.select %eq3A_54, %get3A_10, %broadcast_in_dim3A_65 : vector<2x8x128xi1>, vector<2x8x128xf32>
      %reduce_sum3A_67 = arith.constant dense<0.000000e+00> : vector<2xf32>
      %reduce_sum3A_68 = vector.multi_reduction <add>, %select_n3A_66, %reduce_sum3A_67 [1, 2] : vector<2x8x128xf32> to vector<2xf32>
      %broadcast_in_dim3A_69 = vector.shape_cast %reduce_sum3A_68 : vector<2xf32> to vector<2x1x1xf32>
      %sub3A = vector.broadcast %broadcast_in_dim3A_57 : vector<2x1x1xf32> to vector<2x8x128xf32>
      %sub3A_70 = arith.subf %get3A_2, %sub3A : vector<2x8x128xf32>
      %sub3A_71 = vector.broadcast %broadcast_in_dim3A_63 : vector<2x1x1xf32> to vector<2x8x128xf32>
      %sub3A_72 = arith.subf %get3A_6, %sub3A_71 : vector<2x8x128xf32>
      %sub3A_73 = vector.broadcast %broadcast_in_dim3A_69 : vector<2x1x1xf32> to vector<2x8x128xf32>
      %sub3A_74 = arith.subf %get3A_10, %sub3A_73 : vector<2x8x128xf32>
      %mul3A_75 = arith.mulf %sub3A_70, %sub3A_70 : vector<2x8x128xf32>
      %mul3A_76 = arith.mulf %sub3A_72, %sub3A_72 : vector<2x8x128xf32>
      %add3A_77 = arith.addf %mul3A_75, %mul3A_76 : vector<2x8x128xf32>
      %mul3A_78 = arith.mulf %sub3A_74, %sub3A_74 : vector<2x8x128xf32>
      %add3A_79 = arith.addf %add3A_77, %mul3A_78 : vector<2x8x128xf32>
      %min3A = arith.minimumf %scan3A_49, %add3A_79 : vector<2x8x128xf32>
      %reduce_max3A = arith.constant dense<0xFF800000> : vector<2xf32>
      %reduce_max3A_80 = vector.multi_reduction <maximumf>, %min3A, %reduce_max3A [1, 2] : vector<2x8x128xf32> to vector<2xf32>
      %broadcast_in_dim3A_81 = vector.shape_cast %reduce_max3A_80 : vector<2xf32> to vector<2x1x1xf32>
      %eq3A_82 = vector.broadcast %broadcast_in_dim3A_81 : vector<2x1x1xf32> to vector<2x8x128xf32>
      %eq3A_83 = arith.cmpf oeq, %min3A, %eq3A_82 : vector<2x8x128xf32>
      %jit3A_84 = arith.constant 1024 : i32
      %broadcast_in_dim3A_85 = vector.broadcast %jit3A_84 : i32 to vector<2x8x128xi32>
      %select_n3A_86 = arith.select %eq3A_83, %add3A, %broadcast_in_dim3A_85 : vector<2x8x128xi1>, vector<2x8x128xi32>
      %reduce_min3A = arith.constant dense<2147483647> : vector<2xi32>
      %reduce_min3A_87 = vector.multi_reduction <minsi>, %select_n3A_86, %reduce_min3A [1, 2] : vector<2x8x128xi32> to vector<2xi32>
      %broadcast_in_dim3A_88 = vector.shape_cast %reduce_min3A_87 : vector<2xi32> to vector<2x1x1xi32>
      %eq3A_89 = vector.broadcast %scan3A_48 : i32 to vector<2x128xi32>
      %eq3A_90 = arith.cmpi eq, %iota3A_14, %eq3A_89 : vector<2x128xi32>
      %squeeze3A = vector.shape_cast %broadcast_in_dim3A_57 : vector<2x1x1xf32> to vector<2x1xf32>
      %broadcast_in_dim3A_91 = vector.shape_cast %squeeze3A : vector<2x1xf32> to vector<2x1xf32>
      %broadcast_in_dim3A_92 = vector.broadcast %broadcast_in_dim3A_91 : vector<2x1xf32> to vector<2x128xf32>
      %select_n3A_93 = arith.select %eq3A_90, %broadcast_in_dim3A_92, %scan3A_51 : vector<2x128xi1>, vector<2x128xf32>
      %squeeze3A_94 = vector.shape_cast %broadcast_in_dim3A_63 : vector<2x1x1xf32> to vector<2x1xf32>
      %broadcast_in_dim3A_95 = vector.shape_cast %squeeze3A_94 : vector<2x1xf32> to vector<2x1xf32>
      %broadcast_in_dim3A_96 = vector.broadcast %broadcast_in_dim3A_95 : vector<2x1xf32> to vector<2x128xf32>
      %select_n3A_97 = arith.select %eq3A_90, %broadcast_in_dim3A_96, %scan3A_52 : vector<2x128xi1>, vector<2x128xf32>
      %squeeze3A_98 = vector.shape_cast %broadcast_in_dim3A_69 : vector<2x1x1xf32> to vector<2x1xf32>
      %broadcast_in_dim3A_99 = vector.shape_cast %squeeze3A_98 : vector<2x1xf32> to vector<2x1xf32>
      %broadcast_in_dim3A_100 = vector.broadcast %broadcast_in_dim3A_99 : vector<2x1xf32> to vector<2x128xf32>
      %select_n3A_101 = arith.select %eq3A_90, %broadcast_in_dim3A_100, %scan3A_53 : vector<2x128xi1>, vector<2x128xf32>
      scf.yield %min3A, %broadcast_in_dim3A_88, %select_n3A_93, %select_n3A_97, %select_n3A_101 : vector<2x8x128xf32>, vector<2x1x1xi32>, vector<2x128xf32>, vector<2x128xf32>, vector<2x128xf32>
    }
    %scan3A_38 = arith.constant 128 : i32
    %swap3A_39 = arith.constant 0 : index
    %swap3A_40 = arith.constant 128 : index
    %swap3A_41 = vector.load %arg3[%swap3A_39, %swap3A_40] : memref<2x256xf32, #tpu.memory_space<vmem>>, vector<2x128xf32>
    tpu.vector_store %arg3[%swap3A_39, %swap3A_40], %scan3A_37#2 {strides = array<i32>} : memref<2x256xf32, #tpu.memory_space<vmem>>, vector<2x128xf32>,
    %swap3A_42 = arith.constant 0 : index
    %swap3A_43 = arith.constant 128 : index
    %swap3A_44 = vector.load %arg4[%swap3A_42, %swap3A_43] : memref<2x256xf32, #tpu.memory_space<vmem>>, vector<2x128xf32>
    tpu.vector_store %arg4[%swap3A_42, %swap3A_43], %scan3A_37#3 {strides = array<i32>} : memref<2x256xf32, #tpu.memory_space<vmem>>, vector<2x128xf32>,
    %swap3A_45 = arith.constant 0 : index
    %swap3A_46 = arith.constant 128 : index
    %swap3A_47 = vector.load %arg5[%swap3A_45, %swap3A_46] : memref<2x256xf32, #tpu.memory_space<vmem>>, vector<2x128xf32>
    tpu.vector_store %arg5[%swap3A_45, %swap3A_46], %scan3A_37#4 {strides = array<i32>} : memref<2x256xf32, #tpu.memory_space<vmem>>, vector<2x128xf32>,
    return
  }
}

module attributes {stable_mosaic.version = 14 : i64} {
  func.func @_sel_body(%arg0: i32, %arg1: i32, %arg2: memref<1x64x3xf32, #tpu.memory_space<vmem>>, %arg3: memref<1x3x1024xf32, #tpu.memory_space<vmem>>, %arg4: memref<1x64x1024xi32, #tpu.memory_space<vmem>>, %arg5: memref<1x64x16xi32, #tpu.memory_space<vmem>>, %arg6: memref<1x64x1xf32, #tpu.memory_space<vmem>>) attributes {dimension_semantics = [#tpu.dimension_semantics<arbitrary>, #tpu.dimension_semantics<arbitrary>], iteration_bounds = array<i64: 2, 4>, scalar_prefetch = 0 : i64, scratch_operands = 0 : i64, tpu.core_type = #tpu.core_type<tc>, window_params = [{transform_indices = @transform_0, window_bounds = array<i64: 1, 64, 3>}, {transform_indices = @transform_1, window_bounds = array<i64: 1, 3, 1024>}, {transform_indices = @transform_2, window_bounds = array<i64: 1, 64, 1024>}, {transform_indices = @transform_3, window_bounds = array<i64: 1, 64, 16>}, {transform_indices = @transform_4, window_bounds = array<i64: 1, 64, 1>}]} {
    %get3A = arith.constant 0 : index
    %get3A_0 = arith.constant 0 : index
    %get3A_1 = arith.constant 0 : index
    %get3A_2 = vector.load %arg2[%get3A, %get3A_0, %get3A_1] : memref<1x64x3xf32, #tpu.memory_space<vmem>>, vector<1x64x3xf32>
    %get3A_3 = vector.shape_cast %get3A_2 : vector<1x64x3xf32> to vector<64x3xf32>
    %get3A_4 = arith.constant 0 : index
    %get3A_5 = arith.constant 0 : index
    %get3A_6 = arith.constant 0 : index
    %get3A_7 = vector.load %arg3[%get3A_4, %get3A_5, %get3A_6] : memref<1x3x1024xf32, #tpu.memory_space<vmem>>, vector<1x3x1024xf32>
    %get3A_8 = vector.shape_cast %get3A_7 : vector<1x3x1024xf32> to vector<3x1024xf32>
    %slice3A = vector.extract_strided_slice %get3A_3 {offsets = [0, 0], sizes = [64, 1], strides = [1, 1]} : vector<64x3xf32> to vector<64x1xf32>
    %slice3A_9 = vector.extract_strided_slice %get3A_8 {offsets = [0, 0], sizes = [1, 1024], strides = [1, 1]} : vector<3x1024xf32> to vector<1x1024xf32>
    %sub3A = vector.broadcast %slice3A : vector<64x1xf32> to vector<64x1024xf32>
    %sub3A_10 = vector.broadcast %slice3A_9 : vector<1x1024xf32> to vector<64x1024xf32>
    %sub3A_11 = arith.subf %sub3A, %sub3A_10 : vector<64x1024xf32>
    %slice3A_12 = vector.extract_strided_slice %get3A_3 {offsets = [0, 1], sizes = [64, 1], strides = [1, 1]} : vector<64x3xf32> to vector<64x1xf32>
    %slice3A_13 = vector.extract_strided_slice %get3A_8 {offsets = [1, 0], sizes = [1, 1024], strides = [1, 1]} : vector<3x1024xf32> to vector<1x1024xf32>
    %sub3A_14 = vector.broadcast %slice3A_12 : vector<64x1xf32> to vector<64x1024xf32>
    %sub3A_15 = vector.broadcast %slice3A_13 : vector<1x1024xf32> to vector<64x1024xf32>
    %sub3A_16 = arith.subf %sub3A_14, %sub3A_15 : vector<64x1024xf32>
    %slice3A_17 = vector.extract_strided_slice %get3A_3 {offsets = [0, 2], sizes = [64, 1], strides = [1, 1]} : vector<64x3xf32> to vector<64x1xf32>
    %slice3A_18 = vector.extract_strided_slice %get3A_8 {offsets = [2, 0], sizes = [1, 1024], strides = [1, 1]} : vector<3x1024xf32> to vector<1x1024xf32>
    %sub3A_19 = vector.broadcast %slice3A_17 : vector<64x1xf32> to vector<64x1024xf32>
    %sub3A_20 = vector.broadcast %slice3A_18 : vector<1x1024xf32> to vector<64x1024xf32>
    %sub3A_21 = arith.subf %sub3A_19, %sub3A_20 : vector<64x1024xf32>
    %mul3A = arith.mulf %sub3A_11, %sub3A_11 : vector<64x1024xf32>
    %mul3A_22 = arith.mulf %sub3A_16, %sub3A_16 : vector<64x1024xf32>
    %add3A = arith.addf %mul3A, %mul3A_22 : vector<64x1024xf32>
    %mul3A_23 = arith.mulf %sub3A_21, %sub3A_21 : vector<64x1024xf32>
    %add3A_24 = arith.addf %add3A, %mul3A_23 : vector<64x1024xf32>
    %bitcast_convert_type3A = tpu.bitcast %add3A_24 : vector<64x1024xf32> -> vector<64x1024xi32>
    %swap3A = arith.constant 0 : index
    %swap3A_25 = arith.constant 0 : index
    %swap3A_26 = arith.constant 0 : index
    %swap3A_27 = vector.load %arg4[%swap3A, %swap3A_25, %swap3A_26] : memref<1x64x1024xi32, #tpu.memory_space<vmem>>, vector<1x64x1024xi32>
    %swap3A_28 = vector.shape_cast %swap3A_27 : vector<1x64x1024xi32> to vector<64x1024xi32>
    %swap3A_29 = vector.shape_cast %bitcast_convert_type3A : vector<64x1024xi32> to vector<1x64x1024xi32>
    tpu.vector_store %arg4[%swap3A, %swap3A_25, %swap3A_26], %swap3A_29 {strides = array<i32>} : memref<1x64x1024xi32, #tpu.memory_space<vmem>>, vector<1x64x1024xi32>,
    %broadcast_in_dim3A = arith.constant -1 : i32
    %broadcast_in_dim3A_30 = vector.broadcast %broadcast_in_dim3A : i32 to vector<64x1xi32>
    %broadcast_in_dim3A_31 = arith.constant 1025758987 : i32
    %broadcast_in_dim3A_32 = vector.broadcast %broadcast_in_dim3A_31 : i32 to vector<64x1xi32>
    %scan3A = arith.constant 0 : i32
    %scan3A_33 = arith.constant 31 : i32
    %scan3A_34 = arith.addi %scan3A, %scan3A_33 : i32
    %scan3A_35 = arith.constant 1 : i32
    %scan3A_36:2 = scf.for %scan3A_57 = %scan3A to %scan3A_34 step %scan3A_35 iter_args(%scan3A_58 = %broadcast_in_dim3A_30, %scan3A_59 = %broadcast_in_dim3A_32) -> (vector<64x1xi32>, vector<64x1xi32>)  : i32 {
      %add3A_60 = arith.addi %scan3A_58, %scan3A_59 : vector<64x1xi32>
      %shift_right_arithmetic3A = arith.constant 1 : i32
      %shift_right_arithmetic3A_61 = vector.broadcast %shift_right_arithmetic3A : i32 to vector<64x1xi32>
      %shift_right_arithmetic3A_62 = arith.shrsi %add3A_60, %shift_right_arithmetic3A_61 : vector<64x1xi32>
      %le3A_63 = vector.broadcast %shift_right_arithmetic3A_62 : vector<64x1xi32> to vector<64x1024xi32>
      %le3A_64 = arith.cmpi sle, %bitcast_convert_type3A, %le3A_63 : vector<64x1024xi32>
      %jit3A_65 = arith.constant 1.000000e+00 : f32
      %jit3A_66 = arith.constant 0.000000e+00 : f32
      %broadcast_in_dim3A_67 = vector.broadcast %jit3A_65 : f32 to vector<64x1024xf32>
      %broadcast_in_dim3A_68 = vector.broadcast %jit3A_66 : f32 to vector<64x1024xf32>
      %select_n3A_69 = arith.select %le3A_64, %broadcast_in_dim3A_67, %broadcast_in_dim3A_68 : vector<64x1024xi1>, vector<64x1024xf32>
      %reduce_sum3A_70 = arith.constant dense<0.000000e+00> : vector<64xf32>
      %reduce_sum3A_71 = vector.multi_reduction <add>, %select_n3A_69, %reduce_sum3A_70 [1] : vector<64x1024xf32> to vector<64xf32>
      %broadcast_in_dim3A_72 = vector.shape_cast %reduce_sum3A_71 : vector<64xf32> to vector<64x1xf32>
      %le3A_73 = arith.constant 6.400000e+01 : f32
      %le3A_74 = vector.broadcast %le3A_73 : f32 to vector<64x1xf32>
      %le3A_75 = arith.cmpf ole, %broadcast_in_dim3A_72, %le3A_74 : vector<64x1xf32>
      %select_n3A_76 = arith.select %le3A_75, %shift_right_arithmetic3A_62, %scan3A_58 : vector<64x1xi1>, vector<64x1xi32>
      %select_n3A_77 = arith.select %le3A_75, %scan3A_59, %shift_right_arithmetic3A_62 : vector<64x1xi1>, vector<64x1xi32>
      scf.yield %select_n3A_76, %select_n3A_77 : vector<64x1xi32>, vector<64x1xi32>
    }
    %le3A = vector.broadcast %scan3A_36#0 : vector<64x1xi32> to vector<64x1024xi32>
    %le3A_37 = arith.cmpi sle, %bitcast_convert_type3A, %le3A : vector<64x1024xi32>
    %jit3A = arith.constant 1.000000e+00 : f32
    %jit3A_38 = arith.constant 0.000000e+00 : f32
    %broadcast_in_dim3A_39 = vector.broadcast %jit3A : f32 to vector<64x1024xf32>
    %broadcast_in_dim3A_40 = vector.broadcast %jit3A_38 : f32 to vector<64x1024xf32>
    %select_n3A = arith.select %le3A_37, %broadcast_in_dim3A_39, %broadcast_in_dim3A_40 : vector<64x1024xi1>, vector<64x1024xf32>
    %reduce_sum3A = arith.constant dense<0.000000e+00> : vector<64xf32>
    %reduce_sum3A_41 = vector.multi_reduction <add>, %select_n3A, %reduce_sum3A [1] : vector<64x1024xf32> to vector<64xf32>
    %broadcast_in_dim3A_42 = vector.shape_cast %reduce_sum3A_41 : vector<64xf32> to vector<64x1xf32>
    %broadcast_in_dim3A_43 = vector.shape_cast %scan3A_36#0 : vector<64x1xi32> to vector<64x1xi32>
    %broadcast_in_dim3A_44 = vector.broadcast %broadcast_in_dim3A_43 : vector<64x1xi32> to vector<64x16xi32>
    %swap3A_45 = arith.constant 0 : index
    %swap3A_46 = arith.constant 0 : index
    %swap3A_47 = arith.constant 0 : index
    %swap3A_48 = vector.load %arg5[%swap3A_45, %swap3A_46, %swap3A_47] : memref<1x64x16xi32, #tpu.memory_space<vmem>>, vector<1x64x16xi32>
    %swap3A_49 = vector.shape_cast %swap3A_48 : vector<1x64x16xi32> to vector<64x16xi32>
    %swap3A_50 = vector.shape_cast %broadcast_in_dim3A_44 : vector<64x16xi32> to vector<1x64x16xi32>
    tpu.vector_store %arg5[%swap3A_45, %swap3A_46, %swap3A_47], %swap3A_50 {strides = array<i32>} : memref<1x64x16xi32, #tpu.memory_space<vmem>>, vector<1x64x16xi32>,
    %swap3A_51 = arith.constant 0 : index
    %swap3A_52 = arith.constant 0 : index
    %swap3A_53 = arith.constant 0 : index
    %swap3A_54 = vector.load %arg6[%swap3A_51, %swap3A_52, %swap3A_53] : memref<1x64x1xf32, #tpu.memory_space<vmem>>, vector<1x64x1xf32>
    %swap3A_55 = vector.shape_cast %swap3A_54 : vector<1x64x1xf32> to vector<64x1xf32>
    %swap3A_56 = vector.shape_cast %broadcast_in_dim3A_42 : vector<64x1xf32> to vector<1x64x1xf32>
    tpu.vector_store %arg6[%swap3A_51, %swap3A_52, %swap3A_53], %swap3A_56 {strides = array<i32>} : memref<1x64x1xf32, #tpu.memory_space<vmem>>, vector<1x64x1xf32>,
    return
  }
  func.func @transform_0(%arg0: i32, %arg1: i32) -> (i32, i32, i32) {
    %c0_i32 = arith.constant 0 : i32
    %c0_i32_0 = arith.constant 0 : i32
    return %arg0, %arg1, %c0_i32 : i32, i32, i32
  }
  func.func @transform_1(%arg0: i32, %arg1: i32) -> (i32, i32, i32) {
    %c0_i32 = arith.constant 0 : i32
    %c0_i32_0 = arith.constant 0 : i32
    %c0_i32_1 = arith.constant 0 : i32
    return %arg0, %c0_i32, %c0_i32_0 : i32, i32, i32
  }
  func.func @transform_2(%arg0: i32, %arg1: i32) -> (i32, i32, i32) {
    %c0_i32 = arith.constant 0 : i32
    %c0_i32_0 = arith.constant 0 : i32
    return %arg0, %arg1, %c0_i32 : i32, i32, i32
  }
  func.func @transform_3(%arg0: i32, %arg1: i32) -> (i32, i32, i32) {
    %c0_i32 = arith.constant 0 : i32
    %c0_i32_0 = arith.constant 0 : i32
    return %arg0, %arg1, %c0_i32 : i32, i32, i32
  }
  func.func @transform_4(%arg0: i32, %arg1: i32) -> (i32, i32, i32) {
    %c0_i32 = arith.constant 0 : i32
    %c0_i32_0 = arith.constant 0 : i32
    return %arg0, %arg1, %c0_i32 : i32, i32, i32
  }
}

module attributes {stable_mosaic.version = 14 : i64} {
  func.func @_mlp_body(%arg0: i32, %arg1: i32, %arg2: memref<1x8192x64xf32, #tpu.memory_space<vmem>>, %arg3: memref<1x128x1xf32, #tpu.memory_space<vmem>>, %arg4: memref<1x128x3xf32, #tpu.memory_space<vmem>>, %arg5: memref<3x64xf32, #tpu.memory_space<vmem>>, %arg6: memref<64x64xf32, #tpu.memory_space<vmem>>, %arg7: memref<1x64xf32, #tpu.memory_space<vmem>>, %arg8: memref<64x128xf32, #tpu.memory_space<vmem>>, %arg9: memref<1x128xf32, #tpu.memory_space<vmem>>, %arg10: memref<1x128xf32, #tpu.memory_space<vmem>>, %arg11: memref<1x128xf32, #tpu.memory_space<vmem>>, %arg12: memref<1x128x128xf32, #tpu.memory_space<vmem>>) attributes {dimension_semantics = [#tpu.dimension_semantics<arbitrary>, #tpu.dimension_semantics<arbitrary>], iteration_bounds = array<i64: 2, 8>, scalar_prefetch = 0 : i64, scratch_operands = 0 : i64, tpu.core_type = #tpu.core_type<tc>, window_params = [{transform_indices = @transform_0, window_bounds = array<i64: 1, 8192, 64>}, {transform_indices = @transform_1, window_bounds = array<i64: 1, 128, 1>}, {transform_indices = @transform_2, window_bounds = array<i64: 1, 128, 3>}, {pipeline_mode = #tpu.pipeline_mode<synchronous>, transform_indices = @transform_3, window_bounds = array<i64: 3, 64>}, {pipeline_mode = #tpu.pipeline_mode<synchronous>, transform_indices = @transform_4, window_bounds = array<i64: 64, 64>}, {pipeline_mode = #tpu.pipeline_mode<synchronous>, transform_indices = @transform_5, window_bounds = array<i64: 1, 64>}, {pipeline_mode = #tpu.pipeline_mode<synchronous>, transform_indices = @transform_6, window_bounds = array<i64: 64, 128>}, {pipeline_mode = #tpu.pipeline_mode<synchronous>, transform_indices = @transform_7, window_bounds = array<i64: 1, 128>}, {pipeline_mode = #tpu.pipeline_mode<synchronous>, transform_indices = @transform_8, window_bounds = array<i64: 1, 128>}, {pipeline_mode = #tpu.pipeline_mode<synchronous>, transform_indices = @transform_9, window_bounds = array<i64: 1, 128>}, {transform_indices = @transform_10, window_bounds = array<i64: 1, 128, 128>}]} {
    %get3A = arith.constant 0 : index
    %get3A_0 = arith.constant 0 : index
    %get3A_1 = arith.constant 0 : index
    %get3A_2 = vector.load %arg4[%get3A, %get3A_0, %get3A_1] : memref<1x128x3xf32, #tpu.memory_space<vmem>>, vector<1x128x3xf32>
    %get3A_3 = vector.shape_cast %get3A_2 : vector<1x128x3xf32> to vector<128x3xf32>
    %get3A_4 = arith.constant 0 : index
    %get3A_5 = arith.constant 0 : index
    %get3A_6 = vector.load %arg5[%get3A_4, %get3A_5] : memref<3x64xf32, #tpu.memory_space<vmem>>, vector<3x64xf32>
    %dot_general3A = arith.constant dense<0.000000e+00> : vector<128x64xf32>
    %dot_general3A_7 = tpu.matmul %get3A_3, %get3A_6, %dot_general3A {dimension_numbers = #tpu.dot_dimension_numbers<[1], [0], [0], [1], [0, 0, 1, 1], [], []>, transpose_lhs_hint = false} : vector<128x3xf32>, vector<3x64xf32>, vector<128x64xf32> -> vector<128x64xf32>
    %get3A_8 = arith.constant 0 : index
    %get3A_9 = arith.constant 0 : index
    %get3A_10 = arith.constant 0 : index
    %get3A_11 = vector.load %arg2[%get3A_8, %get3A_9, %get3A_10] : memref<1x8192x64xf32, #tpu.memory_space<vmem>>, vector<1x8192x64xf32>
    %get3A_12 = vector.shape_cast %get3A_11 : vector<1x8192x64xf32> to vector<8192x64xf32>
    %reshape3A = vector.shape_cast %get3A_12 : vector<8192x64xf32> to vector<128x64x64xf32>
    %broadcast_in_dim3A = vector.shape_cast %dot_general3A_7 : vector<128x64xf32> to vector<128x1x64xf32>
    %sub3A = vector.broadcast %broadcast_in_dim3A : vector<128x1x64xf32> to vector<128x64x64xf32>
    %sub3A_13 = arith.subf %reshape3A, %sub3A : vector<128x64x64xf32>
    %max3A = arith.constant 0.000000e+00 : f32
    %max3A_14 = vector.broadcast %max3A : f32 to vector<128x64x64xf32>
    %max3A_15 = arith.maximumf %sub3A_13, %max3A_14 : vector<128x64x64xf32>
    %reshape3A_16 = vector.shape_cast %max3A_15 : vector<128x64x64xf32> to vector<8192x64xf32>
    %get3A_17 = arith.constant 0 : index
    %get3A_18 = arith.constant 0 : index
    %get3A_19 = vector.load %arg6[%get3A_17, %get3A_18] : memref<64x64xf32, #tpu.memory_space<vmem>>, vector<64x64xf32>
    %dot_general3A_20 = arith.constant dense<0.000000e+00> : vector<8192x64xf32>
    %dot_general3A_21 = tpu.matmul %reshape3A_16, %get3A_19, %dot_general3A_20 {dimension_numbers = #tpu.dot_dimension_numbers<[1], [0], [0], [1], [0, 0, 1, 1], [], []>, transpose_lhs_hint = false} : vector<8192x64xf32>, vector<64x64xf32>, vector<8192x64xf32> -> vector<8192x64xf32>
    %get3A_22 = arith.constant 0 : index
    %get3A_23 = arith.constant 0 : index
    %get3A_24 = vector.load %arg7[%get3A_22, %get3A_23] : memref<1x64xf32, #tpu.memory_space<vmem>>, vector<1x64xf32>
    %add3A = vector.broadcast %get3A_24 : vector<1x64xf32> to vector<8192x64xf32>
    %add3A_25 = arith.addf %dot_general3A_21, %add3A : vector<8192x64xf32>
    %max3A_26 = arith.constant 0.000000e+00 : f32
    %max3A_27 = vector.broadcast %max3A_26 : f32 to vector<8192x64xf32>
    %max3A_28 = arith.maximumf %add3A_25, %max3A_27 : vector<8192x64xf32>
    %get3A_29 = arith.constant 0 : index
    %get3A_30 = arith.constant 0 : index
    %get3A_31 = vector.load %arg8[%get3A_29, %get3A_30] : memref<64x128xf32, #tpu.memory_space<vmem>>, vector<64x128xf32>
    %dot_general3A_32 = arith.constant dense<0.000000e+00> : vector<8192x128xf32>
    %dot_general3A_33 = tpu.matmul %max3A_28, %get3A_31, %dot_general3A_32 {dimension_numbers = #tpu.dot_dimension_numbers<[1], [0], [0], [1], [0, 0, 1, 1], [], []>, transpose_lhs_hint = false} : vector<8192x64xf32>, vector<64x128xf32>, vector<8192x128xf32> -> vector<8192x128xf32>
    %get3A_34 = arith.constant 0 : index
    %get3A_35 = arith.constant 0 : index
    %get3A_36 = vector.load %arg9[%get3A_34, %get3A_35] : memref<1x128xf32, #tpu.memory_space<vmem>>, vector<1x128xf32>
    %add3A_37 = vector.broadcast %get3A_36 : vector<1x128xf32> to vector<8192x128xf32>
    %add3A_38 = arith.addf %dot_general3A_33, %add3A_37 : vector<8192x128xf32>
    %max3A_39 = arith.constant 0.000000e+00 : f32
    %max3A_40 = vector.broadcast %max3A_39 : f32 to vector<8192x128xf32>
    %max3A_41 = arith.maximumf %add3A_38, %max3A_40 : vector<8192x128xf32>
    %get3A_42 = arith.constant 0 : index
    %get3A_43 = arith.constant 0 : index
    %get3A_44 = vector.load %arg10[%get3A_42, %get3A_43] : memref<1x128xf32, #tpu.memory_space<vmem>>, vector<1x128xf32>
    %mul3A = vector.broadcast %get3A_44 : vector<1x128xf32> to vector<8192x128xf32>
    %mul3A_45 = arith.mulf %max3A_41, %mul3A : vector<8192x128xf32>
    %get3A_46 = arith.constant 0 : index
    %get3A_47 = arith.constant 0 : index
    %get3A_48 = vector.load %arg11[%get3A_46, %get3A_47] : memref<1x128xf32, #tpu.memory_space<vmem>>, vector<1x128xf32>
    %add3A_49 = vector.broadcast %get3A_48 : vector<1x128xf32> to vector<8192x128xf32>
    %add3A_50 = arith.addf %mul3A_45, %add3A_49 : vector<8192x128xf32>
    %reshape3A_51 = vector.shape_cast %add3A_50 : vector<8192x128xf32> to vector<128x64x128xf32>
    %slice3A = vector.extract_strided_slice %reshape3A_51 {offsets = [0, 0, 0], sizes = [128, 32, 128], strides = [1, 1, 1]} : vector<128x64x128xf32> to vector<128x32x128xf32>
    %slice3A_52 = vector.extract_strided_slice %reshape3A_51 {offsets = [0, 32, 0], sizes = [128, 32, 128], strides = [1, 1, 1]} : vector<128x64x128xf32> to vector<128x32x128xf32>
    %max3A_53 = arith.maximumf %slice3A, %slice3A_52 : vector<128x32x128xf32>
    %slice3A_54 = vector.extract_strided_slice %max3A_53 {offsets = [0, 0, 0], sizes = [128, 16, 128], strides = [1, 1, 1]} : vector<128x32x128xf32> to vector<128x16x128xf32>
    %slice3A_55 = vector.extract_strided_slice %max3A_53 {offsets = [0, 16, 0], sizes = [128, 16, 128], strides = [1, 1, 1]} : vector<128x32x128xf32> to vector<128x16x128xf32>
    %max3A_56 = arith.maximumf %slice3A_54, %slice3A_55 : vector<128x16x128xf32>
    %slice3A_57 = vector.extract_strided_slice %max3A_56 {offsets = [0, 0, 0], sizes = [128, 8, 128], strides = [1, 1, 1]} : vector<128x16x128xf32> to vector<128x8x128xf32>
    %slice3A_58 = vector.extract_strided_slice %max3A_56 {offsets = [0, 8, 0], sizes = [128, 8, 128], strides = [1, 1, 1]} : vector<128x16x128xf32> to vector<128x8x128xf32>
    %max3A_59 = arith.maximumf %slice3A_57, %slice3A_58 : vector<128x8x128xf32>
    %slice3A_60 = vector.extract_strided_slice %max3A_59 {offsets = [0, 0, 0], sizes = [128, 4, 128], strides = [1, 1, 1]} : vector<128x8x128xf32> to vector<128x4x128xf32>
    %slice3A_61 = vector.extract_strided_slice %max3A_59 {offsets = [0, 4, 0], sizes = [128, 4, 128], strides = [1, 1, 1]} : vector<128x8x128xf32> to vector<128x4x128xf32>
    %max3A_62 = arith.maximumf %slice3A_60, %slice3A_61 : vector<128x4x128xf32>
    %slice3A_63 = vector.extract_strided_slice %max3A_62 {offsets = [0, 0, 0], sizes = [128, 2, 128], strides = [1, 1, 1]} : vector<128x4x128xf32> to vector<128x2x128xf32>
    %slice3A_64 = vector.extract_strided_slice %max3A_62 {offsets = [0, 2, 0], sizes = [128, 2, 128], strides = [1, 1, 1]} : vector<128x4x128xf32> to vector<128x2x128xf32>
    %max3A_65 = arith.maximumf %slice3A_63, %slice3A_64 : vector<128x2x128xf32>
    %slice3A_66 = vector.extract_strided_slice %max3A_65 {offsets = [0, 0, 0], sizes = [128, 1, 128], strides = [1, 1, 1]} : vector<128x2x128xf32> to vector<128x1x128xf32>
    %slice3A_67 = vector.extract_strided_slice %max3A_65 {offsets = [0, 1, 0], sizes = [128, 1, 128], strides = [1, 1, 1]} : vector<128x2x128xf32> to vector<128x1x128xf32>
    %max3A_68 = arith.maximumf %slice3A_66, %slice3A_67 : vector<128x1x128xf32>
    %reshape3A_69 = vector.shape_cast %max3A_68 : vector<128x1x128xf32> to vector<128x128xf32>
    %get3A_70 = arith.constant 0 : index
    %get3A_71 = arith.constant 0 : index
    %get3A_72 = arith.constant 0 : index
    %get3A_73 = vector.load %arg3[%get3A_70, %get3A_71, %get3A_72] : memref<1x128x1xf32, #tpu.memory_space<vmem>>, vector<1x128x1xf32>
    %get3A_74 = vector.shape_cast %get3A_73 : vector<1x128x1xf32> to vector<128x1xf32>
    %gt3A = arith.constant 0.000000e+00 : f32
    %gt3A_75 = vector.broadcast %gt3A : f32 to vector<128x1xf32>
    %gt3A_76 = arith.cmpf ogt, %get3A_74, %gt3A_75 : vector<128x1xf32>
    %jit3A = arith.constant 0.000000e+00 : f32
    %broadcast_in_dim3A_77 = vector.shape_cast %gt3A_76 : vector<128x1xi1> to vector<128x1xi1>
    %broadcast_in_dim3A_78 = vector.broadcast %broadcast_in_dim3A_77 : vector<128x1xi1> to vector<128x128xi1>
    %broadcast_in_dim3A_79 = vector.broadcast %jit3A : f32 to vector<128x128xf32>
    %select_n3A = arith.select %broadcast_in_dim3A_78, %reshape3A_69, %broadcast_in_dim3A_79 : vector<128x128xi1>, vector<128x128xf32>
    %swap3A = arith.constant 0 : index
    %swap3A_80 = arith.constant 0 : index
    %swap3A_81 = arith.constant 0 : index
    %swap3A_82 = vector.load %arg12[%swap3A, %swap3A_80, %swap3A_81] : memref<1x128x128xf32, #tpu.memory_space<vmem>>, vector<1x128x128xf32>
    %swap3A_83 = vector.shape_cast %swap3A_82 : vector<1x128x128xf32> to vector<128x128xf32>
    %swap3A_84 = vector.shape_cast %select_n3A : vector<128x128xf32> to vector<1x128x128xf32>
    tpu.vector_store %arg12[%swap3A, %swap3A_80, %swap3A_81], %swap3A_84 {strides = array<i32>} : memref<1x128x128xf32, #tpu.memory_space<vmem>>, vector<1x128x128xf32>,
    return
  }
  func.func @transform_0(%arg0: i32, %arg1: i32) -> (i32, i32, i32) {
    %c0_i32 = arith.constant 0 : i32
    %c0_i32_0 = arith.constant 0 : i32
    return %arg0, %arg1, %c0_i32 : i32, i32, i32
  }
  func.func @transform_1(%arg0: i32, %arg1: i32) -> (i32, i32, i32) {
    %c0_i32 = arith.constant 0 : i32
    %c0_i32_0 = arith.constant 0 : i32
    return %arg0, %arg1, %c0_i32 : i32, i32, i32
  }
  func.func @transform_2(%arg0: i32, %arg1: i32) -> (i32, i32, i32) {
    %c0_i32 = arith.constant 0 : i32
    %c0_i32_0 = arith.constant 0 : i32
    return %arg0, %arg1, %c0_i32 : i32, i32, i32
  }
  func.func @transform_3(%arg0: i32, %arg1: i32) -> (i32, i32) {
    %c0_i32 = arith.constant 0 : i32
    %c0_i32_0 = arith.constant 0 : i32
    %c0_i32_1 = arith.constant 0 : i32
    return %c0_i32, %c0_i32_0 : i32, i32
  }
  func.func @transform_4(%arg0: i32, %arg1: i32) -> (i32, i32) {
    %c0_i32 = arith.constant 0 : i32
    %c0_i32_0 = arith.constant 0 : i32
    %c0_i32_1 = arith.constant 0 : i32
    return %c0_i32, %c0_i32_0 : i32, i32
  }
  func.func @transform_5(%arg0: i32, %arg1: i32) -> (i32, i32) {
    %c0_i32 = arith.constant 0 : i32
    %c0_i32_0 = arith.constant 0 : i32
    %c0_i32_1 = arith.constant 0 : i32
    return %c0_i32, %c0_i32_0 : i32, i32
  }
  func.func @transform_6(%arg0: i32, %arg1: i32) -> (i32, i32) {
    %c0_i32 = arith.constant 0 : i32
    %c0_i32_0 = arith.constant 0 : i32
    %c0_i32_1 = arith.constant 0 : i32
    return %c0_i32, %c0_i32_0 : i32, i32
  }
  func.func @transform_7(%arg0: i32, %arg1: i32) -> (i32, i32) {
    %c0_i32 = arith.constant 0 : i32
    %c0_i32_0 = arith.constant 0 : i32
    %c0_i32_1 = arith.constant 0 : i32
    return %c0_i32, %c0_i32_0 : i32, i32
  }
  func.func @transform_8(%arg0: i32, %arg1: i32) -> (i32, i32) {
    %c0_i32 = arith.constant 0 : i32
    %c0_i32_0 = arith.constant 0 : i32
    %c0_i32_1 = arith.constant 0 : i32
    return %c0_i32, %c0_i32_0 : i32, i32
  }
  func.func @transform_9(%arg0: i32, %arg1: i32) -> (i32, i32) {
    %c0_i32 = arith.constant 0 : i32
    %c0_i32_0 = arith.constant 0 : i32
    %c0_i32_1 = arith.constant 0 : i32
    return %c0_i32, %c0_i32_0 : i32, i32
  }
  func.func @transform_10(%arg0: i32, %arg1: i32) -> (i32, i32, i32) {
    %c0_i32 = arith.constant 0 : i32
    %c0_i32_0 = arith.constant 0 : i32
    return %arg0, %arg1, %c0_i32 : i32, i32, i32
  }
}

module attributes {stable_mosaic.version = 14 : i64} {
  func.func @_lin1_body(%arg0: memref<2048x128xf32, #tpu.memory_space<vmem>>, %arg1: memref<2048x3xf32, #tpu.memory_space<vmem>>, %arg2: memref<128x64xf32, #tpu.memory_space<vmem>>, %arg3: memref<3x64xf32, #tpu.memory_space<vmem>>, %arg4: memref<1x64xf32, #tpu.memory_space<vmem>>, %arg5: memref<2048x64xf32, #tpu.memory_space<vmem>>) attributes {dimension_semantics = [], scalar_prefetch = 0 : i64, scratch_operands = 0 : i64, tpu.core_type = #tpu.core_type<tc>} {
    %get3A = arith.constant 0 : index
    %get3A_0 = arith.constant 0 : index
    %get3A_1 = vector.load %arg0[%get3A, %get3A_0] : memref<2048x128xf32, #tpu.memory_space<vmem>>, vector<2048x128xf32>
    %get3A_2 = arith.constant 0 : index
    %get3A_3 = arith.constant 0 : index
    %get3A_4 = vector.load %arg2[%get3A_2, %get3A_3] : memref<128x64xf32, #tpu.memory_space<vmem>>, vector<128x64xf32>
    %dot_general3A = arith.constant dense<0.000000e+00> : vector<2048x64xf32>
    %dot_general3A_5 = tpu.matmul %get3A_1, %get3A_4, %dot_general3A {dimension_numbers = #tpu.dot_dimension_numbers<[1], [0], [0], [1], [0, 0, 1, 1], [], []>, transpose_lhs_hint = false} : vector<2048x128xf32>, vector<128x64xf32>, vector<2048x64xf32> -> vector<2048x64xf32>
    %get3A_6 = arith.constant 0 : index
    %get3A_7 = arith.constant 0 : index
    %get3A_8 = vector.load %arg1[%get3A_6, %get3A_7] : memref<2048x3xf32, #tpu.memory_space<vmem>>, vector<2048x3xf32>
    %slice3A = vector.extract_strided_slice %get3A_8 {offsets = [0, 0], sizes = [2048, 1], strides = [1, 1]} : vector<2048x3xf32> to vector<2048x1xf32>
    %get3A_9 = arith.constant 0 : index
    %get3A_10 = arith.constant 0 : index
    %get3A_11 = vector.load %arg3[%get3A_9, %get3A_10] : memref<3x64xf32, #tpu.memory_space<vmem>>, vector<1x64xf32>
    %mul3A = vector.broadcast %slice3A : vector<2048x1xf32> to vector<2048x64xf32>
    %mul3A_12 = vector.broadcast %get3A_11 : vector<1x64xf32> to vector<2048x64xf32>
    %mul3A_13 = arith.mulf %mul3A, %mul3A_12 : vector<2048x64xf32>
    %add3A = arith.addf %dot_general3A_5, %mul3A_13 : vector<2048x64xf32>
    %slice3A_14 = vector.extract_strided_slice %get3A_8 {offsets = [0, 1], sizes = [2048, 1], strides = [1, 1]} : vector<2048x3xf32> to vector<2048x1xf32>
    %get3A_15 = arith.constant 1 : index
    %get3A_16 = arith.constant 0 : index
    %get3A_17 = vector.load %arg3[%get3A_15, %get3A_16] : memref<3x64xf32, #tpu.memory_space<vmem>>, vector<1x64xf32>
    %mul3A_18 = vector.broadcast %slice3A_14 : vector<2048x1xf32> to vector<2048x64xf32>
    %mul3A_19 = vector.broadcast %get3A_17 : vector<1x64xf32> to vector<2048x64xf32>
    %mul3A_20 = arith.mulf %mul3A_18, %mul3A_19 : vector<2048x64xf32>
    %add3A_21 = arith.addf %add3A, %mul3A_20 : vector<2048x64xf32>
    %slice3A_22 = vector.extract_strided_slice %get3A_8 {offsets = [0, 2], sizes = [2048, 1], strides = [1, 1]} : vector<2048x3xf32> to vector<2048x1xf32>
    %get3A_23 = arith.constant 2 : index
    %get3A_24 = arith.constant 0 : index
    %get3A_25 = vector.load %arg3[%get3A_23, %get3A_24] : memref<3x64xf32, #tpu.memory_space<vmem>>, vector<1x64xf32>
    %mul3A_26 = vector.broadcast %slice3A_22 : vector<2048x1xf32> to vector<2048x64xf32>
    %mul3A_27 = vector.broadcast %get3A_25 : vector<1x64xf32> to vector<2048x64xf32>
    %mul3A_28 = arith.mulf %mul3A_26, %mul3A_27 : vector<2048x64xf32>
    %add3A_29 = arith.addf %add3A_21, %mul3A_28 : vector<2048x64xf32>
    %get3A_30 = arith.constant 0 : index
    %get3A_31 = arith.constant 0 : index
    %get3A_32 = vector.load %arg4[%get3A_30, %get3A_31] : memref<1x64xf32, #tpu.memory_space<vmem>>, vector<1x64xf32>
    %add3A_33 = vector.broadcast %get3A_32 : vector<1x64xf32> to vector<2048x64xf32>
    %add3A_34 = arith.addf %add3A_29, %add3A_33 : vector<2048x64xf32>
    %swap3A = arith.constant 0 : index
    %swap3A_35 = arith.constant 0 : index
    %swap3A_36 = vector.load %arg5[%swap3A, %swap3A_35] : memref<2048x64xf32, #tpu.memory_space<vmem>>, vector<2048x64xf32>
    tpu.vector_store %arg5[%swap3A, %swap3A_35], %add3A_34 {strides = array<i32>} : memref<2048x64xf32, #tpu.memory_space<vmem>>, vector<2048x64xf32>,
    return
  }
}

module attributes {stable_mosaic.version = 14 : i64} {
  func.func @_sel_body(%arg0: i32, %arg1: i32, %arg2: memref<1x64x3xf32, #tpu.memory_space<vmem>>, %arg3: memref<1x3x1024xf32, #tpu.memory_space<vmem>>, %arg4: memref<1x64x1024xi32, #tpu.memory_space<vmem>>, %arg5: memref<1x64x16xi32, #tpu.memory_space<vmem>>, %arg6: memref<1x64x1xf32, #tpu.memory_space<vmem>>) attributes {dimension_semantics = [#tpu.dimension_semantics<arbitrary>, #tpu.dimension_semantics<arbitrary>], iteration_bounds = array<i64: 2, 4>, scalar_prefetch = 0 : i64, scratch_operands = 0 : i64, tpu.core_type = #tpu.core_type<tc>, window_params = [{transform_indices = @transform_0, window_bounds = array<i64: 1, 64, 3>}, {transform_indices = @transform_1, window_bounds = array<i64: 1, 3, 1024>}, {transform_indices = @transform_2, window_bounds = array<i64: 1, 64, 1024>}, {transform_indices = @transform_3, window_bounds = array<i64: 1, 64, 16>}, {transform_indices = @transform_4, window_bounds = array<i64: 1, 64, 1>}]} {
    %get3A = arith.constant 0 : index
    %get3A_0 = arith.constant 0 : index
    %get3A_1 = arith.constant 0 : index
    %get3A_2 = vector.load %arg2[%get3A, %get3A_0, %get3A_1] : memref<1x64x3xf32, #tpu.memory_space<vmem>>, vector<1x64x3xf32>
    %get3A_3 = vector.shape_cast %get3A_2 : vector<1x64x3xf32> to vector<64x3xf32>
    %get3A_4 = arith.constant 0 : index
    %get3A_5 = arith.constant 0 : index
    %get3A_6 = arith.constant 0 : index
    %get3A_7 = vector.load %arg3[%get3A_4, %get3A_5, %get3A_6] : memref<1x3x1024xf32, #tpu.memory_space<vmem>>, vector<1x3x1024xf32>
    %get3A_8 = vector.shape_cast %get3A_7 : vector<1x3x1024xf32> to vector<3x1024xf32>
    %slice3A = vector.extract_strided_slice %get3A_3 {offsets = [0, 0], sizes = [64, 1], strides = [1, 1]} : vector<64x3xf32> to vector<64x1xf32>
    %slice3A_9 = vector.extract_strided_slice %get3A_8 {offsets = [0, 0], sizes = [1, 1024], strides = [1, 1]} : vector<3x1024xf32> to vector<1x1024xf32>
    %sub3A = vector.broadcast %slice3A : vector<64x1xf32> to vector<64x1024xf32>
    %sub3A_10 = vector.broadcast %slice3A_9 : vector<1x1024xf32> to vector<64x1024xf32>
    %sub3A_11 = arith.subf %sub3A, %sub3A_10 : vector<64x1024xf32>
    %slice3A_12 = vector.extract_strided_slice %get3A_3 {offsets = [0, 1], sizes = [64, 1], strides = [1, 1]} : vector<64x3xf32> to vector<64x1xf32>
    %slice3A_13 = vector.extract_strided_slice %get3A_8 {offsets = [1, 0], sizes = [1, 1024], strides = [1, 1]} : vector<3x1024xf32> to vector<1x1024xf32>
    %sub3A_14 = vector.broadcast %slice3A_12 : vector<64x1xf32> to vector<64x1024xf32>
    %sub3A_15 = vector.broadcast %slice3A_13 : vector<1x1024xf32> to vector<64x1024xf32>
    %sub3A_16 = arith.subf %sub3A_14, %sub3A_15 : vector<64x1024xf32>
    %slice3A_17 = vector.extract_strided_slice %get3A_3 {offsets = [0, 2], sizes = [64, 1], strides = [1, 1]} : vector<64x3xf32> to vector<64x1xf32>
    %slice3A_18 = vector.extract_strided_slice %get3A_8 {offsets = [2, 0], sizes = [1, 1024], strides = [1, 1]} : vector<3x1024xf32> to vector<1x1024xf32>
    %sub3A_19 = vector.broadcast %slice3A_17 : vector<64x1xf32> to vector<64x1024xf32>
    %sub3A_20 = vector.broadcast %slice3A_18 : vector<1x1024xf32> to vector<64x1024xf32>
    %sub3A_21 = arith.subf %sub3A_19, %sub3A_20 : vector<64x1024xf32>
    %mul3A = arith.mulf %sub3A_11, %sub3A_11 : vector<64x1024xf32>
    %mul3A_22 = arith.mulf %sub3A_16, %sub3A_16 : vector<64x1024xf32>
    %add3A = arith.addf %mul3A, %mul3A_22 : vector<64x1024xf32>
    %mul3A_23 = arith.mulf %sub3A_21, %sub3A_21 : vector<64x1024xf32>
    %add3A_24 = arith.addf %add3A, %mul3A_23 : vector<64x1024xf32>
    %bitcast_convert_type3A = tpu.bitcast %add3A_24 : vector<64x1024xf32> -> vector<64x1024xi32>
    %swap3A = arith.constant 0 : index
    %swap3A_25 = arith.constant 0 : index
    %swap3A_26 = arith.constant 0 : index
    %swap3A_27 = vector.load %arg4[%swap3A, %swap3A_25, %swap3A_26] : memref<1x64x1024xi32, #tpu.memory_space<vmem>>, vector<1x64x1024xi32>
    %swap3A_28 = vector.shape_cast %swap3A_27 : vector<1x64x1024xi32> to vector<64x1024xi32>
    %swap3A_29 = vector.shape_cast %bitcast_convert_type3A : vector<64x1024xi32> to vector<1x64x1024xi32>
    tpu.vector_store %arg4[%swap3A, %swap3A_25, %swap3A_26], %swap3A_29 {strides = array<i32>} : memref<1x64x1024xi32, #tpu.memory_space<vmem>>, vector<1x64x1024xi32>,
    %broadcast_in_dim3A = arith.constant -1 : i32
    %broadcast_in_dim3A_30 = vector.broadcast %broadcast_in_dim3A : i32 to vector<64x1xi32>
    %broadcast_in_dim3A_31 = arith.constant 1042536203 : i32
    %broadcast_in_dim3A_32 = vector.broadcast %broadcast_in_dim3A_31 : i32 to vector<64x1xi32>
    %scan3A = arith.constant 0 : i32
    %scan3A_33 = arith.constant 31 : i32
    %scan3A_34 = arith.addi %scan3A, %scan3A_33 : i32
    %scan3A_35 = arith.constant 1 : i32
    %scan3A_36:2 = scf.for %scan3A_57 = %scan3A to %scan3A_34 step %scan3A_35 iter_args(%scan3A_58 = %broadcast_in_dim3A_30, %scan3A_59 = %broadcast_in_dim3A_32) -> (vector<64x1xi32>, vector<64x1xi32>)  : i32 {
      %add3A_60 = arith.addi %scan3A_58, %scan3A_59 : vector<64x1xi32>
      %shift_right_arithmetic3A = arith.constant 1 : i32
      %shift_right_arithmetic3A_61 = vector.broadcast %shift_right_arithmetic3A : i32 to vector<64x1xi32>
      %shift_right_arithmetic3A_62 = arith.shrsi %add3A_60, %shift_right_arithmetic3A_61 : vector<64x1xi32>
      %le3A_63 = vector.broadcast %shift_right_arithmetic3A_62 : vector<64x1xi32> to vector<64x1024xi32>
      %le3A_64 = arith.cmpi sle, %bitcast_convert_type3A, %le3A_63 : vector<64x1024xi32>
      %jit3A_65 = arith.constant 1.000000e+00 : f32
      %jit3A_66 = arith.constant 0.000000e+00 : f32
      %broadcast_in_dim3A_67 = vector.broadcast %jit3A_65 : f32 to vector<64x1024xf32>
      %broadcast_in_dim3A_68 = vector.broadcast %jit3A_66 : f32 to vector<64x1024xf32>
      %select_n3A_69 = arith.select %le3A_64, %broadcast_in_dim3A_67, %broadcast_in_dim3A_68 : vector<64x1024xi1>, vector<64x1024xf32>
      %reduce_sum3A_70 = arith.constant dense<0.000000e+00> : vector<64xf32>
      %reduce_sum3A_71 = vector.multi_reduction <add>, %select_n3A_69, %reduce_sum3A_70 [1] : vector<64x1024xf32> to vector<64xf32>
      %broadcast_in_dim3A_72 = vector.shape_cast %reduce_sum3A_71 : vector<64xf32> to vector<64x1xf32>
      %le3A_73 = arith.constant 6.400000e+01 : f32
      %le3A_74 = vector.broadcast %le3A_73 : f32 to vector<64x1xf32>
      %le3A_75 = arith.cmpf ole, %broadcast_in_dim3A_72, %le3A_74 : vector<64x1xf32>
      %select_n3A_76 = arith.select %le3A_75, %shift_right_arithmetic3A_62, %scan3A_58 : vector<64x1xi1>, vector<64x1xi32>
      %select_n3A_77 = arith.select %le3A_75, %scan3A_59, %shift_right_arithmetic3A_62 : vector<64x1xi1>, vector<64x1xi32>
      scf.yield %select_n3A_76, %select_n3A_77 : vector<64x1xi32>, vector<64x1xi32>
    }
    %le3A = vector.broadcast %scan3A_36#0 : vector<64x1xi32> to vector<64x1024xi32>
    %le3A_37 = arith.cmpi sle, %bitcast_convert_type3A, %le3A : vector<64x1024xi32>
    %jit3A = arith.constant 1.000000e+00 : f32
    %jit3A_38 = arith.constant 0.000000e+00 : f32
    %broadcast_in_dim3A_39 = vector.broadcast %jit3A : f32 to vector<64x1024xf32>
    %broadcast_in_dim3A_40 = vector.broadcast %jit3A_38 : f32 to vector<64x1024xf32>
    %select_n3A = arith.select %le3A_37, %broadcast_in_dim3A_39, %broadcast_in_dim3A_40 : vector<64x1024xi1>, vector<64x1024xf32>
    %reduce_sum3A = arith.constant dense<0.000000e+00> : vector<64xf32>
    %reduce_sum3A_41 = vector.multi_reduction <add>, %select_n3A, %reduce_sum3A [1] : vector<64x1024xf32> to vector<64xf32>
    %broadcast_in_dim3A_42 = vector.shape_cast %reduce_sum3A_41 : vector<64xf32> to vector<64x1xf32>
    %broadcast_in_dim3A_43 = vector.shape_cast %scan3A_36#0 : vector<64x1xi32> to vector<64x1xi32>
    %broadcast_in_dim3A_44 = vector.broadcast %broadcast_in_dim3A_43 : vector<64x1xi32> to vector<64x16xi32>
    %swap3A_45 = arith.constant 0 : index
    %swap3A_46 = arith.constant 0 : index
    %swap3A_47 = arith.constant 0 : index
    %swap3A_48 = vector.load %arg5[%swap3A_45, %swap3A_46, %swap3A_47] : memref<1x64x16xi32, #tpu.memory_space<vmem>>, vector<1x64x16xi32>
    %swap3A_49 = vector.shape_cast %swap3A_48 : vector<1x64x16xi32> to vector<64x16xi32>
    %swap3A_50 = vector.shape_cast %broadcast_in_dim3A_44 : vector<64x16xi32> to vector<1x64x16xi32>
    tpu.vector_store %arg5[%swap3A_45, %swap3A_46, %swap3A_47], %swap3A_50 {strides = array<i32>} : memref<1x64x16xi32, #tpu.memory_space<vmem>>, vector<1x64x16xi32>,
    %swap3A_51 = arith.constant 0 : index
    %swap3A_52 = arith.constant 0 : index
    %swap3A_53 = arith.constant 0 : index
    %swap3A_54 = vector.load %arg6[%swap3A_51, %swap3A_52, %swap3A_53] : memref<1x64x1xf32, #tpu.memory_space<vmem>>, vector<1x64x1xf32>
    %swap3A_55 = vector.shape_cast %swap3A_54 : vector<1x64x1xf32> to vector<64x1xf32>
    %swap3A_56 = vector.shape_cast %broadcast_in_dim3A_42 : vector<64x1xf32> to vector<1x64x1xf32>
    tpu.vector_store %arg6[%swap3A_51, %swap3A_52, %swap3A_53], %swap3A_56 {strides = array<i32>} : memref<1x64x1xf32, #tpu.memory_space<vmem>>, vector<1x64x1xf32>,
    return
  }
  func.func @transform_0(%arg0: i32, %arg1: i32) -> (i32, i32, i32) {
    %c0_i32 = arith.constant 0 : i32
    %c0_i32_0 = arith.constant 0 : i32
    return %arg0, %arg1, %c0_i32 : i32, i32, i32
  }
  func.func @transform_1(%arg0: i32, %arg1: i32) -> (i32, i32, i32) {
    %c0_i32 = arith.constant 0 : i32
    %c0_i32_0 = arith.constant 0 : i32
    %c0_i32_1 = arith.constant 0 : i32
    return %arg0, %c0_i32, %c0_i32_0 : i32, i32, i32
  }
  func.func @transform_2(%arg0: i32, %arg1: i32) -> (i32, i32, i32) {
    %c0_i32 = arith.constant 0 : i32
    %c0_i32_0 = arith.constant 0 : i32
    return %arg0, %arg1, %c0_i32 : i32, i32, i32
  }
  func.func @transform_3(%arg0: i32, %arg1: i32) -> (i32, i32, i32) {
    %c0_i32 = arith.constant 0 : i32
    %c0_i32_0 = arith.constant 0 : i32
    return %arg0, %arg1, %c0_i32 : i32, i32, i32
  }
  func.func @transform_4(%arg0: i32, %arg1: i32) -> (i32, i32, i32) {
    %c0_i32 = arith.constant 0 : i32
    %c0_i32_0 = arith.constant 0 : i32
    return %arg0, %arg1, %c0_i32 : i32, i32, i32
  }
}

module attributes {stable_mosaic.version = 14 : i64} {
  func.func @_lin1_body(%arg0: memref<2048x128xf32, #tpu.memory_space<vmem>>, %arg1: memref<2048x3xf32, #tpu.memory_space<vmem>>, %arg2: memref<128x128xf32, #tpu.memory_space<vmem>>, %arg3: memref<3x128xf32, #tpu.memory_space<vmem>>, %arg4: memref<1x128xf32, #tpu.memory_space<vmem>>, %arg5: memref<2048x128xf32, #tpu.memory_space<vmem>>) attributes {dimension_semantics = [], scalar_prefetch = 0 : i64, scratch_operands = 0 : i64, tpu.core_type = #tpu.core_type<tc>} {
    %get3A = arith.constant 0 : index
    %get3A_0 = arith.constant 0 : index
    %get3A_1 = vector.load %arg0[%get3A, %get3A_0] : memref<2048x128xf32, #tpu.memory_space<vmem>>, vector<2048x128xf32>
    %get3A_2 = arith.constant 0 : index
    %get3A_3 = arith.constant 0 : index
    %get3A_4 = vector.load %arg2[%get3A_2, %get3A_3] : memref<128x128xf32, #tpu.memory_space<vmem>>, vector<128x128xf32>
    %dot_general3A = arith.constant dense<0.000000e+00> : vector<2048x128xf32>
    %dot_general3A_5 = tpu.matmul %get3A_1, %get3A_4, %dot_general3A {dimension_numbers = #tpu.dot_dimension_numbers<[1], [0], [0], [1], [0, 0, 1, 1], [], []>, transpose_lhs_hint = false} : vector<2048x128xf32>, vector<128x128xf32>, vector<2048x128xf32> -> vector<2048x128xf32>
    %get3A_6 = arith.constant 0 : index
    %get3A_7 = arith.constant 0 : index
    %get3A_8 = vector.load %arg1[%get3A_6, %get3A_7] : memref<2048x3xf32, #tpu.memory_space<vmem>>, vector<2048x3xf32>
    %slice3A = vector.extract_strided_slice %get3A_8 {offsets = [0, 0], sizes = [2048, 1], strides = [1, 1]} : vector<2048x3xf32> to vector<2048x1xf32>
    %get3A_9 = arith.constant 0 : index
    %get3A_10 = arith.constant 0 : index
    %get3A_11 = vector.load %arg3[%get3A_9, %get3A_10] : memref<3x128xf32, #tpu.memory_space<vmem>>, vector<1x128xf32>
    %mul3A = vector.broadcast %slice3A : vector<2048x1xf32> to vector<2048x128xf32>
    %mul3A_12 = vector.broadcast %get3A_11 : vector<1x128xf32> to vector<2048x128xf32>
    %mul3A_13 = arith.mulf %mul3A, %mul3A_12 : vector<2048x128xf32>
    %add3A = arith.addf %dot_general3A_5, %mul3A_13 : vector<2048x128xf32>
    %slice3A_14 = vector.extract_strided_slice %get3A_8 {offsets = [0, 1], sizes = [2048, 1], strides = [1, 1]} : vector<2048x3xf32> to vector<2048x1xf32>
    %get3A_15 = arith.constant 1 : index
    %get3A_16 = arith.constant 0 : index
    %get3A_17 = vector.load %arg3[%get3A_15, %get3A_16] : memref<3x128xf32, #tpu.memory_space<vmem>>, vector<1x128xf32>
    %mul3A_18 = vector.broadcast %slice3A_14 : vector<2048x1xf32> to vector<2048x128xf32>
    %mul3A_19 = vector.broadcast %get3A_17 : vector<1x128xf32> to vector<2048x128xf32>
    %mul3A_20 = arith.mulf %mul3A_18, %mul3A_19 : vector<2048x128xf32>
    %add3A_21 = arith.addf %add3A, %mul3A_20 : vector<2048x128xf32>
    %slice3A_22 = vector.extract_strided_slice %get3A_8 {offsets = [0, 2], sizes = [2048, 1], strides = [1, 1]} : vector<2048x3xf32> to vector<2048x1xf32>
    %get3A_23 = arith.constant 2 : index
    %get3A_24 = arith.constant 0 : index
    %get3A_25 = vector.load %arg3[%get3A_23, %get3A_24] : memref<3x128xf32, #tpu.memory_space<vmem>>, vector<1x128xf32>
    %mul3A_26 = vector.broadcast %slice3A_22 : vector<2048x1xf32> to vector<2048x128xf32>
    %mul3A_27 = vector.broadcast %get3A_25 : vector<1x128xf32> to vector<2048x128xf32>
    %mul3A_28 = arith.mulf %mul3A_26, %mul3A_27 : vector<2048x128xf32>
    %add3A_29 = arith.addf %add3A_21, %mul3A_28 : vector<2048x128xf32>
    %get3A_30 = arith.constant 0 : index
    %get3A_31 = arith.constant 0 : index
    %get3A_32 = vector.load %arg4[%get3A_30, %get3A_31] : memref<1x128xf32, #tpu.memory_space<vmem>>, vector<1x128xf32>
    %add3A_33 = vector.broadcast %get3A_32 : vector<1x128xf32> to vector<2048x128xf32>
    %add3A_34 = arith.addf %add3A_29, %add3A_33 : vector<2048x128xf32>
    %swap3A = arith.constant 0 : index
    %swap3A_35 = arith.constant 0 : index
    %swap3A_36 = vector.load %arg5[%swap3A, %swap3A_35] : memref<2048x128xf32, #tpu.memory_space<vmem>>, vector<2048x128xf32>
    tpu.vector_store %arg5[%swap3A, %swap3A_35], %add3A_34 {strides = array<i32>} : memref<2048x128xf32, #tpu.memory_space<vmem>>, vector<2048x128xf32>,
    return
  }
}

module attributes {stable_mosaic.version = 14 : i64} {
  func.func @_mlp_body(%arg0: i32, %arg1: i32, %arg2: memref<1x4096x64xf32, #tpu.memory_space<vmem>>, %arg3: memref<1x64x1xf32, #tpu.memory_space<vmem>>, %arg4: memref<1x64x3xf32, #tpu.memory_space<vmem>>, %arg5: memref<3x64xf32, #tpu.memory_space<vmem>>, %arg6: memref<64x64xf32, #tpu.memory_space<vmem>>, %arg7: memref<1x64xf32, #tpu.memory_space<vmem>>, %arg8: memref<64x128xf32, #tpu.memory_space<vmem>>, %arg9: memref<1x128xf32, #tpu.memory_space<vmem>>, %arg10: memref<1x128xf32, #tpu.memory_space<vmem>>, %arg11: memref<1x128xf32, #tpu.memory_space<vmem>>, %arg12: memref<1x64x128xf32, #tpu.memory_space<vmem>>) attributes {dimension_semantics = [#tpu.dimension_semantics<arbitrary>, #tpu.dimension_semantics<arbitrary>], iteration_bounds = array<i64: 2, 4>, scalar_prefetch = 0 : i64, scratch_operands = 0 : i64, tpu.core_type = #tpu.core_type<tc>, window_params = [{transform_indices = @transform_0, window_bounds = array<i64: 1, 4096, 64>}, {transform_indices = @transform_1, window_bounds = array<i64: 1, 64, 1>}, {transform_indices = @transform_2, window_bounds = array<i64: 1, 64, 3>}, {pipeline_mode = #tpu.pipeline_mode<synchronous>, transform_indices = @transform_3, window_bounds = array<i64: 3, 64>}, {pipeline_mode = #tpu.pipeline_mode<synchronous>, transform_indices = @transform_4, window_bounds = array<i64: 64, 64>}, {pipeline_mode = #tpu.pipeline_mode<synchronous>, transform_indices = @transform_5, window_bounds = array<i64: 1, 64>}, {pipeline_mode = #tpu.pipeline_mode<synchronous>, transform_indices = @transform_6, window_bounds = array<i64: 64, 128>}, {pipeline_mode = #tpu.pipeline_mode<synchronous>, transform_indices = @transform_7, window_bounds = array<i64: 1, 128>}, {pipeline_mode = #tpu.pipeline_mode<synchronous>, transform_indices = @transform_8, window_bounds = array<i64: 1, 128>}, {pipeline_mode = #tpu.pipeline_mode<synchronous>, transform_indices = @transform_9, window_bounds = array<i64: 1, 128>}, {transform_indices = @transform_10, window_bounds = array<i64: 1, 64, 128>}]} {
    %get3A = arith.constant 0 : index
    %get3A_0 = arith.constant 0 : index
    %get3A_1 = arith.constant 0 : index
    %get3A_2 = vector.load %arg4[%get3A, %get3A_0, %get3A_1] : memref<1x64x3xf32, #tpu.memory_space<vmem>>, vector<1x64x3xf32>
    %get3A_3 = vector.shape_cast %get3A_2 : vector<1x64x3xf32> to vector<64x3xf32>
    %get3A_4 = arith.constant 0 : index
    %get3A_5 = arith.constant 0 : index
    %get3A_6 = vector.load %arg5[%get3A_4, %get3A_5] : memref<3x64xf32, #tpu.memory_space<vmem>>, vector<3x64xf32>
    %dot_general3A = arith.constant dense<0.000000e+00> : vector<64x64xf32>
    %dot_general3A_7 = tpu.matmul %get3A_3, %get3A_6, %dot_general3A {dimension_numbers = #tpu.dot_dimension_numbers<[1], [0], [0], [1], [0, 0, 1, 1], [], []>, transpose_lhs_hint = false} : vector<64x3xf32>, vector<3x64xf32>, vector<64x64xf32> -> vector<64x64xf32>
    %get3A_8 = arith.constant 0 : index
    %get3A_9 = arith.constant 0 : index
    %get3A_10 = arith.constant 0 : index
    %get3A_11 = vector.load %arg2[%get3A_8, %get3A_9, %get3A_10] : memref<1x4096x64xf32, #tpu.memory_space<vmem>>, vector<1x4096x64xf32>
    %get3A_12 = vector.shape_cast %get3A_11 : vector<1x4096x64xf32> to vector<4096x64xf32>
    %reshape3A = vector.shape_cast %get3A_12 : vector<4096x64xf32> to vector<64x64x64xf32>
    %broadcast_in_dim3A = vector.shape_cast %dot_general3A_7 : vector<64x64xf32> to vector<64x1x64xf32>
    %sub3A = vector.broadcast %broadcast_in_dim3A : vector<64x1x64xf32> to vector<64x64x64xf32>
    %sub3A_13 = arith.subf %reshape3A, %sub3A : vector<64x64x64xf32>
    %max3A = arith.constant 0.000000e+00 : f32
    %max3A_14 = vector.broadcast %max3A : f32 to vector<64x64x64xf32>
    %max3A_15 = arith.maximumf %sub3A_13, %max3A_14 : vector<64x64x64xf32>
    %reshape3A_16 = vector.shape_cast %max3A_15 : vector<64x64x64xf32> to vector<4096x64xf32>
    %get3A_17 = arith.constant 0 : index
    %get3A_18 = arith.constant 0 : index
    %get3A_19 = vector.load %arg6[%get3A_17, %get3A_18] : memref<64x64xf32, #tpu.memory_space<vmem>>, vector<64x64xf32>
    %dot_general3A_20 = arith.constant dense<0.000000e+00> : vector<4096x64xf32>
    %dot_general3A_21 = tpu.matmul %reshape3A_16, %get3A_19, %dot_general3A_20 {dimension_numbers = #tpu.dot_dimension_numbers<[1], [0], [0], [1], [0, 0, 1, 1], [], []>, transpose_lhs_hint = false} : vector<4096x64xf32>, vector<64x64xf32>, vector<4096x64xf32> -> vector<4096x64xf32>
    %get3A_22 = arith.constant 0 : index
    %get3A_23 = arith.constant 0 : index
    %get3A_24 = vector.load %arg7[%get3A_22, %get3A_23] : memref<1x64xf32, #tpu.memory_space<vmem>>, vector<1x64xf32>
    %add3A = vector.broadcast %get3A_24 : vector<1x64xf32> to vector<4096x64xf32>
    %add3A_25 = arith.addf %dot_general3A_21, %add3A : vector<4096x64xf32>
    %max3A_26 = arith.constant 0.000000e+00 : f32
    %max3A_27 = vector.broadcast %max3A_26 : f32 to vector<4096x64xf32>
    %max3A_28 = arith.maximumf %add3A_25, %max3A_27 : vector<4096x64xf32>
    %get3A_29 = arith.constant 0 : index
    %get3A_30 = arith.constant 0 : index
    %get3A_31 = vector.load %arg8[%get3A_29, %get3A_30] : memref<64x128xf32, #tpu.memory_space<vmem>>, vector<64x128xf32>
    %dot_general3A_32 = arith.constant dense<0.000000e+00> : vector<4096x128xf32>
    %dot_general3A_33 = tpu.matmul %max3A_28, %get3A_31, %dot_general3A_32 {dimension_numbers = #tpu.dot_dimension_numbers<[1], [0], [0], [1], [0, 0, 1, 1], [], []>, transpose_lhs_hint = false} : vector<4096x64xf32>, vector<64x128xf32>, vector<4096x128xf32> -> vector<4096x128xf32>
    %get3A_34 = arith.constant 0 : index
    %get3A_35 = arith.constant 0 : index
    %get3A_36 = vector.load %arg9[%get3A_34, %get3A_35] : memref<1x128xf32, #tpu.memory_space<vmem>>, vector<1x128xf32>
    %add3A_37 = vector.broadcast %get3A_36 : vector<1x128xf32> to vector<4096x128xf32>
    %add3A_38 = arith.addf %dot_general3A_33, %add3A_37 : vector<4096x128xf32>
    %max3A_39 = arith.constant 0.000000e+00 : f32
    %max3A_40 = vector.broadcast %max3A_39 : f32 to vector<4096x128xf32>
    %max3A_41 = arith.maximumf %add3A_38, %max3A_40 : vector<4096x128xf32>
    %get3A_42 = arith.constant 0 : index
    %get3A_43 = arith.constant 0 : index
    %get3A_44 = vector.load %arg10[%get3A_42, %get3A_43] : memref<1x128xf32, #tpu.memory_space<vmem>>, vector<1x128xf32>
    %mul3A = vector.broadcast %get3A_44 : vector<1x128xf32> to vector<4096x128xf32>
    %mul3A_45 = arith.mulf %max3A_41, %mul3A : vector<4096x128xf32>
    %get3A_46 = arith.constant 0 : index
    %get3A_47 = arith.constant 0 : index
    %get3A_48 = vector.load %arg11[%get3A_46, %get3A_47] : memref<1x128xf32, #tpu.memory_space<vmem>>, vector<1x128xf32>
    %add3A_49 = vector.broadcast %get3A_48 : vector<1x128xf32> to vector<4096x128xf32>
    %add3A_50 = arith.addf %mul3A_45, %add3A_49 : vector<4096x128xf32>
    %reshape3A_51 = vector.shape_cast %add3A_50 : vector<4096x128xf32> to vector<64x64x128xf32>
    %slice3A = vector.extract_strided_slice %reshape3A_51 {offsets = [0, 0, 0], sizes = [64, 32, 128], strides = [1, 1, 1]} : vector<64x64x128xf32> to vector<64x32x128xf32>
    %slice3A_52 = vector.extract_strided_slice %reshape3A_51 {offsets = [0, 32, 0], sizes = [64, 32, 128], strides = [1, 1, 1]} : vector<64x64x128xf32> to vector<64x32x128xf32>
    %max3A_53 = arith.maximumf %slice3A, %slice3A_52 : vector<64x32x128xf32>
    %slice3A_54 = vector.extract_strided_slice %max3A_53 {offsets = [0, 0, 0], sizes = [64, 16, 128], strides = [1, 1, 1]} : vector<64x32x128xf32> to vector<64x16x128xf32>
    %slice3A_55 = vector.extract_strided_slice %max3A_53 {offsets = [0, 16, 0], sizes = [64, 16, 128], strides = [1, 1, 1]} : vector<64x32x128xf32> to vector<64x16x128xf32>
    %max3A_56 = arith.maximumf %slice3A_54, %slice3A_55 : vector<64x16x128xf32>
    %slice3A_57 = vector.extract_strided_slice %max3A_56 {offsets = [0, 0, 0], sizes = [64, 8, 128], strides = [1, 1, 1]} : vector<64x16x128xf32> to vector<64x8x128xf32>
    %slice3A_58 = vector.extract_strided_slice %max3A_56 {offsets = [0, 8, 0], sizes = [64, 8, 128], strides = [1, 1, 1]} : vector<64x16x128xf32> to vector<64x8x128xf32>
    %max3A_59 = arith.maximumf %slice3A_57, %slice3A_58 : vector<64x8x128xf32>
    %slice3A_60 = vector.extract_strided_slice %max3A_59 {offsets = [0, 0, 0], sizes = [64, 4, 128], strides = [1, 1, 1]} : vector<64x8x128xf32> to vector<64x4x128xf32>
    %slice3A_61 = vector.extract_strided_slice %max3A_59 {offsets = [0, 4, 0], sizes = [64, 4, 128], strides = [1, 1, 1]} : vector<64x8x128xf32> to vector<64x4x128xf32>
    %max3A_62 = arith.maximumf %slice3A_60, %slice3A_61 : vector<64x4x128xf32>
    %slice3A_63 = vector.extract_strided_slice %max3A_62 {offsets = [0, 0, 0], sizes = [64, 2, 128], strides = [1, 1, 1]} : vector<64x4x128xf32> to vector<64x2x128xf32>
    %slice3A_64 = vector.extract_strided_slice %max3A_62 {offsets = [0, 2, 0], sizes = [64, 2, 128], strides = [1, 1, 1]} : vector<64x4x128xf32> to vector<64x2x128xf32>
    %max3A_65 = arith.maximumf %slice3A_63, %slice3A_64 : vector<64x2x128xf32>
    %slice3A_66 = vector.extract_strided_slice %max3A_65 {offsets = [0, 0, 0], sizes = [64, 1, 128], strides = [1, 1, 1]} : vector<64x2x128xf32> to vector<64x1x128xf32>
    %slice3A_67 = vector.extract_strided_slice %max3A_65 {offsets = [0, 1, 0], sizes = [64, 1, 128], strides = [1, 1, 1]} : vector<64x2x128xf32> to vector<64x1x128xf32>
    %max3A_68 = arith.maximumf %slice3A_66, %slice3A_67 : vector<64x1x128xf32>
    %reshape3A_69 = vector.shape_cast %max3A_68 : vector<64x1x128xf32> to vector<64x128xf32>
    %get3A_70 = arith.constant 0 : index
    %get3A_71 = arith.constant 0 : index
    %get3A_72 = arith.constant 0 : index
    %get3A_73 = vector.load %arg3[%get3A_70, %get3A_71, %get3A_72] : memref<1x64x1xf32, #tpu.memory_space<vmem>>, vector<1x64x1xf32>
    %get3A_74 = vector.shape_cast %get3A_73 : vector<1x64x1xf32> to vector<64x1xf32>
    %gt3A = arith.constant 0.000000e+00 : f32
    %gt3A_75 = vector.broadcast %gt3A : f32 to vector<64x1xf32>
    %gt3A_76 = arith.cmpf ogt, %get3A_74, %gt3A_75 : vector<64x1xf32>
    %jit3A = arith.constant 0.000000e+00 : f32
    %broadcast_in_dim3A_77 = vector.shape_cast %gt3A_76 : vector<64x1xi1> to vector<64x1xi1>
    %broadcast_in_dim3A_78 = vector.broadcast %broadcast_in_dim3A_77 : vector<64x1xi1> to vector<64x128xi1>
    %broadcast_in_dim3A_79 = vector.broadcast %jit3A : f32 to vector<64x128xf32>
    %select_n3A = arith.select %broadcast_in_dim3A_78, %reshape3A_69, %broadcast_in_dim3A_79 : vector<64x128xi1>, vector<64x128xf32>
    %swap3A = arith.constant 0 : index
    %swap3A_80 = arith.constant 0 : index
    %swap3A_81 = arith.constant 0 : index
    %swap3A_82 = vector.load %arg12[%swap3A, %swap3A_80, %swap3A_81] : memref<1x64x128xf32, #tpu.memory_space<vmem>>, vector<1x64x128xf32>
    %swap3A_83 = vector.shape_cast %swap3A_82 : vector<1x64x128xf32> to vector<64x128xf32>
    %swap3A_84 = vector.shape_cast %select_n3A : vector<64x128xf32> to vector<1x64x128xf32>
    tpu.vector_store %arg12[%swap3A, %swap3A_80, %swap3A_81], %swap3A_84 {strides = array<i32>} : memref<1x64x128xf32, #tpu.memory_space<vmem>>, vector<1x64x128xf32>,
    return
  }
  func.func @transform_0(%arg0: i32, %arg1: i32) -> (i32, i32, i32) {
    %c0_i32 = arith.constant 0 : i32
    %c0_i32_0 = arith.constant 0 : i32
    return %arg0, %arg1, %c0_i32 : i32, i32, i32
  }
  func.func @transform_1(%arg0: i32, %arg1: i32) -> (i32, i32, i32) {
    %c0_i32 = arith.constant 0 : i32
    %c0_i32_0 = arith.constant 0 : i32
    return %arg0, %arg1, %c0_i32 : i32, i32, i32
  }
  func.func @transform_2(%arg0: i32, %arg1: i32) -> (i32, i32, i32) {
    %c0_i32 = arith.constant 0 : i32
    %c0_i32_0 = arith.constant 0 : i32
    return %arg0, %arg1, %c0_i32 : i32, i32, i32
  }
  func.func @transform_3(%arg0: i32, %arg1: i32) -> (i32, i32) {
    %c0_i32 = arith.constant 0 : i32
    %c0_i32_0 = arith.constant 0 : i32
    %c0_i32_1 = arith.constant 0 : i32
    return %c0_i32, %c0_i32_0 : i32, i32
  }
  func.func @transform_4(%arg0: i32, %arg1: i32) -> (i32, i32) {
    %c0_i32 = arith.constant 0 : i32
    %c0_i32_0 = arith.constant 0 : i32
    %c0_i32_1 = arith.constant 0 : i32
    return %c0_i32, %c0_i32_0 : i32, i32
  }
  func.func @transform_5(%arg0: i32, %arg1: i32) -> (i32, i32) {
    %c0_i32 = arith.constant 0 : i32
    %c0_i32_0 = arith.constant 0 : i32
    %c0_i32_1 = arith.constant 0 : i32
    return %c0_i32, %c0_i32_0 : i32, i32
  }
  func.func @transform_6(%arg0: i32, %arg1: i32) -> (i32, i32) {
    %c0_i32 = arith.constant 0 : i32
    %c0_i32_0 = arith.constant 0 : i32
    %c0_i32_1 = arith.constant 0 : i32
    return %c0_i32, %c0_i32_0 : i32, i32
  }
  func.func @transform_7(%arg0: i32, %arg1: i32) -> (i32, i32) {
    %c0_i32 = arith.constant 0 : i32
    %c0_i32_0 = arith.constant 0 : i32
    %c0_i32_1 = arith.constant 0 : i32
    return %c0_i32, %c0_i32_0 : i32, i32
  }
  func.func @transform_8(%arg0: i32, %arg1: i32) -> (i32, i32) {
    %c0_i32 = arith.constant 0 : i32
    %c0_i32_0 = arith.constant 0 : i32
    %c0_i32_1 = arith.constant 0 : i32
    return %c0_i32, %c0_i32_0 : i32, i32
  }
  func.func @transform_9(%arg0: i32, %arg1: i32) -> (i32, i32) {
    %c0_i32 = arith.constant 0 : i32
    %c0_i32_0 = arith.constant 0 : i32
    %c0_i32_1 = arith.constant 0 : i32
    return %c0_i32, %c0_i32_0 : i32, i32
  }
  func.func @transform_10(%arg0: i32, %arg1: i32) -> (i32, i32, i32) {
    %c0_i32 = arith.constant 0 : i32
    %c0_i32_0 = arith.constant 0 : i32
    return %arg0, %arg1, %c0_i32 : i32, i32, i32
  }
}

module attributes {stable_mosaic.version = 14 : i64} {
  func.func @_mlp_body(%arg0: i32, %arg1: i32, %arg2: memref<1x4096x128xf32, #tpu.memory_space<vmem>>, %arg3: memref<1x64x1xf32, #tpu.memory_space<vmem>>, %arg4: memref<1x64x3xf32, #tpu.memory_space<vmem>>, %arg5: memref<3x128xf32, #tpu.memory_space<vmem>>, %arg6: memref<128x128xf32, #tpu.memory_space<vmem>>, %arg7: memref<1x128xf32, #tpu.memory_space<vmem>>, %arg8: memref<128x256xf32, #tpu.memory_space<vmem>>, %arg9: memref<1x256xf32, #tpu.memory_space<vmem>>, %arg10: memref<1x256xf32, #tpu.memory_space<vmem>>, %arg11: memref<1x256xf32, #tpu.memory_space<vmem>>, %arg12: memref<1x64x256xf32, #tpu.memory_space<vmem>>) attributes {dimension_semantics = [#tpu.dimension_semantics<arbitrary>, #tpu.dimension_semantics<arbitrary>], iteration_bounds = array<i64: 2, 4>, scalar_prefetch = 0 : i64, scratch_operands = 0 : i64, tpu.core_type = #tpu.core_type<tc>, window_params = [{transform_indices = @transform_0, window_bounds = array<i64: 1, 4096, 128>}, {transform_indices = @transform_1, window_bounds = array<i64: 1, 64, 1>}, {transform_indices = @transform_2, window_bounds = array<i64: 1, 64, 3>}, {pipeline_mode = #tpu.pipeline_mode<synchronous>, transform_indices = @transform_3, window_bounds = array<i64: 3, 128>}, {pipeline_mode = #tpu.pipeline_mode<synchronous>, transform_indices = @transform_4, window_bounds = array<i64: 128, 128>}, {pipeline_mode = #tpu.pipeline_mode<synchronous>, transform_indices = @transform_5, window_bounds = array<i64: 1, 128>}, {pipeline_mode = #tpu.pipeline_mode<synchronous>, transform_indices = @transform_6, window_bounds = array<i64: 128, 256>}, {pipeline_mode = #tpu.pipeline_mode<synchronous>, transform_indices = @transform_7, window_bounds = array<i64: 1, 256>}, {pipeline_mode = #tpu.pipeline_mode<synchronous>, transform_indices = @transform_8, window_bounds = array<i64: 1, 256>}, {pipeline_mode = #tpu.pipeline_mode<synchronous>, transform_indices = @transform_9, window_bounds = array<i64: 1, 256>}, {transform_indices = @transform_10, window_bounds = array<i64: 1, 64, 256>}]} {
    %get3A = arith.constant 0 : index
    %get3A_0 = arith.constant 0 : index
    %get3A_1 = arith.constant 0 : index
    %get3A_2 = vector.load %arg4[%get3A, %get3A_0, %get3A_1] : memref<1x64x3xf32, #tpu.memory_space<vmem>>, vector<1x64x3xf32>
    %get3A_3 = vector.shape_cast %get3A_2 : vector<1x64x3xf32> to vector<64x3xf32>
    %get3A_4 = arith.constant 0 : index
    %get3A_5 = arith.constant 0 : index
    %get3A_6 = vector.load %arg5[%get3A_4, %get3A_5] : memref<3x128xf32, #tpu.memory_space<vmem>>, vector<3x128xf32>
    %dot_general3A = arith.constant dense<0.000000e+00> : vector<64x128xf32>
    %dot_general3A_7 = tpu.matmul %get3A_3, %get3A_6, %dot_general3A {dimension_numbers = #tpu.dot_dimension_numbers<[1], [0], [0], [1], [0, 0, 1, 1], [], []>, transpose_lhs_hint = false} : vector<64x3xf32>, vector<3x128xf32>, vector<64x128xf32> -> vector<64x128xf32>
    %get3A_8 = arith.constant 0 : index
    %get3A_9 = arith.constant 0 : index
    %get3A_10 = arith.constant 0 : index
    %get3A_11 = vector.load %arg2[%get3A_8, %get3A_9, %get3A_10] : memref<1x4096x128xf32, #tpu.memory_space<vmem>>, vector<1x4096x128xf32>
    %get3A_12 = vector.shape_cast %get3A_11 : vector<1x4096x128xf32> to vector<4096x128xf32>
    %reshape3A = vector.shape_cast %get3A_12 : vector<4096x128xf32> to vector<64x64x128xf32>
    %broadcast_in_dim3A = vector.shape_cast %dot_general3A_7 : vector<64x128xf32> to vector<64x1x128xf32>
    %sub3A = vector.broadcast %broadcast_in_dim3A : vector<64x1x128xf32> to vector<64x64x128xf32>
    %sub3A_13 = arith.subf %reshape3A, %sub3A : vector<64x64x128xf32>
    %max3A = arith.constant 0.000000e+00 : f32
    %max3A_14 = vector.broadcast %max3A : f32 to vector<64x64x128xf32>
    %max3A_15 = arith.maximumf %sub3A_13, %max3A_14 : vector<64x64x128xf32>
    %reshape3A_16 = vector.shape_cast %max3A_15 : vector<64x64x128xf32> to vector<4096x128xf32>
    %get3A_17 = arith.constant 0 : index
    %get3A_18 = arith.constant 0 : index
    %get3A_19 = vector.load %arg6[%get3A_17, %get3A_18] : memref<128x128xf32, #tpu.memory_space<vmem>>, vector<128x128xf32>
    %dot_general3A_20 = arith.constant dense<0.000000e+00> : vector<4096x128xf32>
    %dot_general3A_21 = tpu.matmul %reshape3A_16, %get3A_19, %dot_general3A_20 {dimension_numbers = #tpu.dot_dimension_numbers<[1], [0], [0], [1], [0, 0, 1, 1], [], []>, transpose_lhs_hint = false} : vector<4096x128xf32>, vector<128x128xf32>, vector<4096x128xf32> -> vector<4096x128xf32>
    %get3A_22 = arith.constant 0 : index
    %get3A_23 = arith.constant 0 : index
    %get3A_24 = vector.load %arg7[%get3A_22, %get3A_23] : memref<1x128xf32, #tpu.memory_space<vmem>>, vector<1x128xf32>
    %add3A = vector.broadcast %get3A_24 : vector<1x128xf32> to vector<4096x128xf32>
    %add3A_25 = arith.addf %dot_general3A_21, %add3A : vector<4096x128xf32>
    %max3A_26 = arith.constant 0.000000e+00 : f32
    %max3A_27 = vector.broadcast %max3A_26 : f32 to vector<4096x128xf32>
    %max3A_28 = arith.maximumf %add3A_25, %max3A_27 : vector<4096x128xf32>
    %get3A_29 = arith.constant 0 : index
    %get3A_30 = arith.constant 0 : index
    %get3A_31 = vector.load %arg8[%get3A_29, %get3A_30] : memref<128x256xf32, #tpu.memory_space<vmem>>, vector<128x256xf32>
    %dot_general3A_32 = arith.constant dense<0.000000e+00> : vector<4096x256xf32>
    %dot_general3A_33 = tpu.matmul %max3A_28, %get3A_31, %dot_general3A_32 {dimension_numbers = #tpu.dot_dimension_numbers<[1], [0], [0], [1], [0, 0, 1, 1], [], []>, transpose_lhs_hint = false} : vector<4096x128xf32>, vector<128x256xf32>, vector<4096x256xf32> -> vector<4096x256xf32>
    %get3A_34 = arith.constant 0 : index
    %get3A_35 = arith.constant 0 : index
    %get3A_36 = vector.load %arg9[%get3A_34, %get3A_35] : memref<1x256xf32, #tpu.memory_space<vmem>>, vector<1x256xf32>
    %add3A_37 = vector.broadcast %get3A_36 : vector<1x256xf32> to vector<4096x256xf32>
    %add3A_38 = arith.addf %dot_general3A_33, %add3A_37 : vector<4096x256xf32>
    %max3A_39 = arith.constant 0.000000e+00 : f32
    %max3A_40 = vector.broadcast %max3A_39 : f32 to vector<4096x256xf32>
    %max3A_41 = arith.maximumf %add3A_38, %max3A_40 : vector<4096x256xf32>
    %get3A_42 = arith.constant 0 : index
    %get3A_43 = arith.constant 0 : index
    %get3A_44 = vector.load %arg10[%get3A_42, %get3A_43] : memref<1x256xf32, #tpu.memory_space<vmem>>, vector<1x256xf32>
    %mul3A = vector.broadcast %get3A_44 : vector<1x256xf32> to vector<4096x256xf32>
    %mul3A_45 = arith.mulf %max3A_41, %mul3A : vector<4096x256xf32>
    %get3A_46 = arith.constant 0 : index
    %get3A_47 = arith.constant 0 : index
    %get3A_48 = vector.load %arg11[%get3A_46, %get3A_47] : memref<1x256xf32, #tpu.memory_space<vmem>>, vector<1x256xf32>
    %add3A_49 = vector.broadcast %get3A_48 : vector<1x256xf32> to vector<4096x256xf32>
    %add3A_50 = arith.addf %mul3A_45, %add3A_49 : vector<4096x256xf32>
    %reshape3A_51 = vector.shape_cast %add3A_50 : vector<4096x256xf32> to vector<64x64x256xf32>
    %slice3A = vector.extract_strided_slice %reshape3A_51 {offsets = [0, 0, 0], sizes = [64, 32, 256], strides = [1, 1, 1]} : vector<64x64x256xf32> to vector<64x32x256xf32>
    %slice3A_52 = vector.extract_strided_slice %reshape3A_51 {offsets = [0, 32, 0], sizes = [64, 32, 256], strides = [1, 1, 1]} : vector<64x64x256xf32> to vector<64x32x256xf32>
    %max3A_53 = arith.maximumf %slice3A, %slice3A_52 : vector<64x32x256xf32>
    %slice3A_54 = vector.extract_strided_slice %max3A_53 {offsets = [0, 0, 0], sizes = [64, 16, 256], strides = [1, 1, 1]} : vector<64x32x256xf32> to vector<64x16x256xf32>
    %slice3A_55 = vector.extract_strided_slice %max3A_53 {offsets = [0, 16, 0], sizes = [64, 16, 256], strides = [1, 1, 1]} : vector<64x32x256xf32> to vector<64x16x256xf32>
    %max3A_56 = arith.maximumf %slice3A_54, %slice3A_55 : vector<64x16x256xf32>
    %slice3A_57 = vector.extract_strided_slice %max3A_56 {offsets = [0, 0, 0], sizes = [64, 8, 256], strides = [1, 1, 1]} : vector<64x16x256xf32> to vector<64x8x256xf32>
    %slice3A_58 = vector.extract_strided_slice %max3A_56 {offsets = [0, 8, 0], sizes = [64, 8, 256], strides = [1, 1, 1]} : vector<64x16x256xf32> to vector<64x8x256xf32>
    %max3A_59 = arith.maximumf %slice3A_57, %slice3A_58 : vector<64x8x256xf32>
    %slice3A_60 = vector.extract_strided_slice %max3A_59 {offsets = [0, 0, 0], sizes = [64, 4, 256], strides = [1, 1, 1]} : vector<64x8x256xf32> to vector<64x4x256xf32>
    %slice3A_61 = vector.extract_strided_slice %max3A_59 {offsets = [0, 4, 0], sizes = [64, 4, 256], strides = [1, 1, 1]} : vector<64x8x256xf32> to vector<64x4x256xf32>
    %max3A_62 = arith.maximumf %slice3A_60, %slice3A_61 : vector<64x4x256xf32>
    %slice3A_63 = vector.extract_strided_slice %max3A_62 {offsets = [0, 0, 0], sizes = [64, 2, 256], strides = [1, 1, 1]} : vector<64x4x256xf32> to vector<64x2x256xf32>
    %slice3A_64 = vector.extract_strided_slice %max3A_62 {offsets = [0, 2, 0], sizes = [64, 2, 256], strides = [1, 1, 1]} : vector<64x4x256xf32> to vector<64x2x256xf32>
    %max3A_65 = arith.maximumf %slice3A_63, %slice3A_64 : vector<64x2x256xf32>
    %slice3A_66 = vector.extract_strided_slice %max3A_65 {offsets = [0, 0, 0], sizes = [64, 1, 256], strides = [1, 1, 1]} : vector<64x2x256xf32> to vector<64x1x256xf32>
    %slice3A_67 = vector.extract_strided_slice %max3A_65 {offsets = [0, 1, 0], sizes = [64, 1, 256], strides = [1, 1, 1]} : vector<64x2x256xf32> to vector<64x1x256xf32>
    %max3A_68 = arith.maximumf %slice3A_66, %slice3A_67 : vector<64x1x256xf32>
    %reshape3A_69 = vector.shape_cast %max3A_68 : vector<64x1x256xf32> to vector<64x256xf32>
    %get3A_70 = arith.constant 0 : index
    %get3A_71 = arith.constant 0 : index
    %get3A_72 = arith.constant 0 : index
    %get3A_73 = vector.load %arg3[%get3A_70, %get3A_71, %get3A_72] : memref<1x64x1xf32, #tpu.memory_space<vmem>>, vector<1x64x1xf32>
    %get3A_74 = vector.shape_cast %get3A_73 : vector<1x64x1xf32> to vector<64x1xf32>
    %gt3A = arith.constant 0.000000e+00 : f32
    %gt3A_75 = vector.broadcast %gt3A : f32 to vector<64x1xf32>
    %gt3A_76 = arith.cmpf ogt, %get3A_74, %gt3A_75 : vector<64x1xf32>
    %jit3A = arith.constant 0.000000e+00 : f32
    %broadcast_in_dim3A_77 = vector.shape_cast %gt3A_76 : vector<64x1xi1> to vector<64x1xi1>
    %broadcast_in_dim3A_78 = vector.broadcast %broadcast_in_dim3A_77 : vector<64x1xi1> to vector<64x256xi1>
    %broadcast_in_dim3A_79 = vector.broadcast %jit3A : f32 to vector<64x256xf32>
    %select_n3A = arith.select %broadcast_in_dim3A_78, %reshape3A_69, %broadcast_in_dim3A_79 : vector<64x256xi1>, vector<64x256xf32>
    %swap3A = arith.constant 0 : index
    %swap3A_80 = arith.constant 0 : index
    %swap3A_81 = arith.constant 0 : index
    %swap3A_82 = vector.load %arg12[%swap3A, %swap3A_80, %swap3A_81] : memref<1x64x256xf32, #tpu.memory_space<vmem>>, vector<1x64x256xf32>
    %swap3A_83 = vector.shape_cast %swap3A_82 : vector<1x64x256xf32> to vector<64x256xf32>
    %swap3A_84 = vector.shape_cast %select_n3A : vector<64x256xf32> to vector<1x64x256xf32>
    tpu.vector_store %arg12[%swap3A, %swap3A_80, %swap3A_81], %swap3A_84 {strides = array<i32>} : memref<1x64x256xf32, #tpu.memory_space<vmem>>, vector<1x64x256xf32>,
    return
  }
  func.func @transform_0(%arg0: i32, %arg1: i32) -> (i32, i32, i32) {
    %c0_i32 = arith.constant 0 : i32
    %c0_i32_0 = arith.constant 0 : i32
    return %arg0, %arg1, %c0_i32 : i32, i32, i32
  }
  func.func @transform_1(%arg0: i32, %arg1: i32) -> (i32, i32, i32) {
    %c0_i32 = arith.constant 0 : i32
    %c0_i32_0 = arith.constant 0 : i32
    return %arg0, %arg1, %c0_i32 : i32, i32, i32
  }
  func.func @transform_2(%arg0: i32, %arg1: i32) -> (i32, i32, i32) {
    %c0_i32 = arith.constant 0 : i32
    %c0_i32_0 = arith.constant 0 : i32
    return %arg0, %arg1, %c0_i32 : i32, i32, i32
  }
  func.func @transform_3(%arg0: i32, %arg1: i32) -> (i32, i32) {
    %c0_i32 = arith.constant 0 : i32
    %c0_i32_0 = arith.constant 0 : i32
    %c0_i32_1 = arith.constant 0 : i32
    return %c0_i32, %c0_i32_0 : i32, i32
  }
  func.func @transform_4(%arg0: i32, %arg1: i32) -> (i32, i32) {
    %c0_i32 = arith.constant 0 : i32
    %c0_i32_0 = arith.constant 0 : i32
    %c0_i32_1 = arith.constant 0 : i32
    return %c0_i32, %c0_i32_0 : i32, i32
  }
  func.func @transform_5(%arg0: i32, %arg1: i32) -> (i32, i32) {
    %c0_i32 = arith.constant 0 : i32
    %c0_i32_0 = arith.constant 0 : i32
    %c0_i32_1 = arith.constant 0 : i32
    return %c0_i32, %c0_i32_0 : i32, i32
  }
  func.func @transform_6(%arg0: i32, %arg1: i32) -> (i32, i32) {
    %c0_i32 = arith.constant 0 : i32
    %c0_i32_0 = arith.constant 0 : i32
    %c0_i32_1 = arith.constant 0 : i32
    return %c0_i32, %c0_i32_0 : i32, i32
  }
  func.func @transform_7(%arg0: i32, %arg1: i32) -> (i32, i32) {
    %c0_i32 = arith.constant 0 : i32
    %c0_i32_0 = arith.constant 0 : i32
    %c0_i32_1 = arith.constant 0 : i32
    return %c0_i32, %c0_i32_0 : i32, i32
  }
  func.func @transform_8(%arg0: i32, %arg1: i32) -> (i32, i32) {
    %c0_i32 = arith.constant 0 : i32
    %c0_i32_0 = arith.constant 0 : i32
    %c0_i32_1 = arith.constant 0 : i32
    return %c0_i32, %c0_i32_0 : i32, i32
  }
  func.func @transform_9(%arg0: i32, %arg1: i32) -> (i32, i32) {
    %c0_i32 = arith.constant 0 : i32
    %c0_i32_0 = arith.constant 0 : i32
    %c0_i32_1 = arith.constant 0 : i32
    return %c0_i32, %c0_i32_0 : i32, i32
  }
  func.func @transform_10(%arg0: i32, %arg1: i32) -> (i32, i32, i32) {
    %c0_i32 = arith.constant 0 : i32
    %c0_i32_0 = arith.constant 0 : i32
    return %arg0, %arg1, %c0_i32 : i32, i32, i32
  }
}

</mosaic_0001>

<sc_bundles>
// kernel: kernel.20.cloned.1.call-start
scs
__scs_entry_jumppad:
0x0: {  	(pc) =	sbr.rel $0x88, $3  }
0x1: {  	(tag) =	ssettag $0x0;
	lr =	simm.s32 $0x1  }
0x2: {  	[smem:$0x3F84] =	sst lr;
	_ =	strace $0xD0000000  }
0x3: {  	_ = 	snop  }
0x4: {  	_ = 	snop  }
0x5: {  	_ = 	snop  }
0x6: {  	_ = 	snop  }
0x7: {  	_ = 	snop  }
__scs_overlays_trampoline_lowered:
0x8: {  	[smem:$0x3F93] =	sst s0  }
0x9: {  	[smem:$0x3F94] =	sst s1  }
0xa: {  	[smem:$0x3F95] =	sst s2  }
0xb: {  	[smem:$0x3F96] =	sst s3  }
0xc: {  	[smem:$0x3F97] =	sst s4  }
0xd: {  	[smem:$0x3F98] =	sst s5  }
0xe: {  	[smem:$0x3F99] =	sst s6  }
0xf: {  	[smem:$0x3F9A] =	sst s7  }
0x10: {  	[smem:$0x3F9B] =	sst s8  }
0x11: {  	[smem:$0x3F9C] =	sst s9;
	s0 =	simm.s32 @!p0 $0x0  }
0x12: {  	s1 =	sld [smem:$0x3F82];
	s0 =	simm.s32 @p0 $0x1  }
0x13: {  	[smem:$0x3F9D] =	sst s0;
	s0 =	simm.s32 @!p1 $0x0  }
0x14: {  	s2 =	sld [smem:$0x3F81];
	s0 =	simm.s32 @p1 $0x1  }
0x15: {  	[smem:$0x3F9E] =	sst s0;
	s0 =	simm.s32 @!p2 $0x0  }
0x16: {  	s3 =	sld [smem:$0x3FDB];
	s0 =	simm.s32 @p2 $0x1  }
0x17: {  	s4 =	simm.s32 $0x1BF5;
	[smem:$0x3FA0] =	sst s0  }
0x18: {  	s0 =	sld [smem:$0x3F83];
	_ =	swait.ge [sflag:s4], $0x0  }
0x19: {  	s7 =	sld [smem:$0x3F84]  }
0x1a: {  	s8 =	sadd.s32 $0xFFFFE003, lr  }
0x1b: {  	s9 =	sadd.s32 $0xFFFFFEF7, lr;
	s5 =	simm.s32 $0xFFFFFFFF;
	p2 =	slt.u32 s8, $0xFFFFF086  }
0x1c: {  	p1 =	slt.u32 s9, $0xF7A;
	s5 =	simm.s32 @!p2 $0x0  }
0x1d: {  	s5 =	simm.s32 @p1 $0x1;
	p0 =	seq.s32 s7, s2  }
0x1e: {  	s7 =	smul.u32 @!p0 $0xF7A, s2;
	p2 =	seq.s32 @!p0 s5, $0x0  }
0x1f: {  	s9 =	smul.u32 $0xF7A, s1;
	s8 =	simm.s32 @!p0 $0x1BF5;
	p2 =	por !p2, p0  }
0x20: {  	[sflag:s8] =	ssyncset.s32 @!p0 $0xFFFFF086;
	s6 =	sadd.s32 @!p0 s3, s7;
	s7 =	simm.s32 @!p0 $0x108  }
0x21: {  	s3 =	sadd.s32 s3, s9;
	s6 =	sadd.s32 @!p0 $0x88, s6;
	s7 =	simm.s32 @p2 $0x1082  }
0x22: {  	[simem:s7], [sflag:s8] =	dma.local @!p0 [hbm:s6], $0xF7A  }
0x23: {  	s9 =	sor.u32 $0xD0000000, s2;
	s6 =	simm.s32 $0x108;
	_ =	swait.ge @!p0 [sflag:s8], $0x0  }
0x24: {  	s3 =	sadd.s32 $0x88, s3;
	s6 =	simm.s32 @!p1 $0x1082;
	[sflag:s4] =	ssyncset.s32 $0xFFFFF086  }
0x25: {  	[simem:s6], [sflag:s4] =	dma.local [hbm:s3], $0xF7A  }
0x26: {  	[smem:$0x3F84] =	sst s1;
	(tag) =	ssettag s2;
	_ =	strace s9  }
0x27: {  	s1 =	sld [smem:$0x3F94]  }
0x28: {  	s2 =	sld [smem:$0x3F95]  }
0x29: {  	s4 =	sld [smem:$0x3F97]  }
0x2a: {  	p0 =	seq.s32 s5, $0x0;
	s5 =	sld [smem:$0x3F98]  }
0x2b: {  	s6 =	sld [smem:$0x3F99]  }
0x2c: {  	s7 =	sld [smem:$0x3F9A]  }
0x2d: {  	s3 =	simm.s32 $0x108;
	s8 =	sld [smem:$0x3F9B]  }
0x2e: {  	s3 =	simm.s32 @!p0 $0x1082;
	s9 =	sld [smem:$0x3F9C]  }
0x2f: {  	lr =	sadd.s32 s0, s3;
	s0 =	sld [smem:$0x3F93]  }
0x30: {  	s3 =	sld [smem:$0x3F96]  }
0x31: {  	[smem:$0x3F9F] =	sst s10  }
0x32: {  	s10 =	sld [smem:$0x3F9D];
	_ =	sdelay $0x3  }
0x33: {  	p0 =	seq.s32 s10, $0x1;
	s10 =	sld [smem:$0x3F9F];
	_ =	sdelay $0x3  }
0x34: {  	[smem:$0x3F9F] =	sst s10  }
0x35: {  	s10 =	sld [smem:$0x3F9E];
	_ =	sdelay $0x3  }
0x36: {  	p1 =	seq.s32 s10, $0x1;
	s10 =	sld [smem:$0x3F9F];
	_ =	sdelay $0x3  }
0x37: {  	[smem:$0x3F9F] =	sst s10  }
0x38: {  	s10 =	sld [smem:$0x3FA0]  }
0x39: {  	_ = 	snop;
	(pc) =	sbr.ind lr, $3  }
0x3a: {  	_ = 	snop  }
0x3b: {  	_ = 	snop  }
0x3c: {  	p2 =	seq.s32 s10, $0x1;
	s10 =	sld [smem:$0x3F9F]  }
0x3d: {  	_ =	shalt  }
0x3e: {  	_ =	shalt  }
0x3f: {  	_ =	shalt  }
0x40: {  	_ =	shalt  }
0x41: {  	_ =	shalt  }
0x42: {  	_ =	shalt  }
0x43: {  	_ =	shalt  }
0x44: {  	_ =	shalt  }
0x45: {  	_ =	shalt  }
0x46: {  	_ =	shalt  }
0x47: {  	_ =	shalt  }
0x48: {  	_ =	shalt  }
0x49: {  	_ =	shalt  }
0x4a: {  	_ =	shalt  }
0x4b: {  	_ =	shalt  }
0x4c: {  	_ =	shalt  }
0x4d: {  	_ =	shalt  }
0x4e: {  	_ =	shalt  }
0x4f: {  	_ =	shalt  }
0x50: {  	_ =	shalt  }
0x51: {  	_ =	shalt  }
0x52: {  	_ =	shalt  }
0x53: {  	_ =	shalt  }
0x54: {  	_ =	shalt  }
0x55: {  	_ =	shalt  }
0x56: {  	_ =	shalt  }
0x57: {  	_ =	shalt  }
0x58: {  	_ =	shalt  }
0x59: {  	_ =	shalt  }
0x5a: {  	_ =	shalt  }
0x5b: {  	_ =	shalt  }
0x5c: {  	_ =	shalt  }
0x5d: {  	_ =	shalt  }
0x5e: {  	_ =	shalt  }
0x5f: {  	_ =	shalt  }
0x60: {  	_ =	shalt  }
0x61: {  	_ =	shalt  }
0x62: {  	_ =	shalt  }
0x63: {  	_ =	shalt  }
0x64: {  	_ =	shalt  }
0x65: {  	_ =	shalt  }
0x66: {  	_ =	shalt  }
0x67: {  	_ =	shalt  }
0x68: {  	_ =	shalt  }
0x69: {  	_ =	shalt  }
0x6a: {  	_ =	shalt  }
0x6b: {  	_ =	shalt  }
0x6c: {  	_ =	shalt  }
0x6d: {  	_ =	shalt  }
0x6e: {  	_ =	shalt  }
0x6f: {  	_ =	shalt  }
0x70: {  	_ =	shalt  }
0x71: {  	_ =	shalt  }
0x72: {  	_ =	shalt  }
0x73: {  	_ =	shalt  }
0x74: {  	_ =	shalt  }
0x75: {  	_ =	shalt  }
0x76: {  	_ =	shalt  }
0x77: {  	_ =	shalt  }
0x78: {  	_ =	shalt  }
0x79: {  	_ =	shalt  }
0x7a: {  	_ =	shalt  }
0x7b: {  	_ =	shalt  }
0x7c: {  	_ =	shalt  }
0x7d: {  	_ =	shalt  }
0x7e: {  	_ =	shalt  }
0x7f: {  	_ =	shalt  }
0x80: {  	_ =	shalt  }
0x81: {  	_ =	shalt  }
0x82: {  	_ =	shalt  }
0x83: {  	_ =	shalt  }
0x84: {  	_ =	shalt  }
0x85: {  	_ =	shalt  }
0x86: {  	_ =	shalt  }
0x87: {  	_ =	shalt  }
.Lfunc_end0:
.L_simem_size_0:
called_computation_lowered:
.L_overlay_start_0:
0x88: {  	s2 =	sld [smem:$0x3FD9]  }
0x89: {  	s3 =	sld [smem:$0x3FFE];
	_ =	sdelay $0x1  }
0x8a: {  	s1 =	srdreg.scid  }
0x8b: {  	s0 =	sand.u32 $0x1, s1  }
0x8c: {  	s15 =	sshll.u32 s0, $0xA;
	s2 =	sadd.s32 s3, s2  }
0x8d: {  	s2 =	sadd.s32 s2, s15  }
0x8e: {  	[smem:$0x3FAB] =	sst s2  }
0x8f: {  	_ = 	snop  }
0x90: {  	s2 =	sld [smem:$0x3FD0];
	_ =	sdelay $0x2  }
0x91: {  	s16 =	simm.s32 $0xB;
	s4 =	simm.s32 $0x10  }
0x92: {  	[smem:s4], [sflag:s16] =	dma.local [hbm:s2], $0x1  }
0x93: {  	_ =	swait.eq [sflag:s16], $0x1  }
0x94: {  	[sflag:s16] =	ssyncset.done $0x0  }
0x95: {  	[sflag:s16] =	ssyncadd.s32 $0xFFFFFFFF  }
0x96: {  	s17 =	sld [smem:$0x13];
	(tm) =	ssettm $0x1  }
0x97: {  	s18 =	sld [smem:$0x3FFB];
	_ =	sdelay $0x3  }
0x98: {  	_ =	strace s18  }
0x99: {  	s2 =	sld [smem:$0x3FFC];
	_ =	sdelay $0x3  }
0x9a: {  	_ =	strace s2  }
0x9b: {  	s2 =	sld [smem:$0x3FFD];
	_ =	sdelay $0x3  }
0x9c: {  	_ =	strace s2  }
0x9d: {  	_ =	strace $0x8FFFFFFF  }
0x9e: {  	s19 =	sld [smem:$0x3FDB];
	_ =	sdelay $0x1  }
0x9f: {  	s20 =	simm.s32 $_scs_section_size  }
0xa0: {  	s5 =	simm.s32 $_size__tile_overlayer_lowered;
	s6 =	simm.s32 $_tile_overlayer_lowered  }
0xa1: {  	s7 =	simm.s32 $0x1BFF;
	s21 =	sshll.u32 s6, $0x1;
	s4 =	sadd.s32 s20, s19  }
0xa2: {  	s22 =	simm.s32 $0x0;
	s5 =	sshll.u32 s5, $0x1;
	s6 =	sadd.s32 s21, s4  }
0xa3: {  	[timem:s22], [sflag:s7] =	dma.local [hbm:s6], s5  }
0xa4: {  	_ =	swait.ge [sflag:s7], s5  }
0xa5: {  	s5 =	ssub.s32 $0x0, s5;
	[sflag:s7] =	ssyncset.done $0x0  }
0xa6: {  	[sflag:s7] =	ssyncadd.s32 s5;
	_ =	sdelay $0x1  }
0xa7: {  	s23 =	simm.s32 $0x1B8B  }
0xa8: {  	_ =	swait.ge [sflag:s23], $0x1  }
0xa9: {  	[sflag:s23] =	ssyncset.done $0x0  }
0xaa: {  	[sflag:s23] =	ssyncadd.s32 $0xFFFFFFFF  }
0xab: {  	s5 =	sld [smem:$0x0]  }
0xac: {  	s6 =	sand.u32 $0xFFFFFFFE, s1  }
0xad: {  	p0 =	sne.s32 s1, s6  }
0xae: {  	s6 =	sshll.u32 @p0 s6, $0xE  }
0xaf: {  	s6 =	sadd.s32 @p0 $0x11B8D, s6;
	s7 =	sshll.u32 @p0 s5, $0x11  }
0xb0: {  	s6 =	sor.u32 @p0 s7, s6  }
0xb1: {  	[sflag:s6] =	ssyncadd.remote.s32 @p0 $0x1;
	_ =	sdelay $0x1  }
0xb2: {  	s6 =	simm.s32 @p0 $0x1B8D  }
0xb3: {  	_ =	swait.eq @p0 [sflag:s6], $0x1  }
0xb4: {  	[sflag:s6] =	ssyncadd.s32 @p0 $0xFFFFFFFF  }
0xb5: {  	s7 =	sshll.u32 @!p0 s1, $0xE  }
0xb6: {  	s7 =	sor.u32 @!p0 $0x4000, s7;
	s6 =	simm.s32 @!p0 $0x1B8D  }
0xb7: {  	s5 =	sshll.u32 @!p0 s5, $0x11;
	s7 =	sadd.s32 @!p0 $0x11B8D, s7;
	_ =	swait.eq @!p0 [sflag:s6], $0x1  }
0xb8: {  	s5 =	sor.u32 @!p0 s5, s7;
	[sflag:s6] =	ssyncadd.s32 @!p0 $0xFFFFFFFF  }
0xb9: {  	s25 =	simm.s32 $0x1B8E;
	s24 =	sld [smem:$0x3FFE];
	[sflag:s5] =	ssyncadd.remote.s32 @!p0 $0x1  }
0xba: {  	s26 =	simm.s32 $execute0_lowered;
	[smem:$0x3FD2] =	sst s25  }
0xbb: {  	s6 =	sshll.u32 s26, $0x1;
	_ =	strace $0x80000049;
	[dreg:$0x1] =	wrdreg $0xFFFFFFFF  }
0xbc: {  	s28 =	simm.s32 $_size_execute0_lowered;
	s4 =	sadd.s32 s4, s6;
	[dreg:$0x0] =	wrdreg $0x0  }
0xbd: {  	s6 =	sshll.u32 s28, $0x1;
	[dreg:$0x2] =	wrdreg s4  }
0xbe: {  	[dreg:$0x3] =	wrdreg s6  }
0xbf: {  	[dreg:$0x4] =	wrdreg $0xC0  }
0xc0: {  	_ =	task [dreg:s22], $0x5FFFF  }
0xc1: {  	[dreg:$0x1] =	wrdreg $0xFFFFFFFF  }
0xc2: {  	[dreg:$0x0] =	wrdreg $0x60  }
0xc3: {  	[dreg:$0x2] =	wrdreg s24  }
0xc4: {  	[dreg:$0x3] =	wrdreg s17  }
0xc5: {  	[dreg:$0x4] =	wrdreg $0x9  }
0xc6: {  	_ =	task.clear_ibuf [dreg:s22], $0x5FFFF;
	_ =	strace $0x90000049  }
0xc7: {  	s29 =	simm.s32 $0x9;
	_ =	strace $0x8000004B  }
0xc8: {  	_ =	swait.ge [sflag:s29], $0x1  }
0xc9: {  	[sflag:s29] =	ssyncadd.s32 $0xFFFFFFFF  }
0xca: {  	_ =	strace $0x9000004B  }
0xcb: {  	_ =	sfence  }
0xcc: {  	s30 =	sld [smem:$0x0];
	_ =	sdelay $0x2  }
0xcd: {  	s31 =	sshll.u32 s1, $0xD;
	s1 =	sshrl.u32 s1, $0x2  }
0xce: {  	s4 =	sand.u32 $0x4000, s31;
	s1 =	sadd.s32 s1, s30  }
0xcf: {  	s0 =	sor.u32 s4, s0;
	s1 =	sshll.u32 s1, $0x11  }
0xd0: {  	s0 =	sor.u32 s1, s0  }
0xd1: {  	s0 =	sadd.s32 $0x8F2B, s0  }
0xd2: {  	[sflag:s0] =	ssyncadd.remote.s32 $0x1  }
0xd3: {  	_ =	sfence.sel $0xFFFF  }
0xd4: {  	[dreg:$0x0] =	wrdreg $0xFFFFFFFF;
	(pc) =	sbr.abs _section_cstart, $3  }
0xd5: {  	[dreg:$0x1] =	wrdreg $0xFFFFFFFF  }
0xd6: {  	_ =	task.clear_ibuf [dreg:s22], $0x2FFFF;
	_ =	strace $0x9FFFFFFF  }
0xd7: {  	(tm) =	ssettm $0x7FFFFFFF  }
tec
execute0_lowered:
.L_overlay_start_1:
0x0: {  	(tag) =	ssettag $0x1  }
0x1: {  	s0 =	rddreg [dreg:$0x0]  }
0x2: {  	s1 =	simm.s32 $0x0;
	s24 =	srdreg.scid;
	s8 =	stileid.u32  }
0x3: {  	s11 =	simm.s32 $0x2;
	s13 =	simm.s32 $0x4080;
	s14 =	simm.s32 $0x40  }
0x4: {  	s15 =	simm.s32 $0x4280;
	s20 =	simm.s32 $0x4140;
	s21 =	simm.s32 $0x7280  }
0x5: {  	s22 =	simm.s32 $0x4180;
	s23 =	simm.s32 $0x8280;
	s28 =	simm.s32 $0xA280  }
0x6: {  	s29 =	simm.s32 $0x4240;
	s30 =	simm.s32 $0xB280;
	s31 =	simm.s32 $0x1  }
0x7: {  	[smem:$0x7FF] =	sst s1;
	s4 =	sadd.s32 $0x19F000, s0;
	s5 =	sadd.s32 $0x21F000, s0  }
0x8: {  	s1 =	sand.u32 $0x1, s24;
	s6 =	sadd.s32 $0x227000, s0;
	s3 =	sshll.u32 s8, $0x7  }
0x9: {  	s26 =	sshll.u32 s8, $0x8;
	s24 =	simm.s32 $0x41C0;
	s25 =	ssub.s32 $0x2, s1  }
0xa: {  	_ =	strace $0x8000004A;
	s1 =	sshll.u32 s1, $0x6;
	s2 =	sshrl.u32 s25, $0x1  }
0xb: {  	s12 =	sand.u32 $0x800, s26;
	s9 =	sor.u32 $0x7FF, s26;
	s0 =	ssub.s32 s25, s2  }
0xc: {  	v0 =	vimm.s32 $0x0;
	v1 =	vlaneseq.u32;
	s26 =	simm.s32 $0x4200;
	s7 =	sor.u32 s3, s1;
	s0 =	smax.u32 s0, $0x1  }
0xd: {  	v2 =	vor.u32 $0x10, v1;
	v3 =	vor.u32 $0x20, v1;
	v4 =	vor.u32 $0x30, v1;
	s1 =	simm.s32 $0x0;
	s25 =	simm.s32 $0x9280;
	[dreg:$0x3] =	wrdreg s0  }
.LBB2_1:
0xe: {  	[dreg:$0x4] =	wrdreg s1;
	s3 =	simm.s32 $0x0  }
.LBB2_2:
0xf: {  	s0 =	sshll.u32 s3, $0x3  }
0x10: {  	s10 =	sadd.s32 s7, s0  }
0x11: {  	s0 =	sshll.u32 s10, $0x8  }
0x12: {  	s1 =	sadd.s32 s4, s0;
	s0 =	simm.s32 $0x0  }
0x13: {  	[tilespmem:s0], [sflag:$0x2] =	stream.linear.gather [hbm4b:s1+s0], $0x4000, $0x38;
	[tilespmem:$0xC280] =	vst v63  }
0x14: {  	_ =	swait.ge [sflag:s11], $0x4000  }
0x15: {  	[sflag:s11] =	ssyncset.done $0x0  }
0x16: {  	[sflag:s11] =	ssyncadd.s32 $0xFFFFC000  }
0x17: {  	s18 =	sshll.u32 s10, $0x1;
	s2 =	rddreg [dreg:$0x1]  }
0x18: {  	s19 =	simm.s32 $0x4000;
	s1 =	sadd.s32 s2, s18  }
0x19: {  	[tilespmem:s19], [sflag:$0x2] =	stream.linear.gather [hbm4b:s1+s0], $0x80, $0x38;
	[tilespmem:$0xC280] =	vst v63  }
0x1a: {  	_ =	swait.ge [sflag:s11], $0x80  }
0x1b: {  	[sflag:s11] =	ssyncset.done $0x0  }
0x1c: {  	s1 =	simm.s32 $0x0;
	[sflag:s11] =	ssyncadd.s32 $0xFFFFFF80  }
.LBB2_3:
0x1d: {  	s2 =	sshll.u32 s1, $0x6  }
0x1e: {  	v9 =	vimm.s32 $0x0;
	v8 =	vmov s0;
	s8 =	sshrl.u32 s2, $0x2  }
0x1f: {  	v6 =	vld [tilespmem:s8+$0x4000];
	[tilespmem:s2+$0x4080] =	vst v9  }
0x20: {  	[tilespmem:s2+$0x4090] =	vst v9  }
0x21: {  	[tilespmem:s2+$0x40A0] =	vst v9  }
0x22: {  	s19 =	simm.s32 $0x0;
	[tilespmem:s2+$0x40B0] =	vst v9  }
0x23: {  	v5 =	vld.idx.msk [tilespmem:v8+s19+$0x0 ss:$0x1], $0xffff;
	_ =	sdelay $0x4  }
0x24: {  	vm0 =	vle.s32 v5, v6  }
0x25: {  	v5 =	vsel vm0, $0x1, v0  }
0x26: {  	(xrf0) =	vadd.scan.msk.s32 $0xffff, v5;
	v5 =	vmov s2  }
0x27: {  	v5 =	vadd.s32 $0xFFFFFFFF, v5  }
0x28: {  	v7 =	vbroadcast v5, $0x0;
	v5 =	vmpcnt.ones.xlane vm0;
	_ =	sdelay $0x1  }
0x29: {  	v11 =	vor.u32 s12, v1;
	v5 =	vadd.s32 v9, v5;
	v9 =	vadd.s32 v7, v9  }
0x2a: {  	v10 =	vimm.s32 $0x40000000;
	v12 =	vnsel vm0, $0x40000000, v11  }
0x2b: {  	vm1 =	vlt.s32 v10, v12;
	v13, _, _ =	vpop (xrf0)  }
0x2c: {  	s16 =	simm.s32 $0x40;
	s17 =	simm.s32 $0x80;
	s8 =	smov.u32 s12;
	v10 =	vsel vm1, v10, v12;
	v12 =	vadd.s32 v13, v9;
	v9 =	vmov v5  }
.LBB2_4:
0x2d: {  	_ =	sdelay $0x2  }
0x2e: {  	s18 =	sshra.s32 s16, $0x2  }
0x2f: {  	[tilespmem:v12+s13+$0x0] =	vst.idx.msk vm0, v11;
	s8 =	sadd.s32 $0x10, s8;
	s16 =	smov.u32 s17;
	s19 =	sadd.s32 $0x40, s17  }
0x30: {  	p0 =	sne.s32 s17, $0x1FC0;
	v11 =	vld.idx.msk [tilespmem:v8+s18+$0x0 ss:$0x1], $0xffff;
	_ =	sdelay $0x5  }
0x31: {  	vm0 =	vle.s32 v11, v6;
	v11 =	vor.u32 s8, v1  }
0x32: {  	v12 =	vsel vm0, $0x1, v0;
	v13 =	vnsel vm0, $0x40000000, v11;
	v14 =	vmpcnt.ones.xlane vm0  }
0x33: {  	vm1 =	vlt.s32 v10, v13;
	(xrf0) =	vadd.scan.msk.s32 $0xffff, v12  }
0x34: {  	v10 =	vsel vm1, v10, v13;
	v5 =	vadd.s32 v5, v14;
	_ =	sdelay $0x1  }
.Ltmp0:
0x35: {  	(pc) =	sbr.rel @p0 .LBB2_4-.Ltmp0, $3  }
0x36: {  	_ =	sdelay $0x1  }
0x37: {  	v12 =	vadd.s32 v7, v9;
	v9 =	vmov v5;
	v13, _, _ =	vpop (xrf0)  }
0x38: {  	s17 =	smov.u32 s19;
	v12 =	vadd.s32 v13, v12  }
0x39: {  	_ =	sdelay $0x4  }
0x3a: {  	s16 =	sshra.s32 s16, $0x2;
	[tilespmem:v12+s13+$0x0] =	vst.idx.msk vm0, v11  }
0x3b: {  	v8 =	vld.idx.msk [tilespmem:v8+s16+$0x0 ss:$0x1], $0xffff;
	_ =	sdelay $0x3  }
0x3c: {  	s8 =	sadd.s32 $0x10, s8  }
0x3d: {  	vm11 =	vle.s32 v8, v6;
	v6 =	vor.u32 s8, v1  }
0x3e: {  	v8 =	vnsel vm11, $0x40000000, v6  }
0x3f: {  	vm1 =	vlt.s32 v10, v8  }
0x40: {  	v59 =	vsel vm11, $0x1, v0;
	v8 =	vsel vm1, v10, v8  }
0x41: {  	(xrf0) =	vadd.scan.msk.s32 $0xffff, v59;
	v8 =	vxor.u32 $0x80000000, v8  }
0x42: {  	(xrf0) =	vmin.scan.msk.u32 $0xffff, v8;
	_ =	sdelay $0x4  }
0x43: {  	v60, _, _ =	vpop (xrf0)  }
0x44: {  	v61, _, _ =	vpop (xrf0)  }
0x45: {  	(v2sf) =	vpush v61, $0xF;
	_ =	sdelay $0x6  }
0x46: {  	v7 =	vadd.s32 v7, v9  }
0x47: {  	v7 =	vadd.s32 v60, v7;
	_ =	sdelay $0x4  }
0x48: {  	[tilespmem:v7+s13+$0x0] =	vst.idx.msk vm11, v6;
	v7 =	vmpcnt.ones.xlane vm11  }
0x49: {  	v6 =	vld [tilespmem:s2+$0x4080]  }
0x4a: {  	v5 =	vadd.s32 v5, v7;
	v7 =	vld [tilespmem:s2+$0x40B0];
	s19 =	spop (v2sf)  }
0x4b: {  	v62 =	vld [tilespmem:s2+$0x4090];
	s8 =	sxor.u32 $0x80000000, s19  }
0x4c: {  	s1 =	sadd.s32 $0x1, s1;
	s16 =	smov.u32 s9;
	v63 =	vld [tilespmem:s2+$0x40A0];
	p0 =	slt.s32 s8, s9  }
0x4d: {  	vm12 =	vgt.s32 v5, v1;
	s16 =	smov.u32 @p0 s8;
	p0 =	sne.s32 s1, $0x8  }
.Ltmp1:
0x4e: {  	vm15 =	vgt.s32 v5, v4;
	v6 =	vnsel vm12, s16, v6;
	(pc) =	sbr.rel @p0 .LBB2_3-.Ltmp1, $4  }
0x4f: {  	vm13 =	vgt.s32 v5, v2;
	vm14 =	vgt.s32 v5, v3;
	v5 =	vnsel vm15, s16, v7;
	[tilespmem:s2+$0x4080] =	vst v6  }
0x50: {  	v6 =	vnsel vm13, s16, v62;
	[tilespmem:s2+$0x40B0] =	vst v5  }
0x51: {  	[tilespmem:s2+$0x4090] =	vst v6;
	v6 =	vnsel vm14, s16, v63  }
0x52: {  	s0 =	sadd.s32 $0x800, s0;
	[tilespmem:s2+$0x40A0] =	vst v6  }
0x53: {  	[tilespmem:s15], [sflag:$0x1] =	stream.indirect.gather [hbm4b:s5+s14], $0x40, s13, s14, $0xb8;
	[tilespmem:$0xC280] =	vst v63  }
0x54: {  	s0 =	simm.s32 $0x40C0;
	s1 =	simm.s32 $0x5280  }
0x55: {  	[tilespmem:s1], [sflag:$0x1] =	stream.indirect.gather [hbm4b:s5+s14], $0x40, s0, s14, $0xb8;
	[tilespmem:$0xC280] =	vst v63  }
0x56: {  	s16 =	simm.s32 $0x4100;
	s17 =	simm.s32 $0x6280  }
0x57: {  	[tilespmem:s17], [sflag:$0x1] =	stream.indirect.gather [hbm4b:s5+s14], $0x40, s16, s14, $0xb8;
	[tilespmem:$0xC280] =	vst v63  }
0x58: {  	_ = 	snop  }
0x59: {  	[tilespmem:s21], [sflag:$0x1] =	stream.indirect.gather [hbm4b:s5+s14], $0x40, s20, s14, $0xb8;
	[tilespmem:$0xC280] =	vst v63  }
0x5a: {  	_ = 	snop  }
0x5b: {  	[tilespmem:s23], [sflag:$0x1] =	stream.indirect.gather [hbm4b:s5+s14], $0x40, s22, s14, $0xb8;
	[tilespmem:$0xC280] =	vst v63  }
0x5c: {  	_ = 	snop  }
0x5d: {  	[tilespmem:s25], [sflag:$0x1] =	stream.indirect.gather [hbm4b:s5+s14], $0x40, s24, s14, $0xb8;
	[tilespmem:$0xC280] =	vst v63  }
0x5e: {  	_ = 	snop  }
0x5f: {  	[tilespmem:s28], [sflag:$0x1] =	stream.indirect.gather [hbm4b:s5+s14], $0x40, s26, s14, $0xb8;
	[tilespmem:$0xC280] =	vst v63  }
0x60: {  	_ = 	snop  }
0x61: {  	[tilespmem:s30], [sflag:$0x1] =	stream.indirect.gather [hbm4b:s5+s14], $0x40, s29, s14, $0xb8;
	[tilespmem:$0xC280] =	vst v63  }
0x62: {  	_ =	swait.ge [sflag:s31], $0x1000  }
0x63: {  	[sflag:s31] =	ssyncset.done $0x0  }
0x64: {  	[sflag:s31] =	ssyncadd.s32 $0xFFFFF000  }
0x65: {  	_ =	swait.ge [sflag:s31], $0x1000  }
0x66: {  	[sflag:s31] =	ssyncset.done $0x0  }
0x67: {  	[sflag:s31] =	ssyncadd.s32 $0xFFFFF000  }
0x68: {  	_ =	swait.ge [sflag:s31], $0x1000  }
0x69: {  	[sflag:s31] =	ssyncset.done $0x0  }
0x6a: {  	[sflag:s31] =	ssyncadd.s32 $0xFFFFF000  }
0x6b: {  	_ =	swait.ge [sflag:s31], $0x1000  }
0x6c: {  	[sflag:s31] =	ssyncset.done $0x0  }
0x6d: {  	[sflag:s31] =	ssyncadd.s32 $0xFFFFF000  }
0x6e: {  	_ =	swait.ge [sflag:s31], $0x1000  }
0x6f: {  	[sflag:s31] =	ssyncset.done $0x0  }
0x70: {  	[sflag:s31] =	ssyncadd.s32 $0xFFFFF000  }
0x71: {  	_ =	swait.ge [sflag:s31], $0x1000  }
0x72: {  	[sflag:s31] =	ssyncset.done $0x0  }
0x73: {  	[sflag:s31] =	ssyncadd.s32 $0xFFFFF000  }
0x74: {  	_ =	swait.ge [sflag:s31], $0x1000  }
0x75: {  	[sflag:s31] =	ssyncset.done $0x0  }
0x76: {  	[sflag:s31] =	ssyncadd.s32 $0xFFFFF000  }
0x77: {  	s18 =	sshll.u32 s10, $0x9;
	s3 =	sadd.s32 $0x1, s3;
	_ =	swait.ge [sflag:s31], $0x1000  }
0x78: {  	s19 =	simm.s32 $0x0;
	p0 =	sne.s32 s3, $0x8;
	[sflag:s31] =	ssyncset.done $0x0  }
.Ltmp2:
0x79: {  	s0 =	sadd.s32 s6, s18;
	[sflag:s31] =	ssyncadd.s32 $0xFFFFF000;
	(pc) =	sbr.rel @p0 .LBB2_2-.Ltmp2, $4  }
0x7a: {  	[hbm4b:s0+s19] =	stream.linear.scatter [tilespmem:s15], [sflag:$0x2], $0x8000, $0x38;
	[tilespmem:$0xC280] =	vst v63  }
0x7b: {  	_ =	swait.ge [sflag:s11], $0x8000  }
0x7c: {  	[sflag:s11] =	ssyncset.done $0x0  }
0x7d: {  	[sflag:s11] =	ssyncadd.s32 $0xFFFF8000  }
0x7e: {  	s1 =	rddreg [dreg:$0x4]  }
0x7f: {  	s0 =	rddreg [dreg:$0x3];
	s1 =	sadd.s32 $0x1, s1  }
0x80: {  	p0 =	sne.s32 s1, s0  }
.Ltmp3:
0x81: {  	_ = 	snop;
	(pc) =	sbr.rel @p0 .LBB2_1-.Ltmp3, $1  }
0x82: {  	_ =	sdelay $0x3  }
0x83: {  	_ =	sfence.sel $0x180000  }
0x84: {  	[bflag:$0x0] =	sbarrier.arrive $0xFFFF  }
0x85: {  	_ =	strace $0x9000004A  }
0x86: {  	s0 =	stileid.u32;
	[bflag:$0x2] =	sbarrier.arrive $0xFFFF  }
0x87: {  	p0 =	sne.s32 s0, $0x0;
	s0 =	rddreg [dreg:$0x2]  }
0x88: {  	s0 =	sadd.s32 @!p0 $0x100000, s0  }
0x89: {  	[sflag:s0] =	ssyncadd.tile.s32 @!p0 $0x1;
	_ =	shalt  }
.Lfunc_end2:
_tile_overlayer_lowered:
.L_overlay_start_2:
0x8a: {  	(tag) =	ssettag $0x2  }
0x8b: {  	s0 =	rddreg [dreg:$0x0];
	s2 =	stileid.u32  }
0x8c: {  	s1 =	rddreg [dreg:$0x1];
	p0 =	sne.s32 s2, $0x0  }
0x8d: {  	s3 =	rddreg [dreg:$0x2];
	[bflag:$0x3] =	sbarrier.arrive $0xFFFF;
	s2 =	simm.s32 @!p0 $0x1C02  }
0x8e: {  	[timem:s3], [sflag:s2] =	dma.local @!p0 [hbm:s0], s1  }
0x8f: {  	s0 =	simm.s32 @!p0 $0x2  }
0x90: {  	_ =	swait.ge @!p0 [sflag:s0], s1  }
0x91: {  	s1 =	ssub.s32 @!p0 $0x0, s1;
	[sflag:s0] =	ssyncset.done @!p0 $0x0  }
0x92: {  	[sflag:s0] =	ssyncadd.s32 @!p0 s1  }
0x93: {  	[bflag:$0x3] =	sbarrier.arrive $0xFFFF  }
0x94: {  	_ =	shalt  }

// kernel: kernel.23.cloned.1.call-start
scs
__scs_entry_jumppad:
0x0: {  	(pc) =	sbr.rel $0x88, $3  }
0x1: {  	(tag) =	ssettag $0x0;
	lr =	simm.s32 $0x1  }
0x2: {  	[smem:$0x3F84] =	sst lr;
	_ =	strace $0xD0000000  }
0x3: {  	_ = 	snop  }
0x4: {  	_ = 	snop  }
0x5: {  	_ = 	snop  }
0x6: {  	_ = 	snop  }
0x7: {  	_ = 	snop  }
__scs_overlays_trampoline_lowered:
0x8: {  	[smem:$0x3F93] =	sst s0  }
0x9: {  	[smem:$0x3F94] =	sst s1  }
0xa: {  	[smem:$0x3F95] =	sst s2  }
0xb: {  	[smem:$0x3F96] =	sst s3  }
0xc: {  	[smem:$0x3F97] =	sst s4  }
0xd: {  	[smem:$0x3F98] =	sst s5  }
0xe: {  	[smem:$0x3F99] =	sst s6  }
0xf: {  	[smem:$0x3F9A] =	sst s7  }
0x10: {  	[smem:$0x3F9B] =	sst s8  }
0x11: {  	[smem:$0x3F9C] =	sst s9;
	s0 =	simm.s32 @!p0 $0x0  }
0x12: {  	s1 =	sld [smem:$0x3F82];
	s0 =	simm.s32 @p0 $0x1  }
0x13: {  	[smem:$0x3F9D] =	sst s0;
	s0 =	simm.s32 @!p1 $0x0  }
0x14: {  	s2 =	sld [smem:$0x3F81];
	s0 =	simm.s32 @p1 $0x1  }
0x15: {  	[smem:$0x3F9E] =	sst s0;
	s0 =	simm.s32 @!p2 $0x0  }
0x16: {  	s3 =	sld [smem:$0x3FDB];
	s0 =	simm.s32 @p2 $0x1  }
0x17: {  	s4 =	simm.s32 $0x1BF5;
	[smem:$0x3FA0] =	sst s0  }
0x18: {  	s0 =	sld [smem:$0x3F83];
	_ =	swait.ge [sflag:s4], $0x0  }
0x19: {  	s7 =	sld [smem:$0x3F84]  }
0x1a: {  	s8 =	sadd.s32 $0xFFFFE003, lr  }
0x1b: {  	s9 =	sadd.s32 $0xFFFFFEF7, lr;
	s5 =	simm.s32 $0xFFFFFFFF;
	p2 =	slt.u32 s8, $0xFFFFF086  }
0x1c: {  	p1 =	slt.u32 s9, $0xF7A;
	s5 =	simm.s32 @!p2 $0x0  }
0x1d: {  	s5 =	simm.s32 @p1 $0x1;
	p0 =	seq.s32 s7, s2  }
0x1e: {  	s7 =	smul.u32 @!p0 $0xF7A, s2;
	p2 =	seq.s32 @!p0 s5, $0x0  }
0x1f: {  	s9 =	smul.u32 $0xF7A, s1;
	s8 =	simm.s32 @!p0 $0x1BF5;
	p2 =	por !p2, p0  }
0x20: {  	[sflag:s8] =	ssyncset.s32 @!p0 $0xFFFFF086;
	s6 =	sadd.s32 @!p0 s3, s7;
	s7 =	simm.s32 @!p0 $0x108  }
0x21: {  	s3 =	sadd.s32 s3, s9;
	s6 =	sadd.s32 @!p0 $0x88, s6;
	s7 =	simm.s32 @p2 $0x1082  }
0x22: {  	[simem:s7], [sflag:s8] =	dma.local @!p0 [hbm:s6], $0xF7A  }
0x23: {  	s9 =	sor.u32 $0xD0000000, s2;
	s6 =	simm.s32 $0x108;
	_ =	swait.ge @!p0 [sflag:s8], $0x0  }
0x24: {  	s3 =	sadd.s32 $0x88, s3;
	s6 =	simm.s32 @!p1 $0x1082;
	[sflag:s4] =	ssyncset.s32 $0xFFFFF086  }
0x25: {  	[simem:s6], [sflag:s4] =	dma.local [hbm:s3], $0xF7A  }
0x26: {  	[smem:$0x3F84] =	sst s1;
	(tag) =	ssettag s2;
	_ =	strace s9  }
0x27: {  	s1 =	sld [smem:$0x3F94]  }
0x28: {  	s2 =	sld [smem:$0x3F95]  }
0x29: {  	s4 =	sld [smem:$0x3F97]  }
0x2a: {  	p0 =	seq.s32 s5, $0x0;
	s5 =	sld [smem:$0x3F98]  }
0x2b: {  	s6 =	sld [smem:$0x3F99]  }
0x2c: {  	s7 =	sld [smem:$0x3F9A]  }
0x2d: {  	s3 =	simm.s32 $0x108;
	s8 =	sld [smem:$0x3F9B]  }
0x2e: {  	s3 =	simm.s32 @!p0 $0x1082;
	s9 =	sld [smem:$0x3F9C]  }
0x2f: {  	lr =	sadd.s32 s0, s3;
	s0 =	sld [smem:$0x3F93]  }
0x30: {  	s3 =	sld [smem:$0x3F96]  }
0x31: {  	[smem:$0x3F9F] =	sst s10  }
0x32: {  	s10 =	sld [smem:$0x3F9D];
	_ =	sdelay $0x3  }
0x33: {  	p0 =	seq.s32 s10, $0x1;
	s10 =	sld [smem:$0x3F9F];
	_ =	sdelay $0x3  }
0x34: {  	[smem:$0x3F9F] =	sst s10  }
0x35: {  	s10 =	sld [smem:$0x3F9E];
	_ =	sdelay $0x3  }
0x36: {  	p1 =	seq.s32 s10, $0x1;
	s10 =	sld [smem:$0x3F9F];
	_ =	sdelay $0x3  }
0x37: {  	[smem:$0x3F9F] =	sst s10  }
0x38: {  	s10 =	sld [smem:$0x3FA0]  }
0x39: {  	_ = 	snop;
	(pc) =	sbr.ind lr, $3  }
0x3a: {  	_ = 	snop  }
0x3b: {  	_ = 	snop  }
0x3c: {  	p2 =	seq.s32 s10, $0x1;
	s10 =	sld [smem:$0x3F9F]  }
0x3d: {  	_ =	shalt  }
0x3e: {  	_ =	shalt  }
0x3f: {  	_ =	shalt  }
0x40: {  	_ =	shalt  }
0x41: {  	_ =	shalt  }
0x42: {  	_ =	shalt  }
0x43: {  	_ =	shalt  }
0x44: {  	_ =	shalt  }
0x45: {  	_ =	shalt  }
0x46: {  	_ =	shalt  }
0x47: {  	_ =	shalt  }
0x48: {  	_ =	shalt  }
0x49: {  	_ =	shalt  }
0x4a: {  	_ =	shalt  }
0x4b: {  	_ =	shalt  }
0x4c: {  	_ =	shalt  }
0x4d: {  	_ =	shalt  }
0x4e: {  	_ =	shalt  }
0x4f: {  	_ =	shalt  }
0x50: {  	_ =	shalt  }
0x51: {  	_ =	shalt  }
0x52: {  	_ =	shalt  }
0x53: {  	_ =	shalt  }
0x54: {  	_ =	shalt  }
0x55: {  	_ =	shalt  }
0x56: {  	_ =	shalt  }
0x57: {  	_ =	shalt  }
0x58: {  	_ =	shalt  }
0x59: {  	_ =	shalt  }
0x5a: {  	_ =	shalt  }
0x5b: {  	_ =	shalt  }
0x5c: {  	_ =	shalt  }
0x5d: {  	_ =	shalt  }
0x5e: {  	_ =	shalt  }
0x5f: {  	_ =	shalt  }
0x60: {  	_ =	shalt  }
0x61: {  	_ =	shalt  }
0x62: {  	_ =	shalt  }
0x63: {  	_ =	shalt  }
0x64: {  	_ =	shalt  }
0x65: {  	_ =	shalt  }
0x66: {  	_ =	shalt  }
0x67: {  	_ =	shalt  }
0x68: {  	_ =	shalt  }
0x69: {  	_ =	shalt  }
0x6a: {  	_ =	shalt  }
0x6b: {  	_ =	shalt  }
0x6c: {  	_ =	shalt  }
0x6d: {  	_ =	shalt  }
0x6e: {  	_ =	shalt  }
0x6f: {  	_ =	shalt  }
0x70: {  	_ =	shalt  }
0x71: {  	_ =	shalt  }
0x72: {  	_ =	shalt  }
0x73: {  	_ =	shalt  }
0x74: {  	_ =	shalt  }
0x75: {  	_ =	shalt  }
0x76: {  	_ =	shalt  }
0x77: {  	_ =	shalt  }
0x78: {  	_ =	shalt  }
0x79: {  	_ =	shalt  }
0x7a: {  	_ =	shalt  }
0x7b: {  	_ =	shalt  }
0x7c: {  	_ =	shalt  }
0x7d: {  	_ =	shalt  }
0x7e: {  	_ =	shalt  }
0x7f: {  	_ =	shalt  }
0x80: {  	_ =	shalt  }
0x81: {  	_ =	shalt  }
0x82: {  	_ =	shalt  }
0x83: {  	_ =	shalt  }
0x84: {  	_ =	shalt  }
0x85: {  	_ =	shalt  }
0x86: {  	_ =	shalt  }
0x87: {  	_ =	shalt  }
.Lfunc_end0:
.L_simem_size_0:
called_computation.1_lowered:
.L_overlay_start_0:
0x88: {  	s2 =	sld [smem:$0x3FD9]  }
0x89: {  	s3 =	sld [smem:$0x3FFE];
	_ =	sdelay $0x1  }
0x8a: {  	s1 =	srdreg.scid  }
0x8b: {  	s0 =	sand.u32 $0x1, s1  }
0x8c: {  	s14 =	sshll.u32 s0, $0xA;
	s2 =	sadd.s32 s3, s2  }
0x8d: {  	s2 =	sadd.s32 s2, s14  }
0x8e: {  	[smem:$0x3FAB] =	sst s2  }
0x8f: {  	_ = 	snop  }
0x90: {  	s2 =	sld [smem:$0x3FD0];
	_ =	sdelay $0x2  }
0x91: {  	s15 =	simm.s32 $0xB;
	s4 =	simm.s32 $0x10  }
0x92: {  	[smem:s4], [sflag:s15] =	dma.local [hbm:s2], $0x1  }
0x93: {  	_ =	swait.eq [sflag:s15], $0x1  }
0x94: {  	[sflag:s15] =	ssyncset.done $0x0  }
0x95: {  	[sflag:s15] =	ssyncadd.s32 $0xFFFFFFFF  }
0x96: {  	s16 =	sld [smem:$0x10];
	(tm) =	ssettm $0x1  }
0x97: {  	s17 =	sld [smem:$0x3FFB];
	_ =	sdelay $0x3  }
0x98: {  	_ =	strace s17  }
0x99: {  	s3 =	sld [smem:$0x3FFC];
	_ =	sdelay $0x3  }
0x9a: {  	_ =	strace s3  }
0x9b: {  	s3 =	sld [smem:$0x3FFD];
	_ =	sdelay $0x3  }
0x9c: {  	_ =	strace s3  }
0x9d: {  	_ =	strace $0x8FFFFFFF  }
0x9e: {  	s18 =	sld [smem:$0x3FDB];
	_ =	sdelay $0x1  }
0x9f: {  	s19 =	simm.s32 $_scs_section_size  }
0xa0: {  	s5 =	simm.s32 $_size__tile_overlayer_lowered;
	s6 =	simm.s32 $_tile_overlayer_lowered  }
0xa1: {  	s22 =	simm.s32 $0x1BFF;
	s21 =	sshll.u32 s6, $0x1;
	s3 =	sadd.s32 s19, s18  }
0xa2: {  	s7 =	simm.s32 $0x0;
	s20 =	sshll.u32 s5, $0x1;
	s5 =	sadd.s32 s21, s3  }
0xa3: {  	[timem:s7], [sflag:s22] =	dma.local [hbm:s5], s20  }
0xa4: {  	_ =	swait.ge [sflag:s22], s20  }
0xa5: {  	s4 =	ssub.s32 $0x0, s20;
	[sflag:s22] =	ssyncset.done $0x0  }
0xa6: {  	[sflag:s22] =	ssyncadd.s32 s4;
	_ =	sdelay $0x1  }
0xa7: {  	s23 =	simm.s32 $0x1B8B  }
0xa8: {  	_ =	swait.ge [sflag:s23], $0x1  }
0xa9: {  	[sflag:s23] =	ssyncset.done $0x0  }
0xaa: {  	s25 =	simm.s32 $0x1B8E;
	s24 =	sld [smem:$0x3FFE];
	[sflag:s23] =	ssyncadd.s32 $0xFFFFFFFF  }
0xab: {  	s26 =	simm.s32 $execute0_lowered;
	[smem:$0x3FD2] =	sst s25  }
0xac: {  	s5 =	sshll.u32 s26, $0x1;
	_ =	strace $0x80000046;
	[dreg:$0x1] =	wrdreg $0xFFFFFFFF  }
0xad: {  	s28 =	simm.s32 $_size_execute0_lowered;
	s3 =	sadd.s32 s3, s5;
	[dreg:$0x0] =	wrdreg $0x0  }
0xae: {  	s5 =	sshll.u32 s28, $0x1;
	[dreg:$0x2] =	wrdreg s3  }
0xaf: {  	[dreg:$0x3] =	wrdreg s5  }
0xb0: {  	[dreg:$0x4] =	wrdreg $0xC0  }
0xb1: {  	_ =	task [dreg:s7], $0x5FFFF  }
0xb2: {  	[dreg:$0x1] =	wrdreg $0xFFFFFFFF  }
0xb3: {  	[dreg:$0x0] =	wrdreg $0x60  }
0xb4: {  	[dreg:$0x2] =	wrdreg s24  }
0xb5: {  	[dreg:$0x3] =	wrdreg s16  }
0xb6: {  	[dreg:$0x4] =	wrdreg $0xA  }
0xb7: {  	_ =	task.clear_ibuf [dreg:s7], $0x5FFFF;
	_ =	strace $0x90000046  }
0xb8: {  	s29 =	simm.s32 $0xA;
	_ =	strace $0x80000048  }
0xb9: {  	_ =	swait.ge [sflag:s29], $0x1  }
0xba: {  	[sflag:s29] =	ssyncadd.s32 $0xFFFFFFFF  }
0xbb: {  	_ =	strace $0x90000048  }
0xbc: {  	_ =	sfence  }
0xbd: {  	s30 =	sld [smem:$0x0];
	_ =	sdelay $0x2  }
0xbe: {  	s31 =	sshll.u32 s1, $0xD;
	s1 =	sshrl.u32 s1, $0x2  }
0xbf: {  	s3 =	sand.u32 $0x4000, s31;
	s1 =	sadd.s32 s1, s30  }
0xc0: {  	s0 =	sor.u32 s3, s0;
	s1 =	sshll.u32 s1, $0x11  }
0xc1: {  	s0 =	sor.u32 s1, s0  }
0xc2: {  	s0 =	sadd.s32 $0x8F2B, s0  }
0xc3: {  	[sflag:s0] =	ssyncadd.remote.s32 $0x1  }
0xc4: {  	_ =	sfence.sel $0xFFFF  }
0xc5: {  	[dreg:$0x0] =	wrdreg $0xFFFFFFFF;
	(pc) =	sbr.abs _section_cstart, $3  }
0xc6: {  	[dreg:$0x1] =	wrdreg $0xFFFFFFFF  }
0xc7: {  	_ =	task.clear_ibuf [dreg:s7], $0x2FFFF;
	_ =	strace $0x9FFFFFFF  }
0xc8: {  	(tm) =	ssettm $0x7FFFFFFF  }
0xc9: {  	_ =	shalt  }
tec
execute0_lowered:
.L_overlay_start_1:
0x0: {  	(tag) =	ssettag $0x1  }
0x1: {  	s0 =	rddreg [dreg:$0x0]  }
0x2: {  	s1 =	simm.s32 $0x0;
	s24 =	srdreg.scid;
	s8 =	stileid.u32  }
0x3: {  	s11 =	simm.s32 $0x2;
	s13 =	simm.s32 $0x4080;
	s14 =	simm.s32 $0x40  }
0x4: {  	s15 =	simm.s32 $0x4280;
	s20 =	simm.s32 $0x4140;
	s21 =	simm.s32 $0x7280  }
0x5: {  	s22 =	simm.s32 $0x4180;
	s23 =	simm.s32 $0x8280;
	s28 =	simm.s32 $0xA280  }
0x6: {  	s29 =	simm.s32 $0x4240;
	s30 =	simm.s32 $0xB280;
	s31 =	simm.s32 $0x1  }
0x7: {  	[smem:$0x7FF] =	sst s1;
	s4 =	sadd.s32 $0xF000, s0;
	s5 =	sadd.s32 $0x8F000, s0  }
0x8: {  	s1 =	sand.u32 $0x1, s24;
	s6 =	sadd.s32 $0x97000, s0;
	s3 =	sshll.u32 s8, $0x7  }
0x9: {  	s26 =	sshll.u32 s8, $0x8;
	s24 =	simm.s32 $0x41C0;
	s25 =	ssub.s32 $0x2, s1  }
0xa: {  	_ =	strace $0x80000047;
	s1 =	sshll.u32 s1, $0x6;
	s2 =	sshrl.u32 s25, $0x1  }
0xb: {  	s12 =	sand.u32 $0x800, s26;
	s9 =	sor.u32 $0x7FF, s26;
	s0 =	ssub.s32 s25, s2  }
0xc: {  	v0 =	vimm.s32 $0x0;
	v1 =	vlaneseq.u32;
	s26 =	simm.s32 $0x4200;
	s7 =	sor.u32 s3, s1;
	s0 =	smax.u32 s0, $0x1  }
0xd: {  	v2 =	vor.u32 $0x10, v1;
	v3 =	vor.u32 $0x20, v1;
	v4 =	vor.u32 $0x30, v1;
	s1 =	simm.s32 $0x0;
	s25 =	simm.s32 $0x9280;
	[dreg:$0x3] =	wrdreg s0  }
.LBB2_1:
0xe: {  	[dreg:$0x4] =	wrdreg s1;
	s3 =	simm.s32 $0x0  }
.LBB2_2:
0xf: {  	s0 =	sshll.u32 s3, $0x3  }
0x10: {  	s10 =	sadd.s32 s7, s0  }
0x11: {  	s0 =	sshll.u32 s10, $0x8  }
0x12: {  	s1 =	sadd.s32 s4, s0;
	s0 =	simm.s32 $0x0  }
0x13: {  	[tilespmem:s0], [sflag:$0x2] =	stream.linear.gather [hbm4b:s1+s0], $0x4000, $0x38;
	[tilespmem:$0xC280] =	vst v63  }
0x14: {  	_ =	swait.ge [sflag:s11], $0x4000  }
0x15: {  	[sflag:s11] =	ssyncset.done $0x0  }
0x16: {  	[sflag:s11] =	ssyncadd.s32 $0xFFFFC000  }
0x17: {  	s18 =	sshll.u32 s10, $0x1;
	s2 =	rddreg [dreg:$0x1]  }
0x18: {  	s19 =	simm.s32 $0x4000;
	s1 =	sadd.s32 s2, s18  }
0x19: {  	[tilespmem:s19], [sflag:$0x2] =	stream.linear.gather [hbm4b:s1+s0], $0x80, $0x38;
	[tilespmem:$0xC280] =	vst v63  }
0x1a: {  	_ =	swait.ge [sflag:s11], $0x80  }
0x1b: {  	[sflag:s11] =	ssyncset.done $0x0  }
0x1c: {  	s1 =	simm.s32 $0x0;
	[sflag:s11] =	ssyncadd.s32 $0xFFFFFF80  }
.LBB2_3:
0x1d: {  	s2 =	sshll.u32 s1, $0x6  }
0x1e: {  	v9 =	vimm.s32 $0x0;
	v8 =	vmov s0;
	s8 =	sshrl.u32 s2, $0x2  }
0x1f: {  	v6 =	vld [tilespmem:s8+$0x4000];
	[tilespmem:s2+$0x4080] =	vst v9  }
0x20: {  	[tilespmem:s2+$0x4090] =	vst v9  }
0x21: {  	[tilespmem:s2+$0x40A0] =	vst v9  }
0x22: {  	s19 =	simm.s32 $0x0;
	[tilespmem:s2+$0x40B0] =	vst v9  }
0x23: {  	v5 =	vld.idx.msk [tilespmem:v8+s19+$0x0 ss:$0x1], $0xffff;
	_ =	sdelay $0x4  }
0x24: {  	vm0 =	vle.s32 v5, v6  }
0x25: {  	v5 =	vsel vm0, $0x1, v0  }
0x26: {  	(xrf0) =	vadd.scan.msk.s32 $0xffff, v5;
	v5 =	vmov s2  }
0x27: {  	v5 =	vadd.s32 $0xFFFFFFFF, v5  }
0x28: {  	v7 =	vbroadcast v5, $0x0;
	v5 =	vmpcnt.ones.xlane vm0;
	_ =	sdelay $0x1  }
0x29: {  	v11 =	vor.u32 s12, v1;
	v5 =	vadd.s32 v9, v5;
	v9 =	vadd.s32 v7, v9  }
0x2a: {  	v10 =	vimm.s32 $0x40000000;
	v12 =	vnsel vm0, $0x40000000, v11  }
0x2b: {  	vm1 =	vlt.s32 v10, v12;
	v13, _, _ =	vpop (xrf0)  }
0x2c: {  	s16 =	simm.s32 $0x40;
	s17 =	simm.s32 $0x80;
	s8 =	smov.u32 s12;
	v10 =	vsel vm1, v10, v12;
	v12 =	vadd.s32 v13, v9;
	v9 =	vmov v5  }
.LBB2_4:
0x2d: {  	_ =	sdelay $0x2  }
0x2e: {  	s18 =	sshra.s32 s16, $0x2  }
0x2f: {  	[tilespmem:v12+s13+$0x0] =	vst.idx.msk vm0, v11;
	s8 =	sadd.s32 $0x10, s8;
	s16 =	smov.u32 s17;
	s19 =	sadd.s32 $0x40, s17  }
0x30: {  	p0 =	sne.s32 s17, $0x1FC0;
	v11 =	vld.idx.msk [tilespmem:v8+s18+$0x0 ss:$0x1], $0xffff;
	_ =	sdelay $0x5  }
0x31: {  	vm0 =	vle.s32 v11, v6;
	v11 =	vor.u32 s8, v1  }
0x32: {  	v12 =	vsel vm0, $0x1, v0;
	v13 =	vnsel vm0, $0x40000000, v11;
	v14 =	vmpcnt.ones.xlane vm0  }
0x33: {  	vm1 =	vlt.s32 v10, v13;
	(xrf0) =	vadd.scan.msk.s32 $0xffff, v12  }
0x34: {  	v10 =	vsel vm1, v10, v13;
	v5 =	vadd.s32 v5, v14;
	_ =	sdelay $0x1  }
.Ltmp0:
0x35: {  	(pc) =	sbr.rel @p0 .LBB2_4-.Ltmp0, $3  }
0x36: {  	_ =	sdelay $0x1  }
0x37: {  	v12 =	vadd.s32 v7, v9;
	v9 =	vmov v5;
	v13, _, _ =	vpop (xrf0)  }
0x38: {  	s17 =	smov.u32 s19;
	v12 =	vadd.s32 v13, v12  }
0x39: {  	_ =	sdelay $0x4  }
0x3a: {  	s16 =	sshra.s32 s16, $0x2;
	[tilespmem:v12+s13+$0x0] =	vst.idx.msk vm0, v11  }
0x3b: {  	v8 =	vld.idx.msk [tilespmem:v8+s16+$0x0 ss:$0x1], $0xffff;
	_ =	sdelay $0x3  }
0x3c: {  	s8 =	sadd.s32 $0x10, s8  }
0x3d: {  	vm11 =	vle.s32 v8, v6;
	v6 =	vor.u32 s8, v1  }
0x3e: {  	v8 =	vnsel vm11, $0x40000000, v6  }
0x3f: {  	vm1 =	vlt.s32 v10, v8  }
0x40: {  	v59 =	vsel vm11, $0x1, v0;
	v8 =	vsel vm1, v10, v8  }
0x41: {  	(xrf0) =	vadd.scan.msk.s32 $0xffff, v59;
	v8 =	vxor.u32 $0x80000000, v8  }
0x42: {  	(xrf0) =	vmin.scan.msk.u32 $0xffff, v8;
	_ =	sdelay $0x4  }
0x43: {  	v60, _, _ =	vpop (xrf0)  }
0x44: {  	v61, _, _ =	vpop (xrf0)  }
0x45: {  	(v2sf) =	vpush v61, $0xF;
	_ =	sdelay $0x6  }
0x46: {  	v7 =	vadd.s32 v7, v9  }
0x47: {  	v7 =	vadd.s32 v60, v7;
	_ =	sdelay $0x4  }
0x48: {  	[tilespmem:v7+s13+$0x0] =	vst.idx.msk vm11, v6;
	v7 =	vmpcnt.ones.xlane vm11  }
0x49: {  	v6 =	vld [tilespmem:s2+$0x4080]  }
0x4a: {  	v5 =	vadd.s32 v5, v7;
	v7 =	vld [tilespmem:s2+$0x40B0];
	s19 =	spop (v2sf)  }
0x4b: {  	v62 =	vld [tilespmem:s2+$0x4090];
	s8 =	sxor.u32 $0x80000000, s19  }
0x4c: {  	s1 =	sadd.s32 $0x1, s1;
	s16 =	smov.u32 s9;
	v63 =	vld [tilespmem:s2+$0x40A0];
	p0 =	slt.s32 s8, s9  }
0x4d: {  	vm12 =	vgt.s32 v5, v1;
	s16 =	smov.u32 @p0 s8;
	p0 =	sne.s32 s1, $0x8  }
.Ltmp1:
0x4e: {  	vm15 =	vgt.s32 v5, v4;
	v6 =	vnsel vm12, s16, v6;
	(pc) =	sbr.rel @p0 .LBB2_3-.Ltmp1, $4  }
0x4f: {  	vm13 =	vgt.s32 v5, v2;
	vm14 =	vgt.s32 v5, v3;
	v5 =	vnsel vm15, s16, v7;
	[tilespmem:s2+$0x4080] =	vst v6  }
0x50: {  	v6 =	vnsel vm13, s16, v62;
	[tilespmem:s2+$0x40B0] =	vst v5  }
0x51: {  	[tilespmem:s2+$0x4090] =	vst v6;
	v6 =	vnsel vm14, s16, v63  }
0x52: {  	s0 =	sadd.s32 $0x800, s0;
	[tilespmem:s2+$0x40A0] =	vst v6  }
0x53: {  	[tilespmem:s15], [sflag:$0x1] =	stream.indirect.gather [hbm4b:s5+s14], $0x40, s13, s14, $0xb8;
	[tilespmem:$0xC280] =	vst v63  }
0x54: {  	s0 =	simm.s32 $0x40C0;
	s1 =	simm.s32 $0x5280  }
0x55: {  	[tilespmem:s1], [sflag:$0x1] =	stream.indirect.gather [hbm4b:s5+s14], $0x40, s0, s14, $0xb8;
	[tilespmem:$0xC280] =	vst v63  }
0x56: {  	s16 =	simm.s32 $0x4100;
	s17 =	simm.s32 $0x6280  }
0x57: {  	[tilespmem:s17], [sflag:$0x1] =	stream.indirect.gather [hbm4b:s5+s14], $0x40, s16, s14, $0xb8;
	[tilespmem:$0xC280] =	vst v63  }
0x58: {  	_ = 	snop  }
0x59: {  	[tilespmem:s21], [sflag:$0x1] =	stream.indirect.gather [hbm4b:s5+s14], $0x40, s20, s14, $0xb8;
	[tilespmem:$0xC280] =	vst v63  }
0x5a: {  	_ = 	snop  }
0x5b: {  	[tilespmem:s23], [sflag:$0x1] =	stream.indirect.gather [hbm4b:s5+s14], $0x40, s22, s14, $0xb8;
	[tilespmem:$0xC280] =	vst v63  }
0x5c: {  	_ = 	snop  }
0x5d: {  	[tilespmem:s25], [sflag:$0x1] =	stream.indirect.gather [hbm4b:s5+s14], $0x40, s24, s14, $0xb8;
	[tilespmem:$0xC280] =	vst v63  }
0x5e: {  	_ = 	snop  }
0x5f: {  	[tilespmem:s28], [sflag:$0x1] =	stream.indirect.gather [hbm4b:s5+s14], $0x40, s26, s14, $0xb8;
	[tilespmem:$0xC280] =	vst v63  }
0x60: {  	_ = 	snop  }
0x61: {  	[tilespmem:s30], [sflag:$0x1] =	stream.indirect.gather [hbm4b:s5+s14], $0x40, s29, s14, $0xb8;
	[tilespmem:$0xC280] =	vst v63  }
0x62: {  	_ =	swait.ge [sflag:s31], $0x1000  }
0x63: {  	[sflag:s31] =	ssyncset.done $0x0  }
0x64: {  	[sflag:s31] =	ssyncadd.s32 $0xFFFFF000  }
0x65: {  	_ =	swait.ge [sflag:s31], $0x1000  }
0x66: {  	[sflag:s31] =	ssyncset.done $0x0  }
0x67: {  	[sflag:s31] =	ssyncadd.s32 $0xFFFFF000  }
0x68: {  	_ =	swait.ge [sflag:s31], $0x1000  }
0x69: {  	[sflag:s31] =	ssyncset.done $0x0  }
0x6a: {  	[sflag:s31] =	ssyncadd.s32 $0xFFFFF000  }
0x6b: {  	_ =	swait.ge [sflag:s31], $0x1000  }
0x6c: {  	[sflag:s31] =	ssyncset.done $0x0  }
0x6d: {  	[sflag:s31] =	ssyncadd.s32 $0xFFFFF000  }
0x6e: {  	_ =	swait.ge [sflag:s31], $0x1000  }
0x6f: {  	[sflag:s31] =	ssyncset.done $0x0  }
0x70: {  	[sflag:s31] =	ssyncadd.s32 $0xFFFFF000  }
0x71: {  	_ =	swait.ge [sflag:s31], $0x1000  }
0x72: {  	[sflag:s31] =	ssyncset.done $0x0  }
0x73: {  	[sflag:s31] =	ssyncadd.s32 $0xFFFFF000  }
0x74: {  	_ =	swait.ge [sflag:s31], $0x1000  }
0x75: {  	[sflag:s31] =	ssyncset.done $0x0  }
0x76: {  	[sflag:s31] =	ssyncadd.s32 $0xFFFFF000  }
0x77: {  	s18 =	sshll.u32 s10, $0x9;
	s3 =	sadd.s32 $0x1, s3;
	_ =	swait.ge [sflag:s31], $0x1000  }
0x78: {  	s19 =	simm.s32 $0x0;
	p0 =	sne.s32 s3, $0x8;
	[sflag:s31] =	ssyncset.done $0x0  }
.Ltmp2:
0x79: {  	s0 =	sadd.s32 s6, s18;
	[sflag:s31] =	ssyncadd.s32 $0xFFFFF000;
	(pc) =	sbr.rel @p0 .LBB2_2-.Ltmp2, $4  }
0x7a: {  	[hbm4b:s0+s19] =	stream.linear.scatter [tilespmem:s15], [sflag:$0x2], $0x8000, $0x38;
	[tilespmem:$0xC280] =	vst v63  }
0x7b: {  	_ =	swait.ge [sflag:s11], $0x8000  }
0x7c: {  	[sflag:s11] =	ssyncset.done $0x0  }
0x7d: {  	[sflag:s11] =	ssyncadd.s32 $0xFFFF8000  }
0x7e: {  	s1 =	rddreg [dreg:$0x4]  }
0x7f: {  	s0 =	rddreg [dreg:$0x3];
	s1 =	sadd.s32 $0x1, s1  }
0x80: {  	p0 =	sne.s32 s1, s0  }
.Ltmp3:
0x81: {  	_ = 	snop;
	(pc) =	sbr.rel @p0 .LBB2_1-.Ltmp3, $1  }
0x82: {  	_ =	sdelay $0x3  }
0x83: {  	_ =	sfence.sel $0x180000  }
0x84: {  	[bflag:$0x0] =	sbarrier.arrive $0xFFFF  }
0x85: {  	_ =	strace $0x90000047  }
0x86: {  	s0 =	stileid.u32;
	[bflag:$0x2] =	sbarrier.arrive $0xFFFF  }
0x87: {  	p0 =	sne.s32 s0, $0x0;
	s0 =	rddreg [dreg:$0x2]  }
0x88: {  	s0 =	sadd.s32 @!p0 $0x100000, s0  }
0x89: {  	[sflag:s0] =	ssyncadd.tile.s32 @!p0 $0x1;
	_ =	shalt  }
.Lfunc_end2:
_tile_overlayer_lowered:
.L_overlay_start_2:
0x8a: {  	(tag) =	ssettag $0x2  }
0x8b: {  	s0 =	rddreg [dreg:$0x0];
	s2 =	stileid.u32  }
0x8c: {  	s1 =	rddreg [dreg:$0x1];
	p0 =	sne.s32 s2, $0x0  }
0x8d: {  	s3 =	rddreg [dreg:$0x2];
	[bflag:$0x3] =	sbarrier.arrive $0xFFFF;
	s2 =	simm.s32 @!p0 $0x1C02  }
0x8e: {  	[timem:s3], [sflag:s2] =	dma.local @!p0 [hbm:s0], s1  }
0x8f: {  	s0 =	simm.s32 @!p0 $0x2  }
0x90: {  	_ =	swait.ge @!p0 [sflag:s0], s1  }
0x91: {  	s1 =	ssub.s32 @!p0 $0x0, s1;
	[sflag:s0] =	ssyncset.done @!p0 $0x0  }
0x92: {  	[sflag:s0] =	ssyncadd.s32 @!p0 s1  }
0x93: {  	[bflag:$0x3] =	sbarrier.arrive $0xFFFF  }
0x94: {  	_ =	shalt  }

// kernel: kernel.26.cloned.1.call-start
scs
__scs_entry_jumppad:
0x0: {  	(pc) =	sbr.rel $0x88, $3  }
0x1: {  	(tag) =	ssettag $0x0;
	lr =	simm.s32 $0x1  }
0x2: {  	[smem:$0x3F84] =	sst lr;
	_ =	strace $0xD0000000  }
0x3: {  	_ = 	snop  }
0x4: {  	_ = 	snop  }
0x5: {  	_ = 	snop  }
0x6: {  	_ = 	snop  }
0x7: {  	_ = 	snop  }
__scs_overlays_trampoline_lowered:
0x8: {  	[smem:$0x3F93] =	sst s0  }
0x9: {  	[smem:$0x3F94] =	sst s1  }
0xa: {  	[smem:$0x3F95] =	sst s2  }
0xb: {  	[smem:$0x3F96] =	sst s3  }
0xc: {  	[smem:$0x3F97] =	sst s4  }
0xd: {  	[smem:$0x3F98] =	sst s5  }
0xe: {  	[smem:$0x3F99] =	sst s6  }
0xf: {  	[smem:$0x3F9A] =	sst s7  }
0x10: {  	[smem:$0x3F9B] =	sst s8  }
0x11: {  	[smem:$0x3F9C] =	sst s9;
	s0 =	simm.s32 @!p0 $0x0  }
0x12: {  	s1 =	sld [smem:$0x3F82];
	s0 =	simm.s32 @p0 $0x1  }
0x13: {  	[smem:$0x3F9D] =	sst s0;
	s0 =	simm.s32 @!p1 $0x0  }
0x14: {  	s2 =	sld [smem:$0x3F81];
	s0 =	simm.s32 @p1 $0x1  }
0x15: {  	[smem:$0x3F9E] =	sst s0;
	s0 =	simm.s32 @!p2 $0x0  }
0x16: {  	s3 =	sld [smem:$0x3FDB];
	s0 =	simm.s32 @p2 $0x1  }
0x17: {  	s4 =	simm.s32 $0x1BF5;
	[smem:$0x3FA0] =	sst s0  }
0x18: {  	s0 =	sld [smem:$0x3F83];
	_ =	swait.ge [sflag:s4], $0x0  }
0x19: {  	s7 =	sld [smem:$0x3F84]  }
0x1a: {  	s8 =	sadd.s32 $0xFFFFE003, lr  }
0x1b: {  	s9 =	sadd.s32 $0xFFFFFEF7, lr;
	s5 =	simm.s32 $0xFFFFFFFF;
	p2 =	slt.u32 s8, $0xFFFFF086  }
0x1c: {  	p1 =	slt.u32 s9, $0xF7A;
	s5 =	simm.s32 @!p2 $0x0  }
0x1d: {  	s5 =	simm.s32 @p1 $0x1;
	p0 =	seq.s32 s7, s2  }
0x1e: {  	s7 =	smul.u32 @!p0 $0xF7A, s2;
	p2 =	seq.s32 @!p0 s5, $0x0  }
0x1f: {  	s9 =	smul.u32 $0xF7A, s1;
	s8 =	simm.s32 @!p0 $0x1BF5;
	p2 =	por !p2, p0  }
0x20: {  	[sflag:s8] =	ssyncset.s32 @!p0 $0xFFFFF086;
	s6 =	sadd.s32 @!p0 s3, s7;
	s7 =	simm.s32 @!p0 $0x108  }
0x21: {  	s3 =	sadd.s32 s3, s9;
	s6 =	sadd.s32 @!p0 $0x88, s6;
	s7 =	simm.s32 @p2 $0x1082  }
0x22: {  	[simem:s7], [sflag:s8] =	dma.local @!p0 [hbm:s6], $0xF7A  }
0x23: {  	s9 =	sor.u32 $0xD0000000, s2;
	s6 =	simm.s32 $0x108;
	_ =	swait.ge @!p0 [sflag:s8], $0x0  }
0x24: {  	s3 =	sadd.s32 $0x88, s3;
	s6 =	simm.s32 @!p1 $0x1082;
	[sflag:s4] =	ssyncset.s32 $0xFFFFF086  }
0x25: {  	[simem:s6], [sflag:s4] =	dma.local [hbm:s3], $0xF7A  }
0x26: {  	[smem:$0x3F84] =	sst s1;
	(tag) =	ssettag s2;
	_ =	strace s9  }
0x27: {  	s1 =	sld [smem:$0x3F94]  }
0x28: {  	s2 =	sld [smem:$0x3F95]  }
0x29: {  	s4 =	sld [smem:$0x3F97]  }
0x2a: {  	p0 =	seq.s32 s5, $0x0;
	s5 =	sld [smem:$0x3F98]  }
0x2b: {  	s6 =	sld [smem:$0x3F99]  }
0x2c: {  	s7 =	sld [smem:$0x3F9A]  }
0x2d: {  	s3 =	simm.s32 $0x108;
	s8 =	sld [smem:$0x3F9B]  }
0x2e: {  	s3 =	simm.s32 @!p0 $0x1082;
	s9 =	sld [smem:$0x3F9C]  }
0x2f: {  	lr =	sadd.s32 s0, s3;
	s0 =	sld [smem:$0x3F93]  }
0x30: {  	s3 =	sld [smem:$0x3F96]  }
0x31: {  	[smem:$0x3F9F] =	sst s10  }
0x32: {  	s10 =	sld [smem:$0x3F9D];
	_ =	sdelay $0x3  }
0x33: {  	p0 =	seq.s32 s10, $0x1;
	s10 =	sld [smem:$0x3F9F];
	_ =	sdelay $0x3  }
0x34: {  	[smem:$0x3F9F] =	sst s10  }
0x35: {  	s10 =	sld [smem:$0x3F9E];
	_ =	sdelay $0x3  }
0x36: {  	p1 =	seq.s32 s10, $0x1;
	s10 =	sld [smem:$0x3F9F];
	_ =	sdelay $0x3  }
0x37: {  	[smem:$0x3F9F] =	sst s10  }
0x38: {  	s10 =	sld [smem:$0x3FA0]  }
0x39: {  	_ = 	snop;
	(pc) =	sbr.ind lr, $3  }
0x3a: {  	_ = 	snop  }
0x3b: {  	_ = 	snop  }
0x3c: {  	p2 =	seq.s32 s10, $0x1;
	s10 =	sld [smem:$0x3F9F]  }
0x3d: {  	_ =	shalt  }
0x3e: {  	_ =	shalt  }
0x3f: {  	_ =	shalt  }
0x40: {  	_ =	shalt  }
0x41: {  	_ =	shalt  }
0x42: {  	_ =	shalt  }
0x43: {  	_ =	shalt  }
0x44: {  	_ =	shalt  }
0x45: {  	_ =	shalt  }
0x46: {  	_ =	shalt  }
0x47: {  	_ =	shalt  }
0x48: {  	_ =	shalt  }
0x49: {  	_ =	shalt  }
0x4a: {  	_ =	shalt  }
0x4b: {  	_ =	shalt  }
0x4c: {  	_ =	shalt  }
0x4d: {  	_ =	shalt  }
0x4e: {  	_ =	shalt  }
0x4f: {  	_ =	shalt  }
0x50: {  	_ =	shalt  }
0x51: {  	_ =	shalt  }
0x52: {  	_ =	shalt  }
0x53: {  	_ =	shalt  }
0x54: {  	_ =	shalt  }
0x55: {  	_ =	shalt  }
0x56: {  	_ =	shalt  }
0x57: {  	_ =	shalt  }
0x58: {  	_ =	shalt  }
0x59: {  	_ =	shalt  }
0x5a: {  	_ =	shalt  }
0x5b: {  	_ =	shalt  }
0x5c: {  	_ =	shalt  }
0x5d: {  	_ =	shalt  }
0x5e: {  	_ =	shalt  }
0x5f: {  	_ =	shalt  }
0x60: {  	_ =	shalt  }
0x61: {  	_ =	shalt  }
0x62: {  	_ =	shalt  }
0x63: {  	_ =	shalt  }
0x64: {  	_ =	shalt  }
0x65: {  	_ =	shalt  }
0x66: {  	_ =	shalt  }
0x67: {  	_ =	shalt  }
0x68: {  	_ =	shalt  }
0x69: {  	_ =	shalt  }
0x6a: {  	_ =	shalt  }
0x6b: {  	_ =	shalt  }
0x6c: {  	_ =	shalt  }
0x6d: {  	_ =	shalt  }
0x6e: {  	_ =	shalt  }
0x6f: {  	_ =	shalt  }
0x70: {  	_ =	shalt  }
0x71: {  	_ =	shalt  }
0x72: {  	_ =	shalt  }
0x73: {  	_ =	shalt  }
0x74: {  	_ =	shalt  }
0x75: {  	_ =	shalt  }
0x76: {  	_ =	shalt  }
0x77: {  	_ =	shalt  }
0x78: {  	_ =	shalt  }
0x79: {  	_ =	shalt  }
0x7a: {  	_ =	shalt  }
0x7b: {  	_ =	shalt  }
0x7c: {  	_ =	shalt  }
0x7d: {  	_ =	shalt  }
0x7e: {  	_ =	shalt  }
0x7f: {  	_ =	shalt  }
0x80: {  	_ =	shalt  }
0x81: {  	_ =	shalt  }
0x82: {  	_ =	shalt  }
0x83: {  	_ =	shalt  }
0x84: {  	_ =	shalt  }
0x85: {  	_ =	shalt  }
0x86: {  	_ =	shalt  }
0x87: {  	_ =	shalt  }
.Lfunc_end0:
.L_simem_size_0:
called_computation.2_lowered:
.L_overlay_start_0:
0x88: {  	s2 =	sld [smem:$0x3FD9]  }
0x89: {  	s3 =	sld [smem:$0x3FFE];
	_ =	sdelay $0x1  }
0x8a: {  	s1 =	srdreg.scid  }
0x8b: {  	s0 =	sand.u32 $0x1, s1  }
0x8c: {  	s17 =	sshll.u32 s0, $0xA;
	s2 =	sadd.s32 s3, s2  }
0x8d: {  	s2 =	sadd.s32 s2, s17  }
0x8e: {  	[smem:$0x3FAB] =	sst s2  }
0x8f: {  	_ = 	snop  }
0x90: {  	(tm) =	ssettm $0x1  }
0x91: {  	s18 =	sld [smem:$0x3FFB];
	_ =	sdelay $0x3  }
0x92: {  	_ =	strace s18  }
0x93: {  	s2 =	sld [smem:$0x3FFC];
	_ =	sdelay $0x3  }
0x94: {  	_ =	strace s2  }
0x95: {  	s2 =	sld [smem:$0x3FFD];
	_ =	sdelay $0x3  }
0x96: {  	_ =	strace s2  }
0x97: {  	_ =	strace $0x8FFFFFFF  }
0x98: {  	s19 =	sld [smem:$0x3FDB];
	_ =	sdelay $0x1  }
0x99: {  	s20 =	simm.s32 $_scs_section_size  }
0x9a: {  	s4 =	simm.s32 $_size__tile_overlayer_lowered;
	s5 =	simm.s32 $_tile_overlayer_lowered  }
0x9b: {  	s6 =	simm.s32 $0x1BFF;
	s21 =	sshll.u32 s5, $0x1;
	s3 =	sadd.s32 s20, s19  }
0x9c: {  	s22 =	simm.s32 $0x0;
	s4 =	sshll.u32 s4, $0x1;
	s5 =	sadd.s32 s21, s3  }
0x9d: {  	[timem:s22], [sflag:s6] =	dma.local [hbm:s5], s4  }
0x9e: {  	_ =	swait.ge [sflag:s6], s4  }
0x9f: {  	s4 =	ssub.s32 $0x0, s4;
	[sflag:s6] =	ssyncset.done $0x0  }
0xa0: {  	[sflag:s6] =	ssyncadd.s32 s4;
	_ =	sdelay $0x1  }
0xa1: {  	s23 =	simm.s32 $0x1B8B  }
0xa2: {  	_ =	swait.ge [sflag:s23], $0x1  }
0xa3: {  	[sflag:s23] =	ssyncset.done $0x0  }
0xa4: {  	[sflag:s23] =	ssyncadd.s32 $0xFFFFFFFF  }
0xa5: {  	s4 =	sld [smem:$0x0]  }
0xa6: {  	s5 =	sand.u32 $0xFFFFFFFE, s1  }
0xa7: {  	p0 =	sne.s32 s1, s5  }
0xa8: {  	s5 =	sshll.u32 @p0 s5, $0xE  }
0xa9: {  	s5 =	sadd.s32 @p0 $0x11B8D, s5;
	s6 =	sshll.u32 @p0 s4, $0x11  }
0xaa: {  	s5 =	sor.u32 @p0 s6, s5  }
0xab: {  	[sflag:s5] =	ssyncadd.remote.s32 @p0 $0x1;
	_ =	sdelay $0x1  }
0xac: {  	s5 =	simm.s32 @p0 $0x1B8D  }
0xad: {  	_ =	swait.eq @p0 [sflag:s5], $0x1  }
0xae: {  	[sflag:s5] =	ssyncadd.s32 @p0 $0xFFFFFFFF  }
0xaf: {  	s6 =	sshll.u32 @!p0 s1, $0xE  }
0xb0: {  	s6 =	sor.u32 @!p0 $0x4000, s6;
	s5 =	simm.s32 @!p0 $0x1B8D  }
0xb1: {  	s4 =	sshll.u32 @!p0 s4, $0x11;
	s6 =	sadd.s32 @!p0 $0x11B8D, s6;
	_ =	swait.eq @!p0 [sflag:s5], $0x1  }
0xb2: {  	s4 =	sor.u32 @!p0 s4, s6;
	[sflag:s5] =	ssyncadd.s32 @!p0 $0xFFFFFFFF  }
0xb3: {  	s25 =	simm.s32 $0x1B8E;
	s24 =	sld [smem:$0x3FFE];
	[sflag:s4] =	ssyncadd.remote.s32 @!p0 $0x1  }
0xb4: {  	s26 =	simm.s32 $execute0_lowered;
	[smem:$0x3FD2] =	sst s25  }
0xb5: {  	s5 =	sshll.u32 s26, $0x1;
	_ =	strace $0x8000004F;
	[dreg:$0x1] =	wrdreg $0xFFFFFFFF  }
0xb6: {  	s28 =	simm.s32 $_size_execute0_lowered;
	s3 =	sadd.s32 s3, s5;
	[dreg:$0x0] =	wrdreg $0x0  }
0xb7: {  	s5 =	sshll.u32 s28, $0x1;
	[dreg:$0x2] =	wrdreg s3  }
0xb8: {  	[dreg:$0x3] =	wrdreg s5  }
0xb9: {  	[dreg:$0x4] =	wrdreg $0xC0  }
0xba: {  	_ =	task [dreg:s22], $0x5FFFF  }
0xbb: {  	[dreg:$0x1] =	wrdreg $0xFFFFFFFF  }
0xbc: {  	[dreg:$0x0] =	wrdreg $0x60  }
0xbd: {  	[dreg:$0x2] =	wrdreg s24  }
0xbe: {  	[dreg:$0x3] =	wrdreg $0x9  }
0xbf: {  	_ =	task.clear_ibuf [dreg:s22], $0x4FFFF;
	_ =	strace $0x9000004F  }
0xc0: {  	s29 =	simm.s32 $0x9;
	_ =	strace $0x80000051  }
0xc1: {  	_ =	swait.ge [sflag:s29], $0x1  }
0xc2: {  	[sflag:s29] =	ssyncadd.s32 $0xFFFFFFFF  }
0xc3: {  	_ =	strace $0x90000051  }
0xc4: {  	_ =	sfence  }
0xc5: {  	s30 =	sld [smem:$0x0];
	_ =	sdelay $0x2  }
0xc6: {  	s31 =	sshll.u32 s1, $0xD;
	s1 =	sshrl.u32 s1, $0x2  }
0xc7: {  	s4 =	sand.u32 $0x4000, s31;
	s1 =	sadd.s32 s1, s30  }
0xc8: {  	s0 =	sor.u32 s4, s0;
	s1 =	sshll.u32 s1, $0x11  }
0xc9: {  	s0 =	sor.u32 s1, s0  }
0xca: {  	s0 =	sadd.s32 $0x8F2B, s0  }
0xcb: {  	[sflag:s0] =	ssyncadd.remote.s32 $0x1  }
0xcc: {  	_ =	sfence.sel $0xFFFF  }
0xcd: {  	[dreg:$0x0] =	wrdreg $0xFFFFFFFF;
	(pc) =	sbr.abs _section_cstart, $3  }
0xce: {  	[dreg:$0x1] =	wrdreg $0xFFFFFFFF  }
0xcf: {  	_ =	task.clear_ibuf [dreg:s22], $0x2FFFF;
	_ =	strace $0x9FFFFFFF  }
0xd0: {  	(tm) =	ssettm $0x7FFFFFFF  }
0xd1: {  	_ =	shalt  }
tec
execute0_lowered:
.L_overlay_start_1:
0x0: {  	(tag) =	ssettag $0x1  }
0x1: {  	s0 =	rddreg [dreg:$0x0];
	s1 =	simm.s32 $0x0  }
0x2: {  	s24 =	srdreg.scid;
	s8 =	stileid.u32;
	s11 =	simm.s32 $0x2  }
0x3: {  	s13 =	simm.s32 $0x2080;
	s14 =	simm.s32 $0x40;
	s15 =	simm.s32 $0x2280  }
0x4: {  	s20 =	simm.s32 $0x2140;
	s21 =	simm.s32 $0x8280;
	s22 =	simm.s32 $0x2180  }
0x5: {  	s23 =	simm.s32 $0xA280;
	s28 =	simm.s32 $0xE280;
	s29 =	simm.s32 $0x2240  }
0x6: {  	s30 =	simm.s32 $0x10280;
	s31 =	simm.s32 $0x1;
	[smem:$0x7FF] =	sst s1  }
0x7: {  	s2 =	sadd.s32 $0x47000, s0;
	s4 =	sadd.s32 $0x57000, s0;
	s5 =	sadd.s32 $0x57400, s0  }
0x8: {  	s1 =	sand.u32 $0x1, s24;
	s6 =	sadd.s32 $0x5F400, s0;
	s7 =	sshll.u32 s8, $0x5  }
0x9: {  	s26 =	sshll.u32 s8, $0x7;
	s24 =	simm.s32 $0x21C0;
	s25 =	ssub.s32 $0x2, s1  }
0xa: {  	_ =	strace $0x80000050;
	s1 =	sshll.u32 s1, $0x4;
	s3 =	sshrl.u32 s25, $0x1  }
0xb: {  	s12 =	sand.u32 $0x400, s26;
	s9 =	sor.u32 $0x3FF, s26;
	s0 =	ssub.s32 s25, s3  }
0xc: {  	v0 =	vimm.s32 $0x0;
	v1 =	vlaneseq.u32;
	s26 =	simm.s32 $0x2200;
	s7 =	sor.u32 s7, s1;
	s0 =	smax.u32 s0, $0x1  }
0xd: {  	v2 =	vor.u32 $0x10, v1;
	v3 =	vor.u32 $0x20, v1;
	v4 =	vor.u32 $0x30, v1;
	s1 =	simm.s32 $0x0;
	s25 =	simm.s32 $0xC280;
	[dreg:$0x2] =	wrdreg s0  }
.LBB2_1:
0xe: {  	[dreg:$0x3] =	wrdreg s1;
	p1 =	por $0x1, $0x1;
	s0 =	simm.s32 $0x0  }
.LBB2_2:
0xf: {  	s3 =	sor.u32 s7, s0  }
0x10: {  	s0 =	sshll.u32 s3, $0x7  }
0x11: {  	s10 =	simm.s32 $0x0;
	s0 =	sadd.s32 s2, s0  }
0x12: {  	[tilespmem:s10], [sflag:$0x2] =	stream.linear.gather [hbm4b:s0+s10], $0x2000, $0x38;
	[tilespmem:$0x12280] =	vst v63  }
0x13: {  	_ =	swait.ge [sflag:s11], $0x2000  }
0x14: {  	s19 =	sshll.u32 s3, $0x1;
	[sflag:s11] =	ssyncset.done $0x0  }
0x15: {  	s1 =	simm.s32 $0x2000;
	s0 =	sadd.s32 s4, s19;
	[sflag:s11] =	ssyncadd.s32 $0xFFFFE000  }
0x16: {  	[tilespmem:s1], [sflag:$0x2] =	stream.linear.gather [hbm4b:s0+s10], $0x80, $0x38;
	[tilespmem:$0x12280] =	vst v63  }
0x17: {  	_ =	swait.ge [sflag:s11], $0x80  }
0x18: {  	[sflag:s11] =	ssyncset.done $0x0  }
0x19: {  	p0 =	por p1, p1;
	s0 =	simm.s32 $0x0;
	[sflag:s11] =	ssyncadd.s32 $0xFFFFFF80  }
.LBB2_3:
0x1a: {  	s1 =	sshll.u32 s0, $0x6  }
0x1b: {  	v9 =	vimm.s32 $0x0;
	v8 =	vmov s10;
	s8 =	sshrl.u32 s1, $0x2  }
0x1c: {  	v6 =	vld [tilespmem:s8+$0x2000];
	[tilespmem:s1+$0x2080] =	vst v9  }
0x1d: {  	[tilespmem:s1+$0x2090] =	vst v9  }
0x1e: {  	[tilespmem:s1+$0x20A0] =	vst v9  }
0x1f: {  	s19 =	simm.s32 $0x0;
	[tilespmem:s1+$0x20B0] =	vst v9  }
0x20: {  	v5 =	vld.idx.msk [tilespmem:v8+s19+$0x0 ss:$0x1], $0xffff;
	_ =	sdelay $0x4  }
0x21: {  	vm0 =	vle.s32 v5, v6  }
0x22: {  	v5 =	vsel vm0, $0x1, v0  }
0x23: {  	(xrf0) =	vadd.scan.msk.s32 $0xffff, v5;
	v5 =	vmov s1  }
0x24: {  	v5 =	vadd.s32 $0xFFFFFFFF, v5  }
0x25: {  	v7 =	vbroadcast v5, $0x0;
	v5 =	vmpcnt.ones.xlane vm0;
	_ =	sdelay $0x1  }
0x26: {  	v11 =	vor.u32 s12, v1;
	v5 =	vadd.s32 v9, v5;
	v9 =	vadd.s32 v7, v9  }
0x27: {  	v10 =	vimm.s32 $0x40000000;
	v12 =	vnsel vm0, $0x40000000, v11  }
0x28: {  	vm1 =	vlt.s32 v10, v12;
	v13, _, _ =	vpop (xrf0)  }
0x29: {  	s16 =	simm.s32 $0x40;
	s17 =	simm.s32 $0x80;
	s8 =	smov.u32 s12;
	v10 =	vsel vm1, v10, v12;
	v12 =	vadd.s32 v13, v9;
	v9 =	vmov v5  }
.LBB2_4:
0x2a: {  	_ =	sdelay $0x2  }
0x2b: {  	s18 =	sshra.s32 s16, $0x2  }
0x2c: {  	[tilespmem:v12+s13+$0x0] =	vst.idx.msk vm0, v11;
	s8 =	sadd.s32 $0x10, s8;
	s16 =	smov.u32 s17;
	s19 =	sadd.s32 $0x40, s17  }
0x2d: {  	p1 =	sne.s32 s17, $0xFC0;
	v11 =	vld.idx.msk [tilespmem:v8+s18+$0x0 ss:$0x1], $0xffff;
	_ =	sdelay $0x5  }
0x2e: {  	vm0 =	vle.s32 v11, v6;
	v11 =	vor.u32 s8, v1  }
0x2f: {  	v12 =	vsel vm0, $0x1, v0;
	v13 =	vnsel vm0, $0x40000000, v11;
	v14 =	vmpcnt.ones.xlane vm0  }
0x30: {  	vm1 =	vlt.s32 v10, v13;
	(xrf0) =	vadd.scan.msk.s32 $0xffff, v12  }
0x31: {  	v10 =	vsel vm1, v10, v13;
	v5 =	vadd.s32 v5, v14;
	_ =	sdelay $0x1  }
.Ltmp0:
0x32: {  	(pc) =	sbr.rel @p1 .LBB2_4-.Ltmp0, $3  }
0x33: {  	_ =	sdelay $0x1  }
0x34: {  	v12 =	vadd.s32 v7, v9;
	v9 =	vmov v5;
	v13, _, _ =	vpop (xrf0)  }
0x35: {  	s17 =	smov.u32 s19;
	v12 =	vadd.s32 v13, v12  }
0x36: {  	_ =	sdelay $0x4  }
0x37: {  	s16 =	sshra.s32 s16, $0x2;
	[tilespmem:v12+s13+$0x0] =	vst.idx.msk vm0, v11  }
0x38: {  	v8 =	vld.idx.msk [tilespmem:v8+s16+$0x0 ss:$0x1], $0xffff;
	_ =	sdelay $0x3  }
0x39: {  	s8 =	sadd.s32 $0x10, s8  }
0x3a: {  	vm11 =	vle.s32 v8, v6;
	v6 =	vor.u32 s8, v1  }
0x3b: {  	v8 =	vnsel vm11, $0x40000000, v6  }
0x3c: {  	vm1 =	vlt.s32 v10, v8  }
0x3d: {  	v59 =	vsel vm11, $0x1, v0;
	v8 =	vsel vm1, v10, v8  }
0x3e: {  	(xrf0) =	vadd.scan.msk.s32 $0xffff, v59;
	v8 =	vxor.u32 $0x80000000, v8  }
0x3f: {  	(xrf0) =	vmin.scan.msk.u32 $0xffff, v8;
	_ =	sdelay $0x4  }
0x40: {  	v60, _, _ =	vpop (xrf0)  }
0x41: {  	v61, _, _ =	vpop (xrf0)  }
0x42: {  	(v2sf) =	vpush v61, $0xF;
	_ =	sdelay $0x6  }
0x43: {  	v7 =	vadd.s32 v7, v9  }
0x44: {  	v7 =	vadd.s32 v60, v7;
	_ =	sdelay $0x4  }
0x45: {  	[tilespmem:v7+s13+$0x0] =	vst.idx.msk vm11, v6;
	v7 =	vmpcnt.ones.xlane vm11  }
0x46: {  	v6 =	vld [tilespmem:s1+$0x2080]  }
0x47: {  	v5 =	vadd.s32 v5, v7;
	v7 =	vld [tilespmem:s1+$0x20B0];
	s19 =	spop (v2sf)  }
0x48: {  	v62 =	vld [tilespmem:s1+$0x2090];
	s8 =	sxor.u32 $0x80000000, s19  }
0x49: {  	s0 =	sadd.s32 $0x1, s0;
	s16 =	smov.u32 s9;
	v63 =	vld [tilespmem:s1+$0x20A0];
	p1 =	slt.s32 s8, s9  }
0x4a: {  	vm12 =	vgt.s32 v5, v1;
	s16 =	smov.u32 @p1 s8;
	p1 =	sne.s32 s0, $0x8  }
.Ltmp1:
0x4b: {  	vm15 =	vgt.s32 v5, v4;
	v6 =	vnsel vm12, s16, v6;
	(pc) =	sbr.rel @p1 .LBB2_3-.Ltmp1, $4  }
0x4c: {  	vm13 =	vgt.s32 v5, v2;
	vm14 =	vgt.s32 v5, v3;
	v5 =	vnsel vm15, s16, v7;
	[tilespmem:s1+$0x2080] =	vst v6  }
0x4d: {  	v6 =	vnsel vm13, s16, v62;
	[tilespmem:s1+$0x20B0] =	vst v5  }
0x4e: {  	[tilespmem:s1+$0x2090] =	vst v6;
	v6 =	vnsel vm14, s16, v63  }
0x4f: {  	s10 =	sadd.s32 $0x400, s10;
	[tilespmem:s1+$0x20A0] =	vst v6  }
0x50: {  	[tilespmem:s15], [sflag:$0x1] =	stream.indirect.gather [hbm4b:s5+s14], $0x80, s13, s14, $0xb8;
	[tilespmem:$0x12280] =	vst v63  }
0x51: {  	s0 =	simm.s32 $0x20C0;
	s1 =	simm.s32 $0x4280  }
0x52: {  	[tilespmem:s1], [sflag:$0x1] =	stream.indirect.gather [hbm4b:s5+s14], $0x80, s0, s14, $0xb8;
	[tilespmem:$0x12280] =	vst v63  }
0x53: {  	s16 =	simm.s32 $0x2100;
	s17 =	simm.s32 $0x6280  }
0x54: {  	[tilespmem:s17], [sflag:$0x1] =	stream.indirect.gather [hbm4b:s5+s14], $0x80, s16, s14, $0xb8;
	[tilespmem:$0x12280] =	vst v63  }
0x55: {  	_ = 	snop  }
0x56: {  	[tilespmem:s21], [sflag:$0x1] =	stream.indirect.gather [hbm4b:s5+s14], $0x80, s20, s14, $0xb8;
	[tilespmem:$0x12280] =	vst v63  }
0x57: {  	_ = 	snop  }
0x58: {  	[tilespmem:s23], [sflag:$0x1] =	stream.indirect.gather [hbm4b:s5+s14], $0x80, s22, s14, $0xb8;
	[tilespmem:$0x12280] =	vst v63  }
0x59: {  	_ = 	snop  }
0x5a: {  	[tilespmem:s25], [sflag:$0x1] =	stream.indirect.gather [hbm4b:s5+s14], $0x80, s24, s14, $0xb8;
	[tilespmem:$0x12280] =	vst v63  }
0x5b: {  	_ = 	snop  }
0x5c: {  	[tilespmem:s28], [sflag:$0x1] =	stream.indirect.gather [hbm4b:s5+s14], $0x80, s26, s14, $0xb8;
	[tilespmem:$0x12280] =	vst v63  }
0x5d: {  	_ = 	snop  }
0x5e: {  	[tilespmem:s30], [sflag:$0x1] =	stream.indirect.gather [hbm4b:s5+s14], $0x80, s29, s14, $0xb8;
	[tilespmem:$0x12280] =	vst v63  }
0x5f: {  	_ =	swait.ge [sflag:s31], $0x2000  }
0x60: {  	[sflag:s31] =	ssyncset.done $0x0  }
0x61: {  	[sflag:s31] =	ssyncadd.s32 $0xFFFFE000  }
0x62: {  	_ =	swait.ge [sflag:s31], $0x2000  }
0x63: {  	[sflag:s31] =	ssyncset.done $0x0  }
0x64: {  	[sflag:s31] =	ssyncadd.s32 $0xFFFFE000  }
0x65: {  	_ =	swait.ge [sflag:s31], $0x2000  }
0x66: {  	[sflag:s31] =	ssyncset.done $0x0  }
0x67: {  	[sflag:s31] =	ssyncadd.s32 $0xFFFFE000  }
0x68: {  	_ =	swait.ge [sflag:s31], $0x2000  }
0x69: {  	[sflag:s31] =	ssyncset.done $0x0  }
0x6a: {  	[sflag:s31] =	ssyncadd.s32 $0xFFFFE000  }
0x6b: {  	_ =	swait.ge [sflag:s31], $0x2000  }
0x6c: {  	[sflag:s31] =	ssyncset.done $0x0  }
0x6d: {  	[sflag:s31] =	ssyncadd.s32 $0xFFFFE000  }
0x6e: {  	_ =	swait.ge [sflag:s31], $0x2000  }
0x6f: {  	[sflag:s31] =	ssyncset.done $0x0  }
0x70: {  	[sflag:s31] =	ssyncadd.s32 $0xFFFFE000  }
0x71: {  	_ =	swait.ge [sflag:s31], $0x2000  }
0x72: {  	[sflag:s31] =	ssyncset.done $0x0  }
0x73: {  	[sflag:s31] =	ssyncadd.s32 $0xFFFFE000  }
0x74: {  	_ =	swait.ge [sflag:s31], $0x2000  }
0x75: {  	s18 =	sshll.u32 s3, $0xA;
	s19 =	simm.s32 $0x0;
	[sflag:s31] =	ssyncset.done $0x0  }
.Ltmp2:
0x76: {  	s0 =	sadd.s32 s6, s18;
	[sflag:s31] =	ssyncadd.s32 $0xFFFFE000;
	(pc) =	sbr.rel @p0 .LBB2_2-.Ltmp2, $4  }
0x77: {  	[hbm4b:s0+s19] =	stream.linear.scatter [tilespmem:s15], [sflag:$0x2], $0x10000, $0x38;
	[tilespmem:$0x12280] =	vst v63  }
0x78: {  	_ =	swait.ge [sflag:s11], $0x10000  }
0x79: {  	[sflag:s11] =	ssyncset.done $0x0  }
0x7a: {  	p1 =	por $0x0, $0x0;
	s0 =	simm.s32 $0x8;
	[sflag:s11] =	ssyncadd.s32 $0xFFFF0000  }
0x7b: {  	s1 =	rddreg [dreg:$0x3]  }
0x7c: {  	s0 =	rddreg [dreg:$0x2];
	s1 =	sadd.s32 $0x1, s1  }
0x7d: {  	p0 =	sne.s32 s1, s0  }
.Ltmp3:
0x7e: {  	_ = 	snop;
	(pc) =	sbr.rel @p0 .LBB2_1-.Ltmp3, $1  }
0x7f: {  	_ =	sdelay $0x3  }
0x80: {  	_ =	sfence.sel $0x180000  }
0x81: {  	[bflag:$0x0] =	sbarrier.arrive $0xFFFF  }
0x82: {  	_ =	strace $0x90000050  }
0x83: {  	s0 =	stileid.u32;
	[bflag:$0x2] =	sbarrier.arrive $0xFFFF  }
0x84: {  	p0 =	sne.s32 s0, $0x0;
	s0 =	rddreg [dreg:$0x1]  }
0x85: {  	s0 =	sadd.s32 @!p0 $0x100000, s0  }
0x86: {  	[sflag:s0] =	ssyncadd.tile.s32 @!p0 $0x1;
	_ =	shalt  }
.Lfunc_end2:
_tile_overlayer_lowered:
.L_overlay_start_2:
0x87: {  	(tag) =	ssettag $0x2  }
0x88: {  	s0 =	rddreg [dreg:$0x0];
	s2 =	stileid.u32  }
0x89: {  	s1 =	rddreg [dreg:$0x1];
	p0 =	sne.s32 s2, $0x0  }
0x8a: {  	s3 =	rddreg [dreg:$0x2];
	[bflag:$0x3] =	sbarrier.arrive $0xFFFF;
	s2 =	simm.s32 @!p0 $0x1C02  }
0x8b: {  	[timem:s3], [sflag:s2] =	dma.local @!p0 [hbm:s0], s1  }
0x8c: {  	s0 =	simm.s32 @!p0 $0x2  }
0x8d: {  	_ =	swait.ge @!p0 [sflag:s0], s1  }
0x8e: {  	s1 =	ssub.s32 @!p0 $0x0, s1;
	[sflag:s0] =	ssyncset.done @!p0 $0x0  }
0x8f: {  	[sflag:s0] =	ssyncadd.s32 @!p0 s1  }
0x90: {  	[bflag:$0x3] =	sbarrier.arrive $0xFFFF  }
0x91: {  	_ =	shalt  }

// kernel: kernel.29.cloned.1.call-start
scs
__scs_entry_jumppad:
0x0: {  	(pc) =	sbr.rel $0x88, $3  }
0x1: {  	(tag) =	ssettag $0x0;
	lr =	simm.s32 $0x1  }
0x2: {  	[smem:$0x3F84] =	sst lr;
	_ =	strace $0xD0000000  }
0x3: {  	_ = 	snop  }
0x4: {  	_ = 	snop  }
0x5: {  	_ = 	snop  }
0x6: {  	_ = 	snop  }
0x7: {  	_ = 	snop  }
__scs_overlays_trampoline_lowered:
0x8: {  	[smem:$0x3F93] =	sst s0  }
0x9: {  	[smem:$0x3F94] =	sst s1  }
0xa: {  	[smem:$0x3F95] =	sst s2  }
0xb: {  	[smem:$0x3F96] =	sst s3  }
0xc: {  	[smem:$0x3F97] =	sst s4  }
0xd: {  	[smem:$0x3F98] =	sst s5  }
0xe: {  	[smem:$0x3F99] =	sst s6  }
0xf: {  	[smem:$0x3F9A] =	sst s7  }
0x10: {  	[smem:$0x3F9B] =	sst s8  }
0x11: {  	[smem:$0x3F9C] =	sst s9;
	s0 =	simm.s32 @!p0 $0x0  }
0x12: {  	s1 =	sld [smem:$0x3F82];
	s0 =	simm.s32 @p0 $0x1  }
0x13: {  	[smem:$0x3F9D] =	sst s0;
	s0 =	simm.s32 @!p1 $0x0  }
0x14: {  	s2 =	sld [smem:$0x3F81];
	s0 =	simm.s32 @p1 $0x1  }
0x15: {  	[smem:$0x3F9E] =	sst s0;
	s0 =	simm.s32 @!p2 $0x0  }
0x16: {  	s3 =	sld [smem:$0x3FDB];
	s0 =	simm.s32 @p2 $0x1  }
0x17: {  	s4 =	simm.s32 $0x1BF5;
	[smem:$0x3FA0] =	sst s0  }
0x18: {  	s0 =	sld [smem:$0x3F83];
	_ =	swait.ge [sflag:s4], $0x0  }
0x19: {  	s7 =	sld [smem:$0x3F84]  }
0x1a: {  	s8 =	sadd.s32 $0xFFFFE003, lr  }
0x1b: {  	s9 =	sadd.s32 $0xFFFFFEF7, lr;
	s5 =	simm.s32 $0xFFFFFFFF;
	p2 =	slt.u32 s8, $0xFFFFF086  }
0x1c: {  	p1 =	slt.u32 s9, $0xF7A;
	s5 =	simm.s32 @!p2 $0x0  }
0x1d: {  	s5 =	simm.s32 @p1 $0x1;
	p0 =	seq.s32 s7, s2  }
0x1e: {  	s7 =	smul.u32 @!p0 $0xF7A, s2;
	p2 =	seq.s32 @!p0 s5, $0x0  }
0x1f: {  	s9 =	smul.u32 $0xF7A, s1;
	s8 =	simm.s32 @!p0 $0x1BF5;
	p2 =	por !p2, p0  }
0x20: {  	[sflag:s8] =	ssyncset.s32 @!p0 $0xFFFFF086;
	s6 =	sadd.s32 @!p0 s3, s7;
	s7 =	simm.s32 @!p0 $0x108  }
0x21: {  	s3 =	sadd.s32 s3, s9;
	s6 =	sadd.s32 @!p0 $0x88, s6;
	s7 =	simm.s32 @p2 $0x1082  }
0x22: {  	[simem:s7], [sflag:s8] =	dma.local @!p0 [hbm:s6], $0xF7A  }
0x23: {  	s9 =	sor.u32 $0xD0000000, s2;
	s6 =	simm.s32 $0x108;
	_ =	swait.ge @!p0 [sflag:s8], $0x0  }
0x24: {  	s3 =	sadd.s32 $0x88, s3;
	s6 =	simm.s32 @!p1 $0x1082;
	[sflag:s4] =	ssyncset.s32 $0xFFFFF086  }
0x25: {  	[simem:s6], [sflag:s4] =	dma.local [hbm:s3], $0xF7A  }
0x26: {  	[smem:$0x3F84] =	sst s1;
	(tag) =	ssettag s2;
	_ =	strace s9  }
0x27: {  	s1 =	sld [smem:$0x3F94]  }
0x28: {  	s2 =	sld [smem:$0x3F95]  }
0x29: {  	s4 =	sld [smem:$0x3F97]  }
0x2a: {  	p0 =	seq.s32 s5, $0x0;
	s5 =	sld [smem:$0x3F98]  }
0x2b: {  	s6 =	sld [smem:$0x3F99]  }
0x2c: {  	s7 =	sld [smem:$0x3F9A]  }
0x2d: {  	s3 =	simm.s32 $0x108;
	s8 =	sld [smem:$0x3F9B]  }
0x2e: {  	s3 =	simm.s32 @!p0 $0x1082;
	s9 =	sld [smem:$0x3F9C]  }
0x2f: {  	lr =	sadd.s32 s0, s3;
	s0 =	sld [smem:$0x3F93]  }
0x30: {  	s3 =	sld [smem:$0x3F96]  }
0x31: {  	[smem:$0x3F9F] =	sst s10  }
0x32: {  	s10 =	sld [smem:$0x3F9D];
	_ =	sdelay $0x3  }
0x33: {  	p0 =	seq.s32 s10, $0x1;
	s10 =	sld [smem:$0x3F9F];
	_ =	sdelay $0x3  }
0x34: {  	[smem:$0x3F9F] =	sst s10  }
0x35: {  	s10 =	sld [smem:$0x3F9E];
	_ =	sdelay $0x3  }
0x36: {  	p1 =	seq.s32 s10, $0x1;
	s10 =	sld [smem:$0x3F9F];
	_ =	sdelay $0x3  }
0x37: {  	[smem:$0x3F9F] =	sst s10  }
0x38: {  	s10 =	sld [smem:$0x3FA0]  }
0x39: {  	_ = 	snop;
	(pc) =	sbr.ind lr, $3  }
0x3a: {  	_ = 	snop  }
0x3b: {  	_ = 	snop  }
0x3c: {  	p2 =	seq.s32 s10, $0x1;
	s10 =	sld [smem:$0x3F9F]  }
0x3d: {  	_ =	shalt  }
0x3e: {  	_ =	shalt  }
0x3f: {  	_ =	shalt  }
0x40: {  	_ =	shalt  }
0x41: {  	_ =	shalt  }
0x42: {  	_ =	shalt  }
0x43: {  	_ =	shalt  }
0x44: {  	_ =	shalt  }
0x45: {  	_ =	shalt  }
0x46: {  	_ =	shalt  }
0x47: {  	_ =	shalt  }
0x48: {  	_ =	shalt  }
0x49: {  	_ =	shalt  }
0x4a: {  	_ =	shalt  }
0x4b: {  	_ =	shalt  }
0x4c: {  	_ =	shalt  }
0x4d: {  	_ =	shalt  }
0x4e: {  	_ =	shalt  }
0x4f: {  	_ =	shalt  }
0x50: {  	_ =	shalt  }
0x51: {  	_ =	shalt  }
0x52: {  	_ =	shalt  }
0x53: {  	_ =	shalt  }
0x54: {  	_ =	shalt  }
0x55: {  	_ =	shalt  }
0x56: {  	_ =	shalt  }
0x57: {  	_ =	shalt  }
0x58: {  	_ =	shalt  }
0x59: {  	_ =	shalt  }
0x5a: {  	_ =	shalt  }
0x5b: {  	_ =	shalt  }
0x5c: {  	_ =	shalt  }
0x5d: {  	_ =	shalt  }
0x5e: {  	_ =	shalt  }
0x5f: {  	_ =	shalt  }
0x60: {  	_ =	shalt  }
0x61: {  	_ =	shalt  }
0x62: {  	_ =	shalt  }
0x63: {  	_ =	shalt  }
0x64: {  	_ =	shalt  }
0x65: {  	_ =	shalt  }
0x66: {  	_ =	shalt  }
0x67: {  	_ =	shalt  }
0x68: {  	_ =	shalt  }
0x69: {  	_ =	shalt  }
0x6a: {  	_ =	shalt  }
0x6b: {  	_ =	shalt  }
0x6c: {  	_ =	shalt  }
0x6d: {  	_ =	shalt  }
0x6e: {  	_ =	shalt  }
0x6f: {  	_ =	shalt  }
0x70: {  	_ =	shalt  }
0x71: {  	_ =	shalt  }
0x72: {  	_ =	shalt  }
0x73: {  	_ =	shalt  }
0x74: {  	_ =	shalt  }
0x75: {  	_ =	shalt  }
0x76: {  	_ =	shalt  }
0x77: {  	_ =	shalt  }
0x78: {  	_ =	shalt  }
0x79: {  	_ =	shalt  }
0x7a: {  	_ =	shalt  }
0x7b: {  	_ =	shalt  }
0x7c: {  	_ =	shalt  }
0x7d: {  	_ =	shalt  }
0x7e: {  	_ =	shalt  }
0x7f: {  	_ =	shalt  }
0x80: {  	_ =	shalt  }
0x81: {  	_ =	shalt  }
0x82: {  	_ =	shalt  }
0x83: {  	_ =	shalt  }
0x84: {  	_ =	shalt  }
0x85: {  	_ =	shalt  }
0x86: {  	_ =	shalt  }
0x87: {  	_ =	shalt  }
.Lfunc_end0:
.L_simem_size_0:
called_computation.3_lowered:
.L_overlay_start_0:
0x88: {  	s2 =	sld [smem:$0x3FD9]  }
0x89: {  	s3 =	sld [smem:$0x3FFE];
	_ =	sdelay $0x1  }
0x8a: {  	s1 =	srdreg.scid  }
0x8b: {  	s0 =	sand.u32 $0x1, s1  }
0x8c: {  	s15 =	sshll.u32 s0, $0xA;
	s2 =	sadd.s32 s3, s2  }
0x8d: {  	s2 =	sadd.s32 s2, s15  }
0x8e: {  	[smem:$0x3FAB] =	sst s2  }
0x8f: {  	_ = 	snop  }
0x90: {  	s2 =	sld [smem:$0x3FD0];
	_ =	sdelay $0x2  }
0x91: {  	s16 =	simm.s32 $0xB;
	s4 =	simm.s32 $0x10  }
0x92: {  	[smem:s4], [sflag:s16] =	dma.local [hbm:s2], $0x1  }
0x93: {  	_ =	swait.eq [sflag:s16], $0x1  }
0x94: {  	[sflag:s16] =	ssyncset.done $0x0  }
0x95: {  	[sflag:s16] =	ssyncadd.s32 $0xFFFFFFFF  }
0x96: {  	s17 =	sld [smem:$0x10];
	(tm) =	ssettm $0x1  }
0x97: {  	s18 =	sld [smem:$0x3FFB];
	_ =	sdelay $0x3  }
0x98: {  	_ =	strace s18  }
0x99: {  	s2 =	sld [smem:$0x3FFC];
	_ =	sdelay $0x3  }
0x9a: {  	_ =	strace s2  }
0x9b: {  	s2 =	sld [smem:$0x3FFD];
	_ =	sdelay $0x3  }
0x9c: {  	_ =	strace s2  }
0x9d: {  	_ =	strace $0x8FFFFFFF  }
0x9e: {  	s19 =	sld [smem:$0x3FDB];
	_ =	sdelay $0x1  }
0x9f: {  	s20 =	simm.s32 $_scs_section_size  }
0xa0: {  	s5 =	simm.s32 $_size__tile_overlayer_lowered;
	s6 =	simm.s32 $_tile_overlayer_lowered  }
0xa1: {  	s7 =	simm.s32 $0x1BFF;
	s21 =	sshll.u32 s6, $0x1;
	s4 =	sadd.s32 s20, s19  }
0xa2: {  	s22 =	simm.s32 $0x0;
	s5 =	sshll.u32 s5, $0x1;
	s6 =	sadd.s32 s21, s4  }
0xa3: {  	[timem:s22], [sflag:s7] =	dma.local [hbm:s6], s5  }
0xa4: {  	_ =	swait.ge [sflag:s7], s5  }
0xa5: {  	s5 =	ssub.s32 $0x0, s5;
	[sflag:s7] =	ssyncset.done $0x0  }
0xa6: {  	[sflag:s7] =	ssyncadd.s32 s5;
	_ =	sdelay $0x1  }
0xa7: {  	s23 =	simm.s32 $0x1B8B  }
0xa8: {  	_ =	swait.ge [sflag:s23], $0x1  }
0xa9: {  	[sflag:s23] =	ssyncset.done $0x0  }
0xaa: {  	[sflag:s23] =	ssyncadd.s32 $0xFFFFFFFF  }
0xab: {  	s5 =	sld [smem:$0x0]  }
0xac: {  	s6 =	sand.u32 $0xFFFFFFFE, s1  }
0xad: {  	p0 =	sne.s32 s1, s6  }
0xae: {  	s6 =	sshll.u32 @p0 s6, $0xE  }
0xaf: {  	s6 =	sadd.s32 @p0 $0x11B8D, s6;
	s7 =	sshll.u32 @p0 s5, $0x11  }
0xb0: {  	s6 =	sor.u32 @p0 s7, s6  }
0xb1: {  	[sflag:s6] =	ssyncadd.remote.s32 @p0 $0x1;
	_ =	sdelay $0x1  }
0xb2: {  	s6 =	simm.s32 @p0 $0x1B8D  }
0xb3: {  	_ =	swait.eq @p0 [sflag:s6], $0x1  }
0xb4: {  	[sflag:s6] =	ssyncadd.s32 @p0 $0xFFFFFFFF  }
0xb5: {  	s7 =	sshll.u32 @!p0 s1, $0xE  }
0xb6: {  	s7 =	sor.u32 @!p0 $0x4000, s7;
	s6 =	simm.s32 @!p0 $0x1B8D  }
0xb7: {  	s5 =	sshll.u32 @!p0 s5, $0x11;
	s7 =	sadd.s32 @!p0 $0x11B8D, s7;
	_ =	swait.eq @!p0 [sflag:s6], $0x1  }
0xb8: {  	s5 =	sor.u32 @!p0 s5, s7;
	[sflag:s6] =	ssyncadd.s32 @!p0 $0xFFFFFFFF  }
0xb9: {  	s25 =	simm.s32 $0x1B8E;
	s24 =	sld [smem:$0x3FFE];
	[sflag:s5] =	ssyncadd.remote.s32 @!p0 $0x1  }
0xba: {  	s26 =	simm.s32 $execute0_lowered;
	[smem:$0x3FD2] =	sst s25  }
0xbb: {  	s6 =	sshll.u32 s26, $0x1;
	_ =	strace $0x8000004C;
	[dreg:$0x1] =	wrdreg $0xFFFFFFFF  }
0xbc: {  	s28 =	simm.s32 $_size_execute0_lowered;
	s4 =	sadd.s32 s4, s6;
	[dreg:$0x0] =	wrdreg $0x0  }
0xbd: {  	s6 =	sshll.u32 s28, $0x1;
	[dreg:$0x2] =	wrdreg s4  }
0xbe: {  	[dreg:$0x3] =	wrdreg s6  }
0xbf: {  	[dreg:$0x4] =	wrdreg $0xC0  }
0xc0: {  	_ =	task [dreg:s22], $0x5FFFF  }
0xc1: {  	[dreg:$0x1] =	wrdreg $0xFFFFFFFF  }
0xc2: {  	[dreg:$0x0] =	wrdreg $0x60  }
0xc3: {  	[dreg:$0x2] =	wrdreg s24  }
0xc4: {  	[dreg:$0x3] =	wrdreg s17  }
0xc5: {  	[dreg:$0x4] =	wrdreg $0xA  }
0xc6: {  	_ =	task.clear_ibuf [dreg:s22], $0x5FFFF;
	_ =	strace $0x9000004C  }
0xc7: {  	s29 =	simm.s32 $0xA;
	_ =	strace $0x8000004E  }
0xc8: {  	_ =	swait.ge [sflag:s29], $0x1  }
0xc9: {  	[sflag:s29] =	ssyncadd.s32 $0xFFFFFFFF  }
0xca: {  	_ =	strace $0x9000004E  }
0xcb: {  	_ =	sfence  }
0xcc: {  	s30 =	sld [smem:$0x0];
	_ =	sdelay $0x2  }
0xcd: {  	s31 =	sshll.u32 s1, $0xD;
	s1 =	sshrl.u32 s1, $0x2  }
0xce: {  	s4 =	sand.u32 $0x4000, s31;
	s1 =	sadd.s32 s1, s30  }
0xcf: {  	s0 =	sor.u32 s4, s0;
	s1 =	sshll.u32 s1, $0x11  }
0xd0: {  	s0 =	sor.u32 s1, s0  }
0xd1: {  	s0 =	sadd.s32 $0x8F2B, s0  }
0xd2: {  	[sflag:s0] =	ssyncadd.remote.s32 $0x1  }
0xd3: {  	_ =	sfence.sel $0xFFFF  }
0xd4: {  	[dreg:$0x0] =	wrdreg $0xFFFFFFFF;
	(pc) =	sbr.abs _section_cstart, $3  }
0xd5: {  	[dreg:$0x1] =	wrdreg $0xFFFFFFFF  }
0xd6: {  	_ =	task.clear_ibuf [dreg:s22], $0x2FFFF;
	_ =	strace $0x9FFFFFFF  }
0xd7: {  	(tm) =	ssettm $0x7FFFFFFF  }
tec
execute0_lowered:
.L_overlay_start_1:
0x0: {  	(tag) =	ssettag $0x1  }
0x1: {  	s0 =	rddreg [dreg:$0x0]  }
0x2: {  	s1 =	rddreg [dreg:$0x1]  }
0x3: {  	s2 =	simm.s32 $0x0;
	s24 =	srdreg.scid;
	s8 =	stileid.u32  }
0x4: {  	s11 =	simm.s32 $0x2;
	s13 =	simm.s32 $0x2080;
	s14 =	simm.s32 $0x40  }
0x5: {  	s15 =	simm.s32 $0x2280;
	s20 =	simm.s32 $0x2140;
	s21 =	simm.s32 $0x5280  }
0x6: {  	s22 =	simm.s32 $0x2180;
	s23 =	simm.s32 $0x6280;
	s28 =	simm.s32 $0x8280  }
0x7: {  	s29 =	simm.s32 $0x2240;
	s30 =	simm.s32 $0x9280;
	s31 =	simm.s32 $0x1  }
0x8: {  	[smem:$0x7FF] =	sst s2;
	s4 =	sadd.s32 $0x327000, s0;
	s5 =	sadd.s32 $0x337000, s0  }
0x9: {  	s2 =	sand.u32 $0x1, s24;
	s6 =	sadd.s32 $0x7000, s0;
	s7 =	sshll.u32 s8, $0x5  }
0xa: {  	s26 =	sshll.u32 s8, $0x7;
	s24 =	simm.s32 $0x21C0;
	s25 =	ssub.s32 $0x2, s2  }
0xb: {  	_ =	strace $0x8000004D;
	s2 =	sshll.u32 s2, $0x4;
	s3 =	sshrl.u32 s25, $0x1  }
0xc: {  	s12 =	sand.u32 $0x400, s26;
	s9 =	sor.u32 $0x3FF, s26;
	s0 =	ssub.s32 s25, s3  }
0xd: {  	v0 =	vimm.s32 $0x0;
	v1 =	vlaneseq.u32;
	s26 =	simm.s32 $0x2200;
	s7 =	sor.u32 s7, s2;
	s0 =	smax.u32 s0, $0x1  }
0xe: {  	v2 =	vor.u32 $0x10, v1;
	v3 =	vor.u32 $0x20, v1;
	v4 =	vor.u32 $0x30, v1;
	s2 =	simm.s32 $0x0;
	s25 =	simm.s32 $0x7280;
	[dreg:$0x3] =	wrdreg s0  }
.LBB2_1:
0xf: {  	[dreg:$0x4] =	wrdreg s2;
	p1 =	por $0x1, $0x1;
	s0 =	simm.s32 $0x0  }
.LBB2_2:
0x10: {  	s3 =	sor.u32 s7, s0  }
0x11: {  	s0 =	sshll.u32 s3, $0x7  }
0x12: {  	s10 =	simm.s32 $0x0;
	s0 =	sadd.s32 s4, s0  }
0x13: {  	[tilespmem:s10], [sflag:$0x2] =	stream.linear.gather [hbm4b:s0+s10], $0x2000, $0x38;
	[tilespmem:$0xA280] =	vst v63  }
0x14: {  	_ =	swait.ge [sflag:s11], $0x2000  }
0x15: {  	s19 =	sshll.u32 s3, $0x1;
	[sflag:s11] =	ssyncset.done $0x0  }
0x16: {  	s2 =	simm.s32 $0x2000;
	s0 =	sadd.s32 s5, s19;
	[sflag:s11] =	ssyncadd.s32 $0xFFFFE000  }
0x17: {  	[tilespmem:s2], [sflag:$0x2] =	stream.linear.gather [hbm4b:s0+s10], $0x80, $0x38;
	[tilespmem:$0xA280] =	vst v63  }
0x18: {  	_ =	swait.ge [sflag:s11], $0x80  }
0x19: {  	[sflag:s11] =	ssyncset.done $0x0  }
0x1a: {  	p0 =	por p1, p1;
	s0 =	simm.s32 $0x0;
	[sflag:s11] =	ssyncadd.s32 $0xFFFFFF80  }
.LBB2_3:
0x1b: {  	s2 =	sshll.u32 s0, $0x6  }
0x1c: {  	v9 =	vimm.s32 $0x0;
	v8 =	vmov s10;
	s8 =	sshrl.u32 s2, $0x2  }
0x1d: {  	v6 =	vld [tilespmem:s8+$0x2000];
	[tilespmem:s2+$0x2080] =	vst v9  }
0x1e: {  	[tilespmem:s2+$0x2090] =	vst v9  }
0x1f: {  	[tilespmem:s2+$0x20A0] =	vst v9  }
0x20: {  	s19 =	simm.s32 $0x0;
	[tilespmem:s2+$0x20B0] =	vst v9  }
0x21: {  	v5 =	vld.idx.msk [tilespmem:v8+s19+$0x0 ss:$0x1], $0xffff;
	_ =	sdelay $0x4  }
0x22: {  	vm0 =	vle.s32 v5, v6  }
0x23: {  	v5 =	vsel vm0, $0x1, v0  }
0x24: {  	(xrf0) =	vadd.scan.msk.s32 $0xffff, v5;
	v5 =	vmov s2  }
0x25: {  	v5 =	vadd.s32 $0xFFFFFFFF, v5  }
0x26: {  	v7 =	vbroadcast v5, $0x0;
	v5 =	vmpcnt.ones.xlane vm0;
	_ =	sdelay $0x1  }
0x27: {  	v11 =	vor.u32 s12, v1;
	v5 =	vadd.s32 v9, v5;
	v9 =	vadd.s32 v7, v9  }
0x28: {  	v10 =	vimm.s32 $0x40000000;
	v12 =	vnsel vm0, $0x40000000, v11  }
0x29: {  	vm1 =	vlt.s32 v10, v12;
	v13, _, _ =	vpop (xrf0)  }
0x2a: {  	s16 =	simm.s32 $0x40;
	s17 =	simm.s32 $0x80;
	s8 =	smov.u32 s12;
	v10 =	vsel vm1, v10, v12;
	v12 =	vadd.s32 v13, v9;
	v9 =	vmov v5  }
.LBB2_4:
0x2b: {  	_ =	sdelay $0x2  }
0x2c: {  	s18 =	sshra.s32 s16, $0x2  }
0x2d: {  	[tilespmem:v12+s13+$0x0] =	vst.idx.msk vm0, v11;
	s8 =	sadd.s32 $0x10, s8;
	s16 =	smov.u32 s17;
	s19 =	sadd.s32 $0x40, s17  }
0x2e: {  	p1 =	sne.s32 s17, $0xFC0;
	v11 =	vld.idx.msk [tilespmem:v8+s18+$0x0 ss:$0x1], $0xffff;
	_ =	sdelay $0x5  }
0x2f: {  	vm0 =	vle.s32 v11, v6;
	v11 =	vor.u32 s8, v1  }
0x30: {  	v12 =	vsel vm0, $0x1, v0;
	v13 =	vnsel vm0, $0x40000000, v11;
	v14 =	vmpcnt.ones.xlane vm0  }
0x31: {  	vm1 =	vlt.s32 v10, v13;
	(xrf0) =	vadd.scan.msk.s32 $0xffff, v12  }
0x32: {  	v10 =	vsel vm1, v10, v13;
	v5 =	vadd.s32 v5, v14;
	_ =	sdelay $0x1  }
.Ltmp0:
0x33: {  	(pc) =	sbr.rel @p1 .LBB2_4-.Ltmp0, $3  }
0x34: {  	_ =	sdelay $0x1  }
0x35: {  	v12 =	vadd.s32 v7, v9;
	v9 =	vmov v5;
	v13, _, _ =	vpop (xrf0)  }
0x36: {  	s17 =	smov.u32 s19;
	v12 =	vadd.s32 v13, v12  }
0x37: {  	_ =	sdelay $0x4  }
0x38: {  	s16 =	sshra.s32 s16, $0x2;
	[tilespmem:v12+s13+$0x0] =	vst.idx.msk vm0, v11  }
0x39: {  	v8 =	vld.idx.msk [tilespmem:v8+s16+$0x0 ss:$0x1], $0xffff;
	_ =	sdelay $0x3  }
0x3a: {  	s8 =	sadd.s32 $0x10, s8  }
0x3b: {  	vm11 =	vle.s32 v8, v6;
	v6 =	vor.u32 s8, v1  }
0x3c: {  	v8 =	vnsel vm11, $0x40000000, v6  }
0x3d: {  	vm1 =	vlt.s32 v10, v8  }
0x3e: {  	v59 =	vsel vm11, $0x1, v0;
	v8 =	vsel vm1, v10, v8  }
0x3f: {  	(xrf0) =	vadd.scan.msk.s32 $0xffff, v59;
	v8 =	vxor.u32 $0x80000000, v8  }
0x40: {  	(xrf0) =	vmin.scan.msk.u32 $0xffff, v8;
	_ =	sdelay $0x4  }
0x41: {  	v60, _, _ =	vpop (xrf0)  }
0x42: {  	v61, _, _ =	vpop (xrf0)  }
0x43: {  	(v2sf) =	vpush v61, $0xF;
	_ =	sdelay $0x6  }
0x44: {  	v7 =	vadd.s32 v7, v9  }
0x45: {  	v7 =	vadd.s32 v60, v7;
	_ =	sdelay $0x4  }
0x46: {  	[tilespmem:v7+s13+$0x0] =	vst.idx.msk vm11, v6;
	v7 =	vmpcnt.ones.xlane vm11  }
0x47: {  	v6 =	vld [tilespmem:s2+$0x2080]  }
0x48: {  	v5 =	vadd.s32 v5, v7;
	v7 =	vld [tilespmem:s2+$0x20B0];
	s19 =	spop (v2sf)  }
0x49: {  	v62 =	vld [tilespmem:s2+$0x2090];
	s8 =	sxor.u32 $0x80000000, s19  }
0x4a: {  	s0 =	sadd.s32 $0x1, s0;
	s16 =	smov.u32 s9;
	v63 =	vld [tilespmem:s2+$0x20A0];
	p1 =	slt.s32 s8, s9  }
0x4b: {  	vm12 =	vgt.s32 v5, v1;
	s16 =	smov.u32 @p1 s8;
	p1 =	sne.s32 s0, $0x8  }
.Ltmp1:
0x4c: {  	vm15 =	vgt.s32 v5, v4;
	v6 =	vnsel vm12, s16, v6;
	(pc) =	sbr.rel @p1 .LBB2_3-.Ltmp1, $4  }
0x4d: {  	vm13 =	vgt.s32 v5, v2;
	vm14 =	vgt.s32 v5, v3;
	v5 =	vnsel vm15, s16, v7;
	[tilespmem:s2+$0x2080] =	vst v6  }
0x4e: {  	v6 =	vnsel vm13, s16, v62;
	[tilespmem:s2+$0x20B0] =	vst v5  }
0x4f: {  	[tilespmem:s2+$0x2090] =	vst v6;
	v6 =	vnsel vm14, s16, v63  }
0x50: {  	s10 =	sadd.s32 $0x400, s10;
	[tilespmem:s2+$0x20A0] =	vst v6  }
0x51: {  	[tilespmem:s15], [sflag:$0x1] =	stream.indirect.gather [hbm4b:s1+s14], $0x40, s13, s14, $0xb8;
	[tilespmem:$0xA280] =	vst v63  }
0x52: {  	s0 =	simm.s32 $0x20C0;
	s2 =	simm.s32 $0x3280  }
0x53: {  	[tilespmem:s2], [sflag:$0x1] =	stream.indirect.gather [hbm4b:s1+s14], $0x40, s0, s14, $0xb8;
	[tilespmem:$0xA280] =	vst v63  }
0x54: {  	s16 =	simm.s32 $0x2100;
	s17 =	simm.s32 $0x4280  }
0x55: {  	[tilespmem:s17], [sflag:$0x1] =	stream.indirect.gather [hbm4b:s1+s14], $0x40, s16, s14, $0xb8;
	[tilespmem:$0xA280] =	vst v63  }
0x56: {  	_ = 	snop  }
0x57: {  	[tilespmem:s21], [sflag:$0x1] =	stream.indirect.gather [hbm4b:s1+s14], $0x40, s20, s14, $0xb8;
	[tilespmem:$0xA280] =	vst v63  }
0x58: {  	_ = 	snop  }
0x59: {  	[tilespmem:s23], [sflag:$0x1] =	stream.indirect.gather [hbm4b:s1+s14], $0x40, s22, s14, $0xb8;
	[tilespmem:$0xA280] =	vst v63  }
0x5a: {  	_ = 	snop  }
0x5b: {  	[tilespmem:s25], [sflag:$0x1] =	stream.indirect.gather [hbm4b:s1+s14], $0x40, s24, s14, $0xb8;
	[tilespmem:$0xA280] =	vst v63  }
0x5c: {  	_ = 	snop  }
0x5d: {  	[tilespmem:s28], [sflag:$0x1] =	stream.indirect.gather [hbm4b:s1+s14], $0x40, s26, s14, $0xb8;
	[tilespmem:$0xA280] =	vst v63  }
0x5e: {  	_ = 	snop  }
0x5f: {  	[tilespmem:s30], [sflag:$0x1] =	stream.indirect.gather [hbm4b:s1+s14], $0x40, s29, s14, $0xb8;
	[tilespmem:$0xA280] =	vst v63  }
0x60: {  	_ =	swait.ge [sflag:s31], $0x1000  }
0x61: {  	[sflag:s31] =	ssyncset.done $0x0  }
0x62: {  	[sflag:s31] =	ssyncadd.s32 $0xFFFFF000  }
0x63: {  	_ =	swait.ge [sflag:s31], $0x1000  }
0x64: {  	[sflag:s31] =	ssyncset.done $0x0  }
0x65: {  	[sflag:s31] =	ssyncadd.s32 $0xFFFFF000  }
0x66: {  	_ =	swait.ge [sflag:s31], $0x1000  }
0x67: {  	[sflag:s31] =	ssyncset.done $0x0  }
0x68: {  	[sflag:s31] =	ssyncadd.s32 $0xFFFFF000  }
0x69: {  	_ =	swait.ge [sflag:s31], $0x1000  }
0x6a: {  	[sflag:s31] =	ssyncset.done $0x0  }
0x6b: {  	[sflag:s31] =	ssyncadd.s32 $0xFFFFF000  }
0x6c: {  	_ =	swait.ge [sflag:s31], $0x1000  }
0x6d: {  	[sflag:s31] =	ssyncset.done $0x0  }
0x6e: {  	[sflag:s31] =	ssyncadd.s32 $0xFFFFF000  }
0x6f: {  	_ =	swait.ge [sflag:s31], $0x1000  }
0x70: {  	[sflag:s31] =	ssyncset.done $0x0  }
0x71: {  	[sflag:s31] =	ssyncadd.s32 $0xFFFFF000  }
0x72: {  	_ =	swait.ge [sflag:s31], $0x1000  }
0x73: {  	[sflag:s31] =	ssyncset.done $0x0  }
0x74: {  	[sflag:s31] =	ssyncadd.s32 $0xFFFFF000  }
0x75: {  	_ =	swait.ge [sflag:s31], $0x1000  }
0x76: {  	s18 =	sshll.u32 s3, $0x9;
	s19 =	simm.s32 $0x0;
	[sflag:s31] =	ssyncset.done $0x0  }
.Ltmp2:
0x77: {  	s0 =	sadd.s32 s6, s18;
	[sflag:s31] =	ssyncadd.s32 $0xFFFFF000;
	(pc) =	sbr.rel @p0 .LBB2_2-.Ltmp2, $4  }
0x78: {  	[hbm4b:s0+s19] =	stream.linear.scatter [tilespmem:s15], [sflag:$0x2], $0x8000, $0x38;
	[tilespmem:$0xA280] =	vst v63  }
0x79: {  	_ =	swait.ge [sflag:s11], $0x8000  }
0x7a: {  	[sflag:s11] =	ssyncset.done $0x0  }
0x7b: {  	p1 =	por $0x0, $0x0;
	s0 =	simm.s32 $0x8;
	[sflag:s11] =	ssyncadd.s32 $0xFFFF8000  }
0x7c: {  	s2 =	rddreg [dreg:$0x4]  }
0x7d: {  	s0 =	rddreg [dreg:$0x3];
	s2 =	sadd.s32 $0x1, s2  }
0x7e: {  	p0 =	sne.s32 s2, s0  }
.Ltmp3:
0x7f: {  	_ = 	snop;
	(pc) =	sbr.rel @p0 .LBB2_1-.Ltmp3, $1  }
0x80: {  	_ =	sdelay $0x3  }
0x81: {  	_ =	sfence.sel $0x180000  }
0x82: {  	[bflag:$0x0] =	sbarrier.arrive $0xFFFF  }
0x83: {  	_ =	strace $0x9000004D  }
0x84: {  	s0 =	stileid.u32;
	[bflag:$0x2] =	sbarrier.arrive $0xFFFF  }
0x85: {  	p0 =	sne.s32 s0, $0x0;
	s0 =	rddreg [dreg:$0x2]  }
0x86: {  	s0 =	sadd.s32 @!p0 $0x100000, s0  }
0x87: {  	[sflag:s0] =	ssyncadd.tile.s32 @!p0 $0x1;
	_ =	shalt  }
.Lfunc_end2:
_tile_overlayer_lowered:
.L_overlay_start_2:
0x88: {  	(tag) =	ssettag $0x2  }
0x89: {  	s0 =	rddreg [dreg:$0x0];
	s2 =	stileid.u32  }
0x8a: {  	s1 =	rddreg [dreg:$0x1];
	p0 =	sne.s32 s2, $0x0  }
0x8b: {  	s3 =	rddreg [dreg:$0x2];
	[bflag:$0x3] =	sbarrier.arrive $0xFFFF;
	s2 =	simm.s32 @!p0 $0x1C02  }
0x8c: {  	[timem:s3], [sflag:s2] =	dma.local @!p0 [hbm:s0], s1  }
0x8d: {  	s0 =	simm.s32 @!p0 $0x2  }
0x8e: {  	_ =	swait.ge @!p0 [sflag:s0], s1  }
0x8f: {  	s1 =	ssub.s32 @!p0 $0x0, s1;
	[sflag:s0] =	ssyncset.done @!p0 $0x0  }
0x90: {  	[sflag:s0] =	ssyncadd.s32 @!p0 s1  }
0x91: {  	[bflag:$0x3] =	sbarrier.arrive $0xFFFF  }
0x92: {  	_ =	shalt  }

</sc_bundles>
